<compile_context>
chip_gen: v7x
topology: tpu7x:2x2x1
jax: 0.10.2.dev20260603
libtpu: 0.0.44.dev20260713+nightly
codegen_flags: <defaults>
</compile_context>

<pallas_src>
import jax
import jax.numpy as jnp
from jax import lax
from jax.experimental import pallas as pl
from jax.experimental.pallas import tpu as pltpu
from jax.experimental.pallas import tpu_sc as plsc

_K = 64
_B, _N = 128, 32768
_NC, _NS = 2, 16
_NW = _NC * _NS
_RPW = _B // _NW
_L = 16
_CH = _N // _L
_D = 16


def _butterfly(c, iota, op):
    for st in (1, 2, 4, 8):
        c = op(c, jnp.take(c, iota ^ st))
    return c


def _ladder_pass(xrow, depth):
    neg_inf = jnp.full((_L,), -jnp.inf, jnp.float32)

    def body(j, regs):
        v = xrow[pl.ds(j * _L, _L)]
        new = []
        for i in range(depth):
            hi = jnp.maximum(regs[i], v)
            v = jnp.minimum(regs[i], v)
            new.append(hi)
        return tuple(new)

    return lax.fori_loop(0, _CH, body, (neg_inf,) * depth, unroll=4)


def _select_kth(regs, iota):
    neg_inf = jnp.full((_L,), -jnp.inf, jnp.float32)
    big = jnp.int32(_L)

    def step(_, carry):
        d, t = carry
        h = neg_inf
        for i, r in enumerate(regs):
            h = jnp.where(d == jnp.int32(i), r, h)
        gmax = _butterfly(h, iota, jnp.maximum)
        lanepos = jnp.where(h == gmax, iota, big)
        minlane = _butterfly(lanepos, iota, jnp.minimum)
        d = d + jnp.where(iota == minlane, jnp.int32(1), jnp.int32(0))
        return (d, gmax)

    _, t = lax.fori_loop(0, _K, step, (jnp.zeros((_L,), jnp.int32), neg_inf))
    return t


def _count_pass(xrow, tf, iota):
    zero = jnp.zeros((_L,), jnp.int32)

    def body(j, accs):
        a_gt, a_ge = accs
        v = xrow[pl.ds(j * _L, _L)]
        a_gt = a_gt + jnp.where(v > tf, jnp.int32(1), jnp.int32(0))
        a_ge = a_ge + jnp.where(v >= tf, jnp.int32(1), jnp.int32(0))
        return (a_gt, a_ge)

    a_gt, a_ge = lax.fori_loop(0, _CH, body, (zero, zero), unroll=8)
    return _butterfly(a_gt, iota, jnp.add), _butterfly(a_ge, iota, jnp.add)


def _process_row(xrow, orow, mrow):
    iota = lax.iota(jnp.int32, _L)
    zero_i = jnp.zeros((_L,), jnp.int32)

    regs = _ladder_pass(xrow, _D)
    t_est = _select_kth(regs, iota)

    def wmain(j, accs):
        a_gt, a_ge = accs
        v = xrow[pl.ds(j * _L, _L)]
        gt = v > t_est
        keep = v >= t_est
        orow[pl.ds(j * _L, _L)] = jnp.where(keep, v, jnp.float32(0.0))
        mrow[pl.ds(j * _L, _L)] = jnp.where(keep, jnp.float32(1.0), jnp.float32(0.0))
        a_gt = a_gt + jnp.where(gt, jnp.int32(1), jnp.int32(0))
        a_ge = a_ge + jnp.where(keep, jnp.int32(1), jnp.int32(0))
        return (a_gt, a_ge)

    a_gt, a_ge = lax.fori_loop(0, _CH, wmain, (zero_i, zero_i), unroll=8)
    c_gt = _butterfly(a_gt, iota, jnp.add)
    c_ge = _butterfly(a_ge, iota, jnp.add)

    def _rewrite(t, m_total):
        def wfix(j, used):
            v = xrow[pl.ds(j * _L, _L)]
            gt = v > t
            eq = v == t
            c = jnp.where(eq, jnp.int32(1), jnp.int32(0))
            pre = c
            for st in (1, 2, 4, 8):
                shifted = jnp.take(pre, jnp.maximum(iota - st, 0))
                pre = pre + jnp.where(iota >= st, shifted, jnp.int32(0))
            keep = jnp.logical_or(gt, jnp.logical_and(eq, (used + pre) <= m_total))
            orow[pl.ds(j * _L, _L)] = jnp.where(keep, v, jnp.float32(0.0))
            mrow[pl.ds(j * _L, _L)] = jnp.where(keep, jnp.float32(1.0), jnp.float32(0.0))
            return used + _butterfly(c, iota, jnp.add)

        lax.fori_loop(0, _CH, wfix, zero_i)

    ok = c_gt[0] <= jnp.int32(_K - 1)
    nfb = jnp.where(ok, jnp.int32(0), jnp.int32(1))

    def fb(_, carry):
        regs64 = _ladder_pass(xrow, _K)
        tf = _select_kth(regs64, iota)
        fb_gt, _unused = _count_pass(xrow, tf, iota)
        _rewrite(tf, jnp.int32(_K) - fb_gt)
        return carry

    lax.fori_loop(0, nfb, fb, jnp.int32(0))

    tie = jnp.logical_and(ok, c_ge[0] > jnp.int32(_K))
    nt = jnp.where(tie, jnp.int32(1), jnp.int32(0))

    def tiefix(_, carry):
        _rewrite(t_est, jnp.int32(_K) - c_gt)
        return carry

    lax.fori_loop(0, nt, tiefix, jnp.int32(0))


def _sc_body(x_hbm, out_hbm, mask_hbm, xrow, orow, mrow):
    c = lax.axis_index("c")
    s = lax.axis_index("s")
    wid = s * _NC + c
    base = wid * _RPW

    def row_step(i, carry):
        r = base + i
        pltpu.sync_copy(x_hbm.at[r], xrow)
        _process_row(xrow, orow, mrow)
        pltpu.sync_copy(orow, out_hbm.at[r])
        pltpu.sync_copy(mrow, mask_hbm.at[r])
        return carry

    lax.fori_loop(0, _RPW, row_step, jnp.int32(0))


def kernel(x):
    mesh = plsc.VectorSubcoreMesh(core_axis_name="c", subcore_axis_name="s")
    f = pl.kernel(
        _sc_body,
        out_type=[
            jax.ShapeDtypeStruct((_B, _N), jnp.float32),
            jax.ShapeDtypeStruct((_B, _N), jnp.float32),
        ],
        mesh=mesh,
        scratch_types=[
            pltpu.VMEM((_N,), jnp.float32),
            pltpu.VMEM((_N,), jnp.float32),
            pltpu.VMEM((_N,), jnp.float32),
        ],
    )
    out, mask = f(x)
    return (out, mask)

# --- scband reference (transcript-rebuilt; emitter-appended) ---
"""Pipeline reference for scband-top-kre-lu-33440615367234 (READ-ONLY COPY).

The authoritative reference and input builder live on the scoring server;
editing this copy changes nothing except your own understanding.
"""

import jax, jax.numpy as jnp
import numpy as np

K = 64

def setup_inputs(seed: int = 0) -> dict:
    key = jax.random.key(seed)
    x = jax.random.normal(key, (128, 32768), dtype=jnp.float32)
    return {"x": x}

def reference(x):
    # TopKReLU: keep only top-k largest values along last dim, zero elsewhere.
    if K >= x.shape[-1]:
        return (x, jnp.ones_like(x))
    values, indices = jax.lax.top_k(x, K)  # indices: [B, K]
    batch_idx = jnp.arange(x.shape[0])[:, None]  # [B, 1]
    mask = jnp.zeros_like(x).at[batch_idx, indices].set(1.0)
    output = x * mask
    return (output, mask)

if __name__ == "__main__":
    import jax
    _d = setup_inputs()
    print(jax.jit(kernel)(*tuple(_d.values())))

</pallas_src>

<mosaic_0001>
#map = affine_map<(d0, d1) -> (0, 0)>
module attributes {stable_mosaic.version = 14 : i64} {
  func.func @_sc_body(%arg0: i32, %arg1: i32, %arg2: memref<128x32768xf32, #tpu.memory_space<hbm>>, %arg3: memref<128x32768xf32, #tpu.memory_space<hbm>>, %arg4: memref<128x32768xf32, #tpu.memory_space<hbm>>, %arg5: memref<32768xf32, #tpu.memory_space<vmem>>, %arg6: memref<32768xf32, #tpu.memory_space<vmem>>, %arg7: memref<32768xf32, #tpu.memory_space<vmem>>) attributes {dimension_semantics = [#tpu.dimension_semantics<core_parallel>, #tpu.dimension_semantics<subcore_parallel>], iteration_bounds = array<i64: 2, 16>, scalar_prefetch = 0 : i64, scratch_operands = 3 : i64, tpu.core_type = #tpu.core_type<sc_vector_subcore>, window_params = [{transform_indices = #map}, {transform_indices = #map}, {transform_indices = #map}]} {
    %mul3A = arith.constant 2 : i32
    %mul3A_0 = arith.muli %arg1, %mul3A : i32
    %add3A = arith.addi %mul3A_0, %arg0 : i32
    %mul3A_1 = arith.constant 4 : i32
    %mul3A_2 = arith.muli %add3A, %mul3A_1 : i32
    %scan3A = arith.constant 0 : i32
    %scan3A_3 = arith.constant 0 : i32
    %scan3A_4 = arith.constant 4 : i32
    %scan3A_5 = arith.addi %scan3A_3, %scan3A_4 : i32
    %scan3A_6 = arith.constant 1 : i32
    scf.for %scan3A_8 = %scan3A_3 to %scan3A_5 step %scan3A_6  : i32 {
      %add3A_9 = arith.addi %mul3A_2, %scan3A_8 : i32
      "tpu.region"() ({
        %run_scoped3A = tpu.sem_alloc : memref<!tpu.dma_semaphore, #tpu.memory_space<semaphore_mem>>
        %dma_start3A = arith.constant 0 : i32
        %dma_start3A_172 = tpu.memref_slice %arg2[%add3A_9, %dma_start3A] : memref<128x32768xf32, #tpu.memory_space<hbm>> -> memref<1x32768xf32, #tpu.memory_space<hbm>>
        %dma_start3A_173 = tpu.memref_squeeze %dma_start3A_172 : memref<1x32768xf32, #tpu.memory_space<hbm>> -> memref<32768xf32, #tpu.memory_space<hbm>>
        %dma_start3A_174 = arith.constant 0 : i32
        %dma_start3A_175 = tpu.memref_slice %arg2[%add3A_9, %dma_start3A_174] : memref<128x32768xf32, #tpu.memory_space<hbm>> -> memref<1x32768xf32, #tpu.memory_space<hbm>>
        %dma_start3A_176 = tpu.memref_squeeze %dma_start3A_175 : memref<1x32768xf32, #tpu.memory_space<hbm>> -> memref<32768xf32, #tpu.memory_space<hbm>>
        tpu.enqueue_dma source(%dma_start3A_176 : memref<32768xf32, #tpu.memory_space<hbm>>) target(%arg5 : memref<32768xf32, #tpu.memory_space<vmem>>) target_semaphore(%run_scoped3A : memref<!tpu.dma_semaphore, #tpu.memory_space<semaphore_mem>>)
        %dma_wait3A = arith.constant 0 : i32
        %dma_wait3A_177 = tpu.memref_slice %arg2[%add3A_9, %dma_wait3A] : memref<128x32768xf32, #tpu.memory_space<hbm>> -> memref<1x32768xf32, #tpu.memory_space<hbm>>
        %dma_wait3A_178 = tpu.memref_squeeze %dma_wait3A_177 : memref<1x32768xf32, #tpu.memory_space<hbm>> -> memref<32768xf32, #tpu.memory_space<hbm>>
        %dma_wait3A_179 = arith.constant 0 : i32
        %dma_wait3A_180 = tpu.memref_slice %arg2[%add3A_9, %dma_wait3A_179] : memref<128x32768xf32, #tpu.memory_space<hbm>> -> memref<1x32768xf32, #tpu.memory_space<hbm>>
        %dma_wait3A_181 = tpu.memref_squeeze %dma_wait3A_180 : memref<1x32768xf32, #tpu.memory_space<hbm>> -> memref<32768xf32, #tpu.memory_space<hbm>>
        tpu.wait_dma2 semaphore(%run_scoped3A : memref<!tpu.dma_semaphore, #tpu.memory_space<semaphore_mem>>) src(%dma_wait3A_181 : memref<32768xf32, #tpu.memory_space<hbm>>) dst(%arg5 : memref<32768xf32, #tpu.memory_space<vmem>>)
        tpu.yield
      }) : () -> ()
      %iota3A = tpu.iota {dimensions = array<i32: 0>} : vector<16xi32>
      %broadcast_in_dim3A = arith.constant 0 : i32
      %broadcast_in_dim3A_10 = vector.broadcast %broadcast_in_dim3A : i32 to vector<16xi32>
      %broadcast_in_dim3A_11 = arith.constant 0xFF800000 : f32
      %broadcast_in_dim3A_12 = vector.broadcast %broadcast_in_dim3A_11 : f32 to vector<16xf32>
      %scan3A_13 = arith.constant 0 : i32
      %scan3A_14 = arith.constant 2048 : i32
      %scan3A_15 = arith.addi %scan3A_13, %scan3A_14 : i32
      %scan3A_16 = arith.constant 4 : i32
      %scan3A_17:16 = scf.for %scan3A_172 = %scan3A_13 to %scan3A_15 step %scan3A_16 iter_args(%scan3A_173 = %broadcast_in_dim3A_12, %scan3A_174 = %broadcast_in_dim3A_12, %scan3A_175 = %broadcast_in_dim3A_12, %scan3A_176 = %broadcast_in_dim3A_12, %scan3A_177 = %broadcast_in_dim3A_12, %scan3A_178 = %broadcast_in_dim3A_12, %scan3A_179 = %broadcast_in_dim3A_12, %scan3A_180 = %broadcast_in_dim3A_12, %scan3A_181 = %broadcast_in_dim3A_12, %scan3A_182 = %broadcast_in_dim3A_12, %scan3A_183 = %broadcast_in_dim3A_12, %scan3A_184 = %broadcast_in_dim3A_12, %scan3A_185 = %broadcast_in_dim3A_12, %scan3A_186 = %broadcast_in_dim3A_12, %scan3A_187 = %broadcast_in_dim3A_12, %scan3A_188 = %broadcast_in_dim3A_12) -> (vector<16xf32>, vector<16xf32>, vector<16xf32>, vector<16xf32>, vector<16xf32>, vector<16xf32>, vector<16xf32>, vector<16xf32>, vector<16xf32>, vector<16xf32>, vector<16xf32>, vector<16xf32>, vector<16xf32>, vector<16xf32>, vector<16xf32>, vector<16xf32>)  : i32 {
        %mul3A_189 = arith.constant 16 : i32
        %mul3A_190 = arith.muli %scan3A_172, %mul3A_189 : i32
        %get3A = arith.index_cast %mul3A_190 : i32 to index
        %get3A_191 = tpu.vector_load %arg5[%get3A] {strides = array<i32>} : memref<32768xf32, #tpu.memory_space<vmem>>, vector<16xf32>,
        %get3A_192 = vector.shape_cast %get3A_191 : vector<16xf32> to vector<16xf32>
        %max3A = arith.maximumf %scan3A_173, %get3A_192 : vector<16xf32>
        %min3A = arith.minimumf %scan3A_173, %get3A_192 : vector<16xf32>
        %max3A_193 = arith.maximumf %scan3A_174, %min3A : vector<16xf32>
        %min3A_194 = arith.minimumf %scan3A_174, %min3A : vector<16xf32>
        %max3A_195 = arith.maximumf %scan3A_175, %min3A_194 : vector<16xf32>
        %min3A_196 = arith.minimumf %scan3A_175, %min3A_194 : vector<16xf32>
        %max3A_197 = arith.maximumf %scan3A_176, %min3A_196 : vector<16xf32>
        %min3A_198 = arith.minimumf %scan3A_176, %min3A_196 : vector<16xf32>
        %max3A_199 = arith.maximumf %scan3A_177, %min3A_198 : vector<16xf32>
        %min3A_200 = arith.minimumf %scan3A_177, %min3A_198 : vector<16xf32>
        %max3A_201 = arith.maximumf %scan3A_178, %min3A_200 : vector<16xf32>
        %min3A_202 = arith.minimumf %scan3A_178, %min3A_200 : vector<16xf32>
        %max3A_203 = arith.maximumf %scan3A_179, %min3A_202 : vector<16xf32>
        %min3A_204 = arith.minimumf %scan3A_179, %min3A_202 : vector<16xf32>
        %max3A_205 = arith.maximumf %scan3A_180, %min3A_204 : vector<16xf32>
        %min3A_206 = arith.minimumf %scan3A_180, %min3A_204 : vector<16xf32>
        %max3A_207 = arith.maximumf %scan3A_181, %min3A_206 : vector<16xf32>
        %min3A_208 = arith.minimumf %scan3A_181, %min3A_206 : vector<16xf32>
        %max3A_209 = arith.maximumf %scan3A_182, %min3A_208 : vector<16xf32>
        %min3A_210 = arith.minimumf %scan3A_182, %min3A_208 : vector<16xf32>
        %max3A_211 = arith.maximumf %scan3A_183, %min3A_210 : vector<16xf32>
        %min3A_212 = arith.minimumf %scan3A_183, %min3A_210 : vector<16xf32>
        %max3A_213 = arith.maximumf %scan3A_184, %min3A_212 : vector<16xf32>
        %min3A_214 = arith.minimumf %scan3A_184, %min3A_212 : vector<16xf32>
        %max3A_215 = arith.maximumf %scan3A_185, %min3A_214 : vector<16xf32>
        %min3A_216 = arith.minimumf %scan3A_185, %min3A_214 : vector<16xf32>
        %max3A_217 = arith.maximumf %scan3A_186, %min3A_216 : vector<16xf32>
        %min3A_218 = arith.minimumf %scan3A_186, %min3A_216 : vector<16xf32>
        %max3A_219 = arith.maximumf %scan3A_187, %min3A_218 : vector<16xf32>
        %min3A_220 = arith.minimumf %scan3A_187, %min3A_218 : vector<16xf32>
        %max3A_221 = arith.maximumf %scan3A_188, %min3A_220 : vector<16xf32>
        %min3A_222 = arith.minimumf %scan3A_188, %min3A_220 : vector<16xf32>
        %scan3A_223 = arith.constant 1 : i32
        %scan3A_224 = arith.addi %scan3A_172, %scan3A_223 : i32
        %mul3A_225 = arith.constant 16 : i32
        %mul3A_226 = arith.muli %scan3A_224, %mul3A_225 : i32
        %get3A_227 = arith.index_cast %mul3A_226 : i32 to index
        %get3A_228 = tpu.vector_load %arg5[%get3A_227] {strides = array<i32>} : memref<32768xf32, #tpu.memory_space<vmem>>, vector<16xf32>,
        %get3A_229 = vector.shape_cast %get3A_228 : vector<16xf32> to vector<16xf32>
        %max3A_230 = arith.maximumf %max3A, %get3A_229 : vector<16xf32>
        %min3A_231 = arith.minimumf %max3A, %get3A_229 : vector<16xf32>
        %max3A_232 = arith.maximumf %max3A_193, %min3A_231 : vector<16xf32>
        %min3A_233 = arith.minimumf %max3A_193, %min3A_231 : vector<16xf32>
        %max3A_234 = arith.maximumf %max3A_195, %min3A_233 : vector<16xf32>
        %min3A_235 = arith.minimumf %max3A_195, %min3A_233 : vector<16xf32>
        %max3A_236 = arith.maximumf %max3A_197, %min3A_235 : vector<16xf32>
        %min3A_237 = arith.minimumf %max3A_197, %min3A_235 : vector<16xf32>
        %max3A_238 = arith.maximumf %max3A_199, %min3A_237 : vector<16xf32>
        %min3A_239 = arith.minimumf %max3A_199, %min3A_237 : vector<16xf32>
        %max3A_240 = arith.maximumf %max3A_201, %min3A_239 : vector<16xf32>
        %min3A_241 = arith.minimumf %max3A_201, %min3A_239 : vector<16xf32>
        %max3A_242 = arith.maximumf %max3A_203, %min3A_241 : vector<16xf32>
        %min3A_243 = arith.minimumf %max3A_203, %min3A_241 : vector<16xf32>
        %max3A_244 = arith.maximumf %max3A_205, %min3A_243 : vector<16xf32>
        %min3A_245 = arith.minimumf %max3A_205, %min3A_243 : vector<16xf32>
        %max3A_246 = arith.maximumf %max3A_207, %min3A_245 : vector<16xf32>
        %min3A_247 = arith.minimumf %max3A_207, %min3A_245 : vector<16xf32>
        %max3A_248 = arith.maximumf %max3A_209, %min3A_247 : vector<16xf32>
        %min3A_249 = arith.minimumf %max3A_209, %min3A_247 : vector<16xf32>
        %max3A_250 = arith.maximumf %max3A_211, %min3A_249 : vector<16xf32>
        %min3A_251 = arith.minimumf %max3A_211, %min3A_249 : vector<16xf32>
        %max3A_252 = arith.maximumf %max3A_213, %min3A_251 : vector<16xf32>
        %min3A_253 = arith.minimumf %max3A_213, %min3A_251 : vector<16xf32>
        %max3A_254 = arith.maximumf %max3A_215, %min3A_253 : vector<16xf32>
        %min3A_255 = arith.minimumf %max3A_215, %min3A_253 : vector<16xf32>
        %max3A_256 = arith.maximumf %max3A_217, %min3A_255 : vector<16xf32>
        %min3A_257 = arith.minimumf %max3A_217, %min3A_255 : vector<16xf32>
        %max3A_258 = arith.maximumf %max3A_219, %min3A_257 : vector<16xf32>
        %min3A_259 = arith.minimumf %max3A_219, %min3A_257 : vector<16xf32>
        %max3A_260 = arith.maximumf %max3A_221, %min3A_259 : vector<16xf32>
        %min3A_261 = arith.minimumf %max3A_221, %min3A_259 : vector<16xf32>
        %scan3A_262 = arith.constant 2 : i32
        %scan3A_263 = arith.addi %scan3A_172, %scan3A_262 : i32
        %mul3A_264 = arith.constant 16 : i32
        %mul3A_265 = arith.muli %scan3A_263, %mul3A_264 : i32
        %get3A_266 = arith.index_cast %mul3A_265 : i32 to index
        %get3A_267 = tpu.vector_load %arg5[%get3A_266] {strides = array<i32>} : memref<32768xf32, #tpu.memory_space<vmem>>, vector<16xf32>,
        %get3A_268 = vector.shape_cast %get3A_267 : vector<16xf32> to vector<16xf32>
        %max3A_269 = arith.maximumf %max3A_230, %get3A_268 : vector<16xf32>
        %min3A_270 = arith.minimumf %max3A_230, %get3A_268 : vector<16xf32>
        %max3A_271 = arith.maximumf %max3A_232, %min3A_270 : vector<16xf32>
        %min3A_272 = arith.minimumf %max3A_232, %min3A_270 : vector<16xf32>
        %max3A_273 = arith.maximumf %max3A_234, %min3A_272 : vector<16xf32>
        %min3A_274 = arith.minimumf %max3A_234, %min3A_272 : vector<16xf32>
        %max3A_275 = arith.maximumf %max3A_236, %min3A_274 : vector<16xf32>
        %min3A_276 = arith.minimumf %max3A_236, %min3A_274 : vector<16xf32>
        %max3A_277 = arith.maximumf %max3A_238, %min3A_276 : vector<16xf32>
        %min3A_278 = arith.minimumf %max3A_238, %min3A_276 : vector<16xf32>
        %max3A_279 = arith.maximumf %max3A_240, %min3A_278 : vector<16xf32>
        %min3A_280 = arith.minimumf %max3A_240, %min3A_278 : vector<16xf32>
        %max3A_281 = arith.maximumf %max3A_242, %min3A_280 : vector<16xf32>
        %min3A_282 = arith.minimumf %max3A_242, %min3A_280 : vector<16xf32>
        %max3A_283 = arith.maximumf %max3A_244, %min3A_282 : vector<16xf32>
        %min3A_284 = arith.minimumf %max3A_244, %min3A_282 : vector<16xf32>
        %max3A_285 = arith.maximumf %max3A_246, %min3A_284 : vector<16xf32>
        %min3A_286 = arith.minimumf %max3A_246, %min3A_284 : vector<16xf32>
        %max3A_287 = arith.maximumf %max3A_248, %min3A_286 : vector<16xf32>
        %min3A_288 = arith.minimumf %max3A_248, %min3A_286 : vector<16xf32>
        %max3A_289 = arith.maximumf %max3A_250, %min3A_288 : vector<16xf32>
        %min3A_290 = arith.minimumf %max3A_250, %min3A_288 : vector<16xf32>
        %max3A_291 = arith.maximumf %max3A_252, %min3A_290 : vector<16xf32>
        %min3A_292 = arith.minimumf %max3A_252, %min3A_290 : vector<16xf32>
        %max3A_293 = arith.maximumf %max3A_254, %min3A_292 : vector<16xf32>
        %min3A_294 = arith.minimumf %max3A_254, %min3A_292 : vector<16xf32>
        %max3A_295 = arith.maximumf %max3A_256, %min3A_294 : vector<16xf32>
        %min3A_296 = arith.minimumf %max3A_256, %min3A_294 : vector<16xf32>
        %max3A_297 = arith.maximumf %max3A_258, %min3A_296 : vector<16xf32>
        %min3A_298 = arith.minimumf %max3A_258, %min3A_296 : vector<16xf32>
        %max3A_299 = arith.maximumf %max3A_260, %min3A_298 : vector<16xf32>
        %min3A_300 = arith.minimumf %max3A_260, %min3A_298 : vector<16xf32>
        %scan3A_301 = arith.constant 3 : i32
        %scan3A_302 = arith.addi %scan3A_172, %scan3A_301 : i32
        %mul3A_303 = arith.constant 16 : i32
        %mul3A_304 = arith.muli %scan3A_302, %mul3A_303 : i32
        %get3A_305 = arith.index_cast %mul3A_304 : i32 to index
        %get3A_306 = tpu.vector_load %arg5[%get3A_305] {strides = array<i32>} : memref<32768xf32, #tpu.memory_space<vmem>>, vector<16xf32>,
        %get3A_307 = vector.shape_cast %get3A_306 : vector<16xf32> to vector<16xf32>
        %max3A_308 = arith.maximumf %max3A_269, %get3A_307 : vector<16xf32>
        %min3A_309 = arith.minimumf %max3A_269, %get3A_307 : vector<16xf32>
        %max3A_310 = arith.maximumf %max3A_271, %min3A_309 : vector<16xf32>
        %min3A_311 = arith.minimumf %max3A_271, %min3A_309 : vector<16xf32>
        %max3A_312 = arith.maximumf %max3A_273, %min3A_311 : vector<16xf32>
        %min3A_313 = arith.minimumf %max3A_273, %min3A_311 : vector<16xf32>
        %max3A_314 = arith.maximumf %max3A_275, %min3A_313 : vector<16xf32>
        %min3A_315 = arith.minimumf %max3A_275, %min3A_313 : vector<16xf32>
        %max3A_316 = arith.maximumf %max3A_277, %min3A_315 : vector<16xf32>
        %min3A_317 = arith.minimumf %max3A_277, %min3A_315 : vector<16xf32>
        %max3A_318 = arith.maximumf %max3A_279, %min3A_317 : vector<16xf32>
        %min3A_319 = arith.minimumf %max3A_279, %min3A_317 : vector<16xf32>
        %max3A_320 = arith.maximumf %max3A_281, %min3A_319 : vector<16xf32>
        %min3A_321 = arith.minimumf %max3A_281, %min3A_319 : vector<16xf32>
        %max3A_322 = arith.maximumf %max3A_283, %min3A_321 : vector<16xf32>
        %min3A_323 = arith.minimumf %max3A_283, %min3A_321 : vector<16xf32>
        %max3A_324 = arith.maximumf %max3A_285, %min3A_323 : vector<16xf32>
        %min3A_325 = arith.minimumf %max3A_285, %min3A_323 : vector<16xf32>
        %max3A_326 = arith.maximumf %max3A_287, %min3A_325 : vector<16xf32>
        %min3A_327 = arith.minimumf %max3A_287, %min3A_325 : vector<16xf32>
        %max3A_328 = arith.maximumf %max3A_289, %min3A_327 : vector<16xf32>
        %min3A_329 = arith.minimumf %max3A_289, %min3A_327 : vector<16xf32>
        %max3A_330 = arith.maximumf %max3A_291, %min3A_329 : vector<16xf32>
        %min3A_331 = arith.minimumf %max3A_291, %min3A_329 : vector<16xf32>
        %max3A_332 = arith.maximumf %max3A_293, %min3A_331 : vector<16xf32>
        %min3A_333 = arith.minimumf %max3A_293, %min3A_331 : vector<16xf32>
        %max3A_334 = arith.maximumf %max3A_295, %min3A_333 : vector<16xf32>
        %min3A_335 = arith.minimumf %max3A_295, %min3A_333 : vector<16xf32>
        %max3A_336 = arith.maximumf %max3A_297, %min3A_335 : vector<16xf32>
        %min3A_337 = arith.minimumf %max3A_297, %min3A_335 : vector<16xf32>
        %max3A_338 = arith.maximumf %max3A_299, %min3A_337 : vector<16xf32>
        %min3A_339 = arith.minimumf %max3A_299, %min3A_337 : vector<16xf32>
        scf.yield %max3A_308, %max3A_310, %max3A_312, %max3A_314, %max3A_316, %max3A_318, %max3A_320, %max3A_322, %max3A_324, %max3A_326, %max3A_328, %max3A_330, %max3A_332, %max3A_334, %max3A_336, %max3A_338 : vector<16xf32>, vector<16xf32>, vector<16xf32>, vector<16xf32>, vector<16xf32>, vector<16xf32>, vector<16xf32>, vector<16xf32>, vector<16xf32>, vector<16xf32>, vector<16xf32>, vector<16xf32>, vector<16xf32>, vector<16xf32>, vector<16xf32>, vector<16xf32>
      }
      %scan3A_18 = arith.constant 2048 : i32
      %broadcast_in_dim3A_19 = arith.constant 0xFF800000 : f32
      %broadcast_in_dim3A_20 = vector.broadcast %broadcast_in_dim3A_19 : f32 to vector<16xf32>
      %broadcast_in_dim3A_21 = arith.constant 0 : i32
      %broadcast_in_dim3A_22 = vector.broadcast %broadcast_in_dim3A_21 : i32 to vector<16xi32>
      %scan3A_23 = arith.constant 16 : i32
      %scan3A_24 = arith.constant 0 : i32
      %scan3A_25 = arith.constant 64 : i32
      %scan3A_26 = arith.addi %scan3A_24, %scan3A_25 : i32
      %scan3A_27 = arith.constant 1 : i32
      %scan3A_28:2 = scf.for %scan3A_172 = %scan3A_24 to %scan3A_26 step %scan3A_27 iter_args(%scan3A_173 = %broadcast_in_dim3A_22, %scan3A_174 = %broadcast_in_dim3A_20) -> (vector<16xi32>, vector<16xf32>)  : i32 {
        %eq3A = arith.constant 0 : i32
        %eq3A_175 = vector.broadcast %eq3A : i32 to vector<16xi32>
        %eq3A_176 = arith.cmpi eq, %scan3A_173, %eq3A_175 : vector<16xi32>
        %select_n3A_177 = arith.select %eq3A_176, %scan3A_17#0, %broadcast_in_dim3A_20 : vector<16xi1>, vector<16xf32>
        %eq3A_178 = arith.constant 1 : i32
        %eq3A_179 = vector.broadcast %eq3A_178 : i32 to vector<16xi32>
        %eq3A_180 = arith.cmpi eq, %scan3A_173, %eq3A_179 : vector<16xi32>
        %select_n3A_181 = arith.select %eq3A_180, %scan3A_17#1, %select_n3A_177 : vector<16xi1>, vector<16xf32>
        %eq3A_182 = arith.constant 2 : i32
        %eq3A_183 = vector.broadcast %eq3A_182 : i32 to vector<16xi32>
        %eq3A_184 = arith.cmpi eq, %scan3A_173, %eq3A_183 : vector<16xi32>
        %select_n3A_185 = arith.select %eq3A_184, %scan3A_17#2, %select_n3A_181 : vector<16xi1>, vector<16xf32>
        %eq3A_186 = arith.constant 3 : i32
        %eq3A_187 = vector.broadcast %eq3A_186 : i32 to vector<16xi32>
        %eq3A_188 = arith.cmpi eq, %scan3A_173, %eq3A_187 : vector<16xi32>
        %select_n3A_189 = arith.select %eq3A_188, %scan3A_17#3, %select_n3A_185 : vector<16xi1>, vector<16xf32>
        %eq3A_190 = arith.constant 4 : i32
        %eq3A_191 = vector.broadcast %eq3A_190 : i32 to vector<16xi32>
        %eq3A_192 = arith.cmpi eq, %scan3A_173, %eq3A_191 : vector<16xi32>
        %select_n3A_193 = arith.select %eq3A_192, %scan3A_17#4, %select_n3A_189 : vector<16xi1>, vector<16xf32>
        %eq3A_194 = arith.constant 5 : i32
        %eq3A_195 = vector.broadcast %eq3A_194 : i32 to vector<16xi32>
        %eq3A_196 = arith.cmpi eq, %scan3A_173, %eq3A_195 : vector<16xi32>
        %select_n3A_197 = arith.select %eq3A_196, %scan3A_17#5, %select_n3A_193 : vector<16xi1>, vector<16xf32>
        %eq3A_198 = arith.constant 6 : i32
        %eq3A_199 = vector.broadcast %eq3A_198 : i32 to vector<16xi32>
        %eq3A_200 = arith.cmpi eq, %scan3A_173, %eq3A_199 : vector<16xi32>
        %select_n3A_201 = arith.select %eq3A_200, %scan3A_17#6, %select_n3A_197 : vector<16xi1>, vector<16xf32>
        %eq3A_202 = arith.constant 7 : i32
        %eq3A_203 = vector.broadcast %eq3A_202 : i32 to vector<16xi32>
        %eq3A_204 = arith.cmpi eq, %scan3A_173, %eq3A_203 : vector<16xi32>
        %select_n3A_205 = arith.select %eq3A_204, %scan3A_17#7, %select_n3A_201 : vector<16xi1>, vector<16xf32>
        %eq3A_206 = arith.constant 8 : i32
        %eq3A_207 = vector.broadcast %eq3A_206 : i32 to vector<16xi32>
        %eq3A_208 = arith.cmpi eq, %scan3A_173, %eq3A_207 : vector<16xi32>
        %select_n3A_209 = arith.select %eq3A_208, %scan3A_17#8, %select_n3A_205 : vector<16xi1>, vector<16xf32>
        %eq3A_210 = arith.constant 9 : i32
        %eq3A_211 = vector.broadcast %eq3A_210 : i32 to vector<16xi32>
        %eq3A_212 = arith.cmpi eq, %scan3A_173, %eq3A_211 : vector<16xi32>
        %select_n3A_213 = arith.select %eq3A_212, %scan3A_17#9, %select_n3A_209 : vector<16xi1>, vector<16xf32>
        %eq3A_214 = arith.constant 10 : i32
        %eq3A_215 = vector.broadcast %eq3A_214 : i32 to vector<16xi32>
        %eq3A_216 = arith.cmpi eq, %scan3A_173, %eq3A_215 : vector<16xi32>
        %select_n3A_217 = arith.select %eq3A_216, %scan3A_17#10, %select_n3A_213 : vector<16xi1>, vector<16xf32>
        %eq3A_218 = arith.constant 11 : i32
        %eq3A_219 = vector.broadcast %eq3A_218 : i32 to vector<16xi32>
        %eq3A_220 = arith.cmpi eq, %scan3A_173, %eq3A_219 : vector<16xi32>
        %select_n3A_221 = arith.select %eq3A_220, %scan3A_17#11, %select_n3A_217 : vector<16xi1>, vector<16xf32>
        %eq3A_222 = arith.constant 12 : i32
        %eq3A_223 = vector.broadcast %eq3A_222 : i32 to vector<16xi32>
        %eq3A_224 = arith.cmpi eq, %scan3A_173, %eq3A_223 : vector<16xi32>
        %select_n3A_225 = arith.select %eq3A_224, %scan3A_17#12, %select_n3A_221 : vector<16xi1>, vector<16xf32>
        %eq3A_226 = arith.constant 13 : i32
        %eq3A_227 = vector.broadcast %eq3A_226 : i32 to vector<16xi32>
        %eq3A_228 = arith.cmpi eq, %scan3A_173, %eq3A_227 : vector<16xi32>
        %select_n3A_229 = arith.select %eq3A_228, %scan3A_17#13, %select_n3A_225 : vector<16xi1>, vector<16xf32>
        %eq3A_230 = arith.constant 14 : i32
        %eq3A_231 = vector.broadcast %eq3A_230 : i32 to vector<16xi32>
        %eq3A_232 = arith.cmpi eq, %scan3A_173, %eq3A_231 : vector<16xi32>
        %select_n3A_233 = arith.select %eq3A_232, %scan3A_17#14, %select_n3A_229 : vector<16xi1>, vector<16xf32>
        %eq3A_234 = arith.constant 15 : i32
        %eq3A_235 = vector.broadcast %eq3A_234 : i32 to vector<16xi32>
        %eq3A_236 = arith.cmpi eq, %scan3A_173, %eq3A_235 : vector<16xi32>
        %select_n3A_237 = arith.select %eq3A_236, %scan3A_17#15, %select_n3A_233 : vector<16xi1>, vector<16xf32>
        %xor3A_238 = arith.constant 1 : i32
        %xor3A_239 = vector.broadcast %xor3A_238 : i32 to vector<16xi32>
        %xor3A_240 = arith.xori %iota3A, %xor3A_239 : vector<16xi32>
        %lt3A_241 = arith.constant 0 : i32
        %lt3A_242 = vector.broadcast %lt3A_241 : i32 to vector<16xi32>
        %lt3A_243 = arith.cmpi slt, %xor3A_240, %lt3A_242 : vector<16xi32>
        %add3A_244 = arith.constant 16 : i32
        %add3A_245 = vector.broadcast %add3A_244 : i32 to vector<16xi32>
        %add3A_246 = arith.addi %xor3A_240, %add3A_245 : vector<16xi32>
        %select_n3A_247 = arith.select %lt3A_243, %add3A_246, %xor3A_240 : vector<16xi1>, vector<16xi32>
        %broadcast_in_dim3A_248 = vector.shape_cast %select_n3A_247 : vector<16xi32> to vector<16x1xi32>
        %gather3A_249 = vector.shape_cast %broadcast_in_dim3A_248 : vector<16x1xi32> to vector<16xi32>
        %gather3A_250 = tpu.dynamic_gather %select_n3A_237[%gather3A_249] in [0] : vector<16xf32>, vector<16xi32> -> vector<16xf32>
        %max3A = arith.maximumf %select_n3A_237, %gather3A_250 : vector<16xf32>
        %xor3A_251 = arith.constant 2 : i32
        %xor3A_252 = vector.broadcast %xor3A_251 : i32 to vector<16xi32>
        %xor3A_253 = arith.xori %iota3A, %xor3A_252 : vector<16xi32>
        %lt3A_254 = arith.constant 0 : i32
        %lt3A_255 = vector.broadcast %lt3A_254 : i32 to vector<16xi32>
        %lt3A_256 = arith.cmpi slt, %xor3A_253, %lt3A_255 : vector<16xi32>
        %add3A_257 = arith.constant 16 : i32
        %add3A_258 = vector.broadcast %add3A_257 : i32 to vector<16xi32>
        %add3A_259 = arith.addi %xor3A_253, %add3A_258 : vector<16xi32>
        %select_n3A_260 = arith.select %lt3A_256, %add3A_259, %xor3A_253 : vector<16xi1>, vector<16xi32>
        %broadcast_in_dim3A_261 = vector.shape_cast %select_n3A_260 : vector<16xi32> to vector<16x1xi32>
        %gather3A_262 = vector.shape_cast %broadcast_in_dim3A_261 : vector<16x1xi32> to vector<16xi32>
        %gather3A_263 = tpu.dynamic_gather %max3A[%gather3A_262] in [0] : vector<16xf32>, vector<16xi32> -> vector<16xf32>
        %max3A_264 = arith.maximumf %max3A, %gather3A_263 : vector<16xf32>
        %xor3A_265 = arith.constant 4 : i32
        %xor3A_266 = vector.broadcast %xor3A_265 : i32 to vector<16xi32>
        %xor3A_267 = arith.xori %iota3A, %xor3A_266 : vector<16xi32>
        %lt3A_268 = arith.constant 0 : i32
        %lt3A_269 = vector.broadcast %lt3A_268 : i32 to vector<16xi32>
        %lt3A_270 = arith.cmpi slt, %xor3A_267, %lt3A_269 : vector<16xi32>
        %add3A_271 = arith.constant 16 : i32
        %add3A_272 = vector.broadcast %add3A_271 : i32 to vector<16xi32>
        %add3A_273 = arith.addi %xor3A_267, %add3A_272 : vector<16xi32>
        %select_n3A_274 = arith.select %lt3A_270, %add3A_273, %xor3A_267 : vector<16xi1>, vector<16xi32>
        %broadcast_in_dim3A_275 = vector.shape_cast %select_n3A_274 : vector<16xi32> to vector<16x1xi32>
        %gather3A_276 = vector.shape_cast %broadcast_in_dim3A_275 : vector<16x1xi32> to vector<16xi32>
        %gather3A_277 = tpu.dynamic_gather %max3A_264[%gather3A_276] in [0] : vector<16xf32>, vector<16xi32> -> vector<16xf32>
        %max3A_278 = arith.maximumf %max3A_264, %gather3A_277 : vector<16xf32>
        %xor3A_279 = arith.constant 8 : i32
        %xor3A_280 = vector.broadcast %xor3A_279 : i32 to vector<16xi32>
        %xor3A_281 = arith.xori %iota3A, %xor3A_280 : vector<16xi32>
        %lt3A_282 = arith.constant 0 : i32
        %lt3A_283 = vector.broadcast %lt3A_282 : i32 to vector<16xi32>
        %lt3A_284 = arith.cmpi slt, %xor3A_281, %lt3A_283 : vector<16xi32>
        %add3A_285 = arith.constant 16 : i32
        %add3A_286 = vector.broadcast %add3A_285 : i32 to vector<16xi32>
        %add3A_287 = arith.addi %xor3A_281, %add3A_286 : vector<16xi32>
        %select_n3A_288 = arith.select %lt3A_284, %add3A_287, %xor3A_281 : vector<16xi1>, vector<16xi32>
        %broadcast_in_dim3A_289 = vector.shape_cast %select_n3A_288 : vector<16xi32> to vector<16x1xi32>
        %gather3A_290 = vector.shape_cast %broadcast_in_dim3A_289 : vector<16x1xi32> to vector<16xi32>
        %gather3A_291 = tpu.dynamic_gather %max3A_278[%gather3A_290] in [0] : vector<16xf32>, vector<16xi32> -> vector<16xf32>
        %max3A_292 = arith.maximumf %max3A_278, %gather3A_291 : vector<16xf32>
        %eq3A_293 = arith.cmpf oeq, %select_n3A_237, %max3A_292 : vector<16xf32>
        %broadcast_in_dim3A_294 = vector.broadcast %scan3A_23 : i32 to vector<16xi32>
        %select_n3A_295 = arith.select %eq3A_293, %iota3A, %broadcast_in_dim3A_294 : vector<16xi1>, vector<16xi32>
        %xor3A_296 = arith.constant 1 : i32
        %xor3A_297 = vector.broadcast %xor3A_296 : i32 to vector<16xi32>
        %xor3A_298 = arith.xori %iota3A, %xor3A_297 : vector<16xi32>
        %lt3A_299 = arith.constant 0 : i32
        %lt3A_300 = vector.broadcast %lt3A_299 : i32 to vector<16xi32>
        %lt3A_301 = arith.cmpi slt, %xor3A_298, %lt3A_300 : vector<16xi32>
        %add3A_302 = arith.constant 16 : i32
        %add3A_303 = vector.broadcast %add3A_302 : i32 to vector<16xi32>
        %add3A_304 = arith.addi %xor3A_298, %add3A_303 : vector<16xi32>
        %select_n3A_305 = arith.select %lt3A_301, %add3A_304, %xor3A_298 : vector<16xi1>, vector<16xi32>
        %broadcast_in_dim3A_306 = vector.shape_cast %select_n3A_305 : vector<16xi32> to vector<16x1xi32>
        %gather3A_307 = vector.shape_cast %broadcast_in_dim3A_306 : vector<16x1xi32> to vector<16xi32>
        %gather3A_308 = tpu.dynamic_gather %select_n3A_295[%gather3A_307] in [0] : vector<16xi32>, vector<16xi32> -> vector<16xi32>
        %min3A = arith.minsi %select_n3A_295, %gather3A_308 : vector<16xi32>
        %xor3A_309 = arith.constant 2 : i32
        %xor3A_310 = vector.broadcast %xor3A_309 : i32 to vector<16xi32>
        %xor3A_311 = arith.xori %iota3A, %xor3A_310 : vector<16xi32>
        %lt3A_312 = arith.constant 0 : i32
        %lt3A_313 = vector.broadcast %lt3A_312 : i32 to vector<16xi32>
        %lt3A_314 = arith.cmpi slt, %xor3A_311, %lt3A_313 : vector<16xi32>
        %add3A_315 = arith.constant 16 : i32
        %add3A_316 = vector.broadcast %add3A_315 : i32 to vector<16xi32>
        %add3A_317 = arith.addi %xor3A_311, %add3A_316 : vector<16xi32>
        %select_n3A_318 = arith.select %lt3A_314, %add3A_317, %xor3A_311 : vector<16xi1>, vector<16xi32>
        %broadcast_in_dim3A_319 = vector.shape_cast %select_n3A_318 : vector<16xi32> to vector<16x1xi32>
        %gather3A_320 = vector.shape_cast %broadcast_in_dim3A_319 : vector<16x1xi32> to vector<16xi32>
        %gather3A_321 = tpu.dynamic_gather %min3A[%gather3A_320] in [0] : vector<16xi32>, vector<16xi32> -> vector<16xi32>
        %min3A_322 = arith.minsi %min3A, %gather3A_321 : vector<16xi32>
        %xor3A_323 = arith.constant 4 : i32
        %xor3A_324 = vector.broadcast %xor3A_323 : i32 to vector<16xi32>
        %xor3A_325 = arith.xori %iota3A, %xor3A_324 : vector<16xi32>
        %lt3A_326 = arith.constant 0 : i32
        %lt3A_327 = vector.broadcast %lt3A_326 : i32 to vector<16xi32>
        %lt3A_328 = arith.cmpi slt, %xor3A_325, %lt3A_327 : vector<16xi32>
        %add3A_329 = arith.constant 16 : i32
        %add3A_330 = vector.broadcast %add3A_329 : i32 to vector<16xi32>
        %add3A_331 = arith.addi %xor3A_325, %add3A_330 : vector<16xi32>
        %select_n3A_332 = arith.select %lt3A_328, %add3A_331, %xor3A_325 : vector<16xi1>, vector<16xi32>
        %broadcast_in_dim3A_333 = vector.shape_cast %select_n3A_332 : vector<16xi32> to vector<16x1xi32>
        %gather3A_334 = vector.shape_cast %broadcast_in_dim3A_333 : vector<16x1xi32> to vector<16xi32>
        %gather3A_335 = tpu.dynamic_gather %min3A_322[%gather3A_334] in [0] : vector<16xi32>, vector<16xi32> -> vector<16xi32>
        %min3A_336 = arith.minsi %min3A_322, %gather3A_335 : vector<16xi32>
        %xor3A_337 = arith.constant 8 : i32
        %xor3A_338 = vector.broadcast %xor3A_337 : i32 to vector<16xi32>
        %xor3A_339 = arith.xori %iota3A, %xor3A_338 : vector<16xi32>
        %lt3A_340 = arith.constant 0 : i32
        %lt3A_341 = vector.broadcast %lt3A_340 : i32 to vector<16xi32>
        %lt3A_342 = arith.cmpi slt, %xor3A_339, %lt3A_341 : vector<16xi32>
        %add3A_343 = arith.constant 16 : i32
        %add3A_344 = vector.broadcast %add3A_343 : i32 to vector<16xi32>
        %add3A_345 = arith.addi %xor3A_339, %add3A_344 : vector<16xi32>
        %select_n3A_346 = arith.select %lt3A_342, %add3A_345, %xor3A_339 : vector<16xi1>, vector<16xi32>
        %broadcast_in_dim3A_347 = vector.shape_cast %select_n3A_346 : vector<16xi32> to vector<16x1xi32>
        %gather3A_348 = vector.shape_cast %broadcast_in_dim3A_347 : vector<16x1xi32> to vector<16xi32>
        %gather3A_349 = tpu.dynamic_gather %min3A_336[%gather3A_348] in [0] : vector<16xi32>, vector<16xi32> -> vector<16xi32>
        %min3A_350 = arith.minsi %min3A_336, %gather3A_349 : vector<16xi32>
        %eq3A_351 = arith.cmpi eq, %iota3A, %min3A_350 : vector<16xi32>
        %jit3A_352 = arith.constant 1 : i32
        %jit3A_353 = arith.constant 0 : i32
        %broadcast_in_dim3A_354 = vector.broadcast %jit3A_352 : i32 to vector<16xi32>
        %broadcast_in_dim3A_355 = vector.broadcast %jit3A_353 : i32 to vector<16xi32>
        %select_n3A_356 = arith.select %eq3A_351, %broadcast_in_dim3A_354, %broadcast_in_dim3A_355 : vector<16xi1>, vector<16xi32>
        %add3A_357 = arith.addi %scan3A_173, %select_n3A_356 : vector<16xi32>
        scf.yield %add3A_357, %max3A_292 : vector<16xi32>, vector<16xf32>
      }
      %scan3A_29 = arith.constant 64 : i32
      %scan3A_30 = arith.constant 0 : i32
      %scan3A_31 = arith.constant 2048 : i32
      %scan3A_32 = arith.addi %scan3A_30, %scan3A_31 : i32
      %scan3A_33 = arith.constant 8 : i32
      %scan3A_34:2 = scf.for %scan3A_172 = %scan3A_30 to %scan3A_32 step %scan3A_33 iter_args(%scan3A_173 = %broadcast_in_dim3A_10, %scan3A_174 = %broadcast_in_dim3A_10) -> (vector<16xi32>, vector<16xi32>)  : i32 {
        %mul3A_175 = arith.constant 16 : i32
        %mul3A_176 = arith.muli %scan3A_172, %mul3A_175 : i32
        %get3A = arith.index_cast %mul3A_176 : i32 to index
        %get3A_177 = tpu.vector_load %arg5[%get3A] {strides = array<i32>} : memref<32768xf32, #tpu.memory_space<vmem>>, vector<16xf32>,
        %get3A_178 = vector.shape_cast %get3A_177 : vector<16xf32> to vector<16xf32>
        %gt3A_179 = arith.cmpf ogt, %get3A_178, %scan3A_28#1 : vector<16xf32>
        %ge3A = arith.cmpf oge, %get3A_178, %scan3A_28#1 : vector<16xf32>
        %jit3A_180 = arith.constant 0.000000e+00 : f32
        %broadcast_in_dim3A_181 = vector.broadcast %jit3A_180 : f32 to vector<16xf32>
        %select_n3A_182 = arith.select %ge3A, %get3A_178, %broadcast_in_dim3A_181 : vector<16xi1>, vector<16xf32>
        %mul3A_183 = arith.constant 16 : i32
        %mul3A_184 = arith.muli %scan3A_172, %mul3A_183 : i32
        %swap3A = arith.index_cast %mul3A_184 : i32 to index
        %swap3A_185 = tpu.vector_load %arg6[%swap3A] {strides = array<i32>} : memref<32768xf32, #tpu.memory_space<vmem>>, vector<16xf32>,
        %swap3A_186 = vector.shape_cast %swap3A_185 : vector<16xf32> to vector<16xf32>
        %swap3A_187 = vector.shape_cast %select_n3A_182 : vector<16xf32> to vector<16xf32>
        tpu.vector_store %arg6[%swap3A], %swap3A_187 {strides = array<i32>} : memref<32768xf32, #tpu.memory_space<vmem>>, vector<16xf32>,
        %jit3A_188 = arith.constant 1.000000e+00 : f32
        %jit3A_189 = arith.constant 0.000000e+00 : f32
        %broadcast_in_dim3A_190 = vector.broadcast %jit3A_188 : f32 to vector<16xf32>
        %broadcast_in_dim3A_191 = vector.broadcast %jit3A_189 : f32 to vector<16xf32>
        %select_n3A_192 = arith.select %ge3A, %broadcast_in_dim3A_190, %broadcast_in_dim3A_191 : vector<16xi1>, vector<16xf32>
        %mul3A_193 = arith.constant 16 : i32
        %mul3A_194 = arith.muli %scan3A_172, %mul3A_193 : i32
        %swap3A_195 = arith.index_cast %mul3A_194 : i32 to index
        %swap3A_196 = tpu.vector_load %arg7[%swap3A_195] {strides = array<i32>} : memref<32768xf32, #tpu.memory_space<vmem>>, vector<16xf32>,
        %swap3A_197 = vector.shape_cast %swap3A_196 : vector<16xf32> to vector<16xf32>
        %swap3A_198 = vector.shape_cast %select_n3A_192 : vector<16xf32> to vector<16xf32>
        tpu.vector_store %arg7[%swap3A_195], %swap3A_198 {strides = array<i32>} : memref<32768xf32, #tpu.memory_space<vmem>>, vector<16xf32>,
        %jit3A_199 = arith.constant 1 : i32
        %jit3A_200 = arith.constant 0 : i32
        %broadcast_in_dim3A_201 = vector.broadcast %jit3A_199 : i32 to vector<16xi32>
        %broadcast_in_dim3A_202 = vector.broadcast %jit3A_200 : i32 to vector<16xi32>
        %select_n3A_203 = arith.select %gt3A_179, %broadcast_in_dim3A_201, %broadcast_in_dim3A_202 : vector<16xi1>, vector<16xi32>
        %add3A_204 = arith.addi %scan3A_173, %select_n3A_203 : vector<16xi32>
        %jit3A_205 = arith.constant 1 : i32
        %jit3A_206 = arith.constant 0 : i32
        %broadcast_in_dim3A_207 = vector.broadcast %jit3A_205 : i32 to vector<16xi32>
        %broadcast_in_dim3A_208 = vector.broadcast %jit3A_206 : i32 to vector<16xi32>
        %select_n3A_209 = arith.select %ge3A, %broadcast_in_dim3A_207, %broadcast_in_dim3A_208 : vector<16xi1>, vector<16xi32>
        %add3A_210 = arith.addi %scan3A_174, %select_n3A_209 : vector<16xi32>
        %scan3A_211 = arith.constant 1 : i32
        %scan3A_212 = arith.addi %scan3A_172, %scan3A_211 : i32
        %mul3A_213 = arith.constant 16 : i32
        %mul3A_214 = arith.muli %scan3A_212, %mul3A_213 : i32
        %get3A_215 = arith.index_cast %mul3A_214 : i32 to index
        %get3A_216 = tpu.vector_load %arg5[%get3A_215] {strides = array<i32>} : memref<32768xf32, #tpu.memory_space<vmem>>, vector<16xf32>,
        %get3A_217 = vector.shape_cast %get3A_216 : vector<16xf32> to vector<16xf32>
        %gt3A_218 = arith.cmpf ogt, %get3A_217, %scan3A_28#1 : vector<16xf32>
        %ge3A_219 = arith.cmpf oge, %get3A_217, %scan3A_28#1 : vector<16xf32>
        %jit3A_220 = arith.constant 0.000000e+00 : f32
        %broadcast_in_dim3A_221 = vector.broadcast %jit3A_220 : f32 to vector<16xf32>
        %select_n3A_222 = arith.select %ge3A_219, %get3A_217, %broadcast_in_dim3A_221 : vector<16xi1>, vector<16xf32>
        %mul3A_223 = arith.constant 16 : i32
        %mul3A_224 = arith.muli %scan3A_212, %mul3A_223 : i32
        %swap3A_225 = arith.index_cast %mul3A_224 : i32 to index
        %swap3A_226 = tpu.vector_load %arg6[%swap3A_225] {strides = array<i32>} : memref<32768xf32, #tpu.memory_space<vmem>>, vector<16xf32>,
        %swap3A_227 = vector.shape_cast %swap3A_226 : vector<16xf32> to vector<16xf32>
        %swap3A_228 = vector.shape_cast %select_n3A_222 : vector<16xf32> to vector<16xf32>
        tpu.vector_store %arg6[%swap3A_225], %swap3A_228 {strides = array<i32>} : memref<32768xf32, #tpu.memory_space<vmem>>, vector<16xf32>,
        %jit3A_229 = arith.constant 1.000000e+00 : f32
        %jit3A_230 = arith.constant 0.000000e+00 : f32
        %broadcast_in_dim3A_231 = vector.broadcast %jit3A_229 : f32 to vector<16xf32>
        %broadcast_in_dim3A_232 = vector.broadcast %jit3A_230 : f32 to vector<16xf32>
        %select_n3A_233 = arith.select %ge3A_219, %broadcast_in_dim3A_231, %broadcast_in_dim3A_232 : vector<16xi1>, vector<16xf32>
        %mul3A_234 = arith.constant 16 : i32
        %mul3A_235 = arith.muli %scan3A_212, %mul3A_234 : i32
        %swap3A_236 = arith.index_cast %mul3A_235 : i32 to index
        %swap3A_237 = tpu.vector_load %arg7[%swap3A_236] {strides = array<i32>} : memref<32768xf32, #tpu.memory_space<vmem>>, vector<16xf32>,
        %swap3A_238 = vector.shape_cast %swap3A_237 : vector<16xf32> to vector<16xf32>
        %swap3A_239 = vector.shape_cast %select_n3A_233 : vector<16xf32> to vector<16xf32>
        tpu.vector_store %arg7[%swap3A_236], %swap3A_239 {strides = array<i32>} : memref<32768xf32, #tpu.memory_space<vmem>>, vector<16xf32>,
        %jit3A_240 = arith.constant 1 : i32
        %jit3A_241 = arith.constant 0 : i32
        %broadcast_in_dim3A_242 = vector.broadcast %jit3A_240 : i32 to vector<16xi32>
        %broadcast_in_dim3A_243 = vector.broadcast %jit3A_241 : i32 to vector<16xi32>
        %select_n3A_244 = arith.select %gt3A_218, %broadcast_in_dim3A_242, %broadcast_in_dim3A_243 : vector<16xi1>, vector<16xi32>
        %add3A_245 = arith.addi %add3A_204, %select_n3A_244 : vector<16xi32>
        %jit3A_246 = arith.constant 1 : i32
        %jit3A_247 = arith.constant 0 : i32
        %broadcast_in_dim3A_248 = vector.broadcast %jit3A_246 : i32 to vector<16xi32>
        %broadcast_in_dim3A_249 = vector.broadcast %jit3A_247 : i32 to vector<16xi32>
        %select_n3A_250 = arith.select %ge3A_219, %broadcast_in_dim3A_248, %broadcast_in_dim3A_249 : vector<16xi1>, vector<16xi32>
        %add3A_251 = arith.addi %add3A_210, %select_n3A_250 : vector<16xi32>
        %scan3A_252 = arith.constant 2 : i32
        %scan3A_253 = arith.addi %scan3A_172, %scan3A_252 : i32
        %mul3A_254 = arith.constant 16 : i32
        %mul3A_255 = arith.muli %scan3A_253, %mul3A_254 : i32
        %get3A_256 = arith.index_cast %mul3A_255 : i32 to index
        %get3A_257 = tpu.vector_load %arg5[%get3A_256] {strides = array<i32>} : memref<32768xf32, #tpu.memory_space<vmem>>, vector<16xf32>,
        %get3A_258 = vector.shape_cast %get3A_257 : vector<16xf32> to vector<16xf32>
        %gt3A_259 = arith.cmpf ogt, %get3A_258, %scan3A_28#1 : vector<16xf32>
        %ge3A_260 = arith.cmpf oge, %get3A_258, %scan3A_28#1 : vector<16xf32>
        %jit3A_261 = arith.constant 0.000000e+00 : f32
        %broadcast_in_dim3A_262 = vector.broadcast %jit3A_261 : f32 to vector<16xf32>
        %select_n3A_263 = arith.select %ge3A_260, %get3A_258, %broadcast_in_dim3A_262 : vector<16xi1>, vector<16xf32>
        %mul3A_264 = arith.constant 16 : i32
        %mul3A_265 = arith.muli %scan3A_253, %mul3A_264 : i32
        %swap3A_266 = arith.index_cast %mul3A_265 : i32 to index
        %swap3A_267 = tpu.vector_load %arg6[%swap3A_266] {strides = array<i32>} : memref<32768xf32, #tpu.memory_space<vmem>>, vector<16xf32>,
        %swap3A_268 = vector.shape_cast %swap3A_267 : vector<16xf32> to vector<16xf32>
        %swap3A_269 = vector.shape_cast %select_n3A_263 : vector<16xf32> to vector<16xf32>
        tpu.vector_store %arg6[%swap3A_266], %swap3A_269 {strides = array<i32>} : memref<32768xf32, #tpu.memory_space<vmem>>, vector<16xf32>,
        %jit3A_270 = arith.constant 1.000000e+00 : f32
        %jit3A_271 = arith.constant 0.000000e+00 : f32
        %broadcast_in_dim3A_272 = vector.broadcast %jit3A_270 : f32 to vector<16xf32>
        %broadcast_in_dim3A_273 = vector.broadcast %jit3A_271 : f32 to vector<16xf32>
        %select_n3A_274 = arith.select %ge3A_260, %broadcast_in_dim3A_272, %broadcast_in_dim3A_273 : vector<16xi1>, vector<16xf32>
        %mul3A_275 = arith.constant 16 : i32
        %mul3A_276 = arith.muli %scan3A_253, %mul3A_275 : i32
        %swap3A_277 = arith.index_cast %mul3A_276 : i32 to index
        %swap3A_278 = tpu.vector_load %arg7[%swap3A_277] {strides = array<i32>} : memref<32768xf32, #tpu.memory_space<vmem>>, vector<16xf32>,
        %swap3A_279 = vector.shape_cast %swap3A_278 : vector<16xf32> to vector<16xf32>
        %swap3A_280 = vector.shape_cast %select_n3A_274 : vector<16xf32> to vector<16xf32>
        tpu.vector_store %arg7[%swap3A_277], %swap3A_280 {strides = array<i32>} : memref<32768xf32, #tpu.memory_space<vmem>>, vector<16xf32>,
        %jit3A_281 = arith.constant 1 : i32
        %jit3A_282 = arith.constant 0 : i32
        %broadcast_in_dim3A_283 = vector.broadcast %jit3A_281 : i32 to vector<16xi32>
        %broadcast_in_dim3A_284 = vector.broadcast %jit3A_282 : i32 to vector<16xi32>
        %select_n3A_285 = arith.select %gt3A_259, %broadcast_in_dim3A_283, %broadcast_in_dim3A_284 : vector<16xi1>, vector<16xi32>
        %add3A_286 = arith.addi %add3A_245, %select_n3A_285 : vector<16xi32>
        %jit3A_287 = arith.constant 1 : i32
        %jit3A_288 = arith.constant 0 : i32
        %broadcast_in_dim3A_289 = vector.broadcast %jit3A_287 : i32 to vector<16xi32>
        %broadcast_in_dim3A_290 = vector.broadcast %jit3A_288 : i32 to vector<16xi32>
        %select_n3A_291 = arith.select %ge3A_260, %broadcast_in_dim3A_289, %broadcast_in_dim3A_290 : vector<16xi1>, vector<16xi32>
        %add3A_292 = arith.addi %add3A_251, %select_n3A_291 : vector<16xi32>
        %scan3A_293 = arith.constant 3 : i32
        %scan3A_294 = arith.addi %scan3A_172, %scan3A_293 : i32
        %mul3A_295 = arith.constant 16 : i32
        %mul3A_296 = arith.muli %scan3A_294, %mul3A_295 : i32
        %get3A_297 = arith.index_cast %mul3A_296 : i32 to index
        %get3A_298 = tpu.vector_load %arg5[%get3A_297] {strides = array<i32>} : memref<32768xf32, #tpu.memory_space<vmem>>, vector<16xf32>,
        %get3A_299 = vector.shape_cast %get3A_298 : vector<16xf32> to vector<16xf32>
        %gt3A_300 = arith.cmpf ogt, %get3A_299, %scan3A_28#1 : vector<16xf32>
        %ge3A_301 = arith.cmpf oge, %get3A_299, %scan3A_28#1 : vector<16xf32>
        %jit3A_302 = arith.constant 0.000000e+00 : f32
        %broadcast_in_dim3A_303 = vector.broadcast %jit3A_302 : f32 to vector<16xf32>
        %select_n3A_304 = arith.select %ge3A_301, %get3A_299, %broadcast_in_dim3A_303 : vector<16xi1>, vector<16xf32>
        %mul3A_305 = arith.constant 16 : i32
        %mul3A_306 = arith.muli %scan3A_294, %mul3A_305 : i32
        %swap3A_307 = arith.index_cast %mul3A_306 : i32 to index
        %swap3A_308 = tpu.vector_load %arg6[%swap3A_307] {strides = array<i32>} : memref<32768xf32, #tpu.memory_space<vmem>>, vector<16xf32>,
        %swap3A_309 = vector.shape_cast %swap3A_308 : vector<16xf32> to vector<16xf32>
        %swap3A_310 = vector.shape_cast %select_n3A_304 : vector<16xf32> to vector<16xf32>
        tpu.vector_store %arg6[%swap3A_307], %swap3A_310 {strides = array<i32>} : memref<32768xf32, #tpu.memory_space<vmem>>, vector<16xf32>,
        %jit3A_311 = arith.constant 1.000000e+00 : f32
        %jit3A_312 = arith.constant 0.000000e+00 : f32
        %broadcast_in_dim3A_313 = vector.broadcast %jit3A_311 : f32 to vector<16xf32>
        %broadcast_in_dim3A_314 = vector.broadcast %jit3A_312 : f32 to vector<16xf32>
        %select_n3A_315 = arith.select %ge3A_301, %broadcast_in_dim3A_313, %broadcast_in_dim3A_314 : vector<16xi1>, vector<16xf32>
        %mul3A_316 = arith.constant 16 : i32
        %mul3A_317 = arith.muli %scan3A_294, %mul3A_316 : i32
        %swap3A_318 = arith.index_cast %mul3A_317 : i32 to index
        %swap3A_319 = tpu.vector_load %arg7[%swap3A_318] {strides = array<i32>} : memref<32768xf32, #tpu.memory_space<vmem>>, vector<16xf32>,
        %swap3A_320 = vector.shape_cast %swap3A_319 : vector<16xf32> to vector<16xf32>
        %swap3A_321 = vector.shape_cast %select_n3A_315 : vector<16xf32> to vector<16xf32>
        tpu.vector_store %arg7[%swap3A_318], %swap3A_321 {strides = array<i32>} : memref<32768xf32, #tpu.memory_space<vmem>>, vector<16xf32>,
        %jit3A_322 = arith.constant 1 : i32
        %jit3A_323 = arith.constant 0 : i32
        %broadcast_in_dim3A_324 = vector.broadcast %jit3A_322 : i32 to vector<16xi32>
        %broadcast_in_dim3A_325 = vector.broadcast %jit3A_323 : i32 to vector<16xi32>
        %select_n3A_326 = arith.select %gt3A_300, %broadcast_in_dim3A_324, %broadcast_in_dim3A_325 : vector<16xi1>, vector<16xi32>
        %add3A_327 = arith.addi %add3A_286, %select_n3A_326 : vector<16xi32>
        %jit3A_328 = arith.constant 1 : i32
        %jit3A_329 = arith.constant 0 : i32
        %broadcast_in_dim3A_330 = vector.broadcast %jit3A_328 : i32 to vector<16xi32>
        %broadcast_in_dim3A_331 = vector.broadcast %jit3A_329 : i32 to vector<16xi32>
        %select_n3A_332 = arith.select %ge3A_301, %broadcast_in_dim3A_330, %broadcast_in_dim3A_331 : vector<16xi1>, vector<16xi32>
        %add3A_333 = arith.addi %add3A_292, %select_n3A_332 : vector<16xi32>
        %scan3A_334 = arith.constant 4 : i32
        %scan3A_335 = arith.addi %scan3A_172, %scan3A_334 : i32
        %mul3A_336 = arith.constant 16 : i32
        %mul3A_337 = arith.muli %scan3A_335, %mul3A_336 : i32
        %get3A_338 = arith.index_cast %mul3A_337 : i32 to index
        %get3A_339 = tpu.vector_load %arg5[%get3A_338] {strides = array<i32>} : memref<32768xf32, #tpu.memory_space<vmem>>, vector<16xf32>,
        %get3A_340 = vector.shape_cast %get3A_339 : vector<16xf32> to vector<16xf32>
        %gt3A_341 = arith.cmpf ogt, %get3A_340, %scan3A_28#1 : vector<16xf32>
        %ge3A_342 = arith.cmpf oge, %get3A_340, %scan3A_28#1 : vector<16xf32>
        %jit3A_343 = arith.constant 0.000000e+00 : f32
        %broadcast_in_dim3A_344 = vector.broadcast %jit3A_343 : f32 to vector<16xf32>
        %select_n3A_345 = arith.select %ge3A_342, %get3A_340, %broadcast_in_dim3A_344 : vector<16xi1>, vector<16xf32>
        %mul3A_346 = arith.constant 16 : i32
        %mul3A_347 = arith.muli %scan3A_335, %mul3A_346 : i32
        %swap3A_348 = arith.index_cast %mul3A_347 : i32 to index
        %swap3A_349 = tpu.vector_load %arg6[%swap3A_348] {strides = array<i32>} : memref<32768xf32, #tpu.memory_space<vmem>>, vector<16xf32>,
        %swap3A_350 = vector.shape_cast %swap3A_349 : vector<16xf32> to vector<16xf32>
        %swap3A_351 = vector.shape_cast %select_n3A_345 : vector<16xf32> to vector<16xf32>
        tpu.vector_store %arg6[%swap3A_348], %swap3A_351 {strides = array<i32>} : memref<32768xf32, #tpu.memory_space<vmem>>, vector<16xf32>,
        %jit3A_352 = arith.constant 1.000000e+00 : f32
        %jit3A_353 = arith.constant 0.000000e+00 : f32
        %broadcast_in_dim3A_354 = vector.broadcast %jit3A_352 : f32 to vector<16xf32>
        %broadcast_in_dim3A_355 = vector.broadcast %jit3A_353 : f32 to vector<16xf32>
        %select_n3A_356 = arith.select %ge3A_342, %broadcast_in_dim3A_354, %broadcast_in_dim3A_355 : vector<16xi1>, vector<16xf32>
        %mul3A_357 = arith.constant 16 : i32
        %mul3A_358 = arith.muli %scan3A_335, %mul3A_357 : i32
        %swap3A_359 = arith.index_cast %mul3A_358 : i32 to index
        %swap3A_360 = tpu.vector_load %arg7[%swap3A_359] {strides = array<i32>} : memref<32768xf32, #tpu.memory_space<vmem>>, vector<16xf32>,
        %swap3A_361 = vector.shape_cast %swap3A_360 : vector<16xf32> to vector<16xf32>
        %swap3A_362 = vector.shape_cast %select_n3A_356 : vector<16xf32> to vector<16xf32>
        tpu.vector_store %arg7[%swap3A_359], %swap3A_362 {strides = array<i32>} : memref<32768xf32, #tpu.memory_space<vmem>>, vector<16xf32>,
        %jit3A_363 = arith.constant 1 : i32
        %jit3A_364 = arith.constant 0 : i32
        %broadcast_in_dim3A_365 = vector.broadcast %jit3A_363 : i32 to vector<16xi32>
        %broadcast_in_dim3A_366 = vector.broadcast %jit3A_364 : i32 to vector<16xi32>
        %select_n3A_367 = arith.select %gt3A_341, %broadcast_in_dim3A_365, %broadcast_in_dim3A_366 : vector<16xi1>, vector<16xi32>
        %add3A_368 = arith.addi %add3A_327, %select_n3A_367 : vector<16xi32>
        %jit3A_369 = arith.constant 1 : i32
        %jit3A_370 = arith.constant 0 : i32
        %broadcast_in_dim3A_371 = vector.broadcast %jit3A_369 : i32 to vector<16xi32>
        %broadcast_in_dim3A_372 = vector.broadcast %jit3A_370 : i32 to vector<16xi32>
        %select_n3A_373 = arith.select %ge3A_342, %broadcast_in_dim3A_371, %broadcast_in_dim3A_372 : vector<16xi1>, vector<16xi32>
        %add3A_374 = arith.addi %add3A_333, %select_n3A_373 : vector<16xi32>
        %scan3A_375 = arith.constant 5 : i32
        %scan3A_376 = arith.addi %scan3A_172, %scan3A_375 : i32
        %mul3A_377 = arith.constant 16 : i32
        %mul3A_378 = arith.muli %scan3A_376, %mul3A_377 : i32
        %get3A_379 = arith.index_cast %mul3A_378 : i32 to index
        %get3A_380 = tpu.vector_load %arg5[%get3A_379] {strides = array<i32>} : memref<32768xf32, #tpu.memory_space<vmem>>, vector<16xf32>,
        %get3A_381 = vector.shape_cast %get3A_380 : vector<16xf32> to vector<16xf32>
        %gt3A_382 = arith.cmpf ogt, %get3A_381, %scan3A_28#1 : vector<16xf32>
        %ge3A_383 = arith.cmpf oge, %get3A_381, %scan3A_28#1 : vector<16xf32>
        %jit3A_384 = arith.constant 0.000000e+00 : f32
        %broadcast_in_dim3A_385 = vector.broadcast %jit3A_384 : f32 to vector<16xf32>
        %select_n3A_386 = arith.select %ge3A_383, %get3A_381, %broadcast_in_dim3A_385 : vector<16xi1>, vector<16xf32>
        %mul3A_387 = arith.constant 16 : i32
        %mul3A_388 = arith.muli %scan3A_376, %mul3A_387 : i32
        %swap3A_389 = arith.index_cast %mul3A_388 : i32 to index
        %swap3A_390 = tpu.vector_load %arg6[%swap3A_389] {strides = array<i32>} : memref<32768xf32, #tpu.memory_space<vmem>>, vector<16xf32>,
        %swap3A_391 = vector.shape_cast %swap3A_390 : vector<16xf32> to vector<16xf32>
        %swap3A_392 = vector.shape_cast %select_n3A_386 : vector<16xf32> to vector<16xf32>
        tpu.vector_store %arg6[%swap3A_389], %swap3A_392 {strides = array<i32>} : memref<32768xf32, #tpu.memory_space<vmem>>, vector<16xf32>,
        %jit3A_393 = arith.constant 1.000000e+00 : f32
        %jit3A_394 = arith.constant 0.000000e+00 : f32
        %broadcast_in_dim3A_395 = vector.broadcast %jit3A_393 : f32 to vector<16xf32>
        %broadcast_in_dim3A_396 = vector.broadcast %jit3A_394 : f32 to vector<16xf32>
        %select_n3A_397 = arith.select %ge3A_383, %broadcast_in_dim3A_395, %broadcast_in_dim3A_396 : vector<16xi1>, vector<16xf32>
        %mul3A_398 = arith.constant 16 : i32
        %mul3A_399 = arith.muli %scan3A_376, %mul3A_398 : i32
        %swap3A_400 = arith.index_cast %mul3A_399 : i32 to index
        %swap3A_401 = tpu.vector_load %arg7[%swap3A_400] {strides = array<i32>} : memref<32768xf32, #tpu.memory_space<vmem>>, vector<16xf32>,
        %swap3A_402 = vector.shape_cast %swap3A_401 : vector<16xf32> to vector<16xf32>
        %swap3A_403 = vector.shape_cast %select_n3A_397 : vector<16xf32> to vector<16xf32>
        tpu.vector_store %arg7[%swap3A_400], %swap3A_403 {strides = array<i32>} : memref<32768xf32, #tpu.memory_space<vmem>>, vector<16xf32>,
        %jit3A_404 = arith.constant 1 : i32
        %jit3A_405 = arith.constant 0 : i32
        %broadcast_in_dim3A_406 = vector.broadcast %jit3A_404 : i32 to vector<16xi32>
        %broadcast_in_dim3A_407 = vector.broadcast %jit3A_405 : i32 to vector<16xi32>
        %select_n3A_408 = arith.select %gt3A_382, %broadcast_in_dim3A_406, %broadcast_in_dim3A_407 : vector<16xi1>, vector<16xi32>
        %add3A_409 = arith.addi %add3A_368, %select_n3A_408 : vector<16xi32>
        %jit3A_410 = arith.constant 1 : i32
        %jit3A_411 = arith.constant 0 : i32
        %broadcast_in_dim3A_412 = vector.broadcast %jit3A_410 : i32 to vector<16xi32>
        %broadcast_in_dim3A_413 = vector.broadcast %jit3A_411 : i32 to vector<16xi32>
        %select_n3A_414 = arith.select %ge3A_383, %broadcast_in_dim3A_412, %broadcast_in_dim3A_413 : vector<16xi1>, vector<16xi32>
        %add3A_415 = arith.addi %add3A_374, %select_n3A_414 : vector<16xi32>
        %scan3A_416 = arith.constant 6 : i32
        %scan3A_417 = arith.addi %scan3A_172, %scan3A_416 : i32
        %mul3A_418 = arith.constant 16 : i32
        %mul3A_419 = arith.muli %scan3A_417, %mul3A_418 : i32
        %get3A_420 = arith.index_cast %mul3A_419 : i32 to index
        %get3A_421 = tpu.vector_load %arg5[%get3A_420] {strides = array<i32>} : memref<32768xf32, #tpu.memory_space<vmem>>, vector<16xf32>,
        %get3A_422 = vector.shape_cast %get3A_421 : vector<16xf32> to vector<16xf32>
        %gt3A_423 = arith.cmpf ogt, %get3A_422, %scan3A_28#1 : vector<16xf32>
        %ge3A_424 = arith.cmpf oge, %get3A_422, %scan3A_28#1 : vector<16xf32>
        %jit3A_425 = arith.constant 0.000000e+00 : f32
        %broadcast_in_dim3A_426 = vector.broadcast %jit3A_425 : f32 to vector<16xf32>
        %select_n3A_427 = arith.select %ge3A_424, %get3A_422, %broadcast_in_dim3A_426 : vector<16xi1>, vector<16xf32>
        %mul3A_428 = arith.constant 16 : i32
        %mul3A_429 = arith.muli %scan3A_417, %mul3A_428 : i32
        %swap3A_430 = arith.index_cast %mul3A_429 : i32 to index
        %swap3A_431 = tpu.vector_load %arg6[%swap3A_430] {strides = array<i32>} : memref<32768xf32, #tpu.memory_space<vmem>>, vector<16xf32>,
        %swap3A_432 = vector.shape_cast %swap3A_431 : vector<16xf32> to vector<16xf32>
        %swap3A_433 = vector.shape_cast %select_n3A_427 : vector<16xf32> to vector<16xf32>
        tpu.vector_store %arg6[%swap3A_430], %swap3A_433 {strides = array<i32>} : memref<32768xf32, #tpu.memory_space<vmem>>, vector<16xf32>,
        %jit3A_434 = arith.constant 1.000000e+00 : f32
        %jit3A_435 = arith.constant 0.000000e+00 : f32
        %broadcast_in_dim3A_436 = vector.broadcast %jit3A_434 : f32 to vector<16xf32>
        %broadcast_in_dim3A_437 = vector.broadcast %jit3A_435 : f32 to vector<16xf32>
        %select_n3A_438 = arith.select %ge3A_424, %broadcast_in_dim3A_436, %broadcast_in_dim3A_437 : vector<16xi1>, vector<16xf32>
        %mul3A_439 = arith.constant 16 : i32
        %mul3A_440 = arith.muli %scan3A_417, %mul3A_439 : i32
        %swap3A_441 = arith.index_cast %mul3A_440 : i32 to index
        %swap3A_442 = tpu.vector_load %arg7[%swap3A_441] {strides = array<i32>} : memref<32768xf32, #tpu.memory_space<vmem>>, vector<16xf32>,
        %swap3A_443 = vector.shape_cast %swap3A_442 : vector<16xf32> to vector<16xf32>
        %swap3A_444 = vector.shape_cast %select_n3A_438 : vector<16xf32> to vector<16xf32>
        tpu.vector_store %arg7[%swap3A_441], %swap3A_444 {strides = array<i32>} : memref<32768xf32, #tpu.memory_space<vmem>>, vector<16xf32>,
        %jit3A_445 = arith.constant 1 : i32
        %jit3A_446 = arith.constant 0 : i32
        %broadcast_in_dim3A_447 = vector.broadcast %jit3A_445 : i32 to vector<16xi32>
        %broadcast_in_dim3A_448 = vector.broadcast %jit3A_446 : i32 to vector<16xi32>
        %select_n3A_449 = arith.select %gt3A_423, %broadcast_in_dim3A_447, %broadcast_in_dim3A_448 : vector<16xi1>, vector<16xi32>
        %add3A_450 = arith.addi %add3A_409, %select_n3A_449 : vector<16xi32>
        %jit3A_451 = arith.constant 1 : i32
        %jit3A_452 = arith.constant 0 : i32
        %broadcast_in_dim3A_453 = vector.broadcast %jit3A_451 : i32 to vector<16xi32>
        %broadcast_in_dim3A_454 = vector.broadcast %jit3A_452 : i32 to vector<16xi32>
        %select_n3A_455 = arith.select %ge3A_424, %broadcast_in_dim3A_453, %broadcast_in_dim3A_454 : vector<16xi1>, vector<16xi32>
        %add3A_456 = arith.addi %add3A_415, %select_n3A_455 : vector<16xi32>
        %scan3A_457 = arith.constant 7 : i32
        %scan3A_458 = arith.addi %scan3A_172, %scan3A_457 : i32
        %mul3A_459 = arith.constant 16 : i32
        %mul3A_460 = arith.muli %scan3A_458, %mul3A_459 : i32
        %get3A_461 = arith.index_cast %mul3A_460 : i32 to index
        %get3A_462 = tpu.vector_load %arg5[%get3A_461] {strides = array<i32>} : memref<32768xf32, #tpu.memory_space<vmem>>, vector<16xf32>,
        %get3A_463 = vector.shape_cast %get3A_462 : vector<16xf32> to vector<16xf32>
        %gt3A_464 = arith.cmpf ogt, %get3A_463, %scan3A_28#1 : vector<16xf32>
        %ge3A_465 = arith.cmpf oge, %get3A_463, %scan3A_28#1 : vector<16xf32>
        %jit3A_466 = arith.constant 0.000000e+00 : f32
        %broadcast_in_dim3A_467 = vector.broadcast %jit3A_466 : f32 to vector<16xf32>
        %select_n3A_468 = arith.select %ge3A_465, %get3A_463, %broadcast_in_dim3A_467 : vector<16xi1>, vector<16xf32>
        %mul3A_469 = arith.constant 16 : i32
        %mul3A_470 = arith.muli %scan3A_458, %mul3A_469 : i32
        %swap3A_471 = arith.index_cast %mul3A_470 : i32 to index
        %swap3A_472 = tpu.vector_load %arg6[%swap3A_471] {strides = array<i32>} : memref<32768xf32, #tpu.memory_space<vmem>>, vector<16xf32>,
        %swap3A_473 = vector.shape_cast %swap3A_472 : vector<16xf32> to vector<16xf32>
        %swap3A_474 = vector.shape_cast %select_n3A_468 : vector<16xf32> to vector<16xf32>
        tpu.vector_store %arg6[%swap3A_471], %swap3A_474 {strides = array<i32>} : memref<32768xf32, #tpu.memory_space<vmem>>, vector<16xf32>,
        %jit3A_475 = arith.constant 1.000000e+00 : f32
        %jit3A_476 = arith.constant 0.000000e+00 : f32
        %broadcast_in_dim3A_477 = vector.broadcast %jit3A_475 : f32 to vector<16xf32>
        %broadcast_in_dim3A_478 = vector.broadcast %jit3A_476 : f32 to vector<16xf32>
        %select_n3A_479 = arith.select %ge3A_465, %broadcast_in_dim3A_477, %broadcast_in_dim3A_478 : vector<16xi1>, vector<16xf32>
        %mul3A_480 = arith.constant 16 : i32
        %mul3A_481 = arith.muli %scan3A_458, %mul3A_480 : i32
        %swap3A_482 = arith.index_cast %mul3A_481 : i32 to index
        %swap3A_483 = tpu.vector_load %arg7[%swap3A_482] {strides = array<i32>} : memref<32768xf32, #tpu.memory_space<vmem>>, vector<16xf32>,
        %swap3A_484 = vector.shape_cast %swap3A_483 : vector<16xf32> to vector<16xf32>
        %swap3A_485 = vector.shape_cast %select_n3A_479 : vector<16xf32> to vector<16xf32>
        tpu.vector_store %arg7[%swap3A_482], %swap3A_485 {strides = array<i32>} : memref<32768xf32, #tpu.memory_space<vmem>>, vector<16xf32>,
        %jit3A_486 = arith.constant 1 : i32
        %jit3A_487 = arith.constant 0 : i32
        %broadcast_in_dim3A_488 = vector.broadcast %jit3A_486 : i32 to vector<16xi32>
        %broadcast_in_dim3A_489 = vector.broadcast %jit3A_487 : i32 to vector<16xi32>
        %select_n3A_490 = arith.select %gt3A_464, %broadcast_in_dim3A_488, %broadcast_in_dim3A_489 : vector<16xi1>, vector<16xi32>
        %add3A_491 = arith.addi %add3A_450, %select_n3A_490 : vector<16xi32>
        %jit3A_492 = arith.constant 1 : i32
        %jit3A_493 = arith.constant 0 : i32
        %broadcast_in_dim3A_494 = vector.broadcast %jit3A_492 : i32 to vector<16xi32>
        %broadcast_in_dim3A_495 = vector.broadcast %jit3A_493 : i32 to vector<16xi32>
        %select_n3A_496 = arith.select %ge3A_465, %broadcast_in_dim3A_494, %broadcast_in_dim3A_495 : vector<16xi1>, vector<16xi32>
        %add3A_497 = arith.addi %add3A_456, %select_n3A_496 : vector<16xi32>
        scf.yield %add3A_491, %add3A_497 : vector<16xi32>, vector<16xi32>
      }
      %scan3A_35 = arith.constant 2048 : i32
      %xor3A = arith.constant 1 : i32
      %xor3A_36 = vector.broadcast %xor3A : i32 to vector<16xi32>
      %xor3A_37 = arith.xori %iota3A, %xor3A_36 : vector<16xi32>
      %lt3A = arith.constant 0 : i32
      %lt3A_38 = vector.broadcast %lt3A : i32 to vector<16xi32>
      %lt3A_39 = arith.cmpi slt, %xor3A_37, %lt3A_38 : vector<16xi32>
      %add3A_40 = arith.constant 16 : i32
      %add3A_41 = vector.broadcast %add3A_40 : i32 to vector<16xi32>
      %add3A_42 = arith.addi %xor3A_37, %add3A_41 : vector<16xi32>
      %select_n3A = arith.select %lt3A_39, %add3A_42, %xor3A_37 : vector<16xi1>, vector<16xi32>
      %broadcast_in_dim3A_43 = vector.shape_cast %select_n3A : vector<16xi32> to vector<16x1xi32>
      %gather3A = vector.shape_cast %broadcast_in_dim3A_43 : vector<16x1xi32> to vector<16xi32>
      %gather3A_44 = tpu.dynamic_gather %scan3A_34#0[%gather3A] in [0] : vector<16xi32>, vector<16xi32> -> vector<16xi32>
      %add3A_45 = arith.addi %scan3A_34#0, %gather3A_44 : vector<16xi32>
      %xor3A_46 = arith.constant 2 : i32
      %xor3A_47 = vector.broadcast %xor3A_46 : i32 to vector<16xi32>
      %xor3A_48 = arith.xori %iota3A, %xor3A_47 : vector<16xi32>
      %lt3A_49 = arith.constant 0 : i32
      %lt3A_50 = vector.broadcast %lt3A_49 : i32 to vector<16xi32>
      %lt3A_51 = arith.cmpi slt, %xor3A_48, %lt3A_50 : vector<16xi32>
      %add3A_52 = arith.constant 16 : i32
      %add3A_53 = vector.broadcast %add3A_52 : i32 to vector<16xi32>
      %add3A_54 = arith.addi %xor3A_48, %add3A_53 : vector<16xi32>
      %select_n3A_55 = arith.select %lt3A_51, %add3A_54, %xor3A_48 : vector<16xi1>, vector<16xi32>
      %broadcast_in_dim3A_56 = vector.shape_cast %select_n3A_55 : vector<16xi32> to vector<16x1xi32>
      %gather3A_57 = vector.shape_cast %broadcast_in_dim3A_56 : vector<16x1xi32> to vector<16xi32>
      %gather3A_58 = tpu.dynamic_gather %add3A_45[%gather3A_57] in [0] : vector<16xi32>, vector<16xi32> -> vector<16xi32>
      %add3A_59 = arith.addi %add3A_45, %gather3A_58 : vector<16xi32>
      %xor3A_60 = arith.constant 4 : i32
      %xor3A_61 = vector.broadcast %xor3A_60 : i32 to vector<16xi32>
      %xor3A_62 = arith.xori %iota3A, %xor3A_61 : vector<16xi32>
      %lt3A_63 = arith.constant 0 : i32
      %lt3A_64 = vector.broadcast %lt3A_63 : i32 to vector<16xi32>
      %lt3A_65 = arith.cmpi slt, %xor3A_62, %lt3A_64 : vector<16xi32>
      %add3A_66 = arith.constant 16 : i32
      %add3A_67 = vector.broadcast %add3A_66 : i32 to vector<16xi32>
      %add3A_68 = arith.addi %xor3A_62, %add3A_67 : vector<16xi32>
      %select_n3A_69 = arith.select %lt3A_65, %add3A_68, %xor3A_62 : vector<16xi1>, vector<16xi32>
      %broadcast_in_dim3A_70 = vector.shape_cast %select_n3A_69 : vector<16xi32> to vector<16x1xi32>
      %gather3A_71 = vector.shape_cast %broadcast_in_dim3A_70 : vector<16x1xi32> to vector<16xi32>
      %gather3A_72 = tpu.dynamic_gather %add3A_59[%gather3A_71] in [0] : vector<16xi32>, vector<16xi32> -> vector<16xi32>
      %add3A_73 = arith.addi %add3A_59, %gather3A_72 : vector<16xi32>
      %xor3A_74 = arith.constant 8 : i32
      %xor3A_75 = vector.broadcast %xor3A_74 : i32 to vector<16xi32>
      %xor3A_76 = arith.xori %iota3A, %xor3A_75 : vector<16xi32>
      %lt3A_77 = arith.constant 0 : i32
      %lt3A_78 = vector.broadcast %lt3A_77 : i32 to vector<16xi32>
      %lt3A_79 = arith.cmpi slt, %xor3A_76, %lt3A_78 : vector<16xi32>
      %add3A_80 = arith.constant 16 : i32
      %add3A_81 = vector.broadcast %add3A_80 : i32 to vector<16xi32>
      %add3A_82 = arith.addi %xor3A_76, %add3A_81 : vector<16xi32>
      %select_n3A_83 = arith.select %lt3A_79, %add3A_82, %xor3A_76 : vector<16xi1>, vector<16xi32>
      %broadcast_in_dim3A_84 = vector.shape_cast %select_n3A_83 : vector<16xi32> to vector<16x1xi32>
      %gather3A_85 = vector.shape_cast %broadcast_in_dim3A_84 : vector<16x1xi32> to vector<16xi32>
      %gather3A_86 = tpu.dynamic_gather %add3A_73[%gather3A_85] in [0] : vector<16xi32>, vector<16xi32> -> vector<16xi32>
      %add3A_87 = arith.addi %add3A_73, %gather3A_86 : vector<16xi32>
      %xor3A_88 = arith.constant 1 : i32
      %xor3A_89 = vector.broadcast %xor3A_88 : i32 to vector<16xi32>
      %xor3A_90 = arith.xori %iota3A, %xor3A_89 : vector<16xi32>
      %lt3A_91 = arith.constant 0 : i32
      %lt3A_92 = vector.broadcast %lt3A_91 : i32 to vector<16xi32>
      %lt3A_93 = arith.cmpi slt, %xor3A_90, %lt3A_92 : vector<16xi32>
      %add3A_94 = arith.constant 16 : i32
      %add3A_95 = vector.broadcast %add3A_94 : i32 to vector<16xi32>
      %add3A_96 = arith.addi %xor3A_90, %add3A_95 : vector<16xi32>
      %select_n3A_97 = arith.select %lt3A_93, %add3A_96, %xor3A_90 : vector<16xi1>, vector<16xi32>
      %broadcast_in_dim3A_98 = vector.shape_cast %select_n3A_97 : vector<16xi32> to vector<16x1xi32>
      %gather3A_99 = vector.shape_cast %broadcast_in_dim3A_98 : vector<16x1xi32> to vector<16xi32>
      %gather3A_100 = tpu.dynamic_gather %scan3A_34#1[%gather3A_99] in [0] : vector<16xi32>, vector<16xi32> -> vector<16xi32>
      %add3A_101 = arith.addi %scan3A_34#1, %gather3A_100 : vector<16xi32>
      %xor3A_102 = arith.constant 2 : i32
      %xor3A_103 = vector.broadcast %xor3A_102 : i32 to vector<16xi32>
      %xor3A_104 = arith.xori %iota3A, %xor3A_103 : vector<16xi32>
      %lt3A_105 = arith.constant 0 : i32
      %lt3A_106 = vector.broadcast %lt3A_105 : i32 to vector<16xi32>
      %lt3A_107 = arith.cmpi slt, %xor3A_104, %lt3A_106 : vector<16xi32>
      %add3A_108 = arith.constant 16 : i32
      %add3A_109 = vector.broadcast %add3A_108 : i32 to vector<16xi32>
      %add3A_110 = arith.addi %xor3A_104, %add3A_109 : vector<16xi32>
      %select_n3A_111 = arith.select %lt3A_107, %add3A_110, %xor3A_104 : vector<16xi1>, vector<16xi32>
      %broadcast_in_dim3A_112 = vector.shape_cast %select_n3A_111 : vector<16xi32> to vector<16x1xi32>
      %gather3A_113 = vector.shape_cast %broadcast_in_dim3A_112 : vector<16x1xi32> to vector<16xi32>
      %gather3A_114 = tpu.dynamic_gather %add3A_101[%gather3A_113] in [0] : vector<16xi32>, vector<16xi32> -> vector<16xi32>
      %add3A_115 = arith.addi %add3A_101, %gather3A_114 : vector<16xi32>
      %xor3A_116 = arith.constant 4 : i32
      %xor3A_117 = vector.broadcast %xor3A_116 : i32 to vector<16xi32>
      %xor3A_118 = arith.xori %iota3A, %xor3A_117 : vector<16xi32>
      %lt3A_119 = arith.constant 0 : i32
      %lt3A_120 = vector.broadcast %lt3A_119 : i32 to vector<16xi32>
      %lt3A_121 = arith.cmpi slt, %xor3A_118, %lt3A_120 : vector<16xi32>
      %add3A_122 = arith.constant 16 : i32
      %add3A_123 = vector.broadcast %add3A_122 : i32 to vector<16xi32>
      %add3A_124 = arith.addi %xor3A_118, %add3A_123 : vector<16xi32>
      %select_n3A_125 = arith.select %lt3A_121, %add3A_124, %xor3A_118 : vector<16xi1>, vector<16xi32>
      %broadcast_in_dim3A_126 = vector.shape_cast %select_n3A_125 : vector<16xi32> to vector<16x1xi32>
      %gather3A_127 = vector.shape_cast %broadcast_in_dim3A_126 : vector<16x1xi32> to vector<16xi32>
      %gather3A_128 = tpu.dynamic_gather %add3A_115[%gather3A_127] in [0] : vector<16xi32>, vector<16xi32> -> vector<16xi32>
      %add3A_129 = arith.addi %add3A_115, %gather3A_128 : vector<16xi32>
      %xor3A_130 = arith.constant 8 : i32
      %xor3A_131 = vector.broadcast %xor3A_130 : i32 to vector<16xi32>
      %xor3A_132 = arith.xori %iota3A, %xor3A_131 : vector<16xi32>
      %lt3A_133 = arith.constant 0 : i32
      %lt3A_134 = vector.broadcast %lt3A_133 : i32 to vector<16xi32>
      %lt3A_135 = arith.cmpi slt, %xor3A_132, %lt3A_134 : vector<16xi32>
      %add3A_136 = arith.constant 16 : i32
      %add3A_137 = vector.broadcast %add3A_136 : i32 to vector<16xi32>
      %add3A_138 = arith.addi %xor3A_132, %add3A_137 : vector<16xi32>
      %select_n3A_139 = arith.select %lt3A_135, %add3A_138, %xor3A_132 : vector<16xi1>, vector<16xi32>
      %broadcast_in_dim3A_140 = vector.shape_cast %select_n3A_139 : vector<16xi32> to vector<16x1xi32>
      %gather3A_141 = vector.shape_cast %broadcast_in_dim3A_140 : vector<16x1xi32> to vector<16xi32>
      %gather3A_142 = tpu.dynamic_gather %add3A_129[%gather3A_141] in [0] : vector<16xi32>, vector<16xi32> -> vector<16xi32>
      %add3A_143 = arith.addi %add3A_129, %gather3A_142 : vector<16xi32>
      %slice3A = vector.extract_strided_slice %add3A_87 {offsets = [0], sizes = [1], strides = [1]} : vector<16xi32> to vector<1xi32>
      %squeeze3A = vector.extract %slice3A[0] : i32 from vector<1xi32>
      %le3A = arith.constant 63 : i32
      %le3A_144 = arith.cmpi sle, %squeeze3A, %le3A : i32
      %jit3A = arith.constant 0 : i32
      %jit3A_145 = arith.constant 1 : i32
      %select_n3A_146 = arith.select %le3A_144, %jit3A, %jit3A_145 : i32
      %while3A = arith.constant 0 : i32
      %while3A_147 = arith.constant 0 : i32
      %while3A_148 = arith.subi %select_n3A_146, %while3A_147 : i32
      %while3A_149 = arith.addi %while3A_147, %while3A_148 : i32
      %while3A_150 = arith.constant 1 : i32
      %while3A_151 = arith.divsi %while3A_148, %while3A_150 : i32
      %while3A_152 = arith.muli %while3A_151, %while3A_150 : i32
      %while3A_153 = arith.addi %while3A_147, %while3A_152 : i32
      %while3A_154 = arith.constant 1 : i32
      scf.for %while3A_172 = %while3A_147 to %while3A_153 step %while3A_154  : i32 {
        %broadcast_in_dim3A_173 = arith.constant 0xFF800000 : f32
        %broadcast_in_dim3A_174 = vector.broadcast %broadcast_in_dim3A_173 : f32 to vector<16xf32>
        %scan3A_175 = arith.constant 0 : i32
        %scan3A_176 = arith.constant 2048 : i32
        %scan3A_177 = arith.addi %scan3A_175, %scan3A_176 : i32
        %scan3A_178 = arith.constant 4 : i32
        %scan3A_179:64 = scf.for %scan3A_320 = %scan3A_175 to %scan3A_177 step %scan3A_178 iter_args(%scan3A_321 = %broadcast_in_dim3A_174, %scan3A_322 = %broadcast_in_dim3A_174, %scan3A_323 = %broadcast_in_dim3A_174, %scan3A_324 = %broadcast_in_dim3A_174, %scan3A_325 = %broadcast_in_dim3A_174, %scan3A_326 = %broadcast_in_dim3A_174, %scan3A_327 = %broadcast_in_dim3A_174, %scan3A_328 = %broadcast_in_dim3A_174, %scan3A_329 = %broadcast_in_dim3A_174, %scan3A_330 = %broadcast_in_dim3A_174, %scan3A_331 = %broadcast_in_dim3A_174, %scan3A_332 = %broadcast_in_dim3A_174, %scan3A_333 = %broadcast_in_dim3A_174, %scan3A_334 = %broadcast_in_dim3A_174, %scan3A_335 = %broadcast_in_dim3A_174, %scan3A_336 = %broadcast_in_dim3A_174, %scan3A_337 = %broadcast_in_dim3A_174, %scan3A_338 = %broadcast_in_dim3A_174, %scan3A_339 = %broadcast_in_dim3A_174, %scan3A_340 = %broadcast_in_dim3A_174, %scan3A_341 = %broadcast_in_dim3A_174, %scan3A_342 = %broadcast_in_dim3A_174, %scan3A_343 = %broadcast_in_dim3A_174, %scan3A_344 = %broadcast_in_dim3A_174, %scan3A_345 = %broadcast_in_dim3A_174, %scan3A_346 = %broadcast_in_dim3A_174, %scan3A_347 = %broadcast_in_dim3A_174, %scan3A_348 = %broadcast_in_dim3A_174, %scan3A_349 = %broadcast_in_dim3A_174, %scan3A_350 = %broadcast_in_dim3A_174, %scan3A_351 = %broadcast_in_dim3A_174, %scan3A_352 = %broadcast_in_dim3A_174, %scan3A_353 = %broadcast_in_dim3A_174, %scan3A_354 = %broadcast_in_dim3A_174, %scan3A_355 = %broadcast_in_dim3A_174, %scan3A_356 = %broadcast_in_dim3A_174, %scan3A_357 = %broadcast_in_dim3A_174, %scan3A_358 = %broadcast_in_dim3A_174, %scan3A_359 = %broadcast_in_dim3A_174, %scan3A_360 = %broadcast_in_dim3A_174, %scan3A_361 = %broadcast_in_dim3A_174, %scan3A_362 = %broadcast_in_dim3A_174, %scan3A_363 = %broadcast_in_dim3A_174, %scan3A_364 = %broadcast_in_dim3A_174, %scan3A_365 = %broadcast_in_dim3A_174, %scan3A_366 = %broadcast_in_dim3A_174, %scan3A_367 = %broadcast_in_dim3A_174, %scan3A_368 = %broadcast_in_dim3A_174, %scan3A_369 = %broadcast_in_dim3A_174, %scan3A_370 = %broadcast_in_dim3A_174, %scan3A_371 = %broadcast_in_dim3A_174, %scan3A_372 = %broadcast_in_dim3A_174, %scan3A_373 = %broadcast_in_dim3A_174, %scan3A_374 = %broadcast_in_dim3A_174, %scan3A_375 = %broadcast_in_dim3A_174, %scan3A_376 = %broadcast_in_dim3A_174, %scan3A_377 = %broadcast_in_dim3A_174, %scan3A_378 = %broadcast_in_dim3A_174, %scan3A_379 = %broadcast_in_dim3A_174, %scan3A_380 = %broadcast_in_dim3A_174, %scan3A_381 = %broadcast_in_dim3A_174, %scan3A_382 = %broadcast_in_dim3A_174, %scan3A_383 = %broadcast_in_dim3A_174, %scan3A_384 = %broadcast_in_dim3A_174) -> (vector<16xf32>, vector<16xf32>, vector<16xf32>, vector<16xf32>, vector<16xf32>, vector<16xf32>, vector<16xf32>, vector<16xf32>, vector<16xf32>, vector<16xf32>, vector<16xf32>, vector<16xf32>, vector<16xf32>, vector<16xf32>, vector<16xf32>, vector<16xf32>, vector<16xf32>, vector<16xf32>, vector<16xf32>, vector<16xf32>, vector<16xf32>, vector<16xf32>, vector<16xf32>, vector<16xf32>, vector<16xf32>, vector<16xf32>, vector<16xf32>, vector<16xf32>, vector<16xf32>, vector<16xf32>, vector<16xf32>, vector<16xf32>, vector<16xf32>, vector<16xf32>, vector<16xf32>, vector<16xf32>, vector<16xf32>, vector<16xf32>, vector<16xf32>, vector<16xf32>, vector<16xf32>, vector<16xf32>, vector<16xf32>, vector<16xf32>, vector<16xf32>, vector<16xf32>, vector<16xf32>, vector<16xf32>, vector<16xf32>, vector<16xf32>, vector<16xf32>, vector<16xf32>, vector<16xf32>, vector<16xf32>, vector<16xf32>, vector<16xf32>, vector<16xf32>, vector<16xf32>, vector<16xf32>, vector<16xf32>, vector<16xf32>, vector<16xf32>, vector<16xf32>, vector<16xf32>)  : i32 {
          %mul3A_385 = arith.constant 16 : i32
          %mul3A_386 = arith.muli %scan3A_320, %mul3A_385 : i32
          %get3A = arith.index_cast %mul3A_386 : i32 to index
          %get3A_387 = tpu.vector_load %arg5[%get3A] {strides = array<i32>} : memref<32768xf32, #tpu.memory_space<vmem>>, vector<16xf32>,
          %get3A_388 = vector.shape_cast %get3A_387 : vector<16xf32> to vector<16xf32>
          %max3A = arith.maximumf %scan3A_321, %get3A_388 : vector<16xf32>
          %min3A = arith.minimumf %scan3A_321, %get3A_388 : vector<16xf32>
          %max3A_389 = arith.maximumf %scan3A_322, %min3A : vector<16xf32>
          %min3A_390 = arith.minimumf %scan3A_322, %min3A : vector<16xf32>
          %max3A_391 = arith.maximumf %scan3A_323, %min3A_390 : vector<16xf32>
          %min3A_392 = arith.minimumf %scan3A_323, %min3A_390 : vector<16xf32>
          %max3A_393 = arith.maximumf %scan3A_324, %min3A_392 : vector<16xf32>
          %min3A_394 = arith.minimumf %scan3A_324, %min3A_392 : vector<16xf32>
          %max3A_395 = arith.maximumf %scan3A_325, %min3A_394 : vector<16xf32>
          %min3A_396 = arith.minimumf %scan3A_325, %min3A_394 : vector<16xf32>
          %max3A_397 = arith.maximumf %scan3A_326, %min3A_396 : vector<16xf32>
          %min3A_398 = arith.minimumf %scan3A_326, %min3A_396 : vector<16xf32>
          %max3A_399 = arith.maximumf %scan3A_327, %min3A_398 : vector<16xf32>
          %min3A_400 = arith.minimumf %scan3A_327, %min3A_398 : vector<16xf32>
          %max3A_401 = arith.maximumf %scan3A_328, %min3A_400 : vector<16xf32>
          %min3A_402 = arith.minimumf %scan3A_328, %min3A_400 : vector<16xf32>
          %max3A_403 = arith.maximumf %scan3A_329, %min3A_402 : vector<16xf32>
          %min3A_404 = arith.minimumf %scan3A_329, %min3A_402 : vector<16xf32>
          %max3A_405 = arith.maximumf %scan3A_330, %min3A_404 : vector<16xf32>
          %min3A_406 = arith.minimumf %scan3A_330, %min3A_404 : vector<16xf32>
          %max3A_407 = arith.maximumf %scan3A_331, %min3A_406 : vector<16xf32>
          %min3A_408 = arith.minimumf %scan3A_331, %min3A_406 : vector<16xf32>
          %max3A_409 = arith.maximumf %scan3A_332, %min3A_408 : vector<16xf32>
          %min3A_410 = arith.minimumf %scan3A_332, %min3A_408 : vector<16xf32>
          %max3A_411 = arith.maximumf %scan3A_333, %min3A_410 : vector<16xf32>
          %min3A_412 = arith.minimumf %scan3A_333, %min3A_410 : vector<16xf32>
          %max3A_413 = arith.maximumf %scan3A_334, %min3A_412 : vector<16xf32>
          %min3A_414 = arith.minimumf %scan3A_334, %min3A_412 : vector<16xf32>
          %max3A_415 = arith.maximumf %scan3A_335, %min3A_414 : vector<16xf32>
          %min3A_416 = arith.minimumf %scan3A_335, %min3A_414 : vector<16xf32>
          %max3A_417 = arith.maximumf %scan3A_336, %min3A_416 : vector<16xf32>
          %min3A_418 = arith.minimumf %scan3A_336, %min3A_416 : vector<16xf32>
          %max3A_419 = arith.maximumf %scan3A_337, %min3A_418 : vector<16xf32>
          %min3A_420 = arith.minimumf %scan3A_337, %min3A_418 : vector<16xf32>
          %max3A_421 = arith.maximumf %scan3A_338, %min3A_420 : vector<16xf32>
          %min3A_422 = arith.minimumf %scan3A_338, %min3A_420 : vector<16xf32>
          %max3A_423 = arith.maximumf %scan3A_339, %min3A_422 : vector<16xf32>
          %min3A_424 = arith.minimumf %scan3A_339, %min3A_422 : vector<16xf32>
          %max3A_425 = arith.maximumf %scan3A_340, %min3A_424 : vector<16xf32>
          %min3A_426 = arith.minimumf %scan3A_340, %min3A_424 : vector<16xf32>
          %max3A_427 = arith.maximumf %scan3A_341, %min3A_426 : vector<16xf32>
          %min3A_428 = arith.minimumf %scan3A_341, %min3A_426 : vector<16xf32>
          %max3A_429 = arith.maximumf %scan3A_342, %min3A_428 : vector<16xf32>
          %min3A_430 = arith.minimumf %scan3A_342, %min3A_428 : vector<16xf32>
          %max3A_431 = arith.maximumf %scan3A_343, %min3A_430 : vector<16xf32>
          %min3A_432 = arith.minimumf %scan3A_343, %min3A_430 : vector<16xf32>
          %max3A_433 = arith.maximumf %scan3A_344, %min3A_432 : vector<16xf32>
          %min3A_434 = arith.minimumf %scan3A_344, %min3A_432 : vector<16xf32>
          %max3A_435 = arith.maximumf %scan3A_345, %min3A_434 : vector<16xf32>
          %min3A_436 = arith.minimumf %scan3A_345, %min3A_434 : vector<16xf32>
          %max3A_437 = arith.maximumf %scan3A_346, %min3A_436 : vector<16xf32>
          %min3A_438 = arith.minimumf %scan3A_346, %min3A_436 : vector<16xf32>
          %max3A_439 = arith.maximumf %scan3A_347, %min3A_438 : vector<16xf32>
          %min3A_440 = arith.minimumf %scan3A_347, %min3A_438 : vector<16xf32>
          %max3A_441 = arith.maximumf %scan3A_348, %min3A_440 : vector<16xf32>
          %min3A_442 = arith.minimumf %scan3A_348, %min3A_440 : vector<16xf32>
          %max3A_443 = arith.maximumf %scan3A_349, %min3A_442 : vector<16xf32>
          %min3A_444 = arith.minimumf %scan3A_349, %min3A_442 : vector<16xf32>
          %max3A_445 = arith.maximumf %scan3A_350, %min3A_444 : vector<16xf32>
          %min3A_446 = arith.minimumf %scan3A_350, %min3A_444 : vector<16xf32>
          %max3A_447 = arith.maximumf %scan3A_351, %min3A_446 : vector<16xf32>
          %min3A_448 = arith.minimumf %scan3A_351, %min3A_446 : vector<16xf32>
          %max3A_449 = arith.maximumf %scan3A_352, %min3A_448 : vector<16xf32>
          %min3A_450 = arith.minimumf %scan3A_352, %min3A_448 : vector<16xf32>
          %max3A_451 = arith.maximumf %scan3A_353, %min3A_450 : vector<16xf32>
          %min3A_452 = arith.minimumf %scan3A_353, %min3A_450 : vector<16xf32>
          %max3A_453 = arith.maximumf %scan3A_354, %min3A_452 : vector<16xf32>
          %min3A_454 = arith.minimumf %scan3A_354, %min3A_452 : vector<16xf32>
          %max3A_455 = arith.maximumf %scan3A_355, %min3A_454 : vector<16xf32>
          %min3A_456 = arith.minimumf %scan3A_355, %min3A_454 : vector<16xf32>
          %max3A_457 = arith.maximumf %scan3A_356, %min3A_456 : vector<16xf32>
          %min3A_458 = arith.minimumf %scan3A_356, %min3A_456 : vector<16xf32>
          %max3A_459 = arith.maximumf %scan3A_357, %min3A_458 : vector<16xf32>
          %min3A_460 = arith.minimumf %scan3A_357, %min3A_458 : vector<16xf32>
          %max3A_461 = arith.maximumf %scan3A_358, %min3A_460 : vector<16xf32>
          %min3A_462 = arith.minimumf %scan3A_358, %min3A_460 : vector<16xf32>
          %max3A_463 = arith.maximumf %scan3A_359, %min3A_462 : vector<16xf32>
          %min3A_464 = arith.minimumf %scan3A_359, %min3A_462 : vector<16xf32>
          %max3A_465 = arith.maximumf %scan3A_360, %min3A_464 : vector<16xf32>
          %min3A_466 = arith.minimumf %scan3A_360, %min3A_464 : vector<16xf32>
          %max3A_467 = arith.maximumf %scan3A_361, %min3A_466 : vector<16xf32>
          %min3A_468 = arith.minimumf %scan3A_361, %min3A_466 : vector<16xf32>
          %max3A_469 = arith.maximumf %scan3A_362, %min3A_468 : vector<16xf32>
          %min3A_470 = arith.minimumf %scan3A_362, %min3A_468 : vector<16xf32>
          %max3A_471 = arith.maximumf %scan3A_363, %min3A_470 : vector<16xf32>
          %min3A_472 = arith.minimumf %scan3A_363, %min3A_470 : vector<16xf32>
          %max3A_473 = arith.maximumf %scan3A_364, %min3A_472 : vector<16xf32>
          %min3A_474 = arith.minimumf %scan3A_364, %min3A_472 : vector<16xf32>
          %max3A_475 = arith.maximumf %scan3A_365, %min3A_474 : vector<16xf32>
          %min3A_476 = arith.minimumf %scan3A_365, %min3A_474 : vector<16xf32>
          %max3A_477 = arith.maximumf %scan3A_366, %min3A_476 : vector<16xf32>
          %min3A_478 = arith.minimumf %scan3A_366, %min3A_476 : vector<16xf32>
          %max3A_479 = arith.maximumf %scan3A_367, %min3A_478 : vector<16xf32>
          %min3A_480 = arith.minimumf %scan3A_367, %min3A_478 : vector<16xf32>
          %max3A_481 = arith.maximumf %scan3A_368, %min3A_480 : vector<16xf32>
          %min3A_482 = arith.minimumf %scan3A_368, %min3A_480 : vector<16xf32>
          %max3A_483 = arith.maximumf %scan3A_369, %min3A_482 : vector<16xf32>
          %min3A_484 = arith.minimumf %scan3A_369, %min3A_482 : vector<16xf32>
          %max3A_485 = arith.maximumf %scan3A_370, %min3A_484 : vector<16xf32>
          %min3A_486 = arith.minimumf %scan3A_370, %min3A_484 : vector<16xf32>
          %max3A_487 = arith.maximumf %scan3A_371, %min3A_486 : vector<16xf32>
          %min3A_488 = arith.minimumf %scan3A_371, %min3A_486 : vector<16xf32>
          %max3A_489 = arith.maximumf %scan3A_372, %min3A_488 : vector<16xf32>
          %min3A_490 = arith.minimumf %scan3A_372, %min3A_488 : vector<16xf32>
          %max3A_491 = arith.maximumf %scan3A_373, %min3A_490 : vector<16xf32>
          %min3A_492 = arith.minimumf %scan3A_373, %min3A_490 : vector<16xf32>
          %max3A_493 = arith.maximumf %scan3A_374, %min3A_492 : vector<16xf32>
          %min3A_494 = arith.minimumf %scan3A_374, %min3A_492 : vector<16xf32>
          %max3A_495 = arith.maximumf %scan3A_375, %min3A_494 : vector<16xf32>
          %min3A_496 = arith.minimumf %scan3A_375, %min3A_494 : vector<16xf32>
          %max3A_497 = arith.maximumf %scan3A_376, %min3A_496 : vector<16xf32>
          %min3A_498 = arith.minimumf %scan3A_376, %min3A_496 : vector<16xf32>
          %max3A_499 = arith.maximumf %scan3A_377, %min3A_498 : vector<16xf32>
          %min3A_500 = arith.minimumf %scan3A_377, %min3A_498 : vector<16xf32>
          %max3A_501 = arith.maximumf %scan3A_378, %min3A_500 : vector<16xf32>
          %min3A_502 = arith.minimumf %scan3A_378, %min3A_500 : vector<16xf32>
          %max3A_503 = arith.maximumf %scan3A_379, %min3A_502 : vector<16xf32>
          %min3A_504 = arith.minimumf %scan3A_379, %min3A_502 : vector<16xf32>
          %max3A_505 = arith.maximumf %scan3A_380, %min3A_504 : vector<16xf32>
          %min3A_506 = arith.minimumf %scan3A_380, %min3A_504 : vector<16xf32>
          %max3A_507 = arith.maximumf %scan3A_381, %min3A_506 : vector<16xf32>
          %min3A_508 = arith.minimumf %scan3A_381, %min3A_506 : vector<16xf32>
          %max3A_509 = arith.maximumf %scan3A_382, %min3A_508 : vector<16xf32>
          %min3A_510 = arith.minimumf %scan3A_382, %min3A_508 : vector<16xf32>
          %max3A_511 = arith.maximumf %scan3A_383, %min3A_510 : vector<16xf32>
          %min3A_512 = arith.minimumf %scan3A_383, %min3A_510 : vector<16xf32>
          %max3A_513 = arith.maximumf %scan3A_384, %min3A_512 : vector<16xf32>
          %min3A_514 = arith.minimumf %scan3A_384, %min3A_512 : vector<16xf32>
          %scan3A_515 = arith.constant 1 : i32
          %scan3A_516 = arith.addi %scan3A_320, %scan3A_515 : i32
          %mul3A_517 = arith.constant 16 : i32
          %mul3A_518 = arith.muli %scan3A_516, %mul3A_517 : i32
          %get3A_519 = arith.index_cast %mul3A_518 : i32 to index
          %get3A_520 = tpu.vector_load %arg5[%get3A_519] {strides = array<i32>} : memref<32768xf32, #tpu.memory_space<vmem>>, vector<16xf32>,
          %get3A_521 = vector.shape_cast %get3A_520 : vector<16xf32> to vector<16xf32>
          %max3A_522 = arith.maximumf %max3A, %get3A_521 : vector<16xf32>
          %min3A_523 = arith.minimumf %max3A, %get3A_521 : vector<16xf32>
          %max3A_524 = arith.maximumf %max3A_389, %min3A_523 : vector<16xf32>
          %min3A_525 = arith.minimumf %max3A_389, %min3A_523 : vector<16xf32>
          %max3A_526 = arith.maximumf %max3A_391, %min3A_525 : vector<16xf32>
          %min3A_527 = arith.minimumf %max3A_391, %min3A_525 : vector<16xf32>
          %max3A_528 = arith.maximumf %max3A_393, %min3A_527 : vector<16xf32>
          %min3A_529 = arith.minimumf %max3A_393, %min3A_527 : vector<16xf32>
          %max3A_530 = arith.maximumf %max3A_395, %min3A_529 : vector<16xf32>
          %min3A_531 = arith.minimumf %max3A_395, %min3A_529 : vector<16xf32>
          %max3A_532 = arith.maximumf %max3A_397, %min3A_531 : vector<16xf32>
          %min3A_533 = arith.minimumf %max3A_397, %min3A_531 : vector<16xf32>
          %max3A_534 = arith.maximumf %max3A_399, %min3A_533 : vector<16xf32>
          %min3A_535 = arith.minimumf %max3A_399, %min3A_533 : vector<16xf32>
          %max3A_536 = arith.maximumf %max3A_401, %min3A_535 : vector<16xf32>
          %min3A_537 = arith.minimumf %max3A_401, %min3A_535 : vector<16xf32>
          %max3A_538 = arith.maximumf %max3A_403, %min3A_537 : vector<16xf32>
          %min3A_539 = arith.minimumf %max3A_403, %min3A_537 : vector<16xf32>
          %max3A_540 = arith.maximumf %max3A_405, %min3A_539 : vector<16xf32>
          %min3A_541 = arith.minimumf %max3A_405, %min3A_539 : vector<16xf32>
          %max3A_542 = arith.maximumf %max3A_407, %min3A_541 : vector<16xf32>
          %min3A_543 = arith.minimumf %max3A_407, %min3A_541 : vector<16xf32>
          %max3A_544 = arith.maximumf %max3A_409, %min3A_543 : vector<16xf32>
          %min3A_545 = arith.minimumf %max3A_409, %min3A_543 : vector<16xf32>
          %max3A_546 = arith.maximumf %max3A_411, %min3A_545 : vector<16xf32>
          %min3A_547 = arith.minimumf %max3A_411, %min3A_545 : vector<16xf32>
          %max3A_548 = arith.maximumf %max3A_413, %min3A_547 : vector<16xf32>
          %min3A_549 = arith.minimumf %max3A_413, %min3A_547 : vector<16xf32>
          %max3A_550 = arith.maximumf %max3A_415, %min3A_549 : vector<16xf32>
          %min3A_551 = arith.minimumf %max3A_415, %min3A_549 : vector<16xf32>
          %max3A_552 = arith.maximumf %max3A_417, %min3A_551 : vector<16xf32>
          %min3A_553 = arith.minimumf %max3A_417, %min3A_551 : vector<16xf32>
          %max3A_554 = arith.maximumf %max3A_419, %min3A_553 : vector<16xf32>
          %min3A_555 = arith.minimumf %max3A_419, %min3A_553 : vector<16xf32>
          %max3A_556 = arith.maximumf %max3A_421, %min3A_555 : vector<16xf32>
          %min3A_557 = arith.minimumf %max3A_421, %min3A_555 : vector<16xf32>
          %max3A_558 = arith.maximumf %max3A_423, %min3A_557 : vector<16xf32>
          %min3A_559 = arith.minimumf %max3A_423, %min3A_557 : vector<16xf32>
          %max3A_560 = arith.maximumf %max3A_425, %min3A_559 : vector<16xf32>
          %min3A_561 = arith.minimumf %max3A_425, %min3A_559 : vector<16xf32>
          %max3A_562 = arith.maximumf %max3A_427, %min3A_561 : vector<16xf32>
          %min3A_563 = arith.minimumf %max3A_427, %min3A_561 : vector<16xf32>
          %max3A_564 = arith.maximumf %max3A_429, %min3A_563 : vector<16xf32>
          %min3A_565 = arith.minimumf %max3A_429, %min3A_563 : vector<16xf32>
          %max3A_566 = arith.maximumf %max3A_431, %min3A_565 : vector<16xf32>
          %min3A_567 = arith.minimumf %max3A_431, %min3A_565 : vector<16xf32>
          %max3A_568 = arith.maximumf %max3A_433, %min3A_567 : vector<16xf32>
          %min3A_569 = arith.minimumf %max3A_433, %min3A_567 : vector<16xf32>
          %max3A_570 = arith.maximumf %max3A_435, %min3A_569 : vector<16xf32>
          %min3A_571 = arith.minimumf %max3A_435, %min3A_569 : vector<16xf32>
          %max3A_572 = arith.maximumf %max3A_437, %min3A_571 : vector<16xf32>
          %min3A_573 = arith.minimumf %max3A_437, %min3A_571 : vector<16xf32>
          %max3A_574 = arith.maximumf %max3A_439, %min3A_573 : vector<16xf32>
          %min3A_575 = arith.minimumf %max3A_439, %min3A_573 : vector<16xf32>
          %max3A_576 = arith.maximumf %max3A_441, %min3A_575 : vector<16xf32>
          %min3A_577 = arith.minimumf %max3A_441, %min3A_575 : vector<16xf32>
          %max3A_578 = arith.maximumf %max3A_443, %min3A_577 : vector<16xf32>
          %min3A_579 = arith.minimumf %max3A_443, %min3A_577 : vector<16xf32>
          %max3A_580 = arith.maximumf %max3A_445, %min3A_579 : vector<16xf32>
          %min3A_581 = arith.minimumf %max3A_445, %min3A_579 : vector<16xf32>
          %max3A_582 = arith.maximumf %max3A_447, %min3A_581 : vector<16xf32>
          %min3A_583 = arith.minimumf %max3A_447, %min3A_581 : vector<16xf32>
          %max3A_584 = arith.maximumf %max3A_449, %min3A_583 : vector<16xf32>
          %min3A_585 = arith.minimumf %max3A_449, %min3A_583 : vector<16xf32>
          %max3A_586 = arith.maximumf %max3A_451, %min3A_585 : vector<16xf32>
          %min3A_587 = arith.minimumf %max3A_451, %min3A_585 : vector<16xf32>
          %max3A_588 = arith.maximumf %max3A_453, %min3A_587 : vector<16xf32>
          %min3A_589 = arith.minimumf %max3A_453, %min3A_587 : vector<16xf32>
          %max3A_590 = arith.maximumf %max3A_455, %min3A_589 : vector<16xf32>
          %min3A_591 = arith.minimumf %max3A_455, %min3A_589 : vector<16xf32>
          %max3A_592 = arith.maximumf %max3A_457, %min3A_591 : vector<16xf32>
          %min3A_593 = arith.minimumf %max3A_457, %min3A_591 : vector<16xf32>
          %max3A_594 = arith.maximumf %max3A_459, %min3A_593 : vector<16xf32>
          %min3A_595 = arith.minimumf %max3A_459, %min3A_593 : vector<16xf32>
          %max3A_596 = arith.maximumf %max3A_461, %min3A_595 : vector<16xf32>
          %min3A_597 = arith.minimumf %max3A_461, %min3A_595 : vector<16xf32>
          %max3A_598 = arith.maximumf %max3A_463, %min3A_597 : vector<16xf32>
          %min3A_599 = arith.minimumf %max3A_463, %min3A_597 : vector<16xf32>
          %max3A_600 = arith.maximumf %max3A_465, %min3A_599 : vector<16xf32>
          %min3A_601 = arith.minimumf %max3A_465, %min3A_599 : vector<16xf32>
          %max3A_602 = arith.maximumf %max3A_467, %min3A_601 : vector<16xf32>
          %min3A_603 = arith.minimumf %max3A_467, %min3A_601 : vector<16xf32>
          %max3A_604 = arith.maximumf %max3A_469, %min3A_603 : vector<16xf32>
          %min3A_605 = arith.minimumf %max3A_469, %min3A_603 : vector<16xf32>
          %max3A_606 = arith.maximumf %max3A_471, %min3A_605 : vector<16xf32>
          %min3A_607 = arith.minimumf %max3A_471, %min3A_605 : vector<16xf32>
          %max3A_608 = arith.maximumf %max3A_473, %min3A_607 : vector<16xf32>
          %min3A_609 = arith.minimumf %max3A_473, %min3A_607 : vector<16xf32>
          %max3A_610 = arith.maximumf %max3A_475, %min3A_609 : vector<16xf32>
          %min3A_611 = arith.minimumf %max3A_475, %min3A_609 : vector<16xf32>
          %max3A_612 = arith.maximumf %max3A_477, %min3A_611 : vector<16xf32>
          %min3A_613 = arith.minimumf %max3A_477, %min3A_611 : vector<16xf32>
          %max3A_614 = arith.maximumf %max3A_479, %min3A_613 : vector<16xf32>
          %min3A_615 = arith.minimumf %max3A_479, %min3A_613 : vector<16xf32>
          %max3A_616 = arith.maximumf %max3A_481, %min3A_615 : vector<16xf32>
          %min3A_617 = arith.minimumf %max3A_481, %min3A_615 : vector<16xf32>
          %max3A_618 = arith.maximumf %max3A_483, %min3A_617 : vector<16xf32>
          %min3A_619 = arith.minimumf %max3A_483, %min3A_617 : vector<16xf32>
          %max3A_620 = arith.maximumf %max3A_485, %min3A_619 : vector<16xf32>
          %min3A_621 = arith.minimumf %max3A_485, %min3A_619 : vector<16xf32>
          %max3A_622 = arith.maximumf %max3A_487, %min3A_621 : vector<16xf32>
          %min3A_623 = arith.minimumf %max3A_487, %min3A_621 : vector<16xf32>
          %max3A_624 = arith.maximumf %max3A_489, %min3A_623 : vector<16xf32>
          %min3A_625 = arith.minimumf %max3A_489, %min3A_623 : vector<16xf32>
          %max3A_626 = arith.maximumf %max3A_491, %min3A_625 : vector<16xf32>
          %min3A_627 = arith.minimumf %max3A_491, %min3A_625 : vector<16xf32>
          %max3A_628 = arith.maximumf %max3A_493, %min3A_627 : vector<16xf32>
          %min3A_629 = arith.minimumf %max3A_493, %min3A_627 : vector<16xf32>
          %max3A_630 = arith.maximumf %max3A_495, %min3A_629 : vector<16xf32>
          %min3A_631 = arith.minimumf %max3A_495, %min3A_629 : vector<16xf32>
          %max3A_632 = arith.maximumf %max3A_497, %min3A_631 : vector<16xf32>
          %min3A_633 = arith.minimumf %max3A_497, %min3A_631 : vector<16xf32>
          %max3A_634 = arith.maximumf %max3A_499, %min3A_633 : vector<16xf32>
          %min3A_635 = arith.minimumf %max3A_499, %min3A_633 : vector<16xf32>
          %max3A_636 = arith.maximumf %max3A_501, %min3A_635 : vector<16xf32>
          %min3A_637 = arith.minimumf %max3A_501, %min3A_635 : vector<16xf32>
          %max3A_638 = arith.maximumf %max3A_503, %min3A_637 : vector<16xf32>
          %min3A_639 = arith.minimumf %max3A_503, %min3A_637 : vector<16xf32>
          %max3A_640 = arith.maximumf %max3A_505, %min3A_639 : vector<16xf32>
          %min3A_641 = arith.minimumf %max3A_505, %min3A_639 : vector<16xf32>
          %max3A_642 = arith.maximumf %max3A_507, %min3A_641 : vector<16xf32>
          %min3A_643 = arith.minimumf %max3A_507, %min3A_641 : vector<16xf32>
          %max3A_644 = arith.maximumf %max3A_509, %min3A_643 : vector<16xf32>
          %min3A_645 = arith.minimumf %max3A_509, %min3A_643 : vector<16xf32>
          %max3A_646 = arith.maximumf %max3A_511, %min3A_645 : vector<16xf32>
          %min3A_647 = arith.minimumf %max3A_511, %min3A_645 : vector<16xf32>
          %max3A_648 = arith.maximumf %max3A_513, %min3A_647 : vector<16xf32>
          %min3A_649 = arith.minimumf %max3A_513, %min3A_647 : vector<16xf32>
          %scan3A_650 = arith.constant 2 : i32
          %scan3A_651 = arith.addi %scan3A_320, %scan3A_650 : i32
          %mul3A_652 = arith.constant 16 : i32
          %mul3A_653 = arith.muli %scan3A_651, %mul3A_652 : i32
          %get3A_654 = arith.index_cast %mul3A_653 : i32 to index
          %get3A_655 = tpu.vector_load %arg5[%get3A_654] {strides = array<i32>} : memref<32768xf32, #tpu.memory_space<vmem>>, vector<16xf32>,
          %get3A_656 = vector.shape_cast %get3A_655 : vector<16xf32> to vector<16xf32>
          %max3A_657 = arith.maximumf %max3A_522, %get3A_656 : vector<16xf32>
          %min3A_658 = arith.minimumf %max3A_522, %get3A_656 : vector<16xf32>
          %max3A_659 = arith.maximumf %max3A_524, %min3A_658 : vector<16xf32>
          %min3A_660 = arith.minimumf %max3A_524, %min3A_658 : vector<16xf32>
          %max3A_661 = arith.maximumf %max3A_526, %min3A_660 : vector<16xf32>
          %min3A_662 = arith.minimumf %max3A_526, %min3A_660 : vector<16xf32>
          %max3A_663 = arith.maximumf %max3A_528, %min3A_662 : vector<16xf32>
          %min3A_664 = arith.minimumf %max3A_528, %min3A_662 : vector<16xf32>
          %max3A_665 = arith.maximumf %max3A_530, %min3A_664 : vector<16xf32>
          %min3A_666 = arith.minimumf %max3A_530, %min3A_664 : vector<16xf32>
          %max3A_667 = arith.maximumf %max3A_532, %min3A_666 : vector<16xf32>
          %min3A_668 = arith.minimumf %max3A_532, %min3A_666 : vector<16xf32>
          %max3A_669 = arith.maximumf %max3A_534, %min3A_668 : vector<16xf32>
          %min3A_670 = arith.minimumf %max3A_534, %min3A_668 : vector<16xf32>
          %max3A_671 = arith.maximumf %max3A_536, %min3A_670 : vector<16xf32>
          %min3A_672 = arith.minimumf %max3A_536, %min3A_670 : vector<16xf32>
          %max3A_673 = arith.maximumf %max3A_538, %min3A_672 : vector<16xf32>
          %min3A_674 = arith.minimumf %max3A_538, %min3A_672 : vector<16xf32>
          %max3A_675 = arith.maximumf %max3A_540, %min3A_674 : vector<16xf32>
          %min3A_676 = arith.minimumf %max3A_540, %min3A_674 : vector<16xf32>
          %max3A_677 = arith.maximumf %max3A_542, %min3A_676 : vector<16xf32>
          %min3A_678 = arith.minimumf %max3A_542, %min3A_676 : vector<16xf32>
          %max3A_679 = arith.maximumf %max3A_544, %min3A_678 : vector<16xf32>
          %min3A_680 = arith.minimumf %max3A_544, %min3A_678 : vector<16xf32>
          %max3A_681 = arith.maximumf %max3A_546, %min3A_680 : vector<16xf32>
          %min3A_682 = arith.minimumf %max3A_546, %min3A_680 : vector<16xf32>
          %max3A_683 = arith.maximumf %max3A_548, %min3A_682 : vector<16xf32>
          %min3A_684 = arith.minimumf %max3A_548, %min3A_682 : vector<16xf32>
          %max3A_685 = arith.maximumf %max3A_550, %min3A_684 : vector<16xf32>
          %min3A_686 = arith.minimumf %max3A_550, %min3A_684 : vector<16xf32>
          %max3A_687 = arith.maximumf %max3A_552, %min3A_686 : vector<16xf32>
          %min3A_688 = arith.minimumf %max3A_552, %min3A_686 : vector<16xf32>
          %max3A_689 = arith.maximumf %max3A_554, %min3A_688 : vector<16xf32>
          %min3A_690 = arith.minimumf %max3A_554, %min3A_688 : vector<16xf32>
          %max3A_691 = arith.maximumf %max3A_556, %min3A_690 : vector<16xf32>
          %min3A_692 = arith.minimumf %max3A_556, %min3A_690 : vector<16xf32>
          %max3A_693 = arith.maximumf %max3A_558, %min3A_692 : vector<16xf32>
          %min3A_694 = arith.minimumf %max3A_558, %min3A_692 : vector<16xf32>
          %max3A_695 = arith.maximumf %max3A_560, %min3A_694 : vector<16xf32>
          %min3A_696 = arith.minimumf %max3A_560, %min3A_694 : vector<16xf32>
          %max3A_697 = arith.maximumf %max3A_562, %min3A_696 : vector<16xf32>
          %min3A_698 = arith.minimumf %max3A_562, %min3A_696 : vector<16xf32>
          %max3A_699 = arith.maximumf %max3A_564, %min3A_698 : vector<16xf32>
          %min3A_700 = arith.minimumf %max3A_564, %min3A_698 : vector<16xf32>
          %max3A_701 = arith.maximumf %max3A_566, %min3A_700 : vector<16xf32>
          %min3A_702 = arith.minimumf %max3A_566, %min3A_700 : vector<16xf32>
          %max3A_703 = arith.maximumf %max3A_568, %min3A_702 : vector<16xf32>
          %min3A_704 = arith.minimumf %max3A_568, %min3A_702 : vector<16xf32>
          %max3A_705 = arith.maximumf %max3A_570, %min3A_704 : vector<16xf32>
          %min3A_706 = arith.minimumf %max3A_570, %min3A_704 : vector<16xf32>
          %max3A_707 = arith.maximumf %max3A_572, %min3A_706 : vector<16xf32>
          %min3A_708 = arith.minimumf %max3A_572, %min3A_706 : vector<16xf32>
          %max3A_709 = arith.maximumf %max3A_574, %min3A_708 : vector<16xf32>
          %min3A_710 = arith.minimumf %max3A_574, %min3A_708 : vector<16xf32>
          %max3A_711 = arith.maximumf %max3A_576, %min3A_710 : vector<16xf32>
          %min3A_712 = arith.minimumf %max3A_576, %min3A_710 : vector<16xf32>
          %max3A_713 = arith.maximumf %max3A_578, %min3A_712 : vector<16xf32>
          %min3A_714 = arith.minimumf %max3A_578, %min3A_712 : vector<16xf32>
          %max3A_715 = arith.maximumf %max3A_580, %min3A_714 : vector<16xf32>
          %min3A_716 = arith.minimumf %max3A_580, %min3A_714 : vector<16xf32>
          %max3A_717 = arith.maximumf %max3A_582, %min3A_716 : vector<16xf32>
          %min3A_718 = arith.minimumf %max3A_582, %min3A_716 : vector<16xf32>
          %max3A_719 = arith.maximumf %max3A_584, %min3A_718 : vector<16xf32>
          %min3A_720 = arith.minimumf %max3A_584, %min3A_718 : vector<16xf32>
          %max3A_721 = arith.maximumf %max3A_586, %min3A_720 : vector<16xf32>
          %min3A_722 = arith.minimumf %max3A_586, %min3A_720 : vector<16xf32>
          %max3A_723 = arith.maximumf %max3A_588, %min3A_722 : vector<16xf32>
          %min3A_724 = arith.minimumf %max3A_588, %min3A_722 : vector<16xf32>
          %max3A_725 = arith.maximumf %max3A_590, %min3A_724 : vector<16xf32>
          %min3A_726 = arith.minimumf %max3A_590, %min3A_724 : vector<16xf32>
          %max3A_727 = arith.maximumf %max3A_592, %min3A_726 : vector<16xf32>
          %min3A_728 = arith.minimumf %max3A_592, %min3A_726 : vector<16xf32>
          %max3A_729 = arith.maximumf %max3A_594, %min3A_728 : vector<16xf32>
          %min3A_730 = arith.minimumf %max3A_594, %min3A_728 : vector<16xf32>
          %max3A_731 = arith.maximumf %max3A_596, %min3A_730 : vector<16xf32>
          %min3A_732 = arith.minimumf %max3A_596, %min3A_730 : vector<16xf32>
          %max3A_733 = arith.maximumf %max3A_598, %min3A_732 : vector<16xf32>
          %min3A_734 = arith.minimumf %max3A_598, %min3A_732 : vector<16xf32>
          %max3A_735 = arith.maximumf %max3A_600, %min3A_734 : vector<16xf32>
          %min3A_736 = arith.minimumf %max3A_600, %min3A_734 : vector<16xf32>
          %max3A_737 = arith.maximumf %max3A_602, %min3A_736 : vector<16xf32>
          %min3A_738 = arith.minimumf %max3A_602, %min3A_736 : vector<16xf32>
          %max3A_739 = arith.maximumf %max3A_604, %min3A_738 : vector<16xf32>
          %min3A_740 = arith.minimumf %max3A_604, %min3A_738 : vector<16xf32>
          %max3A_741 = arith.maximumf %max3A_606, %min3A_740 : vector<16xf32>
          %min3A_742 = arith.minimumf %max3A_606, %min3A_740 : vector<16xf32>
          %max3A_743 = arith.maximumf %max3A_608, %min3A_742 : vector<16xf32>
          %min3A_744 = arith.minimumf %max3A_608, %min3A_742 : vector<16xf32>
          %max3A_745 = arith.maximumf %max3A_610, %min3A_744 : vector<16xf32>
          %min3A_746 = arith.minimumf %max3A_610, %min3A_744 : vector<16xf32>
          %max3A_747 = arith.maximumf %max3A_612, %min3A_746 : vector<16xf32>
          %min3A_748 = arith.minimumf %max3A_612, %min3A_746 : vector<16xf32>
          %max3A_749 = arith.maximumf %max3A_614, %min3A_748 : vector<16xf32>
          %min3A_750 = arith.minimumf %max3A_614, %min3A_748 : vector<16xf32>
          %max3A_751 = arith.maximumf %max3A_616, %min3A_750 : vector<16xf32>
          %min3A_752 = arith.minimumf %max3A_616, %min3A_750 : vector<16xf32>
          %max3A_753 = arith.maximumf %max3A_618, %min3A_752 : vector<16xf32>
          %min3A_754 = arith.minimumf %max3A_618, %min3A_752 : vector<16xf32>
          %max3A_755 = arith.maximumf %max3A_620, %min3A_754 : vector<16xf32>
          %min3A_756 = arith.minimumf %max3A_620, %min3A_754 : vector<16xf32>
          %max3A_757 = arith.maximumf %max3A_622, %min3A_756 : vector<16xf32>
          %min3A_758 = arith.minimumf %max3A_622, %min3A_756 : vector<16xf32>
          %max3A_759 = arith.maximumf %max3A_624, %min3A_758 : vector<16xf32>
          %min3A_760 = arith.minimumf %max3A_624, %min3A_758 : vector<16xf32>
          %max3A_761 = arith.maximumf %max3A_626, %min3A_760 : vector<16xf32>
          %min3A_762 = arith.minimumf %max3A_626, %min3A_760 : vector<16xf32>
          %max3A_763 = arith.maximumf %max3A_628, %min3A_762 : vector<16xf32>
          %min3A_764 = arith.minimumf %max3A_628, %min3A_762 : vector<16xf32>
          %max3A_765 = arith.maximumf %max3A_630, %min3A_764 : vector<16xf32>
          %min3A_766 = arith.minimumf %max3A_630, %min3A_764 : vector<16xf32>
          %max3A_767 = arith.maximumf %max3A_632, %min3A_766 : vector<16xf32>
          %min3A_768 = arith.minimumf %max3A_632, %min3A_766 : vector<16xf32>
          %max3A_769 = arith.maximumf %max3A_634, %min3A_768 : vector<16xf32>
          %min3A_770 = arith.minimumf %max3A_634, %min3A_768 : vector<16xf32>
          %max3A_771 = arith.maximumf %max3A_636, %min3A_770 : vector<16xf32>
          %min3A_772 = arith.minimumf %max3A_636, %min3A_770 : vector<16xf32>
          %max3A_773 = arith.maximumf %max3A_638, %min3A_772 : vector<16xf32>
          %min3A_774 = arith.minimumf %max3A_638, %min3A_772 : vector<16xf32>
          %max3A_775 = arith.maximumf %max3A_640, %min3A_774 : vector<16xf32>
          %min3A_776 = arith.minimumf %max3A_640, %min3A_774 : vector<16xf32>
          %max3A_777 = arith.maximumf %max3A_642, %min3A_776 : vector<16xf32>
          %min3A_778 = arith.minimumf %max3A_642, %min3A_776 : vector<16xf32>
          %max3A_779 = arith.maximumf %max3A_644, %min3A_778 : vector<16xf32>
          %min3A_780 = arith.minimumf %max3A_644, %min3A_778 : vector<16xf32>
          %max3A_781 = arith.maximumf %max3A_646, %min3A_780 : vector<16xf32>
          %min3A_782 = arith.minimumf %max3A_646, %min3A_780 : vector<16xf32>
          %max3A_783 = arith.maximumf %max3A_648, %min3A_782 : vector<16xf32>
          %min3A_784 = arith.minimumf %max3A_648, %min3A_782 : vector<16xf32>
          %scan3A_785 = arith.constant 3 : i32
          %scan3A_786 = arith.addi %scan3A_320, %scan3A_785 : i32
          %mul3A_787 = arith.constant 16 : i32
          %mul3A_788 = arith.muli %scan3A_786, %mul3A_787 : i32
          %get3A_789 = arith.index_cast %mul3A_788 : i32 to index
          %get3A_790 = tpu.vector_load %arg5[%get3A_789] {strides = array<i32>} : memref<32768xf32, #tpu.memory_space<vmem>>, vector<16xf32>,
          %get3A_791 = vector.shape_cast %get3A_790 : vector<16xf32> to vector<16xf32>
          %max3A_792 = arith.maximumf %max3A_657, %get3A_791 : vector<16xf32>
          %min3A_793 = arith.minimumf %max3A_657, %get3A_791 : vector<16xf32>
          %max3A_794 = arith.maximumf %max3A_659, %min3A_793 : vector<16xf32>
          %min3A_795 = arith.minimumf %max3A_659, %min3A_793 : vector<16xf32>
          %max3A_796 = arith.maximumf %max3A_661, %min3A_795 : vector<16xf32>
          %min3A_797 = arith.minimumf %max3A_661, %min3A_795 : vector<16xf32>
          %max3A_798 = arith.maximumf %max3A_663, %min3A_797 : vector<16xf32>
          %min3A_799 = arith.minimumf %max3A_663, %min3A_797 : vector<16xf32>
          %max3A_800 = arith.maximumf %max3A_665, %min3A_799 : vector<16xf32>
          %min3A_801 = arith.minimumf %max3A_665, %min3A_799 : vector<16xf32>
          %max3A_802 = arith.maximumf %max3A_667, %min3A_801 : vector<16xf32>
          %min3A_803 = arith.minimumf %max3A_667, %min3A_801 : vector<16xf32>
          %max3A_804 = arith.maximumf %max3A_669, %min3A_803 : vector<16xf32>
          %min3A_805 = arith.minimumf %max3A_669, %min3A_803 : vector<16xf32>
          %max3A_806 = arith.maximumf %max3A_671, %min3A_805 : vector<16xf32>
          %min3A_807 = arith.minimumf %max3A_671, %min3A_805 : vector<16xf32>
          %max3A_808 = arith.maximumf %max3A_673, %min3A_807 : vector<16xf32>
          %min3A_809 = arith.minimumf %max3A_673, %min3A_807 : vector<16xf32>
          %max3A_810 = arith.maximumf %max3A_675, %min3A_809 : vector<16xf32>
          %min3A_811 = arith.minimumf %max3A_675, %min3A_809 : vector<16xf32>
          %max3A_812 = arith.maximumf %max3A_677, %min3A_811 : vector<16xf32>
          %min3A_813 = arith.minimumf %max3A_677, %min3A_811 : vector<16xf32>
          %max3A_814 = arith.maximumf %max3A_679, %min3A_813 : vector<16xf32>
          %min3A_815 = arith.minimumf %max3A_679, %min3A_813 : vector<16xf32>
          %max3A_816 = arith.maximumf %max3A_681, %min3A_815 : vector<16xf32>
          %min3A_817 = arith.minimumf %max3A_681, %min3A_815 : vector<16xf32>
          %max3A_818 = arith.maximumf %max3A_683, %min3A_817 : vector<16xf32>
          %min3A_819 = arith.minimumf %max3A_683, %min3A_817 : vector<16xf32>
          %max3A_820 = arith.maximumf %max3A_685, %min3A_819 : vector<16xf32>
          %min3A_821 = arith.minimumf %max3A_685, %min3A_819 : vector<16xf32>
          %max3A_822 = arith.maximumf %max3A_687, %min3A_821 : vector<16xf32>
          %min3A_823 = arith.minimumf %max3A_687, %min3A_821 : vector<16xf32>
          %max3A_824 = arith.maximumf %max3A_689, %min3A_823 : vector<16xf32>
          %min3A_825 = arith.minimumf %max3A_689, %min3A_823 : vector<16xf32>
          %max3A_826 = arith.maximumf %max3A_691, %min3A_825 : vector<16xf32>
          %min3A_827 = arith.minimumf %max3A_691, %min3A_825 : vector<16xf32>
          %max3A_828 = arith.maximumf %max3A_693, %min3A_827 : vector<16xf32>
          %min3A_829 = arith.minimumf %max3A_693, %min3A_827 : vector<16xf32>
          %max3A_830 = arith.maximumf %max3A_695, %min3A_829 : vector<16xf32>
          %min3A_831 = arith.minimumf %max3A_695, %min3A_829 : vector<16xf32>
          %max3A_832 = arith.maximumf %max3A_697, %min3A_831 : vector<16xf32>
          %min3A_833 = arith.minimumf %max3A_697, %min3A_831 : vector<16xf32>
          %max3A_834 = arith.maximumf %max3A_699, %min3A_833 : vector<16xf32>
          %min3A_835 = arith.minimumf %max3A_699, %min3A_833 : vector<16xf32>
          %max3A_836 = arith.maximumf %max3A_701, %min3A_835 : vector<16xf32>
          %min3A_837 = arith.minimumf %max3A_701, %min3A_835 : vector<16xf32>
          %max3A_838 = arith.maximumf %max3A_703, %min3A_837 : vector<16xf32>
          %min3A_839 = arith.minimumf %max3A_703, %min3A_837 : vector<16xf32>
          %max3A_840 = arith.maximumf %max3A_705, %min3A_839 : vector<16xf32>
          %min3A_841 = arith.minimumf %max3A_705, %min3A_839 : vector<16xf32>
          %max3A_842 = arith.maximumf %max3A_707, %min3A_841 : vector<16xf32>
          %min3A_843 = arith.minimumf %max3A_707, %min3A_841 : vector<16xf32>
          %max3A_844 = arith.maximumf %max3A_709, %min3A_843 : vector<16xf32>
          %min3A_845 = arith.minimumf %max3A_709, %min3A_843 : vector<16xf32>
          %max3A_846 = arith.maximumf %max3A_711, %min3A_845 : vector<16xf32>
          %min3A_847 = arith.minimumf %max3A_711, %min3A_845 : vector<16xf32>
          %max3A_848 = arith.maximumf %max3A_713, %min3A_847 : vector<16xf32>
          %min3A_849 = arith.minimumf %max3A_713, %min3A_847 : vector<16xf32>
          %max3A_850 = arith.maximumf %max3A_715, %min3A_849 : vector<16xf32>
          %min3A_851 = arith.minimumf %max3A_715, %min3A_849 : vector<16xf32>
          %max3A_852 = arith.maximumf %max3A_717, %min3A_851 : vector<16xf32>
          %min3A_853 = arith.minimumf %max3A_717, %min3A_851 : vector<16xf32>
          %max3A_854 = arith.maximumf %max3A_719, %min3A_853 : vector<16xf32>
          %min3A_855 = arith.minimumf %max3A_719, %min3A_853 : vector<16xf32>
          %max3A_856 = arith.maximumf %max3A_721, %min3A_855 : vector<16xf32>
          %min3A_857 = arith.minimumf %max3A_721, %min3A_855 : vector<16xf32>
          %max3A_858 = arith.maximumf %max3A_723, %min3A_857 : vector<16xf32>
          %min3A_859 = arith.minimumf %max3A_723, %min3A_857 : vector<16xf32>
          %max3A_860 = arith.maximumf %max3A_725, %min3A_859 : vector<16xf32>
          %min3A_861 = arith.minimumf %max3A_725, %min3A_859 : vector<16xf32>
          %max3A_862 = arith.maximumf %max3A_727, %min3A_861 : vector<16xf32>
          %min3A_863 = arith.minimumf %max3A_727, %min3A_861 : vector<16xf32>
          %max3A_864 = arith.maximumf %max3A_729, %min3A_863 : vector<16xf32>
          %min3A_865 = arith.minimumf %max3A_729, %min3A_863 : vector<16xf32>
          %max3A_866 = arith.maximumf %max3A_731, %min3A_865 : vector<16xf32>
          %min3A_867 = arith.minimumf %max3A_731, %min3A_865 : vector<16xf32>
          %max3A_868 = arith.maximumf %max3A_733, %min3A_867 : vector<16xf32>
          %min3A_869 = arith.minimumf %max3A_733, %min3A_867 : vector<16xf32>
          %max3A_870 = arith.maximumf %max3A_735, %min3A_869 : vector<16xf32>
          %min3A_871 = arith.minimumf %max3A_735, %min3A_869 : vector<16xf32>
          %max3A_872 = arith.maximumf %max3A_737, %min3A_871 : vector<16xf32>
          %min3A_873 = arith.minimumf %max3A_737, %min3A_871 : vector<16xf32>
          %max3A_874 = arith.maximumf %max3A_739, %min3A_873 : vector<16xf32>
          %min3A_875 = arith.minimumf %max3A_739, %min3A_873 : vector<16xf32>
          %max3A_876 = arith.maximumf %max3A_741, %min3A_875 : vector<16xf32>
          %min3A_877 = arith.minimumf %max3A_741, %min3A_875 : vector<16xf32>
          %max3A_878 = arith.maximumf %max3A_743, %min3A_877 : vector<16xf32>
          %min3A_879 = arith.minimumf %max3A_743, %min3A_877 : vector<16xf32>
          %max3A_880 = arith.maximumf %max3A_745, %min3A_879 : vector<16xf32>
          %min3A_881 = arith.minimumf %max3A_745, %min3A_879 : vector<16xf32>
          %max3A_882 = arith.maximumf %max3A_747, %min3A_881 : vector<16xf32>
          %min3A_883 = arith.minimumf %max3A_747, %min3A_881 : vector<16xf32>
          %max3A_884 = arith.maximumf %max3A_749, %min3A_883 : vector<16xf32>
          %min3A_885 = arith.minimumf %max3A_749, %min3A_883 : vector<16xf32>
          %max3A_886 = arith.maximumf %max3A_751, %min3A_885 : vector<16xf32>
          %min3A_887 = arith.minimumf %max3A_751, %min3A_885 : vector<16xf32>
          %max3A_888 = arith.maximumf %max3A_753, %min3A_887 : vector<16xf32>
          %min3A_889 = arith.minimumf %max3A_753, %min3A_887 : vector<16xf32>
          %max3A_890 = arith.maximumf %max3A_755, %min3A_889 : vector<16xf32>
          %min3A_891 = arith.minimumf %max3A_755, %min3A_889 : vector<16xf32>
          %max3A_892 = arith.maximumf %max3A_757, %min3A_891 : vector<16xf32>
          %min3A_893 = arith.minimumf %max3A_757, %min3A_891 : vector<16xf32>
          %max3A_894 = arith.maximumf %max3A_759, %min3A_893 : vector<16xf32>
          %min3A_895 = arith.minimumf %max3A_759, %min3A_893 : vector<16xf32>
          %max3A_896 = arith.maximumf %max3A_761, %min3A_895 : vector<16xf32>
          %min3A_897 = arith.minimumf %max3A_761, %min3A_895 : vector<16xf32>
          %max3A_898 = arith.maximumf %max3A_763, %min3A_897 : vector<16xf32>
          %min3A_899 = arith.minimumf %max3A_763, %min3A_897 : vector<16xf32>
          %max3A_900 = arith.maximumf %max3A_765, %min3A_899 : vector<16xf32>
          %min3A_901 = arith.minimumf %max3A_765, %min3A_899 : vector<16xf32>
          %max3A_902 = arith.maximumf %max3A_767, %min3A_901 : vector<16xf32>
          %min3A_903 = arith.minimumf %max3A_767, %min3A_901 : vector<16xf32>
          %max3A_904 = arith.maximumf %max3A_769, %min3A_903 : vector<16xf32>
          %min3A_905 = arith.minimumf %max3A_769, %min3A_903 : vector<16xf32>
          %max3A_906 = arith.maximumf %max3A_771, %min3A_905 : vector<16xf32>
          %min3A_907 = arith.minimumf %max3A_771, %min3A_905 : vector<16xf32>
          %max3A_908 = arith.maximumf %max3A_773, %min3A_907 : vector<16xf32>
          %min3A_909 = arith.minimumf %max3A_773, %min3A_907 : vector<16xf32>
          %max3A_910 = arith.maximumf %max3A_775, %min3A_909 : vector<16xf32>
          %min3A_911 = arith.minimumf %max3A_775, %min3A_909 : vector<16xf32>
          %max3A_912 = arith.maximumf %max3A_777, %min3A_911 : vector<16xf32>
          %min3A_913 = arith.minimumf %max3A_777, %min3A_911 : vector<16xf32>
          %max3A_914 = arith.maximumf %max3A_779, %min3A_913 : vector<16xf32>
          %min3A_915 = arith.minimumf %max3A_779, %min3A_913 : vector<16xf32>
          %max3A_916 = arith.maximumf %max3A_781, %min3A_915 : vector<16xf32>
          %min3A_917 = arith.minimumf %max3A_781, %min3A_915 : vector<16xf32>
          %max3A_918 = arith.maximumf %max3A_783, %min3A_917 : vector<16xf32>
          %min3A_919 = arith.minimumf %max3A_783, %min3A_917 : vector<16xf32>
          scf.yield %max3A_792, %max3A_794, %max3A_796, %max3A_798, %max3A_800, %max3A_802, %max3A_804, %max3A_806, %max3A_808, %max3A_810, %max3A_812, %max3A_814, %max3A_816, %max3A_818, %max3A_820, %max3A_822, %max3A_824, %max3A_826, %max3A_828, %max3A_830, %max3A_832, %max3A_834, %max3A_836, %max3A_838, %max3A_840, %max3A_842, %max3A_844, %max3A_846, %max3A_848, %max3A_850, %max3A_852, %max3A_854, %max3A_856, %max3A_858, %max3A_860, %max3A_862, %max3A_864, %max3A_866, %max3A_868, %max3A_870, %max3A_872, %max3A_874, %max3A_876, %max3A_878, %max3A_880, %max3A_882, %max3A_884, %max3A_886, %max3A_888, %max3A_890, %max3A_892, %max3A_894, %max3A_896, %max3A_898, %max3A_900, %max3A_902, %max3A_904, %max3A_906, %max3A_908, %max3A_910, %max3A_912, %max3A_914, %max3A_916, %max3A_918 : vector<16xf32>, vector<16xf32>, vector<16xf32>, vector<16xf32>, vector<16xf32>, vector<16xf32>, vector<16xf32>, vector<16xf32>, vector<16xf32>, vector<16xf32>, vector<16xf32>, vector<16xf32>, vector<16xf32>, vector<16xf32>, vector<16xf32>, vector<16xf32>, vector<16xf32>, vector<16xf32>, vector<16xf32>, vector<16xf32>, vector<16xf32>, vector<16xf32>, vector<16xf32>, vector<16xf32>, vector<16xf32>, vector<16xf32>, vector<16xf32>, vector<16xf32>, vector<16xf32>, vector<16xf32>, vector<16xf32>, vector<16xf32>, vector<16xf32>, vector<16xf32>, vector<16xf32>, vector<16xf32>, vector<16xf32>, vector<16xf32>, vector<16xf32>, vector<16xf32>, vector<16xf32>, vector<16xf32>, vector<16xf32>, vector<16xf32>, vector<16xf32>, vector<16xf32>, vector<16xf32>, vector<16xf32>, vector<16xf32>, vector<16xf32>, vector<16xf32>, vector<16xf32>, vector<16xf32>, vector<16xf32>, vector<16xf32>, vector<16xf32>, vector<16xf32>, vector<16xf32>, vector<16xf32>, vector<16xf32>, vector<16xf32>, vector<16xf32>, vector<16xf32>, vector<16xf32>
        }
        %scan3A_180 = arith.constant 2048 : i32
        %broadcast_in_dim3A_181 = arith.constant 0xFF800000 : f32
        %broadcast_in_dim3A_182 = vector.broadcast %broadcast_in_dim3A_181 : f32 to vector<16xf32>
        %broadcast_in_dim3A_183 = arith.constant 0 : i32
        %broadcast_in_dim3A_184 = vector.broadcast %broadcast_in_dim3A_183 : i32 to vector<16xi32>
        %scan3A_185 = arith.constant 16 : i32
        %scan3A_186 = arith.constant 0 : i32
        %scan3A_187 = arith.constant 64 : i32
        %scan3A_188 = arith.addi %scan3A_186, %scan3A_187 : i32
        %scan3A_189 = arith.constant 1 : i32
        %scan3A_190:2 = scf.for %scan3A_320 = %scan3A_186 to %scan3A_188 step %scan3A_189 iter_args(%scan3A_321 = %broadcast_in_dim3A_184, %scan3A_322 = %broadcast_in_dim3A_182) -> (vector<16xi32>, vector<16xf32>)  : i32 {
          %eq3A = arith.constant 0 : i32
          %eq3A_323 = vector.broadcast %eq3A : i32 to vector<16xi32>
          %eq3A_324 = arith.cmpi eq, %scan3A_321, %eq3A_323 : vector<16xi32>
          %select_n3A_325 = arith.select %eq3A_324, %scan3A_179#0, %broadcast_in_dim3A_182 : vector<16xi1>, vector<16xf32>
          %eq3A_326 = arith.constant 1 : i32
          %eq3A_327 = vector.broadcast %eq3A_326 : i32 to vector<16xi32>
          %eq3A_328 = arith.cmpi eq, %scan3A_321, %eq3A_327 : vector<16xi32>
          %select_n3A_329 = arith.select %eq3A_328, %scan3A_179#1, %select_n3A_325 : vector<16xi1>, vector<16xf32>
          %eq3A_330 = arith.constant 2 : i32
          %eq3A_331 = vector.broadcast %eq3A_330 : i32 to vector<16xi32>
          %eq3A_332 = arith.cmpi eq, %scan3A_321, %eq3A_331 : vector<16xi32>
          %select_n3A_333 = arith.select %eq3A_332, %scan3A_179#2, %select_n3A_329 : vector<16xi1>, vector<16xf32>
          %eq3A_334 = arith.constant 3 : i32
          %eq3A_335 = vector.broadcast %eq3A_334 : i32 to vector<16xi32>
          %eq3A_336 = arith.cmpi eq, %scan3A_321, %eq3A_335 : vector<16xi32>
          %select_n3A_337 = arith.select %eq3A_336, %scan3A_179#3, %select_n3A_333 : vector<16xi1>, vector<16xf32>
          %eq3A_338 = arith.constant 4 : i32
          %eq3A_339 = vector.broadcast %eq3A_338 : i32 to vector<16xi32>
          %eq3A_340 = arith.cmpi eq, %scan3A_321, %eq3A_339 : vector<16xi32>
          %select_n3A_341 = arith.select %eq3A_340, %scan3A_179#4, %select_n3A_337 : vector<16xi1>, vector<16xf32>
          %eq3A_342 = arith.constant 5 : i32
          %eq3A_343 = vector.broadcast %eq3A_342 : i32 to vector<16xi32>
          %eq3A_344 = arith.cmpi eq, %scan3A_321, %eq3A_343 : vector<16xi32>
          %select_n3A_345 = arith.select %eq3A_344, %scan3A_179#5, %select_n3A_341 : vector<16xi1>, vector<16xf32>
          %eq3A_346 = arith.constant 6 : i32
          %eq3A_347 = vector.broadcast %eq3A_346 : i32 to vector<16xi32>
          %eq3A_348 = arith.cmpi eq, %scan3A_321, %eq3A_347 : vector<16xi32>
          %select_n3A_349 = arith.select %eq3A_348, %scan3A_179#6, %select_n3A_345 : vector<16xi1>, vector<16xf32>
          %eq3A_350 = arith.constant 7 : i32
          %eq3A_351 = vector.broadcast %eq3A_350 : i32 to vector<16xi32>
          %eq3A_352 = arith.cmpi eq, %scan3A_321, %eq3A_351 : vector<16xi32>
          %select_n3A_353 = arith.select %eq3A_352, %scan3A_179#7, %select_n3A_349 : vector<16xi1>, vector<16xf32>
          %eq3A_354 = arith.constant 8 : i32
          %eq3A_355 = vector.broadcast %eq3A_354 : i32 to vector<16xi32>
          %eq3A_356 = arith.cmpi eq, %scan3A_321, %eq3A_355 : vector<16xi32>
          %select_n3A_357 = arith.select %eq3A_356, %scan3A_179#8, %select_n3A_353 : vector<16xi1>, vector<16xf32>
          %eq3A_358 = arith.constant 9 : i32
          %eq3A_359 = vector.broadcast %eq3A_358 : i32 to vector<16xi32>
          %eq3A_360 = arith.cmpi eq, %scan3A_321, %eq3A_359 : vector<16xi32>
          %select_n3A_361 = arith.select %eq3A_360, %scan3A_179#9, %select_n3A_357 : vector<16xi1>, vector<16xf32>
          %eq3A_362 = arith.constant 10 : i32
          %eq3A_363 = vector.broadcast %eq3A_362 : i32 to vector<16xi32>
          %eq3A_364 = arith.cmpi eq, %scan3A_321, %eq3A_363 : vector<16xi32>
          %select_n3A_365 = arith.select %eq3A_364, %scan3A_179#10, %select_n3A_361 : vector<16xi1>, vector<16xf32>
          %eq3A_366 = arith.constant 11 : i32
          %eq3A_367 = vector.broadcast %eq3A_366 : i32 to vector<16xi32>
          %eq3A_368 = arith.cmpi eq, %scan3A_321, %eq3A_367 : vector<16xi32>
          %select_n3A_369 = arith.select %eq3A_368, %scan3A_179#11, %select_n3A_365 : vector<16xi1>, vector<16xf32>
          %eq3A_370 = arith.constant 12 : i32
          %eq3A_371 = vector.broadcast %eq3A_370 : i32 to vector<16xi32>
          %eq3A_372 = arith.cmpi eq, %scan3A_321, %eq3A_371 : vector<16xi32>
          %select_n3A_373 = arith.select %eq3A_372, %scan3A_179#12, %select_n3A_369 : vector<16xi1>, vector<16xf32>
          %eq3A_374 = arith.constant 13 : i32
          %eq3A_375 = vector.broadcast %eq3A_374 : i32 to vector<16xi32>
          %eq3A_376 = arith.cmpi eq, %scan3A_321, %eq3A_375 : vector<16xi32>
          %select_n3A_377 = arith.select %eq3A_376, %scan3A_179#13, %select_n3A_373 : vector<16xi1>, vector<16xf32>
          %eq3A_378 = arith.constant 14 : i32
          %eq3A_379 = vector.broadcast %eq3A_378 : i32 to vector<16xi32>
          %eq3A_380 = arith.cmpi eq, %scan3A_321, %eq3A_379 : vector<16xi32>
          %select_n3A_381 = arith.select %eq3A_380, %scan3A_179#14, %select_n3A_377 : vector<16xi1>, vector<16xf32>
          %eq3A_382 = arith.constant 15 : i32
          %eq3A_383 = vector.broadcast %eq3A_382 : i32 to vector<16xi32>
          %eq3A_384 = arith.cmpi eq, %scan3A_321, %eq3A_383 : vector<16xi32>
          %select_n3A_385 = arith.select %eq3A_384, %scan3A_179#15, %select_n3A_381 : vector<16xi1>, vector<16xf32>
          %eq3A_386 = arith.constant 16 : i32
          %eq3A_387 = vector.broadcast %eq3A_386 : i32 to vector<16xi32>
          %eq3A_388 = arith.cmpi eq, %scan3A_321, %eq3A_387 : vector<16xi32>
          %select_n3A_389 = arith.select %eq3A_388, %scan3A_179#16, %select_n3A_385 : vector<16xi1>, vector<16xf32>
          %eq3A_390 = arith.constant 17 : i32
          %eq3A_391 = vector.broadcast %eq3A_390 : i32 to vector<16xi32>
          %eq3A_392 = arith.cmpi eq, %scan3A_321, %eq3A_391 : vector<16xi32>
          %select_n3A_393 = arith.select %eq3A_392, %scan3A_179#17, %select_n3A_389 : vector<16xi1>, vector<16xf32>
          %eq3A_394 = arith.constant 18 : i32
          %eq3A_395 = vector.broadcast %eq3A_394 : i32 to vector<16xi32>
          %eq3A_396 = arith.cmpi eq, %scan3A_321, %eq3A_395 : vector<16xi32>
          %select_n3A_397 = arith.select %eq3A_396, %scan3A_179#18, %select_n3A_393 : vector<16xi1>, vector<16xf32>
          %eq3A_398 = arith.constant 19 : i32
          %eq3A_399 = vector.broadcast %eq3A_398 : i32 to vector<16xi32>
          %eq3A_400 = arith.cmpi eq, %scan3A_321, %eq3A_399 : vector<16xi32>
          %select_n3A_401 = arith.select %eq3A_400, %scan3A_179#19, %select_n3A_397 : vector<16xi1>, vector<16xf32>
          %eq3A_402 = arith.constant 20 : i32
          %eq3A_403 = vector.broadcast %eq3A_402 : i32 to vector<16xi32>
          %eq3A_404 = arith.cmpi eq, %scan3A_321, %eq3A_403 : vector<16xi32>
          %select_n3A_405 = arith.select %eq3A_404, %scan3A_179#20, %select_n3A_401 : vector<16xi1>, vector<16xf32>
          %eq3A_406 = arith.constant 21 : i32
          %eq3A_407 = vector.broadcast %eq3A_406 : i32 to vector<16xi32>
          %eq3A_408 = arith.cmpi eq, %scan3A_321, %eq3A_407 : vector<16xi32>
          %select_n3A_409 = arith.select %eq3A_408, %scan3A_179#21, %select_n3A_405 : vector<16xi1>, vector<16xf32>
          %eq3A_410 = arith.constant 22 : i32
          %eq3A_411 = vector.broadcast %eq3A_410 : i32 to vector<16xi32>
          %eq3A_412 = arith.cmpi eq, %scan3A_321, %eq3A_411 : vector<16xi32>
          %select_n3A_413 = arith.select %eq3A_412, %scan3A_179#22, %select_n3A_409 : vector<16xi1>, vector<16xf32>
          %eq3A_414 = arith.constant 23 : i32
          %eq3A_415 = vector.broadcast %eq3A_414 : i32 to vector<16xi32>
          %eq3A_416 = arith.cmpi eq, %scan3A_321, %eq3A_415 : vector<16xi32>
          %select_n3A_417 = arith.select %eq3A_416, %scan3A_179#23, %select_n3A_413 : vector<16xi1>, vector<16xf32>
          %eq3A_418 = arith.constant 24 : i32
          %eq3A_419 = vector.broadcast %eq3A_418 : i32 to vector<16xi32>
          %eq3A_420 = arith.cmpi eq, %scan3A_321, %eq3A_419 : vector<16xi32>
          %select_n3A_421 = arith.select %eq3A_420, %scan3A_179#24, %select_n3A_417 : vector<16xi1>, vector<16xf32>
          %eq3A_422 = arith.constant 25 : i32
          %eq3A_423 = vector.broadcast %eq3A_422 : i32 to vector<16xi32>
          %eq3A_424 = arith.cmpi eq, %scan3A_321, %eq3A_423 : vector<16xi32>
          %select_n3A_425 = arith.select %eq3A_424, %scan3A_179#25, %select_n3A_421 : vector<16xi1>, vector<16xf32>
          %eq3A_426 = arith.constant 26 : i32
          %eq3A_427 = vector.broadcast %eq3A_426 : i32 to vector<16xi32>
          %eq3A_428 = arith.cmpi eq, %scan3A_321, %eq3A_427 : vector<16xi32>
          %select_n3A_429 = arith.select %eq3A_428, %scan3A_179#26, %select_n3A_425 : vector<16xi1>, vector<16xf32>
          %eq3A_430 = arith.constant 27 : i32
          %eq3A_431 = vector.broadcast %eq3A_430 : i32 to vector<16xi32>
          %eq3A_432 = arith.cmpi eq, %scan3A_321, %eq3A_431 : vector<16xi32>
          %select_n3A_433 = arith.select %eq3A_432, %scan3A_179#27, %select_n3A_429 : vector<16xi1>, vector<16xf32>
          %eq3A_434 = arith.constant 28 : i32
          %eq3A_435 = vector.broadcast %eq3A_434 : i32 to vector<16xi32>
          %eq3A_436 = arith.cmpi eq, %scan3A_321, %eq3A_435 : vector<16xi32>
          %select_n3A_437 = arith.select %eq3A_436, %scan3A_179#28, %select_n3A_433 : vector<16xi1>, vector<16xf32>
          %eq3A_438 = arith.constant 29 : i32
          %eq3A_439 = vector.broadcast %eq3A_438 : i32 to vector<16xi32>
          %eq3A_440 = arith.cmpi eq, %scan3A_321, %eq3A_439 : vector<16xi32>
          %select_n3A_441 = arith.select %eq3A_440, %scan3A_179#29, %select_n3A_437 : vector<16xi1>, vector<16xf32>
          %eq3A_442 = arith.constant 30 : i32
          %eq3A_443 = vector.broadcast %eq3A_442 : i32 to vector<16xi32>
          %eq3A_444 = arith.cmpi eq, %scan3A_321, %eq3A_443 : vector<16xi32>
          %select_n3A_445 = arith.select %eq3A_444, %scan3A_179#30, %select_n3A_441 : vector<16xi1>, vector<16xf32>
          %eq3A_446 = arith.constant 31 : i32
          %eq3A_447 = vector.broadcast %eq3A_446 : i32 to vector<16xi32>
          %eq3A_448 = arith.cmpi eq, %scan3A_321, %eq3A_447 : vector<16xi32>
          %select_n3A_449 = arith.select %eq3A_448, %scan3A_179#31, %select_n3A_445 : vector<16xi1>, vector<16xf32>
          %eq3A_450 = arith.constant 32 : i32
          %eq3A_451 = vector.broadcast %eq3A_450 : i32 to vector<16xi32>
          %eq3A_452 = arith.cmpi eq, %scan3A_321, %eq3A_451 : vector<16xi32>
          %select_n3A_453 = arith.select %eq3A_452, %scan3A_179#32, %select_n3A_449 : vector<16xi1>, vector<16xf32>
          %eq3A_454 = arith.constant 33 : i32
          %eq3A_455 = vector.broadcast %eq3A_454 : i32 to vector<16xi32>
          %eq3A_456 = arith.cmpi eq, %scan3A_321, %eq3A_455 : vector<16xi32>
          %select_n3A_457 = arith.select %eq3A_456, %scan3A_179#33, %select_n3A_453 : vector<16xi1>, vector<16xf32>
          %eq3A_458 = arith.constant 34 : i32
          %eq3A_459 = vector.broadcast %eq3A_458 : i32 to vector<16xi32>
          %eq3A_460 = arith.cmpi eq, %scan3A_321, %eq3A_459 : vector<16xi32>
          %select_n3A_461 = arith.select %eq3A_460, %scan3A_179#34, %select_n3A_457 : vector<16xi1>, vector<16xf32>
          %eq3A_462 = arith.constant 35 : i32
          %eq3A_463 = vector.broadcast %eq3A_462 : i32 to vector<16xi32>
          %eq3A_464 = arith.cmpi eq, %scan3A_321, %eq3A_463 : vector<16xi32>
          %select_n3A_465 = arith.select %eq3A_464, %scan3A_179#35, %select_n3A_461 : vector<16xi1>, vector<16xf32>
          %eq3A_466 = arith.constant 36 : i32
          %eq3A_467 = vector.broadcast %eq3A_466 : i32 to vector<16xi32>
          %eq3A_468 = arith.cmpi eq, %scan3A_321, %eq3A_467 : vector<16xi32>
          %select_n3A_469 = arith.select %eq3A_468, %scan3A_179#36, %select_n3A_465 : vector<16xi1>, vector<16xf32>
          %eq3A_470 = arith.constant 37 : i32
          %eq3A_471 = vector.broadcast %eq3A_470 : i32 to vector<16xi32>
          %eq3A_472 = arith.cmpi eq, %scan3A_321, %eq3A_471 : vector<16xi32>
          %select_n3A_473 = arith.select %eq3A_472, %scan3A_179#37, %select_n3A_469 : vector<16xi1>, vector<16xf32>
          %eq3A_474 = arith.constant 38 : i32
          %eq3A_475 = vector.broadcast %eq3A_474 : i32 to vector<16xi32>
          %eq3A_476 = arith.cmpi eq, %scan3A_321, %eq3A_475 : vector<16xi32>
          %select_n3A_477 = arith.select %eq3A_476, %scan3A_179#38, %select_n3A_473 : vector<16xi1>, vector<16xf32>
          %eq3A_478 = arith.constant 39 : i32
          %eq3A_479 = vector.broadcast %eq3A_478 : i32 to vector<16xi32>
          %eq3A_480 = arith.cmpi eq, %scan3A_321, %eq3A_479 : vector<16xi32>
          %select_n3A_481 = arith.select %eq3A_480, %scan3A_179#39, %select_n3A_477 : vector<16xi1>, vector<16xf32>
          %eq3A_482 = arith.constant 40 : i32
          %eq3A_483 = vector.broadcast %eq3A_482 : i32 to vector<16xi32>
          %eq3A_484 = arith.cmpi eq, %scan3A_321, %eq3A_483 : vector<16xi32>
          %select_n3A_485 = arith.select %eq3A_484, %scan3A_179#40, %select_n3A_481 : vector<16xi1>, vector<16xf32>
          %eq3A_486 = arith.constant 41 : i32
          %eq3A_487 = vector.broadcast %eq3A_486 : i32 to vector<16xi32>
          %eq3A_488 = arith.cmpi eq, %scan3A_321, %eq3A_487 : vector<16xi32>
          %select_n3A_489 = arith.select %eq3A_488, %scan3A_179#41, %select_n3A_485 : vector<16xi1>, vector<16xf32>
          %eq3A_490 = arith.constant 42 : i32
          %eq3A_491 = vector.broadcast %eq3A_490 : i32 to vector<16xi32>
          %eq3A_492 = arith.cmpi eq, %scan3A_321, %eq3A_491 : vector<16xi32>
          %select_n3A_493 = arith.select %eq3A_492, %scan3A_179#42, %select_n3A_489 : vector<16xi1>, vector<16xf32>
          %eq3A_494 = arith.constant 43 : i32
          %eq3A_495 = vector.broadcast %eq3A_494 : i32 to vector<16xi32>
          %eq3A_496 = arith.cmpi eq, %scan3A_321, %eq3A_495 : vector<16xi32>
          %select_n3A_497 = arith.select %eq3A_496, %scan3A_179#43, %select_n3A_493 : vector<16xi1>, vector<16xf32>
          %eq3A_498 = arith.constant 44 : i32
          %eq3A_499 = vector.broadcast %eq3A_498 : i32 to vector<16xi32>
          %eq3A_500 = arith.cmpi eq, %scan3A_321, %eq3A_499 : vector<16xi32>
          %select_n3A_501 = arith.select %eq3A_500, %scan3A_179#44, %select_n3A_497 : vector<16xi1>, vector<16xf32>
          %eq3A_502 = arith.constant 45 : i32
          %eq3A_503 = vector.broadcast %eq3A_502 : i32 to vector<16xi32>
          %eq3A_504 = arith.cmpi eq, %scan3A_321, %eq3A_503 : vector<16xi32>
          %select_n3A_505 = arith.select %eq3A_504, %scan3A_179#45, %select_n3A_501 : vector<16xi1>, vector<16xf32>
          %eq3A_506 = arith.constant 46 : i32
          %eq3A_507 = vector.broadcast %eq3A_506 : i32 to vector<16xi32>
          %eq3A_508 = arith.cmpi eq, %scan3A_321, %eq3A_507 : vector<16xi32>
          %select_n3A_509 = arith.select %eq3A_508, %scan3A_179#46, %select_n3A_505 : vector<16xi1>, vector<16xf32>
          %eq3A_510 = arith.constant 47 : i32
          %eq3A_511 = vector.broadcast %eq3A_510 : i32 to vector<16xi32>
          %eq3A_512 = arith.cmpi eq, %scan3A_321, %eq3A_511 : vector<16xi32>
          %select_n3A_513 = arith.select %eq3A_512, %scan3A_179#47, %select_n3A_509 : vector<16xi1>, vector<16xf32>
          %eq3A_514 = arith.constant 48 : i32
          %eq3A_515 = vector.broadcast %eq3A_514 : i32 to vector<16xi32>
          %eq3A_516 = arith.cmpi eq, %scan3A_321, %eq3A_515 : vector<16xi32>
          %select_n3A_517 = arith.select %eq3A_516, %scan3A_179#48, %select_n3A_513 : vector<16xi1>, vector<16xf32>
          %eq3A_518 = arith.constant 49 : i32
          %eq3A_519 = vector.broadcast %eq3A_518 : i32 to vector<16xi32>
          %eq3A_520 = arith.cmpi eq, %scan3A_321, %eq3A_519 : vector<16xi32>
          %select_n3A_521 = arith.select %eq3A_520, %scan3A_179#49, %select_n3A_517 : vector<16xi1>, vector<16xf32>
          %eq3A_522 = arith.constant 50 : i32
          %eq3A_523 = vector.broadcast %eq3A_522 : i32 to vector<16xi32>
          %eq3A_524 = arith.cmpi eq, %scan3A_321, %eq3A_523 : vector<16xi32>
          %select_n3A_525 = arith.select %eq3A_524, %scan3A_179#50, %select_n3A_521 : vector<16xi1>, vector<16xf32>
          %eq3A_526 = arith.constant 51 : i32
          %eq3A_527 = vector.broadcast %eq3A_526 : i32 to vector<16xi32>
          %eq3A_528 = arith.cmpi eq, %scan3A_321, %eq3A_527 : vector<16xi32>
          %select_n3A_529 = arith.select %eq3A_528, %scan3A_179#51, %select_n3A_525 : vector<16xi1>, vector<16xf32>
          %eq3A_530 = arith.constant 52 : i32
          %eq3A_531 = vector.broadcast %eq3A_530 : i32 to vector<16xi32>
          %eq3A_532 = arith.cmpi eq, %scan3A_321, %eq3A_531 : vector<16xi32>
          %select_n3A_533 = arith.select %eq3A_532, %scan3A_179#52, %select_n3A_529 : vector<16xi1>, vector<16xf32>
          %eq3A_534 = arith.constant 53 : i32
          %eq3A_535 = vector.broadcast %eq3A_534 : i32 to vector<16xi32>
          %eq3A_536 = arith.cmpi eq, %scan3A_321, %eq3A_535 : vector<16xi32>
          %select_n3A_537 = arith.select %eq3A_536, %scan3A_179#53, %select_n3A_533 : vector<16xi1>, vector<16xf32>
          %eq3A_538 = arith.constant 54 : i32
          %eq3A_539 = vector.broadcast %eq3A_538 : i32 to vector<16xi32>
          %eq3A_540 = arith.cmpi eq, %scan3A_321, %eq3A_539 : vector<16xi32>
          %select_n3A_541 = arith.select %eq3A_540, %scan3A_179#54, %select_n3A_537 : vector<16xi1>, vector<16xf32>
          %eq3A_542 = arith.constant 55 : i32
          %eq3A_543 = vector.broadcast %eq3A_542 : i32 to vector<16xi32>
          %eq3A_544 = arith.cmpi eq, %scan3A_321, %eq3A_543 : vector<16xi32>
          %select_n3A_545 = arith.select %eq3A_544, %scan3A_179#55, %select_n3A_541 : vector<16xi1>, vector<16xf32>
          %eq3A_546 = arith.constant 56 : i32
          %eq3A_547 = vector.broadcast %eq3A_546 : i32 to vector<16xi32>
          %eq3A_548 = arith.cmpi eq, %scan3A_321, %eq3A_547 : vector<16xi32>
          %select_n3A_549 = arith.select %eq3A_548, %scan3A_179#56, %select_n3A_545 : vector<16xi1>, vector<16xf32>
          %eq3A_550 = arith.constant 57 : i32
          %eq3A_551 = vector.broadcast %eq3A_550 : i32 to vector<16xi32>
          %eq3A_552 = arith.cmpi eq, %scan3A_321, %eq3A_551 : vector<16xi32>
          %select_n3A_553 = arith.select %eq3A_552, %scan3A_179#57, %select_n3A_549 : vector<16xi1>, vector<16xf32>
          %eq3A_554 = arith.constant 58 : i32
          %eq3A_555 = vector.broadcast %eq3A_554 : i32 to vector<16xi32>
          %eq3A_556 = arith.cmpi eq, %scan3A_321, %eq3A_555 : vector<16xi32>
          %select_n3A_557 = arith.select %eq3A_556, %scan3A_179#58, %select_n3A_553 : vector<16xi1>, vector<16xf32>
          %eq3A_558 = arith.constant 59 : i32
          %eq3A_559 = vector.broadcast %eq3A_558 : i32 to vector<16xi32>
          %eq3A_560 = arith.cmpi eq, %scan3A_321, %eq3A_559 : vector<16xi32>
          %select_n3A_561 = arith.select %eq3A_560, %scan3A_179#59, %select_n3A_557 : vector<16xi1>, vector<16xf32>
          %eq3A_562 = arith.constant 60 : i32
          %eq3A_563 = vector.broadcast %eq3A_562 : i32 to vector<16xi32>
          %eq3A_564 = arith.cmpi eq, %scan3A_321, %eq3A_563 : vector<16xi32>
          %select_n3A_565 = arith.select %eq3A_564, %scan3A_179#60, %select_n3A_561 : vector<16xi1>, vector<16xf32>
          %eq3A_566 = arith.constant 61 : i32
          %eq3A_567 = vector.broadcast %eq3A_566 : i32 to vector<16xi32>
          %eq3A_568 = arith.cmpi eq, %scan3A_321, %eq3A_567 : vector<16xi32>
          %select_n3A_569 = arith.select %eq3A_568, %scan3A_179#61, %select_n3A_565 : vector<16xi1>, vector<16xf32>
          %eq3A_570 = arith.constant 62 : i32
          %eq3A_571 = vector.broadcast %eq3A_570 : i32 to vector<16xi32>
          %eq3A_572 = arith.cmpi eq, %scan3A_321, %eq3A_571 : vector<16xi32>
          %select_n3A_573 = arith.select %eq3A_572, %scan3A_179#62, %select_n3A_569 : vector<16xi1>, vector<16xf32>
          %eq3A_574 = arith.constant 63 : i32
          %eq3A_575 = vector.broadcast %eq3A_574 : i32 to vector<16xi32>
          %eq3A_576 = arith.cmpi eq, %scan3A_321, %eq3A_575 : vector<16xi32>
          %select_n3A_577 = arith.select %eq3A_576, %scan3A_179#63, %select_n3A_573 : vector<16xi1>, vector<16xf32>
          %xor3A_578 = arith.constant 1 : i32
          %xor3A_579 = vector.broadcast %xor3A_578 : i32 to vector<16xi32>
          %xor3A_580 = arith.xori %iota3A, %xor3A_579 : vector<16xi32>
          %lt3A_581 = arith.constant 0 : i32
          %lt3A_582 = vector.broadcast %lt3A_581 : i32 to vector<16xi32>
          %lt3A_583 = arith.cmpi slt, %xor3A_580, %lt3A_582 : vector<16xi32>
          %add3A_584 = arith.constant 16 : i32
          %add3A_585 = vector.broadcast %add3A_584 : i32 to vector<16xi32>
          %add3A_586 = arith.addi %xor3A_580, %add3A_585 : vector<16xi32>
          %select_n3A_587 = arith.select %lt3A_583, %add3A_586, %xor3A_580 : vector<16xi1>, vector<16xi32>
          %broadcast_in_dim3A_588 = vector.shape_cast %select_n3A_587 : vector<16xi32> to vector<16x1xi32>
          %gather3A_589 = vector.shape_cast %broadcast_in_dim3A_588 : vector<16x1xi32> to vector<16xi32>
          %gather3A_590 = tpu.dynamic_gather %select_n3A_577[%gather3A_589] in [0] : vector<16xf32>, vector<16xi32> -> vector<16xf32>
          %max3A = arith.maximumf %select_n3A_577, %gather3A_590 : vector<16xf32>
          %xor3A_591 = arith.constant 2 : i32
          %xor3A_592 = vector.broadcast %xor3A_591 : i32 to vector<16xi32>
          %xor3A_593 = arith.xori %iota3A, %xor3A_592 : vector<16xi32>
          %lt3A_594 = arith.constant 0 : i32
          %lt3A_595 = vector.broadcast %lt3A_594 : i32 to vector<16xi32>
          %lt3A_596 = arith.cmpi slt, %xor3A_593, %lt3A_595 : vector<16xi32>
          %add3A_597 = arith.constant 16 : i32
          %add3A_598 = vector.broadcast %add3A_597 : i32 to vector<16xi32>
          %add3A_599 = arith.addi %xor3A_593, %add3A_598 : vector<16xi32>
          %select_n3A_600 = arith.select %lt3A_596, %add3A_599, %xor3A_593 : vector<16xi1>, vector<16xi32>
          %broadcast_in_dim3A_601 = vector.shape_cast %select_n3A_600 : vector<16xi32> to vector<16x1xi32>
          %gather3A_602 = vector.shape_cast %broadcast_in_dim3A_601 : vector<16x1xi32> to vector<16xi32>
          %gather3A_603 = tpu.dynamic_gather %max3A[%gather3A_602] in [0] : vector<16xf32>, vector<16xi32> -> vector<16xf32>
          %max3A_604 = arith.maximumf %max3A, %gather3A_603 : vector<16xf32>
          %xor3A_605 = arith.constant 4 : i32
          %xor3A_606 = vector.broadcast %xor3A_605 : i32 to vector<16xi32>
          %xor3A_607 = arith.xori %iota3A, %xor3A_606 : vector<16xi32>
          %lt3A_608 = arith.constant 0 : i32
          %lt3A_609 = vector.broadcast %lt3A_608 : i32 to vector<16xi32>
          %lt3A_610 = arith.cmpi slt, %xor3A_607, %lt3A_609 : vector<16xi32>
          %add3A_611 = arith.constant 16 : i32
          %add3A_612 = vector.broadcast %add3A_611 : i32 to vector<16xi32>
          %add3A_613 = arith.addi %xor3A_607, %add3A_612 : vector<16xi32>
          %select_n3A_614 = arith.select %lt3A_610, %add3A_613, %xor3A_607 : vector<16xi1>, vector<16xi32>
          %broadcast_in_dim3A_615 = vector.shape_cast %select_n3A_614 : vector<16xi32> to vector<16x1xi32>
          %gather3A_616 = vector.shape_cast %broadcast_in_dim3A_615 : vector<16x1xi32> to vector<16xi32>
          %gather3A_617 = tpu.dynamic_gather %max3A_604[%gather3A_616] in [0] : vector<16xf32>, vector<16xi32> -> vector<16xf32>
          %max3A_618 = arith.maximumf %max3A_604, %gather3A_617 : vector<16xf32>
          %xor3A_619 = arith.constant 8 : i32
          %xor3A_620 = vector.broadcast %xor3A_619 : i32 to vector<16xi32>
          %xor3A_621 = arith.xori %iota3A, %xor3A_620 : vector<16xi32>
          %lt3A_622 = arith.constant 0 : i32
          %lt3A_623 = vector.broadcast %lt3A_622 : i32 to vector<16xi32>
          %lt3A_624 = arith.cmpi slt, %xor3A_621, %lt3A_623 : vector<16xi32>
          %add3A_625 = arith.constant 16 : i32
          %add3A_626 = vector.broadcast %add3A_625 : i32 to vector<16xi32>
          %add3A_627 = arith.addi %xor3A_621, %add3A_626 : vector<16xi32>
          %select_n3A_628 = arith.select %lt3A_624, %add3A_627, %xor3A_621 : vector<16xi1>, vector<16xi32>
          %broadcast_in_dim3A_629 = vector.shape_cast %select_n3A_628 : vector<16xi32> to vector<16x1xi32>
          %gather3A_630 = vector.shape_cast %broadcast_in_dim3A_629 : vector<16x1xi32> to vector<16xi32>
          %gather3A_631 = tpu.dynamic_gather %max3A_618[%gather3A_630] in [0] : vector<16xf32>, vector<16xi32> -> vector<16xf32>
          %max3A_632 = arith.maximumf %max3A_618, %gather3A_631 : vector<16xf32>
          %eq3A_633 = arith.cmpf oeq, %select_n3A_577, %max3A_632 : vector<16xf32>
          %broadcast_in_dim3A_634 = vector.broadcast %scan3A_185 : i32 to vector<16xi32>
          %select_n3A_635 = arith.select %eq3A_633, %iota3A, %broadcast_in_dim3A_634 : vector<16xi1>, vector<16xi32>
          %xor3A_636 = arith.constant 1 : i32
          %xor3A_637 = vector.broadcast %xor3A_636 : i32 to vector<16xi32>
          %xor3A_638 = arith.xori %iota3A, %xor3A_637 : vector<16xi32>
          %lt3A_639 = arith.constant 0 : i32
          %lt3A_640 = vector.broadcast %lt3A_639 : i32 to vector<16xi32>
          %lt3A_641 = arith.cmpi slt, %xor3A_638, %lt3A_640 : vector<16xi32>
          %add3A_642 = arith.constant 16 : i32
          %add3A_643 = vector.broadcast %add3A_642 : i32 to vector<16xi32>
          %add3A_644 = arith.addi %xor3A_638, %add3A_643 : vector<16xi32>
          %select_n3A_645 = arith.select %lt3A_641, %add3A_644, %xor3A_638 : vector<16xi1>, vector<16xi32>
          %broadcast_in_dim3A_646 = vector.shape_cast %select_n3A_645 : vector<16xi32> to vector<16x1xi32>
          %gather3A_647 = vector.shape_cast %broadcast_in_dim3A_646 : vector<16x1xi32> to vector<16xi32>
          %gather3A_648 = tpu.dynamic_gather %select_n3A_635[%gather3A_647] in [0] : vector<16xi32>, vector<16xi32> -> vector<16xi32>
          %min3A = arith.minsi %select_n3A_635, %gather3A_648 : vector<16xi32>
          %xor3A_649 = arith.constant 2 : i32
          %xor3A_650 = vector.broadcast %xor3A_649 : i32 to vector<16xi32>
          %xor3A_651 = arith.xori %iota3A, %xor3A_650 : vector<16xi32>
          %lt3A_652 = arith.constant 0 : i32
          %lt3A_653 = vector.broadcast %lt3A_652 : i32 to vector<16xi32>
          %lt3A_654 = arith.cmpi slt, %xor3A_651, %lt3A_653 : vector<16xi32>
          %add3A_655 = arith.constant 16 : i32
          %add3A_656 = vector.broadcast %add3A_655 : i32 to vector<16xi32>
          %add3A_657 = arith.addi %xor3A_651, %add3A_656 : vector<16xi32>
          %select_n3A_658 = arith.select %lt3A_654, %add3A_657, %xor3A_651 : vector<16xi1>, vector<16xi32>
          %broadcast_in_dim3A_659 = vector.shape_cast %select_n3A_658 : vector<16xi32> to vector<16x1xi32>
          %gather3A_660 = vector.shape_cast %broadcast_in_dim3A_659 : vector<16x1xi32> to vector<16xi32>
          %gather3A_661 = tpu.dynamic_gather %min3A[%gather3A_660] in [0] : vector<16xi32>, vector<16xi32> -> vector<16xi32>
          %min3A_662 = arith.minsi %min3A, %gather3A_661 : vector<16xi32>
          %xor3A_663 = arith.constant 4 : i32
          %xor3A_664 = vector.broadcast %xor3A_663 : i32 to vector<16xi32>
          %xor3A_665 = arith.xori %iota3A, %xor3A_664 : vector<16xi32>
          %lt3A_666 = arith.constant 0 : i32
          %lt3A_667 = vector.broadcast %lt3A_666 : i32 to vector<16xi32>
          %lt3A_668 = arith.cmpi slt, %xor3A_665, %lt3A_667 : vector<16xi32>
          %add3A_669 = arith.constant 16 : i32
          %add3A_670 = vector.broadcast %add3A_669 : i32 to vector<16xi32>
          %add3A_671 = arith.addi %xor3A_665, %add3A_670 : vector<16xi32>
          %select_n3A_672 = arith.select %lt3A_668, %add3A_671, %xor3A_665 : vector<16xi1>, vector<16xi32>
          %broadcast_in_dim3A_673 = vector.shape_cast %select_n3A_672 : vector<16xi32> to vector<16x1xi32>
          %gather3A_674 = vector.shape_cast %broadcast_in_dim3A_673 : vector<16x1xi32> to vector<16xi32>
          %gather3A_675 = tpu.dynamic_gather %min3A_662[%gather3A_674] in [0] : vector<16xi32>, vector<16xi32> -> vector<16xi32>
          %min3A_676 = arith.minsi %min3A_662, %gather3A_675 : vector<16xi32>
          %xor3A_677 = arith.constant 8 : i32
          %xor3A_678 = vector.broadcast %xor3A_677 : i32 to vector<16xi32>
          %xor3A_679 = arith.xori %iota3A, %xor3A_678 : vector<16xi32>
          %lt3A_680 = arith.constant 0 : i32
          %lt3A_681 = vector.broadcast %lt3A_680 : i32 to vector<16xi32>
          %lt3A_682 = arith.cmpi slt, %xor3A_679, %lt3A_681 : vector<16xi32>
          %add3A_683 = arith.constant 16 : i32
          %add3A_684 = vector.broadcast %add3A_683 : i32 to vector<16xi32>
          %add3A_685 = arith.addi %xor3A_679, %add3A_684 : vector<16xi32>
          %select_n3A_686 = arith.select %lt3A_682, %add3A_685, %xor3A_679 : vector<16xi1>, vector<16xi32>
          %broadcast_in_dim3A_687 = vector.shape_cast %select_n3A_686 : vector<16xi32> to vector<16x1xi32>
          %gather3A_688 = vector.shape_cast %broadcast_in_dim3A_687 : vector<16x1xi32> to vector<16xi32>
          %gather3A_689 = tpu.dynamic_gather %min3A_676[%gather3A_688] in [0] : vector<16xi32>, vector<16xi32> -> vector<16xi32>
          %min3A_690 = arith.minsi %min3A_676, %gather3A_689 : vector<16xi32>
          %eq3A_691 = arith.cmpi eq, %iota3A, %min3A_690 : vector<16xi32>
          %jit3A_692 = arith.constant 1 : i32
          %jit3A_693 = arith.constant 0 : i32
          %broadcast_in_dim3A_694 = vector.broadcast %jit3A_692 : i32 to vector<16xi32>
          %broadcast_in_dim3A_695 = vector.broadcast %jit3A_693 : i32 to vector<16xi32>
          %select_n3A_696 = arith.select %eq3A_691, %broadcast_in_dim3A_694, %broadcast_in_dim3A_695 : vector<16xi1>, vector<16xi32>
          %add3A_697 = arith.addi %scan3A_321, %select_n3A_696 : vector<16xi32>
          scf.yield %add3A_697, %max3A_632 : vector<16xi32>, vector<16xf32>
        }
        %scan3A_191 = arith.constant 64 : i32
        %broadcast_in_dim3A_192 = arith.constant 0 : i32
        %broadcast_in_dim3A_193 = vector.broadcast %broadcast_in_dim3A_192 : i32 to vector<16xi32>
        %scan3A_194 = arith.constant 0 : i32
        %scan3A_195 = arith.constant 2048 : i32
        %scan3A_196 = arith.addi %scan3A_194, %scan3A_195 : i32
        %scan3A_197 = arith.constant 8 : i32
        %scan3A_198:2 = scf.for %scan3A_320 = %scan3A_194 to %scan3A_196 step %scan3A_197 iter_args(%scan3A_321 = %broadcast_in_dim3A_193, %scan3A_322 = %broadcast_in_dim3A_193) -> (vector<16xi32>, vector<16xi32>)  : i32 {
          %mul3A_323 = arith.constant 16 : i32
          %mul3A_324 = arith.muli %scan3A_320, %mul3A_323 : i32
          %get3A = arith.index_cast %mul3A_324 : i32 to index
          %get3A_325 = tpu.vector_load %arg5[%get3A] {strides = array<i32>} : memref<32768xf32, #tpu.memory_space<vmem>>, vector<16xf32>,
          %get3A_326 = vector.shape_cast %get3A_325 : vector<16xf32> to vector<16xf32>
          %gt3A_327 = arith.cmpf ogt, %get3A_326, %scan3A_190#1 : vector<16xf32>
          %jit3A_328 = arith.constant 1 : i32
          %jit3A_329 = arith.constant 0 : i32
          %broadcast_in_dim3A_330 = vector.broadcast %jit3A_328 : i32 to vector<16xi32>
          %broadcast_in_dim3A_331 = vector.broadcast %jit3A_329 : i32 to vector<16xi32>
          %select_n3A_332 = arith.select %gt3A_327, %broadcast_in_dim3A_330, %broadcast_in_dim3A_331 : vector<16xi1>, vector<16xi32>
          %add3A_333 = arith.addi %scan3A_321, %select_n3A_332 : vector<16xi32>
          %ge3A = arith.cmpf oge, %get3A_326, %scan3A_190#1 : vector<16xf32>
          %jit3A_334 = arith.constant 1 : i32
          %jit3A_335 = arith.constant 0 : i32
          %broadcast_in_dim3A_336 = vector.broadcast %jit3A_334 : i32 to vector<16xi32>
          %broadcast_in_dim3A_337 = vector.broadcast %jit3A_335 : i32 to vector<16xi32>
          %select_n3A_338 = arith.select %ge3A, %broadcast_in_dim3A_336, %broadcast_in_dim3A_337 : vector<16xi1>, vector<16xi32>
          %add3A_339 = arith.addi %scan3A_322, %select_n3A_338 : vector<16xi32>
          %scan3A_340 = arith.constant 1 : i32
          %scan3A_341 = arith.addi %scan3A_320, %scan3A_340 : i32
          %mul3A_342 = arith.constant 16 : i32
          %mul3A_343 = arith.muli %scan3A_341, %mul3A_342 : i32
          %get3A_344 = arith.index_cast %mul3A_343 : i32 to index
          %get3A_345 = tpu.vector_load %arg5[%get3A_344] {strides = array<i32>} : memref<32768xf32, #tpu.memory_space<vmem>>, vector<16xf32>,
          %get3A_346 = vector.shape_cast %get3A_345 : vector<16xf32> to vector<16xf32>
          %gt3A_347 = arith.cmpf ogt, %get3A_346, %scan3A_190#1 : vector<16xf32>
          %jit3A_348 = arith.constant 1 : i32
          %jit3A_349 = arith.constant 0 : i32
          %broadcast_in_dim3A_350 = vector.broadcast %jit3A_348 : i32 to vector<16xi32>
          %broadcast_in_dim3A_351 = vector.broadcast %jit3A_349 : i32 to vector<16xi32>
          %select_n3A_352 = arith.select %gt3A_347, %broadcast_in_dim3A_350, %broadcast_in_dim3A_351 : vector<16xi1>, vector<16xi32>
          %add3A_353 = arith.addi %add3A_333, %select_n3A_352 : vector<16xi32>
          %ge3A_354 = arith.cmpf oge, %get3A_346, %scan3A_190#1 : vector<16xf32>
          %jit3A_355 = arith.constant 1 : i32
          %jit3A_356 = arith.constant 0 : i32
          %broadcast_in_dim3A_357 = vector.broadcast %jit3A_355 : i32 to vector<16xi32>
          %broadcast_in_dim3A_358 = vector.broadcast %jit3A_356 : i32 to vector<16xi32>
          %select_n3A_359 = arith.select %ge3A_354, %broadcast_in_dim3A_357, %broadcast_in_dim3A_358 : vector<16xi1>, vector<16xi32>
          %add3A_360 = arith.addi %add3A_339, %select_n3A_359 : vector<16xi32>
          %scan3A_361 = arith.constant 2 : i32
          %scan3A_362 = arith.addi %scan3A_320, %scan3A_361 : i32
          %mul3A_363 = arith.constant 16 : i32
          %mul3A_364 = arith.muli %scan3A_362, %mul3A_363 : i32
          %get3A_365 = arith.index_cast %mul3A_364 : i32 to index
          %get3A_366 = tpu.vector_load %arg5[%get3A_365] {strides = array<i32>} : memref<32768xf32, #tpu.memory_space<vmem>>, vector<16xf32>,
          %get3A_367 = vector.shape_cast %get3A_366 : vector<16xf32> to vector<16xf32>
          %gt3A_368 = arith.cmpf ogt, %get3A_367, %scan3A_190#1 : vector<16xf32>
          %jit3A_369 = arith.constant 1 : i32
          %jit3A_370 = arith.constant 0 : i32
          %broadcast_in_dim3A_371 = vector.broadcast %jit3A_369 : i32 to vector<16xi32>
          %broadcast_in_dim3A_372 = vector.broadcast %jit3A_370 : i32 to vector<16xi32>
          %select_n3A_373 = arith.select %gt3A_368, %broadcast_in_dim3A_371, %broadcast_in_dim3A_372 : vector<16xi1>, vector<16xi32>
          %add3A_374 = arith.addi %add3A_353, %select_n3A_373 : vector<16xi32>
          %ge3A_375 = arith.cmpf oge, %get3A_367, %scan3A_190#1 : vector<16xf32>
          %jit3A_376 = arith.constant 1 : i32
          %jit3A_377 = arith.constant 0 : i32
          %broadcast_in_dim3A_378 = vector.broadcast %jit3A_376 : i32 to vector<16xi32>
          %broadcast_in_dim3A_379 = vector.broadcast %jit3A_377 : i32 to vector<16xi32>
          %select_n3A_380 = arith.select %ge3A_375, %broadcast_in_dim3A_378, %broadcast_in_dim3A_379 : vector<16xi1>, vector<16xi32>
          %add3A_381 = arith.addi %add3A_360, %select_n3A_380 : vector<16xi32>
          %scan3A_382 = arith.constant 3 : i32
          %scan3A_383 = arith.addi %scan3A_320, %scan3A_382 : i32
          %mul3A_384 = arith.constant 16 : i32
          %mul3A_385 = arith.muli %scan3A_383, %mul3A_384 : i32
          %get3A_386 = arith.index_cast %mul3A_385 : i32 to index
          %get3A_387 = tpu.vector_load %arg5[%get3A_386] {strides = array<i32>} : memref<32768xf32, #tpu.memory_space<vmem>>, vector<16xf32>,
          %get3A_388 = vector.shape_cast %get3A_387 : vector<16xf32> to vector<16xf32>
          %gt3A_389 = arith.cmpf ogt, %get3A_388, %scan3A_190#1 : vector<16xf32>
          %jit3A_390 = arith.constant 1 : i32
          %jit3A_391 = arith.constant 0 : i32
          %broadcast_in_dim3A_392 = vector.broadcast %jit3A_390 : i32 to vector<16xi32>
          %broadcast_in_dim3A_393 = vector.broadcast %jit3A_391 : i32 to vector<16xi32>
          %select_n3A_394 = arith.select %gt3A_389, %broadcast_in_dim3A_392, %broadcast_in_dim3A_393 : vector<16xi1>, vector<16xi32>
          %add3A_395 = arith.addi %add3A_374, %select_n3A_394 : vector<16xi32>
          %ge3A_396 = arith.cmpf oge, %get3A_388, %scan3A_190#1 : vector<16xf32>
          %jit3A_397 = arith.constant 1 : i32
          %jit3A_398 = arith.constant 0 : i32
          %broadcast_in_dim3A_399 = vector.broadcast %jit3A_397 : i32 to vector<16xi32>
          %broadcast_in_dim3A_400 = vector.broadcast %jit3A_398 : i32 to vector<16xi32>
          %select_n3A_401 = arith.select %ge3A_396, %broadcast_in_dim3A_399, %broadcast_in_dim3A_400 : vector<16xi1>, vector<16xi32>
          %add3A_402 = arith.addi %add3A_381, %select_n3A_401 : vector<16xi32>
          %scan3A_403 = arith.constant 4 : i32
          %scan3A_404 = arith.addi %scan3A_320, %scan3A_403 : i32
          %mul3A_405 = arith.constant 16 : i32
          %mul3A_406 = arith.muli %scan3A_404, %mul3A_405 : i32
          %get3A_407 = arith.index_cast %mul3A_406 : i32 to index
          %get3A_408 = tpu.vector_load %arg5[%get3A_407] {strides = array<i32>} : memref<32768xf32, #tpu.memory_space<vmem>>, vector<16xf32>,
          %get3A_409 = vector.shape_cast %get3A_408 : vector<16xf32> to vector<16xf32>
          %gt3A_410 = arith.cmpf ogt, %get3A_409, %scan3A_190#1 : vector<16xf32>
          %jit3A_411 = arith.constant 1 : i32
          %jit3A_412 = arith.constant 0 : i32
          %broadcast_in_dim3A_413 = vector.broadcast %jit3A_411 : i32 to vector<16xi32>
          %broadcast_in_dim3A_414 = vector.broadcast %jit3A_412 : i32 to vector<16xi32>
          %select_n3A_415 = arith.select %gt3A_410, %broadcast_in_dim3A_413, %broadcast_in_dim3A_414 : vector<16xi1>, vector<16xi32>
          %add3A_416 = arith.addi %add3A_395, %select_n3A_415 : vector<16xi32>
          %ge3A_417 = arith.cmpf oge, %get3A_409, %scan3A_190#1 : vector<16xf32>
          %jit3A_418 = arith.constant 1 : i32
          %jit3A_419 = arith.constant 0 : i32
          %broadcast_in_dim3A_420 = vector.broadcast %jit3A_418 : i32 to vector<16xi32>
          %broadcast_in_dim3A_421 = vector.broadcast %jit3A_419 : i32 to vector<16xi32>
          %select_n3A_422 = arith.select %ge3A_417, %broadcast_in_dim3A_420, %broadcast_in_dim3A_421 : vector<16xi1>, vector<16xi32>
          %add3A_423 = arith.addi %add3A_402, %select_n3A_422 : vector<16xi32>
          %scan3A_424 = arith.constant 5 : i32
          %scan3A_425 = arith.addi %scan3A_320, %scan3A_424 : i32
          %mul3A_426 = arith.constant 16 : i32
          %mul3A_427 = arith.muli %scan3A_425, %mul3A_426 : i32
          %get3A_428 = arith.index_cast %mul3A_427 : i32 to index
          %get3A_429 = tpu.vector_load %arg5[%get3A_428] {strides = array<i32>} : memref<32768xf32, #tpu.memory_space<vmem>>, vector<16xf32>,
          %get3A_430 = vector.shape_cast %get3A_429 : vector<16xf32> to vector<16xf32>
          %gt3A_431 = arith.cmpf ogt, %get3A_430, %scan3A_190#1 : vector<16xf32>
          %jit3A_432 = arith.constant 1 : i32
          %jit3A_433 = arith.constant 0 : i32
          %broadcast_in_dim3A_434 = vector.broadcast %jit3A_432 : i32 to vector<16xi32>
          %broadcast_in_dim3A_435 = vector.broadcast %jit3A_433 : i32 to vector<16xi32>
          %select_n3A_436 = arith.select %gt3A_431, %broadcast_in_dim3A_434, %broadcast_in_dim3A_435 : vector<16xi1>, vector<16xi32>
          %add3A_437 = arith.addi %add3A_416, %select_n3A_436 : vector<16xi32>
          %ge3A_438 = arith.cmpf oge, %get3A_430, %scan3A_190#1 : vector<16xf32>
          %jit3A_439 = arith.constant 1 : i32
          %jit3A_440 = arith.constant 0 : i32
          %broadcast_in_dim3A_441 = vector.broadcast %jit3A_439 : i32 to vector<16xi32>
          %broadcast_in_dim3A_442 = vector.broadcast %jit3A_440 : i32 to vector<16xi32>
          %select_n3A_443 = arith.select %ge3A_438, %broadcast_in_dim3A_441, %broadcast_in_dim3A_442 : vector<16xi1>, vector<16xi32>
          %add3A_444 = arith.addi %add3A_423, %select_n3A_443 : vector<16xi32>
          %scan3A_445 = arith.constant 6 : i32
          %scan3A_446 = arith.addi %scan3A_320, %scan3A_445 : i32
          %mul3A_447 = arith.constant 16 : i32
          %mul3A_448 = arith.muli %scan3A_446, %mul3A_447 : i32
          %get3A_449 = arith.index_cast %mul3A_448 : i32 to index
          %get3A_450 = tpu.vector_load %arg5[%get3A_449] {strides = array<i32>} : memref<32768xf32, #tpu.memory_space<vmem>>, vector<16xf32>,
          %get3A_451 = vector.shape_cast %get3A_450 : vector<16xf32> to vector<16xf32>
          %gt3A_452 = arith.cmpf ogt, %get3A_451, %scan3A_190#1 : vector<16xf32>
          %jit3A_453 = arith.constant 1 : i32
          %jit3A_454 = arith.constant 0 : i32
          %broadcast_in_dim3A_455 = vector.broadcast %jit3A_453 : i32 to vector<16xi32>
          %broadcast_in_dim3A_456 = vector.broadcast %jit3A_454 : i32 to vector<16xi32>
          %select_n3A_457 = arith.select %gt3A_452, %broadcast_in_dim3A_455, %broadcast_in_dim3A_456 : vector<16xi1>, vector<16xi32>
          %add3A_458 = arith.addi %add3A_437, %select_n3A_457 : vector<16xi32>
          %ge3A_459 = arith.cmpf oge, %get3A_451, %scan3A_190#1 : vector<16xf32>
          %jit3A_460 = arith.constant 1 : i32
          %jit3A_461 = arith.constant 0 : i32
          %broadcast_in_dim3A_462 = vector.broadcast %jit3A_460 : i32 to vector<16xi32>
          %broadcast_in_dim3A_463 = vector.broadcast %jit3A_461 : i32 to vector<16xi32>
          %select_n3A_464 = arith.select %ge3A_459, %broadcast_in_dim3A_462, %broadcast_in_dim3A_463 : vector<16xi1>, vector<16xi32>
          %add3A_465 = arith.addi %add3A_444, %select_n3A_464 : vector<16xi32>
          %scan3A_466 = arith.constant 7 : i32
          %scan3A_467 = arith.addi %scan3A_320, %scan3A_466 : i32
          %mul3A_468 = arith.constant 16 : i32
          %mul3A_469 = arith.muli %scan3A_467, %mul3A_468 : i32
          %get3A_470 = arith.index_cast %mul3A_469 : i32 to index
          %get3A_471 = tpu.vector_load %arg5[%get3A_470] {strides = array<i32>} : memref<32768xf32, #tpu.memory_space<vmem>>, vector<16xf32>,
          %get3A_472 = vector.shape_cast %get3A_471 : vector<16xf32> to vector<16xf32>
          %gt3A_473 = arith.cmpf ogt, %get3A_472, %scan3A_190#1 : vector<16xf32>
          %jit3A_474 = arith.constant 1 : i32
          %jit3A_475 = arith.constant 0 : i32
          %broadcast_in_dim3A_476 = vector.broadcast %jit3A_474 : i32 to vector<16xi32>
          %broadcast_in_dim3A_477 = vector.broadcast %jit3A_475 : i32 to vector<16xi32>
          %select_n3A_478 = arith.select %gt3A_473, %broadcast_in_dim3A_476, %broadcast_in_dim3A_477 : vector<16xi1>, vector<16xi32>
          %add3A_479 = arith.addi %add3A_458, %select_n3A_478 : vector<16xi32>
          %ge3A_480 = arith.cmpf oge, %get3A_472, %scan3A_190#1 : vector<16xf32>
          %jit3A_481 = arith.constant 1 : i32
          %jit3A_482 = arith.constant 0 : i32
          %broadcast_in_dim3A_483 = vector.broadcast %jit3A_481 : i32 to vector<16xi32>
          %broadcast_in_dim3A_484 = vector.broadcast %jit3A_482 : i32 to vector<16xi32>
          %select_n3A_485 = arith.select %ge3A_480, %broadcast_in_dim3A_483, %broadcast_in_dim3A_484 : vector<16xi1>, vector<16xi32>
          %add3A_486 = arith.addi %add3A_465, %select_n3A_485 : vector<16xi32>
          scf.yield %add3A_479, %add3A_486 : vector<16xi32>, vector<16xi32>
        }
        %scan3A_199 = arith.constant 2048 : i32
        %xor3A_200 = arith.constant 1 : i32
        %xor3A_201 = vector.broadcast %xor3A_200 : i32 to vector<16xi32>
        %xor3A_202 = arith.xori %iota3A, %xor3A_201 : vector<16xi32>
        %lt3A_203 = arith.constant 0 : i32
        %lt3A_204 = vector.broadcast %lt3A_203 : i32 to vector<16xi32>
        %lt3A_205 = arith.cmpi slt, %xor3A_202, %lt3A_204 : vector<16xi32>
        %add3A_206 = arith.constant 16 : i32
        %add3A_207 = vector.broadcast %add3A_206 : i32 to vector<16xi32>
        %add3A_208 = arith.addi %xor3A_202, %add3A_207 : vector<16xi32>
        %select_n3A_209 = arith.select %lt3A_205, %add3A_208, %xor3A_202 : vector<16xi1>, vector<16xi32>
        %broadcast_in_dim3A_210 = vector.shape_cast %select_n3A_209 : vector<16xi32> to vector<16x1xi32>
        %gather3A_211 = vector.shape_cast %broadcast_in_dim3A_210 : vector<16x1xi32> to vector<16xi32>
        %gather3A_212 = tpu.dynamic_gather %scan3A_198#0[%gather3A_211] in [0] : vector<16xi32>, vector<16xi32> -> vector<16xi32>
        %add3A_213 = arith.addi %scan3A_198#0, %gather3A_212 : vector<16xi32>
        %xor3A_214 = arith.constant 2 : i32
        %xor3A_215 = vector.broadcast %xor3A_214 : i32 to vector<16xi32>
        %xor3A_216 = arith.xori %iota3A, %xor3A_215 : vector<16xi32>
        %lt3A_217 = arith.constant 0 : i32
        %lt3A_218 = vector.broadcast %lt3A_217 : i32 to vector<16xi32>
        %lt3A_219 = arith.cmpi slt, %xor3A_216, %lt3A_218 : vector<16xi32>
        %add3A_220 = arith.constant 16 : i32
        %add3A_221 = vector.broadcast %add3A_220 : i32 to vector<16xi32>
        %add3A_222 = arith.addi %xor3A_216, %add3A_221 : vector<16xi32>
        %select_n3A_223 = arith.select %lt3A_219, %add3A_222, %xor3A_216 : vector<16xi1>, vector<16xi32>
        %broadcast_in_dim3A_224 = vector.shape_cast %select_n3A_223 : vector<16xi32> to vector<16x1xi32>
        %gather3A_225 = vector.shape_cast %broadcast_in_dim3A_224 : vector<16x1xi32> to vector<16xi32>
        %gather3A_226 = tpu.dynamic_gather %add3A_213[%gather3A_225] in [0] : vector<16xi32>, vector<16xi32> -> vector<16xi32>
        %add3A_227 = arith.addi %add3A_213, %gather3A_226 : vector<16xi32>
        %xor3A_228 = arith.constant 4 : i32
        %xor3A_229 = vector.broadcast %xor3A_228 : i32 to vector<16xi32>
        %xor3A_230 = arith.xori %iota3A, %xor3A_229 : vector<16xi32>
        %lt3A_231 = arith.constant 0 : i32
        %lt3A_232 = vector.broadcast %lt3A_231 : i32 to vector<16xi32>
        %lt3A_233 = arith.cmpi slt, %xor3A_230, %lt3A_232 : vector<16xi32>
        %add3A_234 = arith.constant 16 : i32
        %add3A_235 = vector.broadcast %add3A_234 : i32 to vector<16xi32>
        %add3A_236 = arith.addi %xor3A_230, %add3A_235 : vector<16xi32>
        %select_n3A_237 = arith.select %lt3A_233, %add3A_236, %xor3A_230 : vector<16xi1>, vector<16xi32>
        %broadcast_in_dim3A_238 = vector.shape_cast %select_n3A_237 : vector<16xi32> to vector<16x1xi32>
        %gather3A_239 = vector.shape_cast %broadcast_in_dim3A_238 : vector<16x1xi32> to vector<16xi32>
        %gather3A_240 = tpu.dynamic_gather %add3A_227[%gather3A_239] in [0] : vector<16xi32>, vector<16xi32> -> vector<16xi32>
        %add3A_241 = arith.addi %add3A_227, %gather3A_240 : vector<16xi32>
        %xor3A_242 = arith.constant 8 : i32
        %xor3A_243 = vector.broadcast %xor3A_242 : i32 to vector<16xi32>
        %xor3A_244 = arith.xori %iota3A, %xor3A_243 : vector<16xi32>
        %lt3A_245 = arith.constant 0 : i32
        %lt3A_246 = vector.broadcast %lt3A_245 : i32 to vector<16xi32>
        %lt3A_247 = arith.cmpi slt, %xor3A_244, %lt3A_246 : vector<16xi32>
        %add3A_248 = arith.constant 16 : i32
        %add3A_249 = vector.broadcast %add3A_248 : i32 to vector<16xi32>
        %add3A_250 = arith.addi %xor3A_244, %add3A_249 : vector<16xi32>
        %select_n3A_251 = arith.select %lt3A_247, %add3A_250, %xor3A_244 : vector<16xi1>, vector<16xi32>
        %broadcast_in_dim3A_252 = vector.shape_cast %select_n3A_251 : vector<16xi32> to vector<16x1xi32>
        %gather3A_253 = vector.shape_cast %broadcast_in_dim3A_252 : vector<16x1xi32> to vector<16xi32>
        %gather3A_254 = tpu.dynamic_gather %add3A_241[%gather3A_253] in [0] : vector<16xi32>, vector<16xi32> -> vector<16xi32>
        %add3A_255 = arith.addi %add3A_241, %gather3A_254 : vector<16xi32>
        %xor3A_256 = arith.constant 1 : i32
        %xor3A_257 = vector.broadcast %xor3A_256 : i32 to vector<16xi32>
        %xor3A_258 = arith.xori %iota3A, %xor3A_257 : vector<16xi32>
        %lt3A_259 = arith.constant 0 : i32
        %lt3A_260 = vector.broadcast %lt3A_259 : i32 to vector<16xi32>
        %lt3A_261 = arith.cmpi slt, %xor3A_258, %lt3A_260 : vector<16xi32>
        %add3A_262 = arith.constant 16 : i32
        %add3A_263 = vector.broadcast %add3A_262 : i32 to vector<16xi32>
        %add3A_264 = arith.addi %xor3A_258, %add3A_263 : vector<16xi32>
        %select_n3A_265 = arith.select %lt3A_261, %add3A_264, %xor3A_258 : vector<16xi1>, vector<16xi32>
        %broadcast_in_dim3A_266 = vector.shape_cast %select_n3A_265 : vector<16xi32> to vector<16x1xi32>
        %gather3A_267 = vector.shape_cast %broadcast_in_dim3A_266 : vector<16x1xi32> to vector<16xi32>
        %gather3A_268 = tpu.dynamic_gather %scan3A_198#1[%gather3A_267] in [0] : vector<16xi32>, vector<16xi32> -> vector<16xi32>
        %add3A_269 = arith.addi %scan3A_198#1, %gather3A_268 : vector<16xi32>
        %xor3A_270 = arith.constant 2 : i32
        %xor3A_271 = vector.broadcast %xor3A_270 : i32 to vector<16xi32>
        %xor3A_272 = arith.xori %iota3A, %xor3A_271 : vector<16xi32>
        %lt3A_273 = arith.constant 0 : i32
        %lt3A_274 = vector.broadcast %lt3A_273 : i32 to vector<16xi32>
        %lt3A_275 = arith.cmpi slt, %xor3A_272, %lt3A_274 : vector<16xi32>
        %add3A_276 = arith.constant 16 : i32
        %add3A_277 = vector.broadcast %add3A_276 : i32 to vector<16xi32>
        %add3A_278 = arith.addi %xor3A_272, %add3A_277 : vector<16xi32>
        %select_n3A_279 = arith.select %lt3A_275, %add3A_278, %xor3A_272 : vector<16xi1>, vector<16xi32>
        %broadcast_in_dim3A_280 = vector.shape_cast %select_n3A_279 : vector<16xi32> to vector<16x1xi32>
        %gather3A_281 = vector.shape_cast %broadcast_in_dim3A_280 : vector<16x1xi32> to vector<16xi32>
        %gather3A_282 = tpu.dynamic_gather %add3A_269[%gather3A_281] in [0] : vector<16xi32>, vector<16xi32> -> vector<16xi32>
        %add3A_283 = arith.addi %add3A_269, %gather3A_282 : vector<16xi32>
        %xor3A_284 = arith.constant 4 : i32
        %xor3A_285 = vector.broadcast %xor3A_284 : i32 to vector<16xi32>
        %xor3A_286 = arith.xori %iota3A, %xor3A_285 : vector<16xi32>
        %lt3A_287 = arith.constant 0 : i32
        %lt3A_288 = vector.broadcast %lt3A_287 : i32 to vector<16xi32>
        %lt3A_289 = arith.cmpi slt, %xor3A_286, %lt3A_288 : vector<16xi32>
        %add3A_290 = arith.constant 16 : i32
        %add3A_291 = vector.broadcast %add3A_290 : i32 to vector<16xi32>
        %add3A_292 = arith.addi %xor3A_286, %add3A_291 : vector<16xi32>
        %select_n3A_293 = arith.select %lt3A_289, %add3A_292, %xor3A_286 : vector<16xi1>, vector<16xi32>
        %broadcast_in_dim3A_294 = vector.shape_cast %select_n3A_293 : vector<16xi32> to vector<16x1xi32>
        %gather3A_295 = vector.shape_cast %broadcast_in_dim3A_294 : vector<16x1xi32> to vector<16xi32>
        %gather3A_296 = tpu.dynamic_gather %add3A_283[%gather3A_295] in [0] : vector<16xi32>, vector<16xi32> -> vector<16xi32>
        %add3A_297 = arith.addi %add3A_283, %gather3A_296 : vector<16xi32>
        %xor3A_298 = arith.constant 8 : i32
        %xor3A_299 = vector.broadcast %xor3A_298 : i32 to vector<16xi32>
        %xor3A_300 = arith.xori %iota3A, %xor3A_299 : vector<16xi32>
        %lt3A_301 = arith.constant 0 : i32
        %lt3A_302 = vector.broadcast %lt3A_301 : i32 to vector<16xi32>
        %lt3A_303 = arith.cmpi slt, %xor3A_300, %lt3A_302 : vector<16xi32>
        %add3A_304 = arith.constant 16 : i32
        %add3A_305 = vector.broadcast %add3A_304 : i32 to vector<16xi32>
        %add3A_306 = arith.addi %xor3A_300, %add3A_305 : vector<16xi32>
        %select_n3A_307 = arith.select %lt3A_303, %add3A_306, %xor3A_300 : vector<16xi1>, vector<16xi32>
        %broadcast_in_dim3A_308 = vector.shape_cast %select_n3A_307 : vector<16xi32> to vector<16x1xi32>
        %gather3A_309 = vector.shape_cast %broadcast_in_dim3A_308 : vector<16x1xi32> to vector<16xi32>
        %gather3A_310 = tpu.dynamic_gather %add3A_297[%gather3A_309] in [0] : vector<16xi32>, vector<16xi32> -> vector<16xi32>
        %add3A_311 = arith.addi %add3A_297, %gather3A_310 : vector<16xi32>
        %sub3A = arith.constant 64 : i32
        %sub3A_312 = vector.broadcast %sub3A : i32 to vector<16xi32>
        %sub3A_313 = arith.subi %sub3A_312, %add3A_255 : vector<16xi32>
        %scan3A_314 = arith.constant 0 : i32
        %scan3A_315 = arith.constant 2048 : i32
        %scan3A_316 = arith.addi %scan3A_314, %scan3A_315 : i32
        %scan3A_317 = arith.constant 1 : i32
        %scan3A_318 = scf.for %scan3A_320 = %scan3A_314 to %scan3A_316 step %scan3A_317 iter_args(%scan3A_321 = %broadcast_in_dim3A_10) -> (vector<16xi32>)  : i32 {
          %mul3A_322 = arith.constant 16 : i32
          %mul3A_323 = arith.muli %scan3A_320, %mul3A_322 : i32
          %get3A = arith.index_cast %mul3A_323 : i32 to index
          %get3A_324 = tpu.vector_load %arg5[%get3A] {strides = array<i32>} : memref<32768xf32, #tpu.memory_space<vmem>>, vector<16xf32>,
          %get3A_325 = vector.shape_cast %get3A_324 : vector<16xf32> to vector<16xf32>
          %gt3A_326 = arith.cmpf ogt, %get3A_325, %scan3A_190#1 : vector<16xf32>
          %eq3A = arith.cmpf oeq, %get3A_325, %scan3A_190#1 : vector<16xf32>
          %jit3A_327 = arith.constant 1 : i32
          %jit3A_328 = arith.constant 0 : i32
          %broadcast_in_dim3A_329 = vector.broadcast %jit3A_327 : i32 to vector<16xi32>
          %broadcast_in_dim3A_330 = vector.broadcast %jit3A_328 : i32 to vector<16xi32>
          %select_n3A_331 = arith.select %eq3A, %broadcast_in_dim3A_329, %broadcast_in_dim3A_330 : vector<16xi1>, vector<16xi32>
          %sub3A_332 = arith.constant 1 : i32
          %sub3A_333 = vector.broadcast %sub3A_332 : i32 to vector<16xi32>
          %sub3A_334 = arith.subi %iota3A, %sub3A_333 : vector<16xi32>
          %max3A = arith.constant 0 : i32
          %max3A_335 = vector.broadcast %max3A : i32 to vector<16xi32>
          %max3A_336 = arith.maxsi %sub3A_334, %max3A_335 : vector<16xi32>
          %lt3A_337 = arith.constant 0 : i32
          %lt3A_338 = vector.broadcast %lt3A_337 : i32 to vector<16xi32>
          %lt3A_339 = arith.cmpi slt, %max3A_336, %lt3A_338 : vector<16xi32>
          %add3A_340 = arith.constant 16 : i32
          %add3A_341 = vector.broadcast %add3A_340 : i32 to vector<16xi32>
          %add3A_342 = arith.addi %max3A_336, %add3A_341 : vector<16xi32>
          %select_n3A_343 = arith.select %lt3A_339, %add3A_342, %max3A_336 : vector<16xi1>, vector<16xi32>
          %broadcast_in_dim3A_344 = vector.shape_cast %select_n3A_343 : vector<16xi32> to vector<16x1xi32>
          %gather3A_345 = vector.shape_cast %broadcast_in_dim3A_344 : vector<16x1xi32> to vector<16xi32>
          %gather3A_346 = tpu.dynamic_gather %select_n3A_331[%gather3A_345] in [0] : vector<16xi32>, vector<16xi32> -> vector<16xi32>
          %ge3A = arith.constant 1 : i32
          %ge3A_347 = vector.broadcast %ge3A : i32 to vector<16xi32>
          %ge3A_348 = arith.cmpi sge, %iota3A, %ge3A_347 : vector<16xi32>
          %jit3A_349 = arith.constant 0 : i32
          %broadcast_in_dim3A_350 = vector.broadcast %jit3A_349 : i32 to vector<16xi32>
          %select_n3A_351 = arith.select %ge3A_348, %gather3A_346, %broadcast_in_dim3A_350 : vector<16xi1>, vector<16xi32>
          %add3A_352 = arith.addi %select_n3A_331, %select_n3A_351 : vector<16xi32>
          %sub3A_353 = arith.constant 2 : i32
          %sub3A_354 = vector.broadcast %sub3A_353 : i32 to vector<16xi32>
          %sub3A_355 = arith.subi %iota3A, %sub3A_354 : vector<16xi32>
          %max3A_356 = arith.constant 0 : i32
          %max3A_357 = vector.broadcast %max3A_356 : i32 to vector<16xi32>
          %max3A_358 = arith.maxsi %sub3A_355, %max3A_357 : vector<16xi32>
          %lt3A_359 = arith.constant 0 : i32
          %lt3A_360 = vector.broadcast %lt3A_359 : i32 to vector<16xi32>
          %lt3A_361 = arith.cmpi slt, %max3A_358, %lt3A_360 : vector<16xi32>
          %add3A_362 = arith.constant 16 : i32
          %add3A_363 = vector.broadcast %add3A_362 : i32 to vector<16xi32>
          %add3A_364 = arith.addi %max3A_358, %add3A_363 : vector<16xi32>
          %select_n3A_365 = arith.select %lt3A_361, %add3A_364, %max3A_358 : vector<16xi1>, vector<16xi32>
          %broadcast_in_dim3A_366 = vector.shape_cast %select_n3A_365 : vector<16xi32> to vector<16x1xi32>
          %gather3A_367 = vector.shape_cast %broadcast_in_dim3A_366 : vector<16x1xi32> to vector<16xi32>
          %gather3A_368 = tpu.dynamic_gather %add3A_352[%gather3A_367] in [0] : vector<16xi32>, vector<16xi32> -> vector<16xi32>
          %ge3A_369 = arith.constant 2 : i32
          %ge3A_370 = vector.broadcast %ge3A_369 : i32 to vector<16xi32>
          %ge3A_371 = arith.cmpi sge, %iota3A, %ge3A_370 : vector<16xi32>
          %jit3A_372 = arith.constant 0 : i32
          %broadcast_in_dim3A_373 = vector.broadcast %jit3A_372 : i32 to vector<16xi32>
          %select_n3A_374 = arith.select %ge3A_371, %gather3A_368, %broadcast_in_dim3A_373 : vector<16xi1>, vector<16xi32>
          %add3A_375 = arith.addi %add3A_352, %select_n3A_374 : vector<16xi32>
          %sub3A_376 = arith.constant 4 : i32
          %sub3A_377 = vector.broadcast %sub3A_376 : i32 to vector<16xi32>
          %sub3A_378 = arith.subi %iota3A, %sub3A_377 : vector<16xi32>
          %max3A_379 = arith.constant 0 : i32
          %max3A_380 = vector.broadcast %max3A_379 : i32 to vector<16xi32>
          %max3A_381 = arith.maxsi %sub3A_378, %max3A_380 : vector<16xi32>
          %lt3A_382 = arith.constant 0 : i32
          %lt3A_383 = vector.broadcast %lt3A_382 : i32 to vector<16xi32>
          %lt3A_384 = arith.cmpi slt, %max3A_381, %lt3A_383 : vector<16xi32>
          %add3A_385 = arith.constant 16 : i32
          %add3A_386 = vector.broadcast %add3A_385 : i32 to vector<16xi32>
          %add3A_387 = arith.addi %max3A_381, %add3A_386 : vector<16xi32>
          %select_n3A_388 = arith.select %lt3A_384, %add3A_387, %max3A_381 : vector<16xi1>, vector<16xi32>
          %broadcast_in_dim3A_389 = vector.shape_cast %select_n3A_388 : vector<16xi32> to vector<16x1xi32>
          %gather3A_390 = vector.shape_cast %broadcast_in_dim3A_389 : vector<16x1xi32> to vector<16xi32>
          %gather3A_391 = tpu.dynamic_gather %add3A_375[%gather3A_390] in [0] : vector<16xi32>, vector<16xi32> -> vector<16xi32>
          %ge3A_392 = arith.constant 4 : i32
          %ge3A_393 = vector.broadcast %ge3A_392 : i32 to vector<16xi32>
          %ge3A_394 = arith.cmpi sge, %iota3A, %ge3A_393 : vector<16xi32>
          %jit3A_395 = arith.constant 0 : i32
          %broadcast_in_dim3A_396 = vector.broadcast %jit3A_395 : i32 to vector<16xi32>
          %select_n3A_397 = arith.select %ge3A_394, %gather3A_391, %broadcast_in_dim3A_396 : vector<16xi1>, vector<16xi32>
          %add3A_398 = arith.addi %add3A_375, %select_n3A_397 : vector<16xi32>
          %sub3A_399 = arith.constant 8 : i32
          %sub3A_400 = vector.broadcast %sub3A_399 : i32 to vector<16xi32>
          %sub3A_401 = arith.subi %iota3A, %sub3A_400 : vector<16xi32>
          %max3A_402 = arith.constant 0 : i32
          %max3A_403 = vector.broadcast %max3A_402 : i32 to vector<16xi32>
          %max3A_404 = arith.maxsi %sub3A_401, %max3A_403 : vector<16xi32>
          %lt3A_405 = arith.constant 0 : i32
          %lt3A_406 = vector.broadcast %lt3A_405 : i32 to vector<16xi32>
          %lt3A_407 = arith.cmpi slt, %max3A_404, %lt3A_406 : vector<16xi32>
          %add3A_408 = arith.constant 16 : i32
          %add3A_409 = vector.broadcast %add3A_408 : i32 to vector<16xi32>
          %add3A_410 = arith.addi %max3A_404, %add3A_409 : vector<16xi32>
          %select_n3A_411 = arith.select %lt3A_407, %add3A_410, %max3A_404 : vector<16xi1>, vector<16xi32>
          %broadcast_in_dim3A_412 = vector.shape_cast %select_n3A_411 : vector<16xi32> to vector<16x1xi32>
          %gather3A_413 = vector.shape_cast %broadcast_in_dim3A_412 : vector<16x1xi32> to vector<16xi32>
          %gather3A_414 = tpu.dynamic_gather %add3A_398[%gather3A_413] in [0] : vector<16xi32>, vector<16xi32> -> vector<16xi32>
          %ge3A_415 = arith.constant 8 : i32
          %ge3A_416 = vector.broadcast %ge3A_415 : i32 to vector<16xi32>
          %ge3A_417 = arith.cmpi sge, %iota3A, %ge3A_416 : vector<16xi32>
          %jit3A_418 = arith.constant 0 : i32
          %broadcast_in_dim3A_419 = vector.broadcast %jit3A_418 : i32 to vector<16xi32>
          %select_n3A_420 = arith.select %ge3A_417, %gather3A_414, %broadcast_in_dim3A_419 : vector<16xi1>, vector<16xi32>
          %add3A_421 = arith.addi %add3A_398, %select_n3A_420 : vector<16xi32>
          %add3A_422 = arith.addi %scan3A_321, %add3A_421 : vector<16xi32>
          %le3A_423 = arith.cmpi sle, %add3A_422, %sub3A_313 : vector<16xi32>
          %and3A_424 = arith.andi %eq3A, %le3A_423 : vector<16xi1>
          %or3A = arith.ori %gt3A_326, %and3A_424 : vector<16xi1>
          %jit3A_425 = arith.constant 0.000000e+00 : f32
          %broadcast_in_dim3A_426 = vector.broadcast %jit3A_425 : f32 to vector<16xf32>
          %select_n3A_427 = arith.select %or3A, %get3A_325, %broadcast_in_dim3A_426 : vector<16xi1>, vector<16xf32>
          %mul3A_428 = arith.constant 16 : i32
          %mul3A_429 = arith.muli %scan3A_320, %mul3A_428 : i32
          %swap3A = arith.index_cast %mul3A_429 : i32 to index
          %swap3A_430 = tpu.vector_load %arg6[%swap3A] {strides = array<i32>} : memref<32768xf32, #tpu.memory_space<vmem>>, vector<16xf32>,
          %swap3A_431 = vector.shape_cast %swap3A_430 : vector<16xf32> to vector<16xf32>
          %swap3A_432 = vector.shape_cast %select_n3A_427 : vector<16xf32> to vector<16xf32>
          tpu.vector_store %arg6[%swap3A], %swap3A_432 {strides = array<i32>} : memref<32768xf32, #tpu.memory_space<vmem>>, vector<16xf32>,
          %jit3A_433 = arith.constant 1.000000e+00 : f32
          %jit3A_434 = arith.constant 0.000000e+00 : f32
          %broadcast_in_dim3A_435 = vector.broadcast %jit3A_433 : f32 to vector<16xf32>
          %broadcast_in_dim3A_436 = vector.broadcast %jit3A_434 : f32 to vector<16xf32>
          %select_n3A_437 = arith.select %or3A, %broadcast_in_dim3A_435, %broadcast_in_dim3A_436 : vector<16xi1>, vector<16xf32>
          %mul3A_438 = arith.constant 16 : i32
          %mul3A_439 = arith.muli %scan3A_320, %mul3A_438 : i32
          %swap3A_440 = arith.index_cast %mul3A_439 : i32 to index
          %swap3A_441 = tpu.vector_load %arg7[%swap3A_440] {strides = array<i32>} : memref<32768xf32, #tpu.memory_space<vmem>>, vector<16xf32>,
          %swap3A_442 = vector.shape_cast %swap3A_441 : vector<16xf32> to vector<16xf32>
          %swap3A_443 = vector.shape_cast %select_n3A_437 : vector<16xf32> to vector<16xf32>
          tpu.vector_store %arg7[%swap3A_440], %swap3A_443 {strides = array<i32>} : memref<32768xf32, #tpu.memory_space<vmem>>, vector<16xf32>,
          %xor3A_444 = arith.constant 1 : i32
          %xor3A_445 = vector.broadcast %xor3A_444 : i32 to vector<16xi32>
          %xor3A_446 = arith.xori %iota3A, %xor3A_445 : vector<16xi32>
          %lt3A_447 = arith.constant 0 : i32
          %lt3A_448 = vector.broadcast %lt3A_447 : i32 to vector<16xi32>
          %lt3A_449 = arith.cmpi slt, %xor3A_446, %lt3A_448 : vector<16xi32>
          %add3A_450 = arith.constant 16 : i32
          %add3A_451 = vector.broadcast %add3A_450 : i32 to vector<16xi32>
          %add3A_452 = arith.addi %xor3A_446, %add3A_451 : vector<16xi32>
          %select_n3A_453 = arith.select %lt3A_449, %add3A_452, %xor3A_446 : vector<16xi1>, vector<16xi32>
          %broadcast_in_dim3A_454 = vector.shape_cast %select_n3A_453 : vector<16xi32> to vector<16x1xi32>
          %gather3A_455 = vector.shape_cast %broadcast_in_dim3A_454 : vector<16x1xi32> to vector<16xi32>
          %gather3A_456 = tpu.dynamic_gather %select_n3A_331[%gather3A_455] in [0] : vector<16xi32>, vector<16xi32> -> vector<16xi32>
          %add3A_457 = arith.addi %select_n3A_331, %gather3A_456 : vector<16xi32>
          %xor3A_458 = arith.constant 2 : i32
          %xor3A_459 = vector.broadcast %xor3A_458 : i32 to vector<16xi32>
          %xor3A_460 = arith.xori %iota3A, %xor3A_459 : vector<16xi32>
          %lt3A_461 = arith.constant 0 : i32
          %lt3A_462 = vector.broadcast %lt3A_461 : i32 to vector<16xi32>
          %lt3A_463 = arith.cmpi slt, %xor3A_460, %lt3A_462 : vector<16xi32>
          %add3A_464 = arith.constant 16 : i32
          %add3A_465 = vector.broadcast %add3A_464 : i32 to vector<16xi32>
          %add3A_466 = arith.addi %xor3A_460, %add3A_465 : vector<16xi32>
          %select_n3A_467 = arith.select %lt3A_463, %add3A_466, %xor3A_460 : vector<16xi1>, vector<16xi32>
          %broadcast_in_dim3A_468 = vector.shape_cast %select_n3A_467 : vector<16xi32> to vector<16x1xi32>
          %gather3A_469 = vector.shape_cast %broadcast_in_dim3A_468 : vector<16x1xi32> to vector<16xi32>
          %gather3A_470 = tpu.dynamic_gather %add3A_457[%gather3A_469] in [0] : vector<16xi32>, vector<16xi32> -> vector<16xi32>
          %add3A_471 = arith.addi %add3A_457, %gather3A_470 : vector<16xi32>
          %xor3A_472 = arith.constant 4 : i32
          %xor3A_473 = vector.broadcast %xor3A_472 : i32 to vector<16xi32>
          %xor3A_474 = arith.xori %iota3A, %xor3A_473 : vector<16xi32>
          %lt3A_475 = arith.constant 0 : i32
          %lt3A_476 = vector.broadcast %lt3A_475 : i32 to vector<16xi32>
          %lt3A_477 = arith.cmpi slt, %xor3A_474, %lt3A_476 : vector<16xi32>
          %add3A_478 = arith.constant 16 : i32
          %add3A_479 = vector.broadcast %add3A_478 : i32 to vector<16xi32>
          %add3A_480 = arith.addi %xor3A_474, %add3A_479 : vector<16xi32>
          %select_n3A_481 = arith.select %lt3A_477, %add3A_480, %xor3A_474 : vector<16xi1>, vector<16xi32>
          %broadcast_in_dim3A_482 = vector.shape_cast %select_n3A_481 : vector<16xi32> to vector<16x1xi32>
          %gather3A_483 = vector.shape_cast %broadcast_in_dim3A_482 : vector<16x1xi32> to vector<16xi32>
          %gather3A_484 = tpu.dynamic_gather %add3A_471[%gather3A_483] in [0] : vector<16xi32>, vector<16xi32> -> vector<16xi32>
          %add3A_485 = arith.addi %add3A_471, %gather3A_484 : vector<16xi32>
          %xor3A_486 = arith.constant 8 : i32
          %xor3A_487 = vector.broadcast %xor3A_486 : i32 to vector<16xi32>
          %xor3A_488 = arith.xori %iota3A, %xor3A_487 : vector<16xi32>
          %lt3A_489 = arith.constant 0 : i32
          %lt3A_490 = vector.broadcast %lt3A_489 : i32 to vector<16xi32>
          %lt3A_491 = arith.cmpi slt, %xor3A_488, %lt3A_490 : vector<16xi32>
          %add3A_492 = arith.constant 16 : i32
          %add3A_493 = vector.broadcast %add3A_492 : i32 to vector<16xi32>
          %add3A_494 = arith.addi %xor3A_488, %add3A_493 : vector<16xi32>
          %select_n3A_495 = arith.select %lt3A_491, %add3A_494, %xor3A_488 : vector<16xi1>, vector<16xi32>
          %broadcast_in_dim3A_496 = vector.shape_cast %select_n3A_495 : vector<16xi32> to vector<16x1xi32>
          %gather3A_497 = vector.shape_cast %broadcast_in_dim3A_496 : vector<16x1xi32> to vector<16xi32>
          %gather3A_498 = tpu.dynamic_gather %add3A_485[%gather3A_497] in [0] : vector<16xi32>, vector<16xi32> -> vector<16xi32>
          %add3A_499 = arith.addi %add3A_485, %gather3A_498 : vector<16xi32>
          %add3A_500 = arith.addi %scan3A_321, %add3A_499 : vector<16xi32>
          scf.yield %add3A_500 : vector<16xi32>
        }
        %scan3A_319 = arith.constant 2048 : i32
      }
      %while3A_155 = arith.constant 1 : i32
      scf.for %while3A_172 = %while3A_153 to %while3A_149 step %while3A_155  : i32 {
        %broadcast_in_dim3A_173 = arith.constant 0xFF800000 : f32
        %broadcast_in_dim3A_174 = vector.broadcast %broadcast_in_dim3A_173 : f32 to vector<16xf32>
        %scan3A_175 = arith.constant 0 : i32
        %scan3A_176 = arith.constant 2048 : i32
        %scan3A_177 = arith.addi %scan3A_175, %scan3A_176 : i32
        %scan3A_178 = arith.constant 4 : i32
        %scan3A_179:64 = scf.for %scan3A_320 = %scan3A_175 to %scan3A_177 step %scan3A_178 iter_args(%scan3A_321 = %broadcast_in_dim3A_174, %scan3A_322 = %broadcast_in_dim3A_174, %scan3A_323 = %broadcast_in_dim3A_174, %scan3A_324 = %broadcast_in_dim3A_174, %scan3A_325 = %broadcast_in_dim3A_174, %scan3A_326 = %broadcast_in_dim3A_174, %scan3A_327 = %broadcast_in_dim3A_174, %scan3A_328 = %broadcast_in_dim3A_174, %scan3A_329 = %broadcast_in_dim3A_174, %scan3A_330 = %broadcast_in_dim3A_174, %scan3A_331 = %broadcast_in_dim3A_174, %scan3A_332 = %broadcast_in_dim3A_174, %scan3A_333 = %broadcast_in_dim3A_174, %scan3A_334 = %broadcast_in_dim3A_174, %scan3A_335 = %broadcast_in_dim3A_174, %scan3A_336 = %broadcast_in_dim3A_174, %scan3A_337 = %broadcast_in_dim3A_174, %scan3A_338 = %broadcast_in_dim3A_174, %scan3A_339 = %broadcast_in_dim3A_174, %scan3A_340 = %broadcast_in_dim3A_174, %scan3A_341 = %broadcast_in_dim3A_174, %scan3A_342 = %broadcast_in_dim3A_174, %scan3A_343 = %broadcast_in_dim3A_174, %scan3A_344 = %broadcast_in_dim3A_174, %scan3A_345 = %broadcast_in_dim3A_174, %scan3A_346 = %broadcast_in_dim3A_174, %scan3A_347 = %broadcast_in_dim3A_174, %scan3A_348 = %broadcast_in_dim3A_174, %scan3A_349 = %broadcast_in_dim3A_174, %scan3A_350 = %broadcast_in_dim3A_174, %scan3A_351 = %broadcast_in_dim3A_174, %scan3A_352 = %broadcast_in_dim3A_174, %scan3A_353 = %broadcast_in_dim3A_174, %scan3A_354 = %broadcast_in_dim3A_174, %scan3A_355 = %broadcast_in_dim3A_174, %scan3A_356 = %broadcast_in_dim3A_174, %scan3A_357 = %broadcast_in_dim3A_174, %scan3A_358 = %broadcast_in_dim3A_174, %scan3A_359 = %broadcast_in_dim3A_174, %scan3A_360 = %broadcast_in_dim3A_174, %scan3A_361 = %broadcast_in_dim3A_174, %scan3A_362 = %broadcast_in_dim3A_174, %scan3A_363 = %broadcast_in_dim3A_174, %scan3A_364 = %broadcast_in_dim3A_174, %scan3A_365 = %broadcast_in_dim3A_174, %scan3A_366 = %broadcast_in_dim3A_174, %scan3A_367 = %broadcast_in_dim3A_174, %scan3A_368 = %broadcast_in_dim3A_174, %scan3A_369 = %broadcast_in_dim3A_174, %scan3A_370 = %broadcast_in_dim3A_174, %scan3A_371 = %broadcast_in_dim3A_174, %scan3A_372 = %broadcast_in_dim3A_174, %scan3A_373 = %broadcast_in_dim3A_174, %scan3A_374 = %broadcast_in_dim3A_174, %scan3A_375 = %broadcast_in_dim3A_174, %scan3A_376 = %broadcast_in_dim3A_174, %scan3A_377 = %broadcast_in_dim3A_174, %scan3A_378 = %broadcast_in_dim3A_174, %scan3A_379 = %broadcast_in_dim3A_174, %scan3A_380 = %broadcast_in_dim3A_174, %scan3A_381 = %broadcast_in_dim3A_174, %scan3A_382 = %broadcast_in_dim3A_174, %scan3A_383 = %broadcast_in_dim3A_174, %scan3A_384 = %broadcast_in_dim3A_174) -> (vector<16xf32>, vector<16xf32>, vector<16xf32>, vector<16xf32>, vector<16xf32>, vector<16xf32>, vector<16xf32>, vector<16xf32>, vector<16xf32>, vector<16xf32>, vector<16xf32>, vector<16xf32>, vector<16xf32>, vector<16xf32>, vector<16xf32>, vector<16xf32>, vector<16xf32>, vector<16xf32>, vector<16xf32>, vector<16xf32>, vector<16xf32>, vector<16xf32>, vector<16xf32>, vector<16xf32>, vector<16xf32>, vector<16xf32>, vector<16xf32>, vector<16xf32>, vector<16xf32>, vector<16xf32>, vector<16xf32>, vector<16xf32>, vector<16xf32>, vector<16xf32>, vector<16xf32>, vector<16xf32>, vector<16xf32>, vector<16xf32>, vector<16xf32>, vector<16xf32>, vector<16xf32>, vector<16xf32>, vector<16xf32>, vector<16xf32>, vector<16xf32>, vector<16xf32>, vector<16xf32>, vector<16xf32>, vector<16xf32>, vector<16xf32>, vector<16xf32>, vector<16xf32>, vector<16xf32>, vector<16xf32>, vector<16xf32>, vector<16xf32>, vector<16xf32>, vector<16xf32>, vector<16xf32>, vector<16xf32>, vector<16xf32>, vector<16xf32>, vector<16xf32>, vector<16xf32>)  : i32 {
          %mul3A_385 = arith.constant 16 : i32
          %mul3A_386 = arith.muli %scan3A_320, %mul3A_385 : i32
          %get3A = arith.index_cast %mul3A_386 : i32 to index
          %get3A_387 = tpu.vector_load %arg5[%get3A] {strides = array<i32>} : memref<32768xf32, #tpu.memory_space<vmem>>, vector<16xf32>,
          %get3A_388 = vector.shape_cast %get3A_387 : vector<16xf32> to vector<16xf32>
          %max3A = arith.maximumf %scan3A_321, %get3A_388 : vector<16xf32>
          %min3A = arith.minimumf %scan3A_321, %get3A_388 : vector<16xf32>
          %max3A_389 = arith.maximumf %scan3A_322, %min3A : vector<16xf32>
          %min3A_390 = arith.minimumf %scan3A_322, %min3A : vector<16xf32>
          %max3A_391 = arith.maximumf %scan3A_323, %min3A_390 : vector<16xf32>
          %min3A_392 = arith.minimumf %scan3A_323, %min3A_390 : vector<16xf32>
          %max3A_393 = arith.maximumf %scan3A_324, %min3A_392 : vector<16xf32>
          %min3A_394 = arith.minimumf %scan3A_324, %min3A_392 : vector<16xf32>
          %max3A_395 = arith.maximumf %scan3A_325, %min3A_394 : vector<16xf32>
          %min3A_396 = arith.minimumf %scan3A_325, %min3A_394 : vector<16xf32>
          %max3A_397 = arith.maximumf %scan3A_326, %min3A_396 : vector<16xf32>
          %min3A_398 = arith.minimumf %scan3A_326, %min3A_396 : vector<16xf32>
          %max3A_399 = arith.maximumf %scan3A_327, %min3A_398 : vector<16xf32>
          %min3A_400 = arith.minimumf %scan3A_327, %min3A_398 : vector<16xf32>
          %max3A_401 = arith.maximumf %scan3A_328, %min3A_400 : vector<16xf32>
          %min3A_402 = arith.minimumf %scan3A_328, %min3A_400 : vector<16xf32>
          %max3A_403 = arith.maximumf %scan3A_329, %min3A_402 : vector<16xf32>
          %min3A_404 = arith.minimumf %scan3A_329, %min3A_402 : vector<16xf32>
          %max3A_405 = arith.maximumf %scan3A_330, %min3A_404 : vector<16xf32>
          %min3A_406 = arith.minimumf %scan3A_330, %min3A_404 : vector<16xf32>
          %max3A_407 = arith.maximumf %scan3A_331, %min3A_406 : vector<16xf32>
          %min3A_408 = arith.minimumf %scan3A_331, %min3A_406 : vector<16xf32>
          %max3A_409 = arith.maximumf %scan3A_332, %min3A_408 : vector<16xf32>
          %min3A_410 = arith.minimumf %scan3A_332, %min3A_408 : vector<16xf32>
          %max3A_411 = arith.maximumf %scan3A_333, %min3A_410 : vector<16xf32>
          %min3A_412 = arith.minimumf %scan3A_333, %min3A_410 : vector<16xf32>
          %max3A_413 = arith.maximumf %scan3A_334, %min3A_412 : vector<16xf32>
          %min3A_414 = arith.minimumf %scan3A_334, %min3A_412 : vector<16xf32>
          %max3A_415 = arith.maximumf %scan3A_335, %min3A_414 : vector<16xf32>
          %min3A_416 = arith.minimumf %scan3A_335, %min3A_414 : vector<16xf32>
          %max3A_417 = arith.maximumf %scan3A_336, %min3A_416 : vector<16xf32>
          %min3A_418 = arith.minimumf %scan3A_336, %min3A_416 : vector<16xf32>
          %max3A_419 = arith.maximumf %scan3A_337, %min3A_418 : vector<16xf32>
          %min3A_420 = arith.minimumf %scan3A_337, %min3A_418 : vector<16xf32>
          %max3A_421 = arith.maximumf %scan3A_338, %min3A_420 : vector<16xf32>
          %min3A_422 = arith.minimumf %scan3A_338, %min3A_420 : vector<16xf32>
          %max3A_423 = arith.maximumf %scan3A_339, %min3A_422 : vector<16xf32>
          %min3A_424 = arith.minimumf %scan3A_339, %min3A_422 : vector<16xf32>
          %max3A_425 = arith.maximumf %scan3A_340, %min3A_424 : vector<16xf32>
          %min3A_426 = arith.minimumf %scan3A_340, %min3A_424 : vector<16xf32>
          %max3A_427 = arith.maximumf %scan3A_341, %min3A_426 : vector<16xf32>
          %min3A_428 = arith.minimumf %scan3A_341, %min3A_426 : vector<16xf32>
          %max3A_429 = arith.maximumf %scan3A_342, %min3A_428 : vector<16xf32>
          %min3A_430 = arith.minimumf %scan3A_342, %min3A_428 : vector<16xf32>
          %max3A_431 = arith.maximumf %scan3A_343, %min3A_430 : vector<16xf32>
          %min3A_432 = arith.minimumf %scan3A_343, %min3A_430 : vector<16xf32>
          %max3A_433 = arith.maximumf %scan3A_344, %min3A_432 : vector<16xf32>
          %min3A_434 = arith.minimumf %scan3A_344, %min3A_432 : vector<16xf32>
          %max3A_435 = arith.maximumf %scan3A_345, %min3A_434 : vector<16xf32>
          %min3A_436 = arith.minimumf %scan3A_345, %min3A_434 : vector<16xf32>
          %max3A_437 = arith.maximumf %scan3A_346, %min3A_436 : vector<16xf32>
          %min3A_438 = arith.minimumf %scan3A_346, %min3A_436 : vector<16xf32>
          %max3A_439 = arith.maximumf %scan3A_347, %min3A_438 : vector<16xf32>
          %min3A_440 = arith.minimumf %scan3A_347, %min3A_438 : vector<16xf32>
          %max3A_441 = arith.maximumf %scan3A_348, %min3A_440 : vector<16xf32>
          %min3A_442 = arith.minimumf %scan3A_348, %min3A_440 : vector<16xf32>
          %max3A_443 = arith.maximumf %scan3A_349, %min3A_442 : vector<16xf32>
          %min3A_444 = arith.minimumf %scan3A_349, %min3A_442 : vector<16xf32>
          %max3A_445 = arith.maximumf %scan3A_350, %min3A_444 : vector<16xf32>
          %min3A_446 = arith.minimumf %scan3A_350, %min3A_444 : vector<16xf32>
          %max3A_447 = arith.maximumf %scan3A_351, %min3A_446 : vector<16xf32>
          %min3A_448 = arith.minimumf %scan3A_351, %min3A_446 : vector<16xf32>
          %max3A_449 = arith.maximumf %scan3A_352, %min3A_448 : vector<16xf32>
          %min3A_450 = arith.minimumf %scan3A_352, %min3A_448 : vector<16xf32>
          %max3A_451 = arith.maximumf %scan3A_353, %min3A_450 : vector<16xf32>
          %min3A_452 = arith.minimumf %scan3A_353, %min3A_450 : vector<16xf32>
          %max3A_453 = arith.maximumf %scan3A_354, %min3A_452 : vector<16xf32>
          %min3A_454 = arith.minimumf %scan3A_354, %min3A_452 : vector<16xf32>
          %max3A_455 = arith.maximumf %scan3A_355, %min3A_454 : vector<16xf32>
          %min3A_456 = arith.minimumf %scan3A_355, %min3A_454 : vector<16xf32>
          %max3A_457 = arith.maximumf %scan3A_356, %min3A_456 : vector<16xf32>
          %min3A_458 = arith.minimumf %scan3A_356, %min3A_456 : vector<16xf32>
          %max3A_459 = arith.maximumf %scan3A_357, %min3A_458 : vector<16xf32>
          %min3A_460 = arith.minimumf %scan3A_357, %min3A_458 : vector<16xf32>
          %max3A_461 = arith.maximumf %scan3A_358, %min3A_460 : vector<16xf32>
          %min3A_462 = arith.minimumf %scan3A_358, %min3A_460 : vector<16xf32>
          %max3A_463 = arith.maximumf %scan3A_359, %min3A_462 : vector<16xf32>
          %min3A_464 = arith.minimumf %scan3A_359, %min3A_462 : vector<16xf32>
          %max3A_465 = arith.maximumf %scan3A_360, %min3A_464 : vector<16xf32>
          %min3A_466 = arith.minimumf %scan3A_360, %min3A_464 : vector<16xf32>
          %max3A_467 = arith.maximumf %scan3A_361, %min3A_466 : vector<16xf32>
          %min3A_468 = arith.minimumf %scan3A_361, %min3A_466 : vector<16xf32>
          %max3A_469 = arith.maximumf %scan3A_362, %min3A_468 : vector<16xf32>
          %min3A_470 = arith.minimumf %scan3A_362, %min3A_468 : vector<16xf32>
          %max3A_471 = arith.maximumf %scan3A_363, %min3A_470 : vector<16xf32>
          %min3A_472 = arith.minimumf %scan3A_363, %min3A_470 : vector<16xf32>
          %max3A_473 = arith.maximumf %scan3A_364, %min3A_472 : vector<16xf32>
          %min3A_474 = arith.minimumf %scan3A_364, %min3A_472 : vector<16xf32>
          %max3A_475 = arith.maximumf %scan3A_365, %min3A_474 : vector<16xf32>
          %min3A_476 = arith.minimumf %scan3A_365, %min3A_474 : vector<16xf32>
          %max3A_477 = arith.maximumf %scan3A_366, %min3A_476 : vector<16xf32>
          %min3A_478 = arith.minimumf %scan3A_366, %min3A_476 : vector<16xf32>
          %max3A_479 = arith.maximumf %scan3A_367, %min3A_478 : vector<16xf32>
          %min3A_480 = arith.minimumf %scan3A_367, %min3A_478 : vector<16xf32>
          %max3A_481 = arith.maximumf %scan3A_368, %min3A_480 : vector<16xf32>
          %min3A_482 = arith.minimumf %scan3A_368, %min3A_480 : vector<16xf32>
          %max3A_483 = arith.maximumf %scan3A_369, %min3A_482 : vector<16xf32>
          %min3A_484 = arith.minimumf %scan3A_369, %min3A_482 : vector<16xf32>
          %max3A_485 = arith.maximumf %scan3A_370, %min3A_484 : vector<16xf32>
          %min3A_486 = arith.minimumf %scan3A_370, %min3A_484 : vector<16xf32>
          %max3A_487 = arith.maximumf %scan3A_371, %min3A_486 : vector<16xf32>
          %min3A_488 = arith.minimumf %scan3A_371, %min3A_486 : vector<16xf32>
          %max3A_489 = arith.maximumf %scan3A_372, %min3A_488 : vector<16xf32>
          %min3A_490 = arith.minimumf %scan3A_372, %min3A_488 : vector<16xf32>
          %max3A_491 = arith.maximumf %scan3A_373, %min3A_490 : vector<16xf32>
          %min3A_492 = arith.minimumf %scan3A_373, %min3A_490 : vector<16xf32>
          %max3A_493 = arith.maximumf %scan3A_374, %min3A_492 : vector<16xf32>
          %min3A_494 = arith.minimumf %scan3A_374, %min3A_492 : vector<16xf32>
          %max3A_495 = arith.maximumf %scan3A_375, %min3A_494 : vector<16xf32>
          %min3A_496 = arith.minimumf %scan3A_375, %min3A_494 : vector<16xf32>
          %max3A_497 = arith.maximumf %scan3A_376, %min3A_496 : vector<16xf32>
          %min3A_498 = arith.minimumf %scan3A_376, %min3A_496 : vector<16xf32>
          %max3A_499 = arith.maximumf %scan3A_377, %min3A_498 : vector<16xf32>
          %min3A_500 = arith.minimumf %scan3A_377, %min3A_498 : vector<16xf32>
          %max3A_501 = arith.maximumf %scan3A_378, %min3A_500 : vector<16xf32>
          %min3A_502 = arith.minimumf %scan3A_378, %min3A_500 : vector<16xf32>
          %max3A_503 = arith.maximumf %scan3A_379, %min3A_502 : vector<16xf32>
          %min3A_504 = arith.minimumf %scan3A_379, %min3A_502 : vector<16xf32>
          %max3A_505 = arith.maximumf %scan3A_380, %min3A_504 : vector<16xf32>
          %min3A_506 = arith.minimumf %scan3A_380, %min3A_504 : vector<16xf32>
          %max3A_507 = arith.maximumf %scan3A_381, %min3A_506 : vector<16xf32>
          %min3A_508 = arith.minimumf %scan3A_381, %min3A_506 : vector<16xf32>
          %max3A_509 = arith.maximumf %scan3A_382, %min3A_508 : vector<16xf32>
          %min3A_510 = arith.minimumf %scan3A_382, %min3A_508 : vector<16xf32>
          %max3A_511 = arith.maximumf %scan3A_383, %min3A_510 : vector<16xf32>
          %min3A_512 = arith.minimumf %scan3A_383, %min3A_510 : vector<16xf32>
          %max3A_513 = arith.maximumf %scan3A_384, %min3A_512 : vector<16xf32>
          %min3A_514 = arith.minimumf %scan3A_384, %min3A_512 : vector<16xf32>
          %scan3A_515 = arith.constant 1 : i32
          %scan3A_516 = arith.addi %scan3A_320, %scan3A_515 : i32
          %mul3A_517 = arith.constant 16 : i32
          %mul3A_518 = arith.muli %scan3A_516, %mul3A_517 : i32
          %get3A_519 = arith.index_cast %mul3A_518 : i32 to index
          %get3A_520 = tpu.vector_load %arg5[%get3A_519] {strides = array<i32>} : memref<32768xf32, #tpu.memory_space<vmem>>, vector<16xf32>,
          %get3A_521 = vector.shape_cast %get3A_520 : vector<16xf32> to vector<16xf32>
          %max3A_522 = arith.maximumf %max3A, %get3A_521 : vector<16xf32>
          %min3A_523 = arith.minimumf %max3A, %get3A_521 : vector<16xf32>
          %max3A_524 = arith.maximumf %max3A_389, %min3A_523 : vector<16xf32>
          %min3A_525 = arith.minimumf %max3A_389, %min3A_523 : vector<16xf32>
          %max3A_526 = arith.maximumf %max3A_391, %min3A_525 : vector<16xf32>
          %min3A_527 = arith.minimumf %max3A_391, %min3A_525 : vector<16xf32>
          %max3A_528 = arith.maximumf %max3A_393, %min3A_527 : vector<16xf32>
          %min3A_529 = arith.minimumf %max3A_393, %min3A_527 : vector<16xf32>
          %max3A_530 = arith.maximumf %max3A_395, %min3A_529 : vector<16xf32>
          %min3A_531 = arith.minimumf %max3A_395, %min3A_529 : vector<16xf32>
          %max3A_532 = arith.maximumf %max3A_397, %min3A_531 : vector<16xf32>
          %min3A_533 = arith.minimumf %max3A_397, %min3A_531 : vector<16xf32>
          %max3A_534 = arith.maximumf %max3A_399, %min3A_533 : vector<16xf32>
          %min3A_535 = arith.minimumf %max3A_399, %min3A_533 : vector<16xf32>
          %max3A_536 = arith.maximumf %max3A_401, %min3A_535 : vector<16xf32>
          %min3A_537 = arith.minimumf %max3A_401, %min3A_535 : vector<16xf32>
          %max3A_538 = arith.maximumf %max3A_403, %min3A_537 : vector<16xf32>
          %min3A_539 = arith.minimumf %max3A_403, %min3A_537 : vector<16xf32>
          %max3A_540 = arith.maximumf %max3A_405, %min3A_539 : vector<16xf32>
          %min3A_541 = arith.minimumf %max3A_405, %min3A_539 : vector<16xf32>
          %max3A_542 = arith.maximumf %max3A_407, %min3A_541 : vector<16xf32>
          %min3A_543 = arith.minimumf %max3A_407, %min3A_541 : vector<16xf32>
          %max3A_544 = arith.maximumf %max3A_409, %min3A_543 : vector<16xf32>
          %min3A_545 = arith.minimumf %max3A_409, %min3A_543 : vector<16xf32>
          %max3A_546 = arith.maximumf %max3A_411, %min3A_545 : vector<16xf32>
          %min3A_547 = arith.minimumf %max3A_411, %min3A_545 : vector<16xf32>
          %max3A_548 = arith.maximumf %max3A_413, %min3A_547 : vector<16xf32>
          %min3A_549 = arith.minimumf %max3A_413, %min3A_547 : vector<16xf32>
          %max3A_550 = arith.maximumf %max3A_415, %min3A_549 : vector<16xf32>
          %min3A_551 = arith.minimumf %max3A_415, %min3A_549 : vector<16xf32>
          %max3A_552 = arith.maximumf %max3A_417, %min3A_551 : vector<16xf32>
          %min3A_553 = arith.minimumf %max3A_417, %min3A_551 : vector<16xf32>
          %max3A_554 = arith.maximumf %max3A_419, %min3A_553 : vector<16xf32>
          %min3A_555 = arith.minimumf %max3A_419, %min3A_553 : vector<16xf32>
          %max3A_556 = arith.maximumf %max3A_421, %min3A_555 : vector<16xf32>
          %min3A_557 = arith.minimumf %max3A_421, %min3A_555 : vector<16xf32>
          %max3A_558 = arith.maximumf %max3A_423, %min3A_557 : vector<16xf32>
          %min3A_559 = arith.minimumf %max3A_423, %min3A_557 : vector<16xf32>
          %max3A_560 = arith.maximumf %max3A_425, %min3A_559 : vector<16xf32>
          %min3A_561 = arith.minimumf %max3A_425, %min3A_559 : vector<16xf32>
          %max3A_562 = arith.maximumf %max3A_427, %min3A_561 : vector<16xf32>
          %min3A_563 = arith.minimumf %max3A_427, %min3A_561 : vector<16xf32>
          %max3A_564 = arith.maximumf %max3A_429, %min3A_563 : vector<16xf32>
          %min3A_565 = arith.minimumf %max3A_429, %min3A_563 : vector<16xf32>
          %max3A_566 = arith.maximumf %max3A_431, %min3A_565 : vector<16xf32>
          %min3A_567 = arith.minimumf %max3A_431, %min3A_565 : vector<16xf32>
          %max3A_568 = arith.maximumf %max3A_433, %min3A_567 : vector<16xf32>
          %min3A_569 = arith.minimumf %max3A_433, %min3A_567 : vector<16xf32>
          %max3A_570 = arith.maximumf %max3A_435, %min3A_569 : vector<16xf32>
          %min3A_571 = arith.minimumf %max3A_435, %min3A_569 : vector<16xf32>
          %max3A_572 = arith.maximumf %max3A_437, %min3A_571 : vector<16xf32>
          %min3A_573 = arith.minimumf %max3A_437, %min3A_571 : vector<16xf32>
          %max3A_574 = arith.maximumf %max3A_439, %min3A_573 : vector<16xf32>
          %min3A_575 = arith.minimumf %max3A_439, %min3A_573 : vector<16xf32>
          %max3A_576 = arith.maximumf %max3A_441, %min3A_575 : vector<16xf32>
          %min3A_577 = arith.minimumf %max3A_441, %min3A_575 : vector<16xf32>
          %max3A_578 = arith.maximumf %max3A_443, %min3A_577 : vector<16xf32>
          %min3A_579 = arith.minimumf %max3A_443, %min3A_577 : vector<16xf32>
          %max3A_580 = arith.maximumf %max3A_445, %min3A_579 : vector<16xf32>
          %min3A_581 = arith.minimumf %max3A_445, %min3A_579 : vector<16xf32>
          %max3A_582 = arith.maximumf %max3A_447, %min3A_581 : vector<16xf32>
          %min3A_583 = arith.minimumf %max3A_447, %min3A_581 : vector<16xf32>
          %max3A_584 = arith.maximumf %max3A_449, %min3A_583 : vector<16xf32>
          %min3A_585 = arith.minimumf %max3A_449, %min3A_583 : vector<16xf32>
          %max3A_586 = arith.maximumf %max3A_451, %min3A_585 : vector<16xf32>
          %min3A_587 = arith.minimumf %max3A_451, %min3A_585 : vector<16xf32>
          %max3A_588 = arith.maximumf %max3A_453, %min3A_587 : vector<16xf32>
          %min3A_589 = arith.minimumf %max3A_453, %min3A_587 : vector<16xf32>
          %max3A_590 = arith.maximumf %max3A_455, %min3A_589 : vector<16xf32>
          %min3A_591 = arith.minimumf %max3A_455, %min3A_589 : vector<16xf32>
          %max3A_592 = arith.maximumf %max3A_457, %min3A_591 : vector<16xf32>
          %min3A_593 = arith.minimumf %max3A_457, %min3A_591 : vector<16xf32>
          %max3A_594 = arith.maximumf %max3A_459, %min3A_593 : vector<16xf32>
          %min3A_595 = arith.minimumf %max3A_459, %min3A_593 : vector<16xf32>
          %max3A_596 = arith.maximumf %max3A_461, %min3A_595 : vector<16xf32>
          %min3A_597 = arith.minimumf %max3A_461, %min3A_595 : vector<16xf32>
          %max3A_598 = arith.maximumf %max3A_463, %min3A_597 : vector<16xf32>
          %min3A_599 = arith.minimumf %max3A_463, %min3A_597 : vector<16xf32>
          %max3A_600 = arith.maximumf %max3A_465, %min3A_599 : vector<16xf32>
          %min3A_601 = arith.minimumf %max3A_465, %min3A_599 : vector<16xf32>
          %max3A_602 = arith.maximumf %max3A_467, %min3A_601 : vector<16xf32>
          %min3A_603 = arith.minimumf %max3A_467, %min3A_601 : vector<16xf32>
          %max3A_604 = arith.maximumf %max3A_469, %min3A_603 : vector<16xf32>
          %min3A_605 = arith.minimumf %max3A_469, %min3A_603 : vector<16xf32>
          %max3A_606 = arith.maximumf %max3A_471, %min3A_605 : vector<16xf32>
          %min3A_607 = arith.minimumf %max3A_471, %min3A_605 : vector<16xf32>
          %max3A_608 = arith.maximumf %max3A_473, %min3A_607 : vector<16xf32>
          %min3A_609 = arith.minimumf %max3A_473, %min3A_607 : vector<16xf32>
          %max3A_610 = arith.maximumf %max3A_475, %min3A_609 : vector<16xf32>
          %min3A_611 = arith.minimumf %max3A_475, %min3A_609 : vector<16xf32>
          %max3A_612 = arith.maximumf %max3A_477, %min3A_611 : vector<16xf32>
          %min3A_613 = arith.minimumf %max3A_477, %min3A_611 : vector<16xf32>
          %max3A_614 = arith.maximumf %max3A_479, %min3A_613 : vector<16xf32>
          %min3A_615 = arith.minimumf %max3A_479, %min3A_613 : vector<16xf32>
          %max3A_616 = arith.maximumf %max3A_481, %min3A_615 : vector<16xf32>
          %min3A_617 = arith.minimumf %max3A_481, %min3A_615 : vector<16xf32>
          %max3A_618 = arith.maximumf %max3A_483, %min3A_617 : vector<16xf32>
          %min3A_619 = arith.minimumf %max3A_483, %min3A_617 : vector<16xf32>
          %max3A_620 = arith.maximumf %max3A_485, %min3A_619 : vector<16xf32>
          %min3A_621 = arith.minimumf %max3A_485, %min3A_619 : vector<16xf32>
          %max3A_622 = arith.maximumf %max3A_487, %min3A_621 : vector<16xf32>
          %min3A_623 = arith.minimumf %max3A_487, %min3A_621 : vector<16xf32>
          %max3A_624 = arith.maximumf %max3A_489, %min3A_623 : vector<16xf32>
          %min3A_625 = arith.minimumf %max3A_489, %min3A_623 : vector<16xf32>
          %max3A_626 = arith.maximumf %max3A_491, %min3A_625 : vector<16xf32>
          %min3A_627 = arith.minimumf %max3A_491, %min3A_625 : vector<16xf32>
          %max3A_628 = arith.maximumf %max3A_493, %min3A_627 : vector<16xf32>
          %min3A_629 = arith.minimumf %max3A_493, %min3A_627 : vector<16xf32>
          %max3A_630 = arith.maximumf %max3A_495, %min3A_629 : vector<16xf32>
          %min3A_631 = arith.minimumf %max3A_495, %min3A_629 : vector<16xf32>
          %max3A_632 = arith.maximumf %max3A_497, %min3A_631 : vector<16xf32>
          %min3A_633 = arith.minimumf %max3A_497, %min3A_631 : vector<16xf32>
          %max3A_634 = arith.maximumf %max3A_499, %min3A_633 : vector<16xf32>
          %min3A_635 = arith.minimumf %max3A_499, %min3A_633 : vector<16xf32>
          %max3A_636 = arith.maximumf %max3A_501, %min3A_635 : vector<16xf32>
          %min3A_637 = arith.minimumf %max3A_501, %min3A_635 : vector<16xf32>
          %max3A_638 = arith.maximumf %max3A_503, %min3A_637 : vector<16xf32>
          %min3A_639 = arith.minimumf %max3A_503, %min3A_637 : vector<16xf32>
          %max3A_640 = arith.maximumf %max3A_505, %min3A_639 : vector<16xf32>
          %min3A_641 = arith.minimumf %max3A_505, %min3A_639 : vector<16xf32>
          %max3A_642 = arith.maximumf %max3A_507, %min3A_641 : vector<16xf32>
          %min3A_643 = arith.minimumf %max3A_507, %min3A_641 : vector<16xf32>
          %max3A_644 = arith.maximumf %max3A_509, %min3A_643 : vector<16xf32>
          %min3A_645 = arith.minimumf %max3A_509, %min3A_643 : vector<16xf32>
          %max3A_646 = arith.maximumf %max3A_511, %min3A_645 : vector<16xf32>
          %min3A_647 = arith.minimumf %max3A_511, %min3A_645 : vector<16xf32>
          %max3A_648 = arith.maximumf %max3A_513, %min3A_647 : vector<16xf32>
          %min3A_649 = arith.minimumf %max3A_513, %min3A_647 : vector<16xf32>
          %scan3A_650 = arith.constant 2 : i32
          %scan3A_651 = arith.addi %scan3A_320, %scan3A_650 : i32
          %mul3A_652 = arith.constant 16 : i32
          %mul3A_653 = arith.muli %scan3A_651, %mul3A_652 : i32
          %get3A_654 = arith.index_cast %mul3A_653 : i32 to index
          %get3A_655 = tpu.vector_load %arg5[%get3A_654] {strides = array<i32>} : memref<32768xf32, #tpu.memory_space<vmem>>, vector<16xf32>,
          %get3A_656 = vector.shape_cast %get3A_655 : vector<16xf32> to vector<16xf32>
          %max3A_657 = arith.maximumf %max3A_522, %get3A_656 : vector<16xf32>
          %min3A_658 = arith.minimumf %max3A_522, %get3A_656 : vector<16xf32>
          %max3A_659 = arith.maximumf %max3A_524, %min3A_658 : vector<16xf32>
          %min3A_660 = arith.minimumf %max3A_524, %min3A_658 : vector<16xf32>
          %max3A_661 = arith.maximumf %max3A_526, %min3A_660 : vector<16xf32>
          %min3A_662 = arith.minimumf %max3A_526, %min3A_660 : vector<16xf32>
          %max3A_663 = arith.maximumf %max3A_528, %min3A_662 : vector<16xf32>
          %min3A_664 = arith.minimumf %max3A_528, %min3A_662 : vector<16xf32>
          %max3A_665 = arith.maximumf %max3A_530, %min3A_664 : vector<16xf32>
          %min3A_666 = arith.minimumf %max3A_530, %min3A_664 : vector<16xf32>
          %max3A_667 = arith.maximumf %max3A_532, %min3A_666 : vector<16xf32>
          %min3A_668 = arith.minimumf %max3A_532, %min3A_666 : vector<16xf32>
          %max3A_669 = arith.maximumf %max3A_534, %min3A_668 : vector<16xf32>
          %min3A_670 = arith.minimumf %max3A_534, %min3A_668 : vector<16xf32>
          %max3A_671 = arith.maximumf %max3A_536, %min3A_670 : vector<16xf32>
          %min3A_672 = arith.minimumf %max3A_536, %min3A_670 : vector<16xf32>
          %max3A_673 = arith.maximumf %max3A_538, %min3A_672 : vector<16xf32>
          %min3A_674 = arith.minimumf %max3A_538, %min3A_672 : vector<16xf32>
          %max3A_675 = arith.maximumf %max3A_540, %min3A_674 : vector<16xf32>
          %min3A_676 = arith.minimumf %max3A_540, %min3A_674 : vector<16xf32>
          %max3A_677 = arith.maximumf %max3A_542, %min3A_676 : vector<16xf32>
          %min3A_678 = arith.minimumf %max3A_542, %min3A_676 : vector<16xf32>
          %max3A_679 = arith.maximumf %max3A_544, %min3A_678 : vector<16xf32>
          %min3A_680 = arith.minimumf %max3A_544, %min3A_678 : vector<16xf32>
          %max3A_681 = arith.maximumf %max3A_546, %min3A_680 : vector<16xf32>
          %min3A_682 = arith.minimumf %max3A_546, %min3A_680 : vector<16xf32>
          %max3A_683 = arith.maximumf %max3A_548, %min3A_682 : vector<16xf32>
          %min3A_684 = arith.minimumf %max3A_548, %min3A_682 : vector<16xf32>
          %max3A_685 = arith.maximumf %max3A_550, %min3A_684 : vector<16xf32>
          %min3A_686 = arith.minimumf %max3A_550, %min3A_684 : vector<16xf32>
          %max3A_687 = arith.maximumf %max3A_552, %min3A_686 : vector<16xf32>
          %min3A_688 = arith.minimumf %max3A_552, %min3A_686 : vector<16xf32>
          %max3A_689 = arith.maximumf %max3A_554, %min3A_688 : vector<16xf32>
          %min3A_690 = arith.minimumf %max3A_554, %min3A_688 : vector<16xf32>
          %max3A_691 = arith.maximumf %max3A_556, %min3A_690 : vector<16xf32>
          %min3A_692 = arith.minimumf %max3A_556, %min3A_690 : vector<16xf32>
          %max3A_693 = arith.maximumf %max3A_558, %min3A_692 : vector<16xf32>
          %min3A_694 = arith.minimumf %max3A_558, %min3A_692 : vector<16xf32>
          %max3A_695 = arith.maximumf %max3A_560, %min3A_694 : vector<16xf32>
          %min3A_696 = arith.minimumf %max3A_560, %min3A_694 : vector<16xf32>
          %max3A_697 = arith.maximumf %max3A_562, %min3A_696 : vector<16xf32>
          %min3A_698 = arith.minimumf %max3A_562, %min3A_696 : vector<16xf32>
          %max3A_699 = arith.maximumf %max3A_564, %min3A_698 : vector<16xf32>
          %min3A_700 = arith.minimumf %max3A_564, %min3A_698 : vector<16xf32>
          %max3A_701 = arith.maximumf %max3A_566, %min3A_700 : vector<16xf32>
          %min3A_702 = arith.minimumf %max3A_566, %min3A_700 : vector<16xf32>
          %max3A_703 = arith.maximumf %max3A_568, %min3A_702 : vector<16xf32>
          %min3A_704 = arith.minimumf %max3A_568, %min3A_702 : vector<16xf32>
          %max3A_705 = arith.maximumf %max3A_570, %min3A_704 : vector<16xf32>
          %min3A_706 = arith.minimumf %max3A_570, %min3A_704 : vector<16xf32>
          %max3A_707 = arith.maximumf %max3A_572, %min3A_706 : vector<16xf32>
          %min3A_708 = arith.minimumf %max3A_572, %min3A_706 : vector<16xf32>
          %max3A_709 = arith.maximumf %max3A_574, %min3A_708 : vector<16xf32>
          %min3A_710 = arith.minimumf %max3A_574, %min3A_708 : vector<16xf32>
          %max3A_711 = arith.maximumf %max3A_576, %min3A_710 : vector<16xf32>
          %min3A_712 = arith.minimumf %max3A_576, %min3A_710 : vector<16xf32>
          %max3A_713 = arith.maximumf %max3A_578, %min3A_712 : vector<16xf32>
          %min3A_714 = arith.minimumf %max3A_578, %min3A_712 : vector<16xf32>
          %max3A_715 = arith.maximumf %max3A_580, %min3A_714 : vector<16xf32>
          %min3A_716 = arith.minimumf %max3A_580, %min3A_714 : vector<16xf32>
          %max3A_717 = arith.maximumf %max3A_582, %min3A_716 : vector<16xf32>
          %min3A_718 = arith.minimumf %max3A_582, %min3A_716 : vector<16xf32>
          %max3A_719 = arith.maximumf %max3A_584, %min3A_718 : vector<16xf32>
          %min3A_720 = arith.minimumf %max3A_584, %min3A_718 : vector<16xf32>
          %max3A_721 = arith.maximumf %max3A_586, %min3A_720 : vector<16xf32>
          %min3A_722 = arith.minimumf %max3A_586, %min3A_720 : vector<16xf32>
          %max3A_723 = arith.maximumf %max3A_588, %min3A_722 : vector<16xf32>
          %min3A_724 = arith.minimumf %max3A_588, %min3A_722 : vector<16xf32>
          %max3A_725 = arith.maximumf %max3A_590, %min3A_724 : vector<16xf32>
          %min3A_726 = arith.minimumf %max3A_590, %min3A_724 : vector<16xf32>
          %max3A_727 = arith.maximumf %max3A_592, %min3A_726 : vector<16xf32>
          %min3A_728 = arith.minimumf %max3A_592, %min3A_726 : vector<16xf32>
          %max3A_729 = arith.maximumf %max3A_594, %min3A_728 : vector<16xf32>
          %min3A_730 = arith.minimumf %max3A_594, %min3A_728 : vector<16xf32>
          %max3A_731 = arith.maximumf %max3A_596, %min3A_730 : vector<16xf32>
          %min3A_732 = arith.minimumf %max3A_596, %min3A_730 : vector<16xf32>
          %max3A_733 = arith.maximumf %max3A_598, %min3A_732 : vector<16xf32>
          %min3A_734 = arith.minimumf %max3A_598, %min3A_732 : vector<16xf32>
          %max3A_735 = arith.maximumf %max3A_600, %min3A_734 : vector<16xf32>
          %min3A_736 = arith.minimumf %max3A_600, %min3A_734 : vector<16xf32>
          %max3A_737 = arith.maximumf %max3A_602, %min3A_736 : vector<16xf32>
          %min3A_738 = arith.minimumf %max3A_602, %min3A_736 : vector<16xf32>
          %max3A_739 = arith.maximumf %max3A_604, %min3A_738 : vector<16xf32>
          %min3A_740 = arith.minimumf %max3A_604, %min3A_738 : vector<16xf32>
          %max3A_741 = arith.maximumf %max3A_606, %min3A_740 : vector<16xf32>
          %min3A_742 = arith.minimumf %max3A_606, %min3A_740 : vector<16xf32>
          %max3A_743 = arith.maximumf %max3A_608, %min3A_742 : vector<16xf32>
          %min3A_744 = arith.minimumf %max3A_608, %min3A_742 : vector<16xf32>
          %max3A_745 = arith.maximumf %max3A_610, %min3A_744 : vector<16xf32>
          %min3A_746 = arith.minimumf %max3A_610, %min3A_744 : vector<16xf32>
          %max3A_747 = arith.maximumf %max3A_612, %min3A_746 : vector<16xf32>
          %min3A_748 = arith.minimumf %max3A_612, %min3A_746 : vector<16xf32>
          %max3A_749 = arith.maximumf %max3A_614, %min3A_748 : vector<16xf32>
          %min3A_750 = arith.minimumf %max3A_614, %min3A_748 : vector<16xf32>
          %max3A_751 = arith.maximumf %max3A_616, %min3A_750 : vector<16xf32>
          %min3A_752 = arith.minimumf %max3A_616, %min3A_750 : vector<16xf32>
          %max3A_753 = arith.maximumf %max3A_618, %min3A_752 : vector<16xf32>
          %min3A_754 = arith.minimumf %max3A_618, %min3A_752 : vector<16xf32>
          %max3A_755 = arith.maximumf %max3A_620, %min3A_754 : vector<16xf32>
          %min3A_756 = arith.minimumf %max3A_620, %min3A_754 : vector<16xf32>
          %max3A_757 = arith.maximumf %max3A_622, %min3A_756 : vector<16xf32>
          %min3A_758 = arith.minimumf %max3A_622, %min3A_756 : vector<16xf32>
          %max3A_759 = arith.maximumf %max3A_624, %min3A_758 : vector<16xf32>
          %min3A_760 = arith.minimumf %max3A_624, %min3A_758 : vector<16xf32>
          %max3A_761 = arith.maximumf %max3A_626, %min3A_760 : vector<16xf32>
          %min3A_762 = arith.minimumf %max3A_626, %min3A_760 : vector<16xf32>
          %max3A_763 = arith.maximumf %max3A_628, %min3A_762 : vector<16xf32>
          %min3A_764 = arith.minimumf %max3A_628, %min3A_762 : vector<16xf32>
          %max3A_765 = arith.maximumf %max3A_630, %min3A_764 : vector<16xf32>
          %min3A_766 = arith.minimumf %max3A_630, %min3A_764 : vector<16xf32>
          %max3A_767 = arith.maximumf %max3A_632, %min3A_766 : vector<16xf32>
          %min3A_768 = arith.minimumf %max3A_632, %min3A_766 : vector<16xf32>
          %max3A_769 = arith.maximumf %max3A_634, %min3A_768 : vector<16xf32>
          %min3A_770 = arith.minimumf %max3A_634, %min3A_768 : vector<16xf32>
          %max3A_771 = arith.maximumf %max3A_636, %min3A_770 : vector<16xf32>
          %min3A_772 = arith.minimumf %max3A_636, %min3A_770 : vector<16xf32>
          %max3A_773 = arith.maximumf %max3A_638, %min3A_772 : vector<16xf32>
          %min3A_774 = arith.minimumf %max3A_638, %min3A_772 : vector<16xf32>
          %max3A_775 = arith.maximumf %max3A_640, %min3A_774 : vector<16xf32>
          %min3A_776 = arith.minimumf %max3A_640, %min3A_774 : vector<16xf32>
          %max3A_777 = arith.maximumf %max3A_642, %min3A_776 : vector<16xf32>
          %min3A_778 = arith.minimumf %max3A_642, %min3A_776 : vector<16xf32>
          %max3A_779 = arith.maximumf %max3A_644, %min3A_778 : vector<16xf32>
          %min3A_780 = arith.minimumf %max3A_644, %min3A_778 : vector<16xf32>
          %max3A_781 = arith.maximumf %max3A_646, %min3A_780 : vector<16xf32>
          %min3A_782 = arith.minimumf %max3A_646, %min3A_780 : vector<16xf32>
          %max3A_783 = arith.maximumf %max3A_648, %min3A_782 : vector<16xf32>
          %min3A_784 = arith.minimumf %max3A_648, %min3A_782 : vector<16xf32>
          %scan3A_785 = arith.constant 3 : i32
          %scan3A_786 = arith.addi %scan3A_320, %scan3A_785 : i32
          %mul3A_787 = arith.constant 16 : i32
          %mul3A_788 = arith.muli %scan3A_786, %mul3A_787 : i32
          %get3A_789 = arith.index_cast %mul3A_788 : i32 to index
          %get3A_790 = tpu.vector_load %arg5[%get3A_789] {strides = array<i32>} : memref<32768xf32, #tpu.memory_space<vmem>>, vector<16xf32>,
          %get3A_791 = vector.shape_cast %get3A_790 : vector<16xf32> to vector<16xf32>
          %max3A_792 = arith.maximumf %max3A_657, %get3A_791 : vector<16xf32>
          %min3A_793 = arith.minimumf %max3A_657, %get3A_791 : vector<16xf32>
          %max3A_794 = arith.maximumf %max3A_659, %min3A_793 : vector<16xf32>
          %min3A_795 = arith.minimumf %max3A_659, %min3A_793 : vector<16xf32>
          %max3A_796 = arith.maximumf %max3A_661, %min3A_795 : vector<16xf32>
          %min3A_797 = arith.minimumf %max3A_661, %min3A_795 : vector<16xf32>
          %max3A_798 = arith.maximumf %max3A_663, %min3A_797 : vector<16xf32>
          %min3A_799 = arith.minimumf %max3A_663, %min3A_797 : vector<16xf32>
          %max3A_800 = arith.maximumf %max3A_665, %min3A_799 : vector<16xf32>
          %min3A_801 = arith.minimumf %max3A_665, %min3A_799 : vector<16xf32>
          %max3A_802 = arith.maximumf %max3A_667, %min3A_801 : vector<16xf32>
          %min3A_803 = arith.minimumf %max3A_667, %min3A_801 : vector<16xf32>
          %max3A_804 = arith.maximumf %max3A_669, %min3A_803 : vector<16xf32>
          %min3A_805 = arith.minimumf %max3A_669, %min3A_803 : vector<16xf32>
          %max3A_806 = arith.maximumf %max3A_671, %min3A_805 : vector<16xf32>
          %min3A_807 = arith.minimumf %max3A_671, %min3A_805 : vector<16xf32>
          %max3A_808 = arith.maximumf %max3A_673, %min3A_807 : vector<16xf32>
          %min3A_809 = arith.minimumf %max3A_673, %min3A_807 : vector<16xf32>
          %max3A_810 = arith.maximumf %max3A_675, %min3A_809 : vector<16xf32>
          %min3A_811 = arith.minimumf %max3A_675, %min3A_809 : vector<16xf32>
          %max3A_812 = arith.maximumf %max3A_677, %min3A_811 : vector<16xf32>
          %min3A_813 = arith.minimumf %max3A_677, %min3A_811 : vector<16xf32>
          %max3A_814 = arith.maximumf %max3A_679, %min3A_813 : vector<16xf32>
          %min3A_815 = arith.minimumf %max3A_679, %min3A_813 : vector<16xf32>
          %max3A_816 = arith.maximumf %max3A_681, %min3A_815 : vector<16xf32>
          %min3A_817 = arith.minimumf %max3A_681, %min3A_815 : vector<16xf32>
          %max3A_818 = arith.maximumf %max3A_683, %min3A_817 : vector<16xf32>
          %min3A_819 = arith.minimumf %max3A_683, %min3A_817 : vector<16xf32>
          %max3A_820 = arith.maximumf %max3A_685, %min3A_819 : vector<16xf32>
          %min3A_821 = arith.minimumf %max3A_685, %min3A_819 : vector<16xf32>
          %max3A_822 = arith.maximumf %max3A_687, %min3A_821 : vector<16xf32>
          %min3A_823 = arith.minimumf %max3A_687, %min3A_821 : vector<16xf32>
          %max3A_824 = arith.maximumf %max3A_689, %min3A_823 : vector<16xf32>
          %min3A_825 = arith.minimumf %max3A_689, %min3A_823 : vector<16xf32>
          %max3A_826 = arith.maximumf %max3A_691, %min3A_825 : vector<16xf32>
          %min3A_827 = arith.minimumf %max3A_691, %min3A_825 : vector<16xf32>
          %max3A_828 = arith.maximumf %max3A_693, %min3A_827 : vector<16xf32>
          %min3A_829 = arith.minimumf %max3A_693, %min3A_827 : vector<16xf32>
          %max3A_830 = arith.maximumf %max3A_695, %min3A_829 : vector<16xf32>
          %min3A_831 = arith.minimumf %max3A_695, %min3A_829 : vector<16xf32>
          %max3A_832 = arith.maximumf %max3A_697, %min3A_831 : vector<16xf32>
          %min3A_833 = arith.minimumf %max3A_697, %min3A_831 : vector<16xf32>
          %max3A_834 = arith.maximumf %max3A_699, %min3A_833 : vector<16xf32>
          %min3A_835 = arith.minimumf %max3A_699, %min3A_833 : vector<16xf32>
          %max3A_836 = arith.maximumf %max3A_701, %min3A_835 : vector<16xf32>
          %min3A_837 = arith.minimumf %max3A_701, %min3A_835 : vector<16xf32>
          %max3A_838 = arith.maximumf %max3A_703, %min3A_837 : vector<16xf32>
          %min3A_839 = arith.minimumf %max3A_703, %min3A_837 : vector<16xf32>
          %max3A_840 = arith.maximumf %max3A_705, %min3A_839 : vector<16xf32>
          %min3A_841 = arith.minimumf %max3A_705, %min3A_839 : vector<16xf32>
          %max3A_842 = arith.maximumf %max3A_707, %min3A_841 : vector<16xf32>
          %min3A_843 = arith.minimumf %max3A_707, %min3A_841 : vector<16xf32>
          %max3A_844 = arith.maximumf %max3A_709, %min3A_843 : vector<16xf32>
          %min3A_845 = arith.minimumf %max3A_709, %min3A_843 : vector<16xf32>
          %max3A_846 = arith.maximumf %max3A_711, %min3A_845 : vector<16xf32>
          %min3A_847 = arith.minimumf %max3A_711, %min3A_845 : vector<16xf32>
          %max3A_848 = arith.maximumf %max3A_713, %min3A_847 : vector<16xf32>
          %min3A_849 = arith.minimumf %max3A_713, %min3A_847 : vector<16xf32>
          %max3A_850 = arith.maximumf %max3A_715, %min3A_849 : vector<16xf32>
          %min3A_851 = arith.minimumf %max3A_715, %min3A_849 : vector<16xf32>
          %max3A_852 = arith.maximumf %max3A_717, %min3A_851 : vector<16xf32>
          %min3A_853 = arith.minimumf %max3A_717, %min3A_851 : vector<16xf32>
          %max3A_854 = arith.maximumf %max3A_719, %min3A_853 : vector<16xf32>
          %min3A_855 = arith.minimumf %max3A_719, %min3A_853 : vector<16xf32>
          %max3A_856 = arith.maximumf %max3A_721, %min3A_855 : vector<16xf32>
          %min3A_857 = arith.minimumf %max3A_721, %min3A_855 : vector<16xf32>
          %max3A_858 = arith.maximumf %max3A_723, %min3A_857 : vector<16xf32>
          %min3A_859 = arith.minimumf %max3A_723, %min3A_857 : vector<16xf32>
          %max3A_860 = arith.maximumf %max3A_725, %min3A_859 : vector<16xf32>
          %min3A_861 = arith.minimumf %max3A_725, %min3A_859 : vector<16xf32>
          %max3A_862 = arith.maximumf %max3A_727, %min3A_861 : vector<16xf32>
          %min3A_863 = arith.minimumf %max3A_727, %min3A_861 : vector<16xf32>
          %max3A_864 = arith.maximumf %max3A_729, %min3A_863 : vector<16xf32>
          %min3A_865 = arith.minimumf %max3A_729, %min3A_863 : vector<16xf32>
          %max3A_866 = arith.maximumf %max3A_731, %min3A_865 : vector<16xf32>
          %min3A_867 = arith.minimumf %max3A_731, %min3A_865 : vector<16xf32>
          %max3A_868 = arith.maximumf %max3A_733, %min3A_867 : vector<16xf32>
          %min3A_869 = arith.minimumf %max3A_733, %min3A_867 : vector<16xf32>
          %max3A_870 = arith.maximumf %max3A_735, %min3A_869 : vector<16xf32>
          %min3A_871 = arith.minimumf %max3A_735, %min3A_869 : vector<16xf32>
          %max3A_872 = arith.maximumf %max3A_737, %min3A_871 : vector<16xf32>
          %min3A_873 = arith.minimumf %max3A_737, %min3A_871 : vector<16xf32>
          %max3A_874 = arith.maximumf %max3A_739, %min3A_873 : vector<16xf32>
          %min3A_875 = arith.minimumf %max3A_739, %min3A_873 : vector<16xf32>
          %max3A_876 = arith.maximumf %max3A_741, %min3A_875 : vector<16xf32>
          %min3A_877 = arith.minimumf %max3A_741, %min3A_875 : vector<16xf32>
          %max3A_878 = arith.maximumf %max3A_743, %min3A_877 : vector<16xf32>
          %min3A_879 = arith.minimumf %max3A_743, %min3A_877 : vector<16xf32>
          %max3A_880 = arith.maximumf %max3A_745, %min3A_879 : vector<16xf32>
          %min3A_881 = arith.minimumf %max3A_745, %min3A_879 : vector<16xf32>
          %max3A_882 = arith.maximumf %max3A_747, %min3A_881 : vector<16xf32>
          %min3A_883 = arith.minimumf %max3A_747, %min3A_881 : vector<16xf32>
          %max3A_884 = arith.maximumf %max3A_749, %min3A_883 : vector<16xf32>
          %min3A_885 = arith.minimumf %max3A_749, %min3A_883 : vector<16xf32>
          %max3A_886 = arith.maximumf %max3A_751, %min3A_885 : vector<16xf32>
          %min3A_887 = arith.minimumf %max3A_751, %min3A_885 : vector<16xf32>
          %max3A_888 = arith.maximumf %max3A_753, %min3A_887 : vector<16xf32>
          %min3A_889 = arith.minimumf %max3A_753, %min3A_887 : vector<16xf32>
          %max3A_890 = arith.maximumf %max3A_755, %min3A_889 : vector<16xf32>
          %min3A_891 = arith.minimumf %max3A_755, %min3A_889 : vector<16xf32>
          %max3A_892 = arith.maximumf %max3A_757, %min3A_891 : vector<16xf32>
          %min3A_893 = arith.minimumf %max3A_757, %min3A_891 : vector<16xf32>
          %max3A_894 = arith.maximumf %max3A_759, %min3A_893 : vector<16xf32>
          %min3A_895 = arith.minimumf %max3A_759, %min3A_893 : vector<16xf32>
          %max3A_896 = arith.maximumf %max3A_761, %min3A_895 : vector<16xf32>
          %min3A_897 = arith.minimumf %max3A_761, %min3A_895 : vector<16xf32>
          %max3A_898 = arith.maximumf %max3A_763, %min3A_897 : vector<16xf32>
          %min3A_899 = arith.minimumf %max3A_763, %min3A_897 : vector<16xf32>
          %max3A_900 = arith.maximumf %max3A_765, %min3A_899 : vector<16xf32>
          %min3A_901 = arith.minimumf %max3A_765, %min3A_899 : vector<16xf32>
          %max3A_902 = arith.maximumf %max3A_767, %min3A_901 : vector<16xf32>
          %min3A_903 = arith.minimumf %max3A_767, %min3A_901 : vector<16xf32>
          %max3A_904 = arith.maximumf %max3A_769, %min3A_903 : vector<16xf32>
          %min3A_905 = arith.minimumf %max3A_769, %min3A_903 : vector<16xf32>
          %max3A_906 = arith.maximumf %max3A_771, %min3A_905 : vector<16xf32>
          %min3A_907 = arith.minimumf %max3A_771, %min3A_905 : vector<16xf32>
          %max3A_908 = arith.maximumf %max3A_773, %min3A_907 : vector<16xf32>
          %min3A_909 = arith.minimumf %max3A_773, %min3A_907 : vector<16xf32>
          %max3A_910 = arith.maximumf %max3A_775, %min3A_909 : vector<16xf32>
          %min3A_911 = arith.minimumf %max3A_775, %min3A_909 : vector<16xf32>
          %max3A_912 = arith.maximumf %max3A_777, %min3A_911 : vector<16xf32>
          %min3A_913 = arith.minimumf %max3A_777, %min3A_911 : vector<16xf32>
          %max3A_914 = arith.maximumf %max3A_779, %min3A_913 : vector<16xf32>
          %min3A_915 = arith.minimumf %max3A_779, %min3A_913 : vector<16xf32>
          %max3A_916 = arith.maximumf %max3A_781, %min3A_915 : vector<16xf32>
          %min3A_917 = arith.minimumf %max3A_781, %min3A_915 : vector<16xf32>
          %max3A_918 = arith.maximumf %max3A_783, %min3A_917 : vector<16xf32>
          %min3A_919 = arith.minimumf %max3A_783, %min3A_917 : vector<16xf32>
          scf.yield %max3A_792, %max3A_794, %max3A_796, %max3A_798, %max3A_800, %max3A_802, %max3A_804, %max3A_806, %max3A_808, %max3A_810, %max3A_812, %max3A_814, %max3A_816, %max3A_818, %max3A_820, %max3A_822, %max3A_824, %max3A_826, %max3A_828, %max3A_830, %max3A_832, %max3A_834, %max3A_836, %max3A_838, %max3A_840, %max3A_842, %max3A_844, %max3A_846, %max3A_848, %max3A_850, %max3A_852, %max3A_854, %max3A_856, %max3A_858, %max3A_860, %max3A_862, %max3A_864, %max3A_866, %max3A_868, %max3A_870, %max3A_872, %max3A_874, %max3A_876, %max3A_878, %max3A_880, %max3A_882, %max3A_884, %max3A_886, %max3A_888, %max3A_890, %max3A_892, %max3A_894, %max3A_896, %max3A_898, %max3A_900, %max3A_902, %max3A_904, %max3A_906, %max3A_908, %max3A_910, %max3A_912, %max3A_914, %max3A_916, %max3A_918 : vector<16xf32>, vector<16xf32>, vector<16xf32>, vector<16xf32>, vector<16xf32>, vector<16xf32>, vector<16xf32>, vector<16xf32>, vector<16xf32>, vector<16xf32>, vector<16xf32>, vector<16xf32>, vector<16xf32>, vector<16xf32>, vector<16xf32>, vector<16xf32>, vector<16xf32>, vector<16xf32>, vector<16xf32>, vector<16xf32>, vector<16xf32>, vector<16xf32>, vector<16xf32>, vector<16xf32>, vector<16xf32>, vector<16xf32>, vector<16xf32>, vector<16xf32>, vector<16xf32>, vector<16xf32>, vector<16xf32>, vector<16xf32>, vector<16xf32>, vector<16xf32>, vector<16xf32>, vector<16xf32>, vector<16xf32>, vector<16xf32>, vector<16xf32>, vector<16xf32>, vector<16xf32>, vector<16xf32>, vector<16xf32>, vector<16xf32>, vector<16xf32>, vector<16xf32>, vector<16xf32>, vector<16xf32>, vector<16xf32>, vector<16xf32>, vector<16xf32>, vector<16xf32>, vector<16xf32>, vector<16xf32>, vector<16xf32>, vector<16xf32>, vector<16xf32>, vector<16xf32>, vector<16xf32>, vector<16xf32>, vector<16xf32>, vector<16xf32>, vector<16xf32>, vector<16xf32>
        }
        %scan3A_180 = arith.constant 2048 : i32
        %broadcast_in_dim3A_181 = arith.constant 0xFF800000 : f32
        %broadcast_in_dim3A_182 = vector.broadcast %broadcast_in_dim3A_181 : f32 to vector<16xf32>
        %broadcast_in_dim3A_183 = arith.constant 0 : i32
        %broadcast_in_dim3A_184 = vector.broadcast %broadcast_in_dim3A_183 : i32 to vector<16xi32>
        %scan3A_185 = arith.constant 16 : i32
        %scan3A_186 = arith.constant 0 : i32
        %scan3A_187 = arith.constant 64 : i32
        %scan3A_188 = arith.addi %scan3A_186, %scan3A_187 : i32
        %scan3A_189 = arith.constant 1 : i32
        %scan3A_190:2 = scf.for %scan3A_320 = %scan3A_186 to %scan3A_188 step %scan3A_189 iter_args(%scan3A_321 = %broadcast_in_dim3A_184, %scan3A_322 = %broadcast_in_dim3A_182) -> (vector<16xi32>, vector<16xf32>)  : i32 {
          %eq3A = arith.constant 0 : i32
          %eq3A_323 = vector.broadcast %eq3A : i32 to vector<16xi32>
          %eq3A_324 = arith.cmpi eq, %scan3A_321, %eq3A_323 : vector<16xi32>
          %select_n3A_325 = arith.select %eq3A_324, %scan3A_179#0, %broadcast_in_dim3A_182 : vector<16xi1>, vector<16xf32>
          %eq3A_326 = arith.constant 1 : i32
          %eq3A_327 = vector.broadcast %eq3A_326 : i32 to vector<16xi32>
          %eq3A_328 = arith.cmpi eq, %scan3A_321, %eq3A_327 : vector<16xi32>
          %select_n3A_329 = arith.select %eq3A_328, %scan3A_179#1, %select_n3A_325 : vector<16xi1>, vector<16xf32>
          %eq3A_330 = arith.constant 2 : i32
          %eq3A_331 = vector.broadcast %eq3A_330 : i32 to vector<16xi32>
          %eq3A_332 = arith.cmpi eq, %scan3A_321, %eq3A_331 : vector<16xi32>
          %select_n3A_333 = arith.select %eq3A_332, %scan3A_179#2, %select_n3A_329 : vector<16xi1>, vector<16xf32>
          %eq3A_334 = arith.constant 3 : i32
          %eq3A_335 = vector.broadcast %eq3A_334 : i32 to vector<16xi32>
          %eq3A_336 = arith.cmpi eq, %scan3A_321, %eq3A_335 : vector<16xi32>
          %select_n3A_337 = arith.select %eq3A_336, %scan3A_179#3, %select_n3A_333 : vector<16xi1>, vector<16xf32>
          %eq3A_338 = arith.constant 4 : i32
          %eq3A_339 = vector.broadcast %eq3A_338 : i32 to vector<16xi32>
          %eq3A_340 = arith.cmpi eq, %scan3A_321, %eq3A_339 : vector<16xi32>
          %select_n3A_341 = arith.select %eq3A_340, %scan3A_179#4, %select_n3A_337 : vector<16xi1>, vector<16xf32>
          %eq3A_342 = arith.constant 5 : i32
          %eq3A_343 = vector.broadcast %eq3A_342 : i32 to vector<16xi32>
          %eq3A_344 = arith.cmpi eq, %scan3A_321, %eq3A_343 : vector<16xi32>
          %select_n3A_345 = arith.select %eq3A_344, %scan3A_179#5, %select_n3A_341 : vector<16xi1>, vector<16xf32>
          %eq3A_346 = arith.constant 6 : i32
          %eq3A_347 = vector.broadcast %eq3A_346 : i32 to vector<16xi32>
          %eq3A_348 = arith.cmpi eq, %scan3A_321, %eq3A_347 : vector<16xi32>
          %select_n3A_349 = arith.select %eq3A_348, %scan3A_179#6, %select_n3A_345 : vector<16xi1>, vector<16xf32>
          %eq3A_350 = arith.constant 7 : i32
          %eq3A_351 = vector.broadcast %eq3A_350 : i32 to vector<16xi32>
          %eq3A_352 = arith.cmpi eq, %scan3A_321, %eq3A_351 : vector<16xi32>
          %select_n3A_353 = arith.select %eq3A_352, %scan3A_179#7, %select_n3A_349 : vector<16xi1>, vector<16xf32>
          %eq3A_354 = arith.constant 8 : i32
          %eq3A_355 = vector.broadcast %eq3A_354 : i32 to vector<16xi32>
          %eq3A_356 = arith.cmpi eq, %scan3A_321, %eq3A_355 : vector<16xi32>
          %select_n3A_357 = arith.select %eq3A_356, %scan3A_179#8, %select_n3A_353 : vector<16xi1>, vector<16xf32>
          %eq3A_358 = arith.constant 9 : i32
          %eq3A_359 = vector.broadcast %eq3A_358 : i32 to vector<16xi32>
          %eq3A_360 = arith.cmpi eq, %scan3A_321, %eq3A_359 : vector<16xi32>
          %select_n3A_361 = arith.select %eq3A_360, %scan3A_179#9, %select_n3A_357 : vector<16xi1>, vector<16xf32>
          %eq3A_362 = arith.constant 10 : i32
          %eq3A_363 = vector.broadcast %eq3A_362 : i32 to vector<16xi32>
          %eq3A_364 = arith.cmpi eq, %scan3A_321, %eq3A_363 : vector<16xi32>
          %select_n3A_365 = arith.select %eq3A_364, %scan3A_179#10, %select_n3A_361 : vector<16xi1>, vector<16xf32>
          %eq3A_366 = arith.constant 11 : i32
          %eq3A_367 = vector.broadcast %eq3A_366 : i32 to vector<16xi32>
          %eq3A_368 = arith.cmpi eq, %scan3A_321, %eq3A_367 : vector<16xi32>
          %select_n3A_369 = arith.select %eq3A_368, %scan3A_179#11, %select_n3A_365 : vector<16xi1>, vector<16xf32>
          %eq3A_370 = arith.constant 12 : i32
          %eq3A_371 = vector.broadcast %eq3A_370 : i32 to vector<16xi32>
          %eq3A_372 = arith.cmpi eq, %scan3A_321, %eq3A_371 : vector<16xi32>
          %select_n3A_373 = arith.select %eq3A_372, %scan3A_179#12, %select_n3A_369 : vector<16xi1>, vector<16xf32>
          %eq3A_374 = arith.constant 13 : i32
          %eq3A_375 = vector.broadcast %eq3A_374 : i32 to vector<16xi32>
          %eq3A_376 = arith.cmpi eq, %scan3A_321, %eq3A_375 : vector<16xi32>
          %select_n3A_377 = arith.select %eq3A_376, %scan3A_179#13, %select_n3A_373 : vector<16xi1>, vector<16xf32>
          %eq3A_378 = arith.constant 14 : i32
          %eq3A_379 = vector.broadcast %eq3A_378 : i32 to vector<16xi32>
          %eq3A_380 = arith.cmpi eq, %scan3A_321, %eq3A_379 : vector<16xi32>
          %select_n3A_381 = arith.select %eq3A_380, %scan3A_179#14, %select_n3A_377 : vector<16xi1>, vector<16xf32>
          %eq3A_382 = arith.constant 15 : i32
          %eq3A_383 = vector.broadcast %eq3A_382 : i32 to vector<16xi32>
          %eq3A_384 = arith.cmpi eq, %scan3A_321, %eq3A_383 : vector<16xi32>
          %select_n3A_385 = arith.select %eq3A_384, %scan3A_179#15, %select_n3A_381 : vector<16xi1>, vector<16xf32>
          %eq3A_386 = arith.constant 16 : i32
          %eq3A_387 = vector.broadcast %eq3A_386 : i32 to vector<16xi32>
          %eq3A_388 = arith.cmpi eq, %scan3A_321, %eq3A_387 : vector<16xi32>
          %select_n3A_389 = arith.select %eq3A_388, %scan3A_179#16, %select_n3A_385 : vector<16xi1>, vector<16xf32>
          %eq3A_390 = arith.constant 17 : i32
          %eq3A_391 = vector.broadcast %eq3A_390 : i32 to vector<16xi32>
          %eq3A_392 = arith.cmpi eq, %scan3A_321, %eq3A_391 : vector<16xi32>
          %select_n3A_393 = arith.select %eq3A_392, %scan3A_179#17, %select_n3A_389 : vector<16xi1>, vector<16xf32>
          %eq3A_394 = arith.constant 18 : i32
          %eq3A_395 = vector.broadcast %eq3A_394 : i32 to vector<16xi32>
          %eq3A_396 = arith.cmpi eq, %scan3A_321, %eq3A_395 : vector<16xi32>
          %select_n3A_397 = arith.select %eq3A_396, %scan3A_179#18, %select_n3A_393 : vector<16xi1>, vector<16xf32>
          %eq3A_398 = arith.constant 19 : i32
          %eq3A_399 = vector.broadcast %eq3A_398 : i32 to vector<16xi32>
          %eq3A_400 = arith.cmpi eq, %scan3A_321, %eq3A_399 : vector<16xi32>
          %select_n3A_401 = arith.select %eq3A_400, %scan3A_179#19, %select_n3A_397 : vector<16xi1>, vector<16xf32>
          %eq3A_402 = arith.constant 20 : i32
          %eq3A_403 = vector.broadcast %eq3A_402 : i32 to vector<16xi32>
          %eq3A_404 = arith.cmpi eq, %scan3A_321, %eq3A_403 : vector<16xi32>
          %select_n3A_405 = arith.select %eq3A_404, %scan3A_179#20, %select_n3A_401 : vector<16xi1>, vector<16xf32>
          %eq3A_406 = arith.constant 21 : i32
          %eq3A_407 = vector.broadcast %eq3A_406 : i32 to vector<16xi32>
          %eq3A_408 = arith.cmpi eq, %scan3A_321, %eq3A_407 : vector<16xi32>
          %select_n3A_409 = arith.select %eq3A_408, %scan3A_179#21, %select_n3A_405 : vector<16xi1>, vector<16xf32>
          %eq3A_410 = arith.constant 22 : i32
          %eq3A_411 = vector.broadcast %eq3A_410 : i32 to vector<16xi32>
          %eq3A_412 = arith.cmpi eq, %scan3A_321, %eq3A_411 : vector<16xi32>
          %select_n3A_413 = arith.select %eq3A_412, %scan3A_179#22, %select_n3A_409 : vector<16xi1>, vector<16xf32>
          %eq3A_414 = arith.constant 23 : i32
          %eq3A_415 = vector.broadcast %eq3A_414 : i32 to vector<16xi32>
          %eq3A_416 = arith.cmpi eq, %scan3A_321, %eq3A_415 : vector<16xi32>
          %select_n3A_417 = arith.select %eq3A_416, %scan3A_179#23, %select_n3A_413 : vector<16xi1>, vector<16xf32>
          %eq3A_418 = arith.constant 24 : i32
          %eq3A_419 = vector.broadcast %eq3A_418 : i32 to vector<16xi32>
          %eq3A_420 = arith.cmpi eq, %scan3A_321, %eq3A_419 : vector<16xi32>
          %select_n3A_421 = arith.select %eq3A_420, %scan3A_179#24, %select_n3A_417 : vector<16xi1>, vector<16xf32>
          %eq3A_422 = arith.constant 25 : i32
          %eq3A_423 = vector.broadcast %eq3A_422 : i32 to vector<16xi32>
          %eq3A_424 = arith.cmpi eq, %scan3A_321, %eq3A_423 : vector<16xi32>
          %select_n3A_425 = arith.select %eq3A_424, %scan3A_179#25, %select_n3A_421 : vector<16xi1>, vector<16xf32>
          %eq3A_426 = arith.constant 26 : i32
          %eq3A_427 = vector.broadcast %eq3A_426 : i32 to vector<16xi32>
          %eq3A_428 = arith.cmpi eq, %scan3A_321, %eq3A_427 : vector<16xi32>
          %select_n3A_429 = arith.select %eq3A_428, %scan3A_179#26, %select_n3A_425 : vector<16xi1>, vector<16xf32>
          %eq3A_430 = arith.constant 27 : i32
          %eq3A_431 = vector.broadcast %eq3A_430 : i32 to vector<16xi32>
          %eq3A_432 = arith.cmpi eq, %scan3A_321, %eq3A_431 : vector<16xi32>
          %select_n3A_433 = arith.select %eq3A_432, %scan3A_179#27, %select_n3A_429 : vector<16xi1>, vector<16xf32>
          %eq3A_434 = arith.constant 28 : i32
          %eq3A_435 = vector.broadcast %eq3A_434 : i32 to vector<16xi32>
          %eq3A_436 = arith.cmpi eq, %scan3A_321, %eq3A_435 : vector<16xi32>
          %select_n3A_437 = arith.select %eq3A_436, %scan3A_179#28, %select_n3A_433 : vector<16xi1>, vector<16xf32>
          %eq3A_438 = arith.constant 29 : i32
          %eq3A_439 = vector.broadcast %eq3A_438 : i32 to vector<16xi32>
          %eq3A_440 = arith.cmpi eq, %scan3A_321, %eq3A_439 : vector<16xi32>
          %select_n3A_441 = arith.select %eq3A_440, %scan3A_179#29, %select_n3A_437 : vector<16xi1>, vector<16xf32>
          %eq3A_442 = arith.constant 30 : i32
          %eq3A_443 = vector.broadcast %eq3A_442 : i32 to vector<16xi32>
          %eq3A_444 = arith.cmpi eq, %scan3A_321, %eq3A_443 : vector<16xi32>
          %select_n3A_445 = arith.select %eq3A_444, %scan3A_179#30, %select_n3A_441 : vector<16xi1>, vector<16xf32>
          %eq3A_446 = arith.constant 31 : i32
          %eq3A_447 = vector.broadcast %eq3A_446 : i32 to vector<16xi32>
          %eq3A_448 = arith.cmpi eq, %scan3A_321, %eq3A_447 : vector<16xi32>
          %select_n3A_449 = arith.select %eq3A_448, %scan3A_179#31, %select_n3A_445 : vector<16xi1>, vector<16xf32>
          %eq3A_450 = arith.constant 32 : i32
          %eq3A_451 = vector.broadcast %eq3A_450 : i32 to vector<16xi32>
          %eq3A_452 = arith.cmpi eq, %scan3A_321, %eq3A_451 : vector<16xi32>
          %select_n3A_453 = arith.select %eq3A_452, %scan3A_179#32, %select_n3A_449 : vector<16xi1>, vector<16xf32>
          %eq3A_454 = arith.constant 33 : i32
          %eq3A_455 = vector.broadcast %eq3A_454 : i32 to vector<16xi32>
          %eq3A_456 = arith.cmpi eq, %scan3A_321, %eq3A_455 : vector<16xi32>
          %select_n3A_457 = arith.select %eq3A_456, %scan3A_179#33, %select_n3A_453 : vector<16xi1>, vector<16xf32>
          %eq3A_458 = arith.constant 34 : i32
          %eq3A_459 = vector.broadcast %eq3A_458 : i32 to vector<16xi32>
          %eq3A_460 = arith.cmpi eq, %scan3A_321, %eq3A_459 : vector<16xi32>
          %select_n3A_461 = arith.select %eq3A_460, %scan3A_179#34, %select_n3A_457 : vector<16xi1>, vector<16xf32>
          %eq3A_462 = arith.constant 35 : i32
          %eq3A_463 = vector.broadcast %eq3A_462 : i32 to vector<16xi32>
          %eq3A_464 = arith.cmpi eq, %scan3A_321, %eq3A_463 : vector<16xi32>
          %select_n3A_465 = arith.select %eq3A_464, %scan3A_179#35, %select_n3A_461 : vector<16xi1>, vector<16xf32>
          %eq3A_466 = arith.constant 36 : i32
          %eq3A_467 = vector.broadcast %eq3A_466 : i32 to vector<16xi32>
          %eq3A_468 = arith.cmpi eq, %scan3A_321, %eq3A_467 : vector<16xi32>
          %select_n3A_469 = arith.select %eq3A_468, %scan3A_179#36, %select_n3A_465 : vector<16xi1>, vector<16xf32>
          %eq3A_470 = arith.constant 37 : i32
          %eq3A_471 = vector.broadcast %eq3A_470 : i32 to vector<16xi32>
          %eq3A_472 = arith.cmpi eq, %scan3A_321, %eq3A_471 : vector<16xi32>
          %select_n3A_473 = arith.select %eq3A_472, %scan3A_179#37, %select_n3A_469 : vector<16xi1>, vector<16xf32>
          %eq3A_474 = arith.constant 38 : i32
          %eq3A_475 = vector.broadcast %eq3A_474 : i32 to vector<16xi32>
          %eq3A_476 = arith.cmpi eq, %scan3A_321, %eq3A_475 : vector<16xi32>
          %select_n3A_477 = arith.select %eq3A_476, %scan3A_179#38, %select_n3A_473 : vector<16xi1>, vector<16xf32>
          %eq3A_478 = arith.constant 39 : i32
          %eq3A_479 = vector.broadcast %eq3A_478 : i32 to vector<16xi32>
          %eq3A_480 = arith.cmpi eq, %scan3A_321, %eq3A_479 : vector<16xi32>
          %select_n3A_481 = arith.select %eq3A_480, %scan3A_179#39, %select_n3A_477 : vector<16xi1>, vector<16xf32>
          %eq3A_482 = arith.constant 40 : i32
          %eq3A_483 = vector.broadcast %eq3A_482 : i32 to vector<16xi32>
          %eq3A_484 = arith.cmpi eq, %scan3A_321, %eq3A_483 : vector<16xi32>
          %select_n3A_485 = arith.select %eq3A_484, %scan3A_179#40, %select_n3A_481 : vector<16xi1>, vector<16xf32>
          %eq3A_486 = arith.constant 41 : i32
          %eq3A_487 = vector.broadcast %eq3A_486 : i32 to vector<16xi32>
          %eq3A_488 = arith.cmpi eq, %scan3A_321, %eq3A_487 : vector<16xi32>
          %select_n3A_489 = arith.select %eq3A_488, %scan3A_179#41, %select_n3A_485 : vector<16xi1>, vector<16xf32>
          %eq3A_490 = arith.constant 42 : i32
          %eq3A_491 = vector.broadcast %eq3A_490 : i32 to vector<16xi32>
          %eq3A_492 = arith.cmpi eq, %scan3A_321, %eq3A_491 : vector<16xi32>
          %select_n3A_493 = arith.select %eq3A_492, %scan3A_179#42, %select_n3A_489 : vector<16xi1>, vector<16xf32>
          %eq3A_494 = arith.constant 43 : i32
          %eq3A_495 = vector.broadcast %eq3A_494 : i32 to vector<16xi32>
          %eq3A_496 = arith.cmpi eq, %scan3A_321, %eq3A_495 : vector<16xi32>
          %select_n3A_497 = arith.select %eq3A_496, %scan3A_179#43, %select_n3A_493 : vector<16xi1>, vector<16xf32>
          %eq3A_498 = arith.constant 44 : i32
          %eq3A_499 = vector.broadcast %eq3A_498 : i32 to vector<16xi32>
          %eq3A_500 = arith.cmpi eq, %scan3A_321, %eq3A_499 : vector<16xi32>
          %select_n3A_501 = arith.select %eq3A_500, %scan3A_179#44, %select_n3A_497 : vector<16xi1>, vector<16xf32>
          %eq3A_502 = arith.constant 45 : i32
          %eq3A_503 = vector.broadcast %eq3A_502 : i32 to vector<16xi32>
          %eq3A_504 = arith.cmpi eq, %scan3A_321, %eq3A_503 : vector<16xi32>
          %select_n3A_505 = arith.select %eq3A_504, %scan3A_179#45, %select_n3A_501 : vector<16xi1>, vector<16xf32>
          %eq3A_506 = arith.constant 46 : i32
          %eq3A_507 = vector.broadcast %eq3A_506 : i32 to vector<16xi32>
          %eq3A_508 = arith.cmpi eq, %scan3A_321, %eq3A_507 : vector<16xi32>
          %select_n3A_509 = arith.select %eq3A_508, %scan3A_179#46, %select_n3A_505 : vector<16xi1>, vector<16xf32>
          %eq3A_510 = arith.constant 47 : i32
          %eq3A_511 = vector.broadcast %eq3A_510 : i32 to vector<16xi32>
          %eq3A_512 = arith.cmpi eq, %scan3A_321, %eq3A_511 : vector<16xi32>
          %select_n3A_513 = arith.select %eq3A_512, %scan3A_179#47, %select_n3A_509 : vector<16xi1>, vector<16xf32>
          %eq3A_514 = arith.constant 48 : i32
          %eq3A_515 = vector.broadcast %eq3A_514 : i32 to vector<16xi32>
          %eq3A_516 = arith.cmpi eq, %scan3A_321, %eq3A_515 : vector<16xi32>
          %select_n3A_517 = arith.select %eq3A_516, %scan3A_179#48, %select_n3A_513 : vector<16xi1>, vector<16xf32>
          %eq3A_518 = arith.constant 49 : i32
          %eq3A_519 = vector.broadcast %eq3A_518 : i32 to vector<16xi32>
          %eq3A_520 = arith.cmpi eq, %scan3A_321, %eq3A_519 : vector<16xi32>
          %select_n3A_521 = arith.select %eq3A_520, %scan3A_179#49, %select_n3A_517 : vector<16xi1>, vector<16xf32>
          %eq3A_522 = arith.constant 50 : i32
          %eq3A_523 = vector.broadcast %eq3A_522 : i32 to vector<16xi32>
          %eq3A_524 = arith.cmpi eq, %scan3A_321, %eq3A_523 : vector<16xi32>
          %select_n3A_525 = arith.select %eq3A_524, %scan3A_179#50, %select_n3A_521 : vector<16xi1>, vector<16xf32>
          %eq3A_526 = arith.constant 51 : i32
          %eq3A_527 = vector.broadcast %eq3A_526 : i32 to vector<16xi32>
          %eq3A_528 = arith.cmpi eq, %scan3A_321, %eq3A_527 : vector<16xi32>
          %select_n3A_529 = arith.select %eq3A_528, %scan3A_179#51, %select_n3A_525 : vector<16xi1>, vector<16xf32>
          %eq3A_530 = arith.constant 52 : i32
          %eq3A_531 = vector.broadcast %eq3A_530 : i32 to vector<16xi32>
          %eq3A_532 = arith.cmpi eq, %scan3A_321, %eq3A_531 : vector<16xi32>
          %select_n3A_533 = arith.select %eq3A_532, %scan3A_179#52, %select_n3A_529 : vector<16xi1>, vector<16xf32>
          %eq3A_534 = arith.constant 53 : i32
          %eq3A_535 = vector.broadcast %eq3A_534 : i32 to vector<16xi32>
          %eq3A_536 = arith.cmpi eq, %scan3A_321, %eq3A_535 : vector<16xi32>
          %select_n3A_537 = arith.select %eq3A_536, %scan3A_179#53, %select_n3A_533 : vector<16xi1>, vector<16xf32>
          %eq3A_538 = arith.constant 54 : i32
          %eq3A_539 = vector.broadcast %eq3A_538 : i32 to vector<16xi32>
          %eq3A_540 = arith.cmpi eq, %scan3A_321, %eq3A_539 : vector<16xi32>
          %select_n3A_541 = arith.select %eq3A_540, %scan3A_179#54, %select_n3A_537 : vector<16xi1>, vector<16xf32>
          %eq3A_542 = arith.constant 55 : i32
          %eq3A_543 = vector.broadcast %eq3A_542 : i32 to vector<16xi32>
          %eq3A_544 = arith.cmpi eq, %scan3A_321, %eq3A_543 : vector<16xi32>
          %select_n3A_545 = arith.select %eq3A_544, %scan3A_179#55, %select_n3A_541 : vector<16xi1>, vector<16xf32>
          %eq3A_546 = arith.constant 56 : i32
          %eq3A_547 = vector.broadcast %eq3A_546 : i32 to vector<16xi32>
          %eq3A_548 = arith.cmpi eq, %scan3A_321, %eq3A_547 : vector<16xi32>
          %select_n3A_549 = arith.select %eq3A_548, %scan3A_179#56, %select_n3A_545 : vector<16xi1>, vector<16xf32>
          %eq3A_550 = arith.constant 57 : i32
          %eq3A_551 = vector.broadcast %eq3A_550 : i32 to vector<16xi32>
          %eq3A_552 = arith.cmpi eq, %scan3A_321, %eq3A_551 : vector<16xi32>
          %select_n3A_553 = arith.select %eq3A_552, %scan3A_179#57, %select_n3A_549 : vector<16xi1>, vector<16xf32>
          %eq3A_554 = arith.constant 58 : i32
          %eq3A_555 = vector.broadcast %eq3A_554 : i32 to vector<16xi32>
          %eq3A_556 = arith.cmpi eq, %scan3A_321, %eq3A_555 : vector<16xi32>
          %select_n3A_557 = arith.select %eq3A_556, %scan3A_179#58, %select_n3A_553 : vector<16xi1>, vector<16xf32>
          %eq3A_558 = arith.constant 59 : i32
          %eq3A_559 = vector.broadcast %eq3A_558 : i32 to vector<16xi32>
          %eq3A_560 = arith.cmpi eq, %scan3A_321, %eq3A_559 : vector<16xi32>
          %select_n3A_561 = arith.select %eq3A_560, %scan3A_179#59, %select_n3A_557 : vector<16xi1>, vector<16xf32>
          %eq3A_562 = arith.constant 60 : i32
          %eq3A_563 = vector.broadcast %eq3A_562 : i32 to vector<16xi32>
          %eq3A_564 = arith.cmpi eq, %scan3A_321, %eq3A_563 : vector<16xi32>
          %select_n3A_565 = arith.select %eq3A_564, %scan3A_179#60, %select_n3A_561 : vector<16xi1>, vector<16xf32>
          %eq3A_566 = arith.constant 61 : i32
          %eq3A_567 = vector.broadcast %eq3A_566 : i32 to vector<16xi32>
          %eq3A_568 = arith.cmpi eq, %scan3A_321, %eq3A_567 : vector<16xi32>
          %select_n3A_569 = arith.select %eq3A_568, %scan3A_179#61, %select_n3A_565 : vector<16xi1>, vector<16xf32>
          %eq3A_570 = arith.constant 62 : i32
          %eq3A_571 = vector.broadcast %eq3A_570 : i32 to vector<16xi32>
          %eq3A_572 = arith.cmpi eq, %scan3A_321, %eq3A_571 : vector<16xi32>
          %select_n3A_573 = arith.select %eq3A_572, %scan3A_179#62, %select_n3A_569 : vector<16xi1>, vector<16xf32>
          %eq3A_574 = arith.constant 63 : i32
          %eq3A_575 = vector.broadcast %eq3A_574 : i32 to vector<16xi32>
          %eq3A_576 = arith.cmpi eq, %scan3A_321, %eq3A_575 : vector<16xi32>
          %select_n3A_577 = arith.select %eq3A_576, %scan3A_179#63, %select_n3A_573 : vector<16xi1>, vector<16xf32>
          %xor3A_578 = arith.constant 1 : i32
          %xor3A_579 = vector.broadcast %xor3A_578 : i32 to vector<16xi32>
          %xor3A_580 = arith.xori %iota3A, %xor3A_579 : vector<16xi32>
          %lt3A_581 = arith.constant 0 : i32
          %lt3A_582 = vector.broadcast %lt3A_581 : i32 to vector<16xi32>
          %lt3A_583 = arith.cmpi slt, %xor3A_580, %lt3A_582 : vector<16xi32>
          %add3A_584 = arith.constant 16 : i32
          %add3A_585 = vector.broadcast %add3A_584 : i32 to vector<16xi32>
          %add3A_586 = arith.addi %xor3A_580, %add3A_585 : vector<16xi32>
          %select_n3A_587 = arith.select %lt3A_583, %add3A_586, %xor3A_580 : vector<16xi1>, vector<16xi32>
          %broadcast_in_dim3A_588 = vector.shape_cast %select_n3A_587 : vector<16xi32> to vector<16x1xi32>
          %gather3A_589 = vector.shape_cast %broadcast_in_dim3A_588 : vector<16x1xi32> to vector<16xi32>
          %gather3A_590 = tpu.dynamic_gather %select_n3A_577[%gather3A_589] in [0] : vector<16xf32>, vector<16xi32> -> vector<16xf32>
          %max3A = arith.maximumf %select_n3A_577, %gather3A_590 : vector<16xf32>
          %xor3A_591 = arith.constant 2 : i32
          %xor3A_592 = vector.broadcast %xor3A_591 : i32 to vector<16xi32>
          %xor3A_593 = arith.xori %iota3A, %xor3A_592 : vector<16xi32>
          %lt3A_594 = arith.constant 0 : i32
          %lt3A_595 = vector.broadcast %lt3A_594 : i32 to vector<16xi32>
          %lt3A_596 = arith.cmpi slt, %xor3A_593, %lt3A_595 : vector<16xi32>
          %add3A_597 = arith.constant 16 : i32
          %add3A_598 = vector.broadcast %add3A_597 : i32 to vector<16xi32>
          %add3A_599 = arith.addi %xor3A_593, %add3A_598 : vector<16xi32>
          %select_n3A_600 = arith.select %lt3A_596, %add3A_599, %xor3A_593 : vector<16xi1>, vector<16xi32>
          %broadcast_in_dim3A_601 = vector.shape_cast %select_n3A_600 : vector<16xi32> to vector<16x1xi32>
          %gather3A_602 = vector.shape_cast %broadcast_in_dim3A_601 : vector<16x1xi32> to vector<16xi32>
          %gather3A_603 = tpu.dynamic_gather %max3A[%gather3A_602] in [0] : vector<16xf32>, vector<16xi32> -> vector<16xf32>
          %max3A_604 = arith.maximumf %max3A, %gather3A_603 : vector<16xf32>
          %xor3A_605 = arith.constant 4 : i32
          %xor3A_606 = vector.broadcast %xor3A_605 : i32 to vector<16xi32>
          %xor3A_607 = arith.xori %iota3A, %xor3A_606 : vector<16xi32>
          %lt3A_608 = arith.constant 0 : i32
          %lt3A_609 = vector.broadcast %lt3A_608 : i32 to vector<16xi32>
          %lt3A_610 = arith.cmpi slt, %xor3A_607, %lt3A_609 : vector<16xi32>
          %add3A_611 = arith.constant 16 : i32
          %add3A_612 = vector.broadcast %add3A_611 : i32 to vector<16xi32>
          %add3A_613 = arith.addi %xor3A_607, %add3A_612 : vector<16xi32>
          %select_n3A_614 = arith.select %lt3A_610, %add3A_613, %xor3A_607 : vector<16xi1>, vector<16xi32>
          %broadcast_in_dim3A_615 = vector.shape_cast %select_n3A_614 : vector<16xi32> to vector<16x1xi32>
          %gather3A_616 = vector.shape_cast %broadcast_in_dim3A_615 : vector<16x1xi32> to vector<16xi32>
          %gather3A_617 = tpu.dynamic_gather %max3A_604[%gather3A_616] in [0] : vector<16xf32>, vector<16xi32> -> vector<16xf32>
          %max3A_618 = arith.maximumf %max3A_604, %gather3A_617 : vector<16xf32>
          %xor3A_619 = arith.constant 8 : i32
          %xor3A_620 = vector.broadcast %xor3A_619 : i32 to vector<16xi32>
          %xor3A_621 = arith.xori %iota3A, %xor3A_620 : vector<16xi32>
          %lt3A_622 = arith.constant 0 : i32
          %lt3A_623 = vector.broadcast %lt3A_622 : i32 to vector<16xi32>
          %lt3A_624 = arith.cmpi slt, %xor3A_621, %lt3A_623 : vector<16xi32>
          %add3A_625 = arith.constant 16 : i32
          %add3A_626 = vector.broadcast %add3A_625 : i32 to vector<16xi32>
          %add3A_627 = arith.addi %xor3A_621, %add3A_626 : vector<16xi32>
          %select_n3A_628 = arith.select %lt3A_624, %add3A_627, %xor3A_621 : vector<16xi1>, vector<16xi32>
          %broadcast_in_dim3A_629 = vector.shape_cast %select_n3A_628 : vector<16xi32> to vector<16x1xi32>
          %gather3A_630 = vector.shape_cast %broadcast_in_dim3A_629 : vector<16x1xi32> to vector<16xi32>
          %gather3A_631 = tpu.dynamic_gather %max3A_618[%gather3A_630] in [0] : vector<16xf32>, vector<16xi32> -> vector<16xf32>
          %max3A_632 = arith.maximumf %max3A_618, %gather3A_631 : vector<16xf32>
          %eq3A_633 = arith.cmpf oeq, %select_n3A_577, %max3A_632 : vector<16xf32>
          %broadcast_in_dim3A_634 = vector.broadcast %scan3A_185 : i32 to vector<16xi32>
          %select_n3A_635 = arith.select %eq3A_633, %iota3A, %broadcast_in_dim3A_634 : vector<16xi1>, vector<16xi32>
          %xor3A_636 = arith.constant 1 : i32
          %xor3A_637 = vector.broadcast %xor3A_636 : i32 to vector<16xi32>
          %xor3A_638 = arith.xori %iota3A, %xor3A_637 : vector<16xi32>
          %lt3A_639 = arith.constant 0 : i32
          %lt3A_640 = vector.broadcast %lt3A_639 : i32 to vector<16xi32>
          %lt3A_641 = arith.cmpi slt, %xor3A_638, %lt3A_640 : vector<16xi32>
          %add3A_642 = arith.constant 16 : i32
          %add3A_643 = vector.broadcast %add3A_642 : i32 to vector<16xi32>
          %add3A_644 = arith.addi %xor3A_638, %add3A_643 : vector<16xi32>
          %select_n3A_645 = arith.select %lt3A_641, %add3A_644, %xor3A_638 : vector<16xi1>, vector<16xi32>
          %broadcast_in_dim3A_646 = vector.shape_cast %select_n3A_645 : vector<16xi32> to vector<16x1xi32>
          %gather3A_647 = vector.shape_cast %broadcast_in_dim3A_646 : vector<16x1xi32> to vector<16xi32>
          %gather3A_648 = tpu.dynamic_gather %select_n3A_635[%gather3A_647] in [0] : vector<16xi32>, vector<16xi32> -> vector<16xi32>
          %min3A = arith.minsi %select_n3A_635, %gather3A_648 : vector<16xi32>
          %xor3A_649 = arith.constant 2 : i32
          %xor3A_650 = vector.broadcast %xor3A_649 : i32 to vector<16xi32>
          %xor3A_651 = arith.xori %iota3A, %xor3A_650 : vector<16xi32>
          %lt3A_652 = arith.constant 0 : i32
          %lt3A_653 = vector.broadcast %lt3A_652 : i32 to vector<16xi32>
          %lt3A_654 = arith.cmpi slt, %xor3A_651, %lt3A_653 : vector<16xi32>
          %add3A_655 = arith.constant 16 : i32
          %add3A_656 = vector.broadcast %add3A_655 : i32 to vector<16xi32>
          %add3A_657 = arith.addi %xor3A_651, %add3A_656 : vector<16xi32>
          %select_n3A_658 = arith.select %lt3A_654, %add3A_657, %xor3A_651 : vector<16xi1>, vector<16xi32>
          %broadcast_in_dim3A_659 = vector.shape_cast %select_n3A_658 : vector<16xi32> to vector<16x1xi32>
          %gather3A_660 = vector.shape_cast %broadcast_in_dim3A_659 : vector<16x1xi32> to vector<16xi32>
          %gather3A_661 = tpu.dynamic_gather %min3A[%gather3A_660] in [0] : vector<16xi32>, vector<16xi32> -> vector<16xi32>
          %min3A_662 = arith.minsi %min3A, %gather3A_661 : vector<16xi32>
          %xor3A_663 = arith.constant 4 : i32
          %xor3A_664 = vector.broadcast %xor3A_663 : i32 to vector<16xi32>
          %xor3A_665 = arith.xori %iota3A, %xor3A_664 : vector<16xi32>
          %lt3A_666 = arith.constant 0 : i32
          %lt3A_667 = vector.broadcast %lt3A_666 : i32 to vector<16xi32>
          %lt3A_668 = arith.cmpi slt, %xor3A_665, %lt3A_667 : vector<16xi32>
          %add3A_669 = arith.constant 16 : i32
          %add3A_670 = vector.broadcast %add3A_669 : i32 to vector<16xi32>
          %add3A_671 = arith.addi %xor3A_665, %add3A_670 : vector<16xi32>
          %select_n3A_672 = arith.select %lt3A_668, %add3A_671, %xor3A_665 : vector<16xi1>, vector<16xi32>
          %broadcast_in_dim3A_673 = vector.shape_cast %select_n3A_672 : vector<16xi32> to vector<16x1xi32>
          %gather3A_674 = vector.shape_cast %broadcast_in_dim3A_673 : vector<16x1xi32> to vector<16xi32>
          %gather3A_675 = tpu.dynamic_gather %min3A_662[%gather3A_674] in [0] : vector<16xi32>, vector<16xi32> -> vector<16xi32>
          %min3A_676 = arith.minsi %min3A_662, %gather3A_675 : vector<16xi32>
          %xor3A_677 = arith.constant 8 : i32
          %xor3A_678 = vector.broadcast %xor3A_677 : i32 to vector<16xi32>
          %xor3A_679 = arith.xori %iota3A, %xor3A_678 : vector<16xi32>
          %lt3A_680 = arith.constant 0 : i32
          %lt3A_681 = vector.broadcast %lt3A_680 : i32 to vector<16xi32>
          %lt3A_682 = arith.cmpi slt, %xor3A_679, %lt3A_681 : vector<16xi32>
          %add3A_683 = arith.constant 16 : i32
          %add3A_684 = vector.broadcast %add3A_683 : i32 to vector<16xi32>
          %add3A_685 = arith.addi %xor3A_679, %add3A_684 : vector<16xi32>
          %select_n3A_686 = arith.select %lt3A_682, %add3A_685, %xor3A_679 : vector<16xi1>, vector<16xi32>
          %broadcast_in_dim3A_687 = vector.shape_cast %select_n3A_686 : vector<16xi32> to vector<16x1xi32>
          %gather3A_688 = vector.shape_cast %broadcast_in_dim3A_687 : vector<16x1xi32> to vector<16xi32>
          %gather3A_689 = tpu.dynamic_gather %min3A_676[%gather3A_688] in [0] : vector<16xi32>, vector<16xi32> -> vector<16xi32>
          %min3A_690 = arith.minsi %min3A_676, %gather3A_689 : vector<16xi32>
          %eq3A_691 = arith.cmpi eq, %iota3A, %min3A_690 : vector<16xi32>
          %jit3A_692 = arith.constant 1 : i32
          %jit3A_693 = arith.constant 0 : i32
          %broadcast_in_dim3A_694 = vector.broadcast %jit3A_692 : i32 to vector<16xi32>
          %broadcast_in_dim3A_695 = vector.broadcast %jit3A_693 : i32 to vector<16xi32>
          %select_n3A_696 = arith.select %eq3A_691, %broadcast_in_dim3A_694, %broadcast_in_dim3A_695 : vector<16xi1>, vector<16xi32>
          %add3A_697 = arith.addi %scan3A_321, %select_n3A_696 : vector<16xi32>
          scf.yield %add3A_697, %max3A_632 : vector<16xi32>, vector<16xf32>
        }
        %scan3A_191 = arith.constant 64 : i32
        %broadcast_in_dim3A_192 = arith.constant 0 : i32
        %broadcast_in_dim3A_193 = vector.broadcast %broadcast_in_dim3A_192 : i32 to vector<16xi32>
        %scan3A_194 = arith.constant 0 : i32
        %scan3A_195 = arith.constant 2048 : i32
        %scan3A_196 = arith.addi %scan3A_194, %scan3A_195 : i32
        %scan3A_197 = arith.constant 8 : i32
        %scan3A_198:2 = scf.for %scan3A_320 = %scan3A_194 to %scan3A_196 step %scan3A_197 iter_args(%scan3A_321 = %broadcast_in_dim3A_193, %scan3A_322 = %broadcast_in_dim3A_193) -> (vector<16xi32>, vector<16xi32>)  : i32 {
          %mul3A_323 = arith.constant 16 : i32
          %mul3A_324 = arith.muli %scan3A_320, %mul3A_323 : i32
          %get3A = arith.index_cast %mul3A_324 : i32 to index
          %get3A_325 = tpu.vector_load %arg5[%get3A] {strides = array<i32>} : memref<32768xf32, #tpu.memory_space<vmem>>, vector<16xf32>,
          %get3A_326 = vector.shape_cast %get3A_325 : vector<16xf32> to vector<16xf32>
          %gt3A_327 = arith.cmpf ogt, %get3A_326, %scan3A_190#1 : vector<16xf32>
          %jit3A_328 = arith.constant 1 : i32
          %jit3A_329 = arith.constant 0 : i32
          %broadcast_in_dim3A_330 = vector.broadcast %jit3A_328 : i32 to vector<16xi32>
          %broadcast_in_dim3A_331 = vector.broadcast %jit3A_329 : i32 to vector<16xi32>
          %select_n3A_332 = arith.select %gt3A_327, %broadcast_in_dim3A_330, %broadcast_in_dim3A_331 : vector<16xi1>, vector<16xi32>
          %add3A_333 = arith.addi %scan3A_321, %select_n3A_332 : vector<16xi32>
          %ge3A = arith.cmpf oge, %get3A_326, %scan3A_190#1 : vector<16xf32>
          %jit3A_334 = arith.constant 1 : i32
          %jit3A_335 = arith.constant 0 : i32
          %broadcast_in_dim3A_336 = vector.broadcast %jit3A_334 : i32 to vector<16xi32>
          %broadcast_in_dim3A_337 = vector.broadcast %jit3A_335 : i32 to vector<16xi32>
          %select_n3A_338 = arith.select %ge3A, %broadcast_in_dim3A_336, %broadcast_in_dim3A_337 : vector<16xi1>, vector<16xi32>
          %add3A_339 = arith.addi %scan3A_322, %select_n3A_338 : vector<16xi32>
          %scan3A_340 = arith.constant 1 : i32
          %scan3A_341 = arith.addi %scan3A_320, %scan3A_340 : i32
          %mul3A_342 = arith.constant 16 : i32
          %mul3A_343 = arith.muli %scan3A_341, %mul3A_342 : i32
          %get3A_344 = arith.index_cast %mul3A_343 : i32 to index
          %get3A_345 = tpu.vector_load %arg5[%get3A_344] {strides = array<i32>} : memref<32768xf32, #tpu.memory_space<vmem>>, vector<16xf32>,
          %get3A_346 = vector.shape_cast %get3A_345 : vector<16xf32> to vector<16xf32>
          %gt3A_347 = arith.cmpf ogt, %get3A_346, %scan3A_190#1 : vector<16xf32>
          %jit3A_348 = arith.constant 1 : i32
          %jit3A_349 = arith.constant 0 : i32
          %broadcast_in_dim3A_350 = vector.broadcast %jit3A_348 : i32 to vector<16xi32>
          %broadcast_in_dim3A_351 = vector.broadcast %jit3A_349 : i32 to vector<16xi32>
          %select_n3A_352 = arith.select %gt3A_347, %broadcast_in_dim3A_350, %broadcast_in_dim3A_351 : vector<16xi1>, vector<16xi32>
          %add3A_353 = arith.addi %add3A_333, %select_n3A_352 : vector<16xi32>
          %ge3A_354 = arith.cmpf oge, %get3A_346, %scan3A_190#1 : vector<16xf32>
          %jit3A_355 = arith.constant 1 : i32
          %jit3A_356 = arith.constant 0 : i32
          %broadcast_in_dim3A_357 = vector.broadcast %jit3A_355 : i32 to vector<16xi32>
          %broadcast_in_dim3A_358 = vector.broadcast %jit3A_356 : i32 to vector<16xi32>
          %select_n3A_359 = arith.select %ge3A_354, %broadcast_in_dim3A_357, %broadcast_in_dim3A_358 : vector<16xi1>, vector<16xi32>
          %add3A_360 = arith.addi %add3A_339, %select_n3A_359 : vector<16xi32>
          %scan3A_361 = arith.constant 2 : i32
          %scan3A_362 = arith.addi %scan3A_320, %scan3A_361 : i32
          %mul3A_363 = arith.constant 16 : i32
          %mul3A_364 = arith.muli %scan3A_362, %mul3A_363 : i32
          %get3A_365 = arith.index_cast %mul3A_364 : i32 to index
          %get3A_366 = tpu.vector_load %arg5[%get3A_365] {strides = array<i32>} : memref<32768xf32, #tpu.memory_space<vmem>>, vector<16xf32>,
          %get3A_367 = vector.shape_cast %get3A_366 : vector<16xf32> to vector<16xf32>
          %gt3A_368 = arith.cmpf ogt, %get3A_367, %scan3A_190#1 : vector<16xf32>
          %jit3A_369 = arith.constant 1 : i32
          %jit3A_370 = arith.constant 0 : i32
          %broadcast_in_dim3A_371 = vector.broadcast %jit3A_369 : i32 to vector<16xi32>
          %broadcast_in_dim3A_372 = vector.broadcast %jit3A_370 : i32 to vector<16xi32>
          %select_n3A_373 = arith.select %gt3A_368, %broadcast_in_dim3A_371, %broadcast_in_dim3A_372 : vector<16xi1>, vector<16xi32>
          %add3A_374 = arith.addi %add3A_353, %select_n3A_373 : vector<16xi32>
          %ge3A_375 = arith.cmpf oge, %get3A_367, %scan3A_190#1 : vector<16xf32>
          %jit3A_376 = arith.constant 1 : i32
          %jit3A_377 = arith.constant 0 : i32
          %broadcast_in_dim3A_378 = vector.broadcast %jit3A_376 : i32 to vector<16xi32>
          %broadcast_in_dim3A_379 = vector.broadcast %jit3A_377 : i32 to vector<16xi32>
          %select_n3A_380 = arith.select %ge3A_375, %broadcast_in_dim3A_378, %broadcast_in_dim3A_379 : vector<16xi1>, vector<16xi32>
          %add3A_381 = arith.addi %add3A_360, %select_n3A_380 : vector<16xi32>
          %scan3A_382 = arith.constant 3 : i32
          %scan3A_383 = arith.addi %scan3A_320, %scan3A_382 : i32
          %mul3A_384 = arith.constant 16 : i32
          %mul3A_385 = arith.muli %scan3A_383, %mul3A_384 : i32
          %get3A_386 = arith.index_cast %mul3A_385 : i32 to index
          %get3A_387 = tpu.vector_load %arg5[%get3A_386] {strides = array<i32>} : memref<32768xf32, #tpu.memory_space<vmem>>, vector<16xf32>,
          %get3A_388 = vector.shape_cast %get3A_387 : vector<16xf32> to vector<16xf32>
          %gt3A_389 = arith.cmpf ogt, %get3A_388, %scan3A_190#1 : vector<16xf32>
          %jit3A_390 = arith.constant 1 : i32
          %jit3A_391 = arith.constant 0 : i32
          %broadcast_in_dim3A_392 = vector.broadcast %jit3A_390 : i32 to vector<16xi32>
          %broadcast_in_dim3A_393 = vector.broadcast %jit3A_391 : i32 to vector<16xi32>
          %select_n3A_394 = arith.select %gt3A_389, %broadcast_in_dim3A_392, %broadcast_in_dim3A_393 : vector<16xi1>, vector<16xi32>
          %add3A_395 = arith.addi %add3A_374, %select_n3A_394 : vector<16xi32>
          %ge3A_396 = arith.cmpf oge, %get3A_388, %scan3A_190#1 : vector<16xf32>
          %jit3A_397 = arith.constant 1 : i32
          %jit3A_398 = arith.constant 0 : i32
          %broadcast_in_dim3A_399 = vector.broadcast %jit3A_397 : i32 to vector<16xi32>
          %broadcast_in_dim3A_400 = vector.broadcast %jit3A_398 : i32 to vector<16xi32>
          %select_n3A_401 = arith.select %ge3A_396, %broadcast_in_dim3A_399, %broadcast_in_dim3A_400 : vector<16xi1>, vector<16xi32>
          %add3A_402 = arith.addi %add3A_381, %select_n3A_401 : vector<16xi32>
          %scan3A_403 = arith.constant 4 : i32
          %scan3A_404 = arith.addi %scan3A_320, %scan3A_403 : i32
          %mul3A_405 = arith.constant 16 : i32
          %mul3A_406 = arith.muli %scan3A_404, %mul3A_405 : i32
          %get3A_407 = arith.index_cast %mul3A_406 : i32 to index
          %get3A_408 = tpu.vector_load %arg5[%get3A_407] {strides = array<i32>} : memref<32768xf32, #tpu.memory_space<vmem>>, vector<16xf32>,
          %get3A_409 = vector.shape_cast %get3A_408 : vector<16xf32> to vector<16xf32>
          %gt3A_410 = arith.cmpf ogt, %get3A_409, %scan3A_190#1 : vector<16xf32>
          %jit3A_411 = arith.constant 1 : i32
          %jit3A_412 = arith.constant 0 : i32
          %broadcast_in_dim3A_413 = vector.broadcast %jit3A_411 : i32 to vector<16xi32>
          %broadcast_in_dim3A_414 = vector.broadcast %jit3A_412 : i32 to vector<16xi32>
          %select_n3A_415 = arith.select %gt3A_410, %broadcast_in_dim3A_413, %broadcast_in_dim3A_414 : vector<16xi1>, vector<16xi32>
          %add3A_416 = arith.addi %add3A_395, %select_n3A_415 : vector<16xi32>
          %ge3A_417 = arith.cmpf oge, %get3A_409, %scan3A_190#1 : vector<16xf32>
          %jit3A_418 = arith.constant 1 : i32
          %jit3A_419 = arith.constant 0 : i32
          %broadcast_in_dim3A_420 = vector.broadcast %jit3A_418 : i32 to vector<16xi32>
          %broadcast_in_dim3A_421 = vector.broadcast %jit3A_419 : i32 to vector<16xi32>
          %select_n3A_422 = arith.select %ge3A_417, %broadcast_in_dim3A_420, %broadcast_in_dim3A_421 : vector<16xi1>, vector<16xi32>
          %add3A_423 = arith.addi %add3A_402, %select_n3A_422 : vector<16xi32>
          %scan3A_424 = arith.constant 5 : i32
          %scan3A_425 = arith.addi %scan3A_320, %scan3A_424 : i32
          %mul3A_426 = arith.constant 16 : i32
          %mul3A_427 = arith.muli %scan3A_425, %mul3A_426 : i32
          %get3A_428 = arith.index_cast %mul3A_427 : i32 to index
          %get3A_429 = tpu.vector_load %arg5[%get3A_428] {strides = array<i32>} : memref<32768xf32, #tpu.memory_space<vmem>>, vector<16xf32>,
          %get3A_430 = vector.shape_cast %get3A_429 : vector<16xf32> to vector<16xf32>
          %gt3A_431 = arith.cmpf ogt, %get3A_430, %scan3A_190#1 : vector<16xf32>
          %jit3A_432 = arith.constant 1 : i32
          %jit3A_433 = arith.constant 0 : i32
          %broadcast_in_dim3A_434 = vector.broadcast %jit3A_432 : i32 to vector<16xi32>
          %broadcast_in_dim3A_435 = vector.broadcast %jit3A_433 : i32 to vector<16xi32>
          %select_n3A_436 = arith.select %gt3A_431, %broadcast_in_dim3A_434, %broadcast_in_dim3A_435 : vector<16xi1>, vector<16xi32>
          %add3A_437 = arith.addi %add3A_416, %select_n3A_436 : vector<16xi32>
          %ge3A_438 = arith.cmpf oge, %get3A_430, %scan3A_190#1 : vector<16xf32>
          %jit3A_439 = arith.constant 1 : i32
          %jit3A_440 = arith.constant 0 : i32
          %broadcast_in_dim3A_441 = vector.broadcast %jit3A_439 : i32 to vector<16xi32>
          %broadcast_in_dim3A_442 = vector.broadcast %jit3A_440 : i32 to vector<16xi32>
          %select_n3A_443 = arith.select %ge3A_438, %broadcast_in_dim3A_441, %broadcast_in_dim3A_442 : vector<16xi1>, vector<16xi32>
          %add3A_444 = arith.addi %add3A_423, %select_n3A_443 : vector<16xi32>
          %scan3A_445 = arith.constant 6 : i32
          %scan3A_446 = arith.addi %scan3A_320, %scan3A_445 : i32
          %mul3A_447 = arith.constant 16 : i32
          %mul3A_448 = arith.muli %scan3A_446, %mul3A_447 : i32
          %get3A_449 = arith.index_cast %mul3A_448 : i32 to index
          %get3A_450 = tpu.vector_load %arg5[%get3A_449] {strides = array<i32>} : memref<32768xf32, #tpu.memory_space<vmem>>, vector<16xf32>,
          %get3A_451 = vector.shape_cast %get3A_450 : vector<16xf32> to vector<16xf32>
          %gt3A_452 = arith.cmpf ogt, %get3A_451, %scan3A_190#1 : vector<16xf32>
          %jit3A_453 = arith.constant 1 : i32
          %jit3A_454 = arith.constant 0 : i32
          %broadcast_in_dim3A_455 = vector.broadcast %jit3A_453 : i32 to vector<16xi32>
          %broadcast_in_dim3A_456 = vector.broadcast %jit3A_454 : i32 to vector<16xi32>
          %select_n3A_457 = arith.select %gt3A_452, %broadcast_in_dim3A_455, %broadcast_in_dim3A_456 : vector<16xi1>, vector<16xi32>
          %add3A_458 = arith.addi %add3A_437, %select_n3A_457 : vector<16xi32>
          %ge3A_459 = arith.cmpf oge, %get3A_451, %scan3A_190#1 : vector<16xf32>
          %jit3A_460 = arith.constant 1 : i32
          %jit3A_461 = arith.constant 0 : i32
          %broadcast_in_dim3A_462 = vector.broadcast %jit3A_460 : i32 to vector<16xi32>
          %broadcast_in_dim3A_463 = vector.broadcast %jit3A_461 : i32 to vector<16xi32>
          %select_n3A_464 = arith.select %ge3A_459, %broadcast_in_dim3A_462, %broadcast_in_dim3A_463 : vector<16xi1>, vector<16xi32>
          %add3A_465 = arith.addi %add3A_444, %select_n3A_464 : vector<16xi32>
          %scan3A_466 = arith.constant 7 : i32
          %scan3A_467 = arith.addi %scan3A_320, %scan3A_466 : i32
          %mul3A_468 = arith.constant 16 : i32
          %mul3A_469 = arith.muli %scan3A_467, %mul3A_468 : i32
          %get3A_470 = arith.index_cast %mul3A_469 : i32 to index
          %get3A_471 = tpu.vector_load %arg5[%get3A_470] {strides = array<i32>} : memref<32768xf32, #tpu.memory_space<vmem>>, vector<16xf32>,
          %get3A_472 = vector.shape_cast %get3A_471 : vector<16xf32> to vector<16xf32>
          %gt3A_473 = arith.cmpf ogt, %get3A_472, %scan3A_190#1 : vector<16xf32>
          %jit3A_474 = arith.constant 1 : i32
          %jit3A_475 = arith.constant 0 : i32
          %broadcast_in_dim3A_476 = vector.broadcast %jit3A_474 : i32 to vector<16xi32>
          %broadcast_in_dim3A_477 = vector.broadcast %jit3A_475 : i32 to vector<16xi32>
          %select_n3A_478 = arith.select %gt3A_473, %broadcast_in_dim3A_476, %broadcast_in_dim3A_477 : vector<16xi1>, vector<16xi32>
          %add3A_479 = arith.addi %add3A_458, %select_n3A_478 : vector<16xi32>
          %ge3A_480 = arith.cmpf oge, %get3A_472, %scan3A_190#1 : vector<16xf32>
          %jit3A_481 = arith.constant 1 : i32
          %jit3A_482 = arith.constant 0 : i32
          %broadcast_in_dim3A_483 = vector.broadcast %jit3A_481 : i32 to vector<16xi32>
          %broadcast_in_dim3A_484 = vector.broadcast %jit3A_482 : i32 to vector<16xi32>
          %select_n3A_485 = arith.select %ge3A_480, %broadcast_in_dim3A_483, %broadcast_in_dim3A_484 : vector<16xi1>, vector<16xi32>
          %add3A_486 = arith.addi %add3A_465, %select_n3A_485 : vector<16xi32>
          scf.yield %add3A_479, %add3A_486 : vector<16xi32>, vector<16xi32>
        }
        %scan3A_199 = arith.constant 2048 : i32
        %xor3A_200 = arith.constant 1 : i32
        %xor3A_201 = vector.broadcast %xor3A_200 : i32 to vector<16xi32>
        %xor3A_202 = arith.xori %iota3A, %xor3A_201 : vector<16xi32>
        %lt3A_203 = arith.constant 0 : i32
        %lt3A_204 = vector.broadcast %lt3A_203 : i32 to vector<16xi32>
        %lt3A_205 = arith.cmpi slt, %xor3A_202, %lt3A_204 : vector<16xi32>
        %add3A_206 = arith.constant 16 : i32
        %add3A_207 = vector.broadcast %add3A_206 : i32 to vector<16xi32>
        %add3A_208 = arith.addi %xor3A_202, %add3A_207 : vector<16xi32>
        %select_n3A_209 = arith.select %lt3A_205, %add3A_208, %xor3A_202 : vector<16xi1>, vector<16xi32>
        %broadcast_in_dim3A_210 = vector.shape_cast %select_n3A_209 : vector<16xi32> to vector<16x1xi32>
        %gather3A_211 = vector.shape_cast %broadcast_in_dim3A_210 : vector<16x1xi32> to vector<16xi32>
        %gather3A_212 = tpu.dynamic_gather %scan3A_198#0[%gather3A_211] in [0] : vector<16xi32>, vector<16xi32> -> vector<16xi32>
        %add3A_213 = arith.addi %scan3A_198#0, %gather3A_212 : vector<16xi32>
        %xor3A_214 = arith.constant 2 : i32
        %xor3A_215 = vector.broadcast %xor3A_214 : i32 to vector<16xi32>
        %xor3A_216 = arith.xori %iota3A, %xor3A_215 : vector<16xi32>
        %lt3A_217 = arith.constant 0 : i32
        %lt3A_218 = vector.broadcast %lt3A_217 : i32 to vector<16xi32>
        %lt3A_219 = arith.cmpi slt, %xor3A_216, %lt3A_218 : vector<16xi32>
        %add3A_220 = arith.constant 16 : i32
        %add3A_221 = vector.broadcast %add3A_220 : i32 to vector<16xi32>
        %add3A_222 = arith.addi %xor3A_216, %add3A_221 : vector<16xi32>
        %select_n3A_223 = arith.select %lt3A_219, %add3A_222, %xor3A_216 : vector<16xi1>, vector<16xi32>
        %broadcast_in_dim3A_224 = vector.shape_cast %select_n3A_223 : vector<16xi32> to vector<16x1xi32>
        %gather3A_225 = vector.shape_cast %broadcast_in_dim3A_224 : vector<16x1xi32> to vector<16xi32>
        %gather3A_226 = tpu.dynamic_gather %add3A_213[%gather3A_225] in [0] : vector<16xi32>, vector<16xi32> -> vector<16xi32>
        %add3A_227 = arith.addi %add3A_213, %gather3A_226 : vector<16xi32>
        %xor3A_228 = arith.constant 4 : i32
        %xor3A_229 = vector.broadcast %xor3A_228 : i32 to vector<16xi32>
        %xor3A_230 = arith.xori %iota3A, %xor3A_229 : vector<16xi32>
        %lt3A_231 = arith.constant 0 : i32
        %lt3A_232 = vector.broadcast %lt3A_231 : i32 to vector<16xi32>
        %lt3A_233 = arith.cmpi slt, %xor3A_230, %lt3A_232 : vector<16xi32>
        %add3A_234 = arith.constant 16 : i32
        %add3A_235 = vector.broadcast %add3A_234 : i32 to vector<16xi32>
        %add3A_236 = arith.addi %xor3A_230, %add3A_235 : vector<16xi32>
        %select_n3A_237 = arith.select %lt3A_233, %add3A_236, %xor3A_230 : vector<16xi1>, vector<16xi32>
        %broadcast_in_dim3A_238 = vector.shape_cast %select_n3A_237 : vector<16xi32> to vector<16x1xi32>
        %gather3A_239 = vector.shape_cast %broadcast_in_dim3A_238 : vector<16x1xi32> to vector<16xi32>
        %gather3A_240 = tpu.dynamic_gather %add3A_227[%gather3A_239] in [0] : vector<16xi32>, vector<16xi32> -> vector<16xi32>
        %add3A_241 = arith.addi %add3A_227, %gather3A_240 : vector<16xi32>
        %xor3A_242 = arith.constant 8 : i32
        %xor3A_243 = vector.broadcast %xor3A_242 : i32 to vector<16xi32>
        %xor3A_244 = arith.xori %iota3A, %xor3A_243 : vector<16xi32>
        %lt3A_245 = arith.constant 0 : i32
        %lt3A_246 = vector.broadcast %lt3A_245 : i32 to vector<16xi32>
        %lt3A_247 = arith.cmpi slt, %xor3A_244, %lt3A_246 : vector<16xi32>
        %add3A_248 = arith.constant 16 : i32
        %add3A_249 = vector.broadcast %add3A_248 : i32 to vector<16xi32>
        %add3A_250 = arith.addi %xor3A_244, %add3A_249 : vector<16xi32>
        %select_n3A_251 = arith.select %lt3A_247, %add3A_250, %xor3A_244 : vector<16xi1>, vector<16xi32>
        %broadcast_in_dim3A_252 = vector.shape_cast %select_n3A_251 : vector<16xi32> to vector<16x1xi32>
        %gather3A_253 = vector.shape_cast %broadcast_in_dim3A_252 : vector<16x1xi32> to vector<16xi32>
        %gather3A_254 = tpu.dynamic_gather %add3A_241[%gather3A_253] in [0] : vector<16xi32>, vector<16xi32> -> vector<16xi32>
        %add3A_255 = arith.addi %add3A_241, %gather3A_254 : vector<16xi32>
        %xor3A_256 = arith.constant 1 : i32
        %xor3A_257 = vector.broadcast %xor3A_256 : i32 to vector<16xi32>
        %xor3A_258 = arith.xori %iota3A, %xor3A_257 : vector<16xi32>
        %lt3A_259 = arith.constant 0 : i32
        %lt3A_260 = vector.broadcast %lt3A_259 : i32 to vector<16xi32>
        %lt3A_261 = arith.cmpi slt, %xor3A_258, %lt3A_260 : vector<16xi32>
        %add3A_262 = arith.constant 16 : i32
        %add3A_263 = vector.broadcast %add3A_262 : i32 to vector<16xi32>
        %add3A_264 = arith.addi %xor3A_258, %add3A_263 : vector<16xi32>
        %select_n3A_265 = arith.select %lt3A_261, %add3A_264, %xor3A_258 : vector<16xi1>, vector<16xi32>
        %broadcast_in_dim3A_266 = vector.shape_cast %select_n3A_265 : vector<16xi32> to vector<16x1xi32>
        %gather3A_267 = vector.shape_cast %broadcast_in_dim3A_266 : vector<16x1xi32> to vector<16xi32>
        %gather3A_268 = tpu.dynamic_gather %scan3A_198#1[%gather3A_267] in [0] : vector<16xi32>, vector<16xi32> -> vector<16xi32>
        %add3A_269 = arith.addi %scan3A_198#1, %gather3A_268 : vector<16xi32>
        %xor3A_270 = arith.constant 2 : i32
        %xor3A_271 = vector.broadcast %xor3A_270 : i32 to vector<16xi32>
        %xor3A_272 = arith.xori %iota3A, %xor3A_271 : vector<16xi32>
        %lt3A_273 = arith.constant 0 : i32
        %lt3A_274 = vector.broadcast %lt3A_273 : i32 to vector<16xi32>
        %lt3A_275 = arith.cmpi slt, %xor3A_272, %lt3A_274 : vector<16xi32>
        %add3A_276 = arith.constant 16 : i32
        %add3A_277 = vector.broadcast %add3A_276 : i32 to vector<16xi32>
        %add3A_278 = arith.addi %xor3A_272, %add3A_277 : vector<16xi32>
        %select_n3A_279 = arith.select %lt3A_275, %add3A_278, %xor3A_272 : vector<16xi1>, vector<16xi32>
        %broadcast_in_dim3A_280 = vector.shape_cast %select_n3A_279 : vector<16xi32> to vector<16x1xi32>
        %gather3A_281 = vector.shape_cast %broadcast_in_dim3A_280 : vector<16x1xi32> to vector<16xi32>
        %gather3A_282 = tpu.dynamic_gather %add3A_269[%gather3A_281] in [0] : vector<16xi32>, vector<16xi32> -> vector<16xi32>
        %add3A_283 = arith.addi %add3A_269, %gather3A_282 : vector<16xi32>
        %xor3A_284 = arith.constant 4 : i32
        %xor3A_285 = vector.broadcast %xor3A_284 : i32 to vector<16xi32>
        %xor3A_286 = arith.xori %iota3A, %xor3A_285 : vector<16xi32>
        %lt3A_287 = arith.constant 0 : i32
        %lt3A_288 = vector.broadcast %lt3A_287 : i32 to vector<16xi32>
        %lt3A_289 = arith.cmpi slt, %xor3A_286, %lt3A_288 : vector<16xi32>
        %add3A_290 = arith.constant 16 : i32
        %add3A_291 = vector.broadcast %add3A_290 : i32 to vector<16xi32>
        %add3A_292 = arith.addi %xor3A_286, %add3A_291 : vector<16xi32>
        %select_n3A_293 = arith.select %lt3A_289, %add3A_292, %xor3A_286 : vector<16xi1>, vector<16xi32>
        %broadcast_in_dim3A_294 = vector.shape_cast %select_n3A_293 : vector<16xi32> to vector<16x1xi32>
        %gather3A_295 = vector.shape_cast %broadcast_in_dim3A_294 : vector<16x1xi32> to vector<16xi32>
        %gather3A_296 = tpu.dynamic_gather %add3A_283[%gather3A_295] in [0] : vector<16xi32>, vector<16xi32> -> vector<16xi32>
        %add3A_297 = arith.addi %add3A_283, %gather3A_296 : vector<16xi32>
        %xor3A_298 = arith.constant 8 : i32
        %xor3A_299 = vector.broadcast %xor3A_298 : i32 to vector<16xi32>
        %xor3A_300 = arith.xori %iota3A, %xor3A_299 : vector<16xi32>
        %lt3A_301 = arith.constant 0 : i32
        %lt3A_302 = vector.broadcast %lt3A_301 : i32 to vector<16xi32>
        %lt3A_303 = arith.cmpi slt, %xor3A_300, %lt3A_302 : vector<16xi32>
        %add3A_304 = arith.constant 16 : i32
        %add3A_305 = vector.broadcast %add3A_304 : i32 to vector<16xi32>
        %add3A_306 = arith.addi %xor3A_300, %add3A_305 : vector<16xi32>
        %select_n3A_307 = arith.select %lt3A_303, %add3A_306, %xor3A_300 : vector<16xi1>, vector<16xi32>
        %broadcast_in_dim3A_308 = vector.shape_cast %select_n3A_307 : vector<16xi32> to vector<16x1xi32>
        %gather3A_309 = vector.shape_cast %broadcast_in_dim3A_308 : vector<16x1xi32> to vector<16xi32>
        %gather3A_310 = tpu.dynamic_gather %add3A_297[%gather3A_309] in [0] : vector<16xi32>, vector<16xi32> -> vector<16xi32>
        %add3A_311 = arith.addi %add3A_297, %gather3A_310 : vector<16xi32>
        %sub3A = arith.constant 64 : i32
        %sub3A_312 = vector.broadcast %sub3A : i32 to vector<16xi32>
        %sub3A_313 = arith.subi %sub3A_312, %add3A_255 : vector<16xi32>
        %scan3A_314 = arith.constant 0 : i32
        %scan3A_315 = arith.constant 2048 : i32
        %scan3A_316 = arith.addi %scan3A_314, %scan3A_315 : i32
        %scan3A_317 = arith.constant 1 : i32
        %scan3A_318 = scf.for %scan3A_320 = %scan3A_314 to %scan3A_316 step %scan3A_317 iter_args(%scan3A_321 = %broadcast_in_dim3A_10) -> (vector<16xi32>)  : i32 {
          %mul3A_322 = arith.constant 16 : i32
          %mul3A_323 = arith.muli %scan3A_320, %mul3A_322 : i32
          %get3A = arith.index_cast %mul3A_323 : i32 to index
          %get3A_324 = tpu.vector_load %arg5[%get3A] {strides = array<i32>} : memref<32768xf32, #tpu.memory_space<vmem>>, vector<16xf32>,
          %get3A_325 = vector.shape_cast %get3A_324 : vector<16xf32> to vector<16xf32>
          %gt3A_326 = arith.cmpf ogt, %get3A_325, %scan3A_190#1 : vector<16xf32>
          %eq3A = arith.cmpf oeq, %get3A_325, %scan3A_190#1 : vector<16xf32>
          %jit3A_327 = arith.constant 1 : i32
          %jit3A_328 = arith.constant 0 : i32
          %broadcast_in_dim3A_329 = vector.broadcast %jit3A_327 : i32 to vector<16xi32>
          %broadcast_in_dim3A_330 = vector.broadcast %jit3A_328 : i32 to vector<16xi32>
          %select_n3A_331 = arith.select %eq3A, %broadcast_in_dim3A_329, %broadcast_in_dim3A_330 : vector<16xi1>, vector<16xi32>
          %sub3A_332 = arith.constant 1 : i32
          %sub3A_333 = vector.broadcast %sub3A_332 : i32 to vector<16xi32>
          %sub3A_334 = arith.subi %iota3A, %sub3A_333 : vector<16xi32>
          %max3A = arith.constant 0 : i32
          %max3A_335 = vector.broadcast %max3A : i32 to vector<16xi32>
          %max3A_336 = arith.maxsi %sub3A_334, %max3A_335 : vector<16xi32>
          %lt3A_337 = arith.constant 0 : i32
          %lt3A_338 = vector.broadcast %lt3A_337 : i32 to vector<16xi32>
          %lt3A_339 = arith.cmpi slt, %max3A_336, %lt3A_338 : vector<16xi32>
          %add3A_340 = arith.constant 16 : i32
          %add3A_341 = vector.broadcast %add3A_340 : i32 to vector<16xi32>
          %add3A_342 = arith.addi %max3A_336, %add3A_341 : vector<16xi32>
          %select_n3A_343 = arith.select %lt3A_339, %add3A_342, %max3A_336 : vector<16xi1>, vector<16xi32>
          %broadcast_in_dim3A_344 = vector.shape_cast %select_n3A_343 : vector<16xi32> to vector<16x1xi32>
          %gather3A_345 = vector.shape_cast %broadcast_in_dim3A_344 : vector<16x1xi32> to vector<16xi32>
          %gather3A_346 = tpu.dynamic_gather %select_n3A_331[%gather3A_345] in [0] : vector<16xi32>, vector<16xi32> -> vector<16xi32>
          %ge3A = arith.constant 1 : i32
          %ge3A_347 = vector.broadcast %ge3A : i32 to vector<16xi32>
          %ge3A_348 = arith.cmpi sge, %iota3A, %ge3A_347 : vector<16xi32>
          %jit3A_349 = arith.constant 0 : i32
          %broadcast_in_dim3A_350 = vector.broadcast %jit3A_349 : i32 to vector<16xi32>
          %select_n3A_351 = arith.select %ge3A_348, %gather3A_346, %broadcast_in_dim3A_350 : vector<16xi1>, vector<16xi32>
          %add3A_352 = arith.addi %select_n3A_331, %select_n3A_351 : vector<16xi32>
          %sub3A_353 = arith.constant 2 : i32
          %sub3A_354 = vector.broadcast %sub3A_353 : i32 to vector<16xi32>
          %sub3A_355 = arith.subi %iota3A, %sub3A_354 : vector<16xi32>
          %max3A_356 = arith.constant 0 : i32
          %max3A_357 = vector.broadcast %max3A_356 : i32 to vector<16xi32>
          %max3A_358 = arith.maxsi %sub3A_355, %max3A_357 : vector<16xi32>
          %lt3A_359 = arith.constant 0 : i32
          %lt3A_360 = vector.broadcast %lt3A_359 : i32 to vector<16xi32>
          %lt3A_361 = arith.cmpi slt, %max3A_358, %lt3A_360 : vector<16xi32>
          %add3A_362 = arith.constant 16 : i32
          %add3A_363 = vector.broadcast %add3A_362 : i32 to vector<16xi32>
          %add3A_364 = arith.addi %max3A_358, %add3A_363 : vector<16xi32>
          %select_n3A_365 = arith.select %lt3A_361, %add3A_364, %max3A_358 : vector<16xi1>, vector<16xi32>
          %broadcast_in_dim3A_366 = vector.shape_cast %select_n3A_365 : vector<16xi32> to vector<16x1xi32>
          %gather3A_367 = vector.shape_cast %broadcast_in_dim3A_366 : vector<16x1xi32> to vector<16xi32>
          %gather3A_368 = tpu.dynamic_gather %add3A_352[%gather3A_367] in [0] : vector<16xi32>, vector<16xi32> -> vector<16xi32>
          %ge3A_369 = arith.constant 2 : i32
          %ge3A_370 = vector.broadcast %ge3A_369 : i32 to vector<16xi32>
          %ge3A_371 = arith.cmpi sge, %iota3A, %ge3A_370 : vector<16xi32>
          %jit3A_372 = arith.constant 0 : i32
          %broadcast_in_dim3A_373 = vector.broadcast %jit3A_372 : i32 to vector<16xi32>
          %select_n3A_374 = arith.select %ge3A_371, %gather3A_368, %broadcast_in_dim3A_373 : vector<16xi1>, vector<16xi32>
          %add3A_375 = arith.addi %add3A_352, %select_n3A_374 : vector<16xi32>
          %sub3A_376 = arith.constant 4 : i32
          %sub3A_377 = vector.broadcast %sub3A_376 : i32 to vector<16xi32>
          %sub3A_378 = arith.subi %iota3A, %sub3A_377 : vector<16xi32>
          %max3A_379 = arith.constant 0 : i32
          %max3A_380 = vector.broadcast %max3A_379 : i32 to vector<16xi32>
          %max3A_381 = arith.maxsi %sub3A_378, %max3A_380 : vector<16xi32>
          %lt3A_382 = arith.constant 0 : i32
          %lt3A_383 = vector.broadcast %lt3A_382 : i32 to vector<16xi32>
          %lt3A_384 = arith.cmpi slt, %max3A_381, %lt3A_383 : vector<16xi32>
          %add3A_385 = arith.constant 16 : i32
          %add3A_386 = vector.broadcast %add3A_385 : i32 to vector<16xi32>
          %add3A_387 = arith.addi %max3A_381, %add3A_386 : vector<16xi32>
          %select_n3A_388 = arith.select %lt3A_384, %add3A_387, %max3A_381 : vector<16xi1>, vector<16xi32>
          %broadcast_in_dim3A_389 = vector.shape_cast %select_n3A_388 : vector<16xi32> to vector<16x1xi32>
          %gather3A_390 = vector.shape_cast %broadcast_in_dim3A_389 : vector<16x1xi32> to vector<16xi32>
          %gather3A_391 = tpu.dynamic_gather %add3A_375[%gather3A_390] in [0] : vector<16xi32>, vector<16xi32> -> vector<16xi32>
          %ge3A_392 = arith.constant 4 : i32
          %ge3A_393 = vector.broadcast %ge3A_392 : i32 to vector<16xi32>
          %ge3A_394 = arith.cmpi sge, %iota3A, %ge3A_393 : vector<16xi32>
          %jit3A_395 = arith.constant 0 : i32
          %broadcast_in_dim3A_396 = vector.broadcast %jit3A_395 : i32 to vector<16xi32>
          %select_n3A_397 = arith.select %ge3A_394, %gather3A_391, %broadcast_in_dim3A_396 : vector<16xi1>, vector<16xi32>
          %add3A_398 = arith.addi %add3A_375, %select_n3A_397 : vector<16xi32>
          %sub3A_399 = arith.constant 8 : i32
          %sub3A_400 = vector.broadcast %sub3A_399 : i32 to vector<16xi32>
          %sub3A_401 = arith.subi %iota3A, %sub3A_400 : vector<16xi32>
          %max3A_402 = arith.constant 0 : i32
          %max3A_403 = vector.broadcast %max3A_402 : i32 to vector<16xi32>
          %max3A_404 = arith.maxsi %sub3A_401, %max3A_403 : vector<16xi32>
          %lt3A_405 = arith.constant 0 : i32
          %lt3A_406 = vector.broadcast %lt3A_405 : i32 to vector<16xi32>
          %lt3A_407 = arith.cmpi slt, %max3A_404, %lt3A_406 : vector<16xi32>
          %add3A_408 = arith.constant 16 : i32
          %add3A_409 = vector.broadcast %add3A_408 : i32 to vector<16xi32>
          %add3A_410 = arith.addi %max3A_404, %add3A_409 : vector<16xi32>
          %select_n3A_411 = arith.select %lt3A_407, %add3A_410, %max3A_404 : vector<16xi1>, vector<16xi32>
          %broadcast_in_dim3A_412 = vector.shape_cast %select_n3A_411 : vector<16xi32> to vector<16x1xi32>
          %gather3A_413 = vector.shape_cast %broadcast_in_dim3A_412 : vector<16x1xi32> to vector<16xi32>
          %gather3A_414 = tpu.dynamic_gather %add3A_398[%gather3A_413] in [0] : vector<16xi32>, vector<16xi32> -> vector<16xi32>
          %ge3A_415 = arith.constant 8 : i32
          %ge3A_416 = vector.broadcast %ge3A_415 : i32 to vector<16xi32>
          %ge3A_417 = arith.cmpi sge, %iota3A, %ge3A_416 : vector<16xi32>
          %jit3A_418 = arith.constant 0 : i32
          %broadcast_in_dim3A_419 = vector.broadcast %jit3A_418 : i32 to vector<16xi32>
          %select_n3A_420 = arith.select %ge3A_417, %gather3A_414, %broadcast_in_dim3A_419 : vector<16xi1>, vector<16xi32>
          %add3A_421 = arith.addi %add3A_398, %select_n3A_420 : vector<16xi32>
          %add3A_422 = arith.addi %scan3A_321, %add3A_421 : vector<16xi32>
          %le3A_423 = arith.cmpi sle, %add3A_422, %sub3A_313 : vector<16xi32>
          %and3A_424 = arith.andi %eq3A, %le3A_423 : vector<16xi1>
          %or3A = arith.ori %gt3A_326, %and3A_424 : vector<16xi1>
          %jit3A_425 = arith.constant 0.000000e+00 : f32
          %broadcast_in_dim3A_426 = vector.broadcast %jit3A_425 : f32 to vector<16xf32>
          %select_n3A_427 = arith.select %or3A, %get3A_325, %broadcast_in_dim3A_426 : vector<16xi1>, vector<16xf32>
          %mul3A_428 = arith.constant 16 : i32
          %mul3A_429 = arith.muli %scan3A_320, %mul3A_428 : i32
          %swap3A = arith.index_cast %mul3A_429 : i32 to index
          %swap3A_430 = tpu.vector_load %arg6[%swap3A] {strides = array<i32>} : memref<32768xf32, #tpu.memory_space<vmem>>, vector<16xf32>,
          %swap3A_431 = vector.shape_cast %swap3A_430 : vector<16xf32> to vector<16xf32>
          %swap3A_432 = vector.shape_cast %select_n3A_427 : vector<16xf32> to vector<16xf32>
          tpu.vector_store %arg6[%swap3A], %swap3A_432 {strides = array<i32>} : memref<32768xf32, #tpu.memory_space<vmem>>, vector<16xf32>,
          %jit3A_433 = arith.constant 1.000000e+00 : f32
          %jit3A_434 = arith.constant 0.000000e+00 : f32
          %broadcast_in_dim3A_435 = vector.broadcast %jit3A_433 : f32 to vector<16xf32>
          %broadcast_in_dim3A_436 = vector.broadcast %jit3A_434 : f32 to vector<16xf32>
          %select_n3A_437 = arith.select %or3A, %broadcast_in_dim3A_435, %broadcast_in_dim3A_436 : vector<16xi1>, vector<16xf32>
          %mul3A_438 = arith.constant 16 : i32
          %mul3A_439 = arith.muli %scan3A_320, %mul3A_438 : i32
          %swap3A_440 = arith.index_cast %mul3A_439 : i32 to index
          %swap3A_441 = tpu.vector_load %arg7[%swap3A_440] {strides = array<i32>} : memref<32768xf32, #tpu.memory_space<vmem>>, vector<16xf32>,
          %swap3A_442 = vector.shape_cast %swap3A_441 : vector<16xf32> to vector<16xf32>
          %swap3A_443 = vector.shape_cast %select_n3A_437 : vector<16xf32> to vector<16xf32>
          tpu.vector_store %arg7[%swap3A_440], %swap3A_443 {strides = array<i32>} : memref<32768xf32, #tpu.memory_space<vmem>>, vector<16xf32>,
          %xor3A_444 = arith.constant 1 : i32
          %xor3A_445 = vector.broadcast %xor3A_444 : i32 to vector<16xi32>
          %xor3A_446 = arith.xori %iota3A, %xor3A_445 : vector<16xi32>
          %lt3A_447 = arith.constant 0 : i32
          %lt3A_448 = vector.broadcast %lt3A_447 : i32 to vector<16xi32>
          %lt3A_449 = arith.cmpi slt, %xor3A_446, %lt3A_448 : vector<16xi32>
          %add3A_450 = arith.constant 16 : i32
          %add3A_451 = vector.broadcast %add3A_450 : i32 to vector<16xi32>
          %add3A_452 = arith.addi %xor3A_446, %add3A_451 : vector<16xi32>
          %select_n3A_453 = arith.select %lt3A_449, %add3A_452, %xor3A_446 : vector<16xi1>, vector<16xi32>
          %broadcast_in_dim3A_454 = vector.shape_cast %select_n3A_453 : vector<16xi32> to vector<16x1xi32>
          %gather3A_455 = vector.shape_cast %broadcast_in_dim3A_454 : vector<16x1xi32> to vector<16xi32>
          %gather3A_456 = tpu.dynamic_gather %select_n3A_331[%gather3A_455] in [0] : vector<16xi32>, vector<16xi32> -> vector<16xi32>
          %add3A_457 = arith.addi %select_n3A_331, %gather3A_456 : vector<16xi32>
          %xor3A_458 = arith.constant 2 : i32
          %xor3A_459 = vector.broadcast %xor3A_458 : i32 to vector<16xi32>
          %xor3A_460 = arith.xori %iota3A, %xor3A_459 : vector<16xi32>
          %lt3A_461 = arith.constant 0 : i32
          %lt3A_462 = vector.broadcast %lt3A_461 : i32 to vector<16xi32>
          %lt3A_463 = arith.cmpi slt, %xor3A_460, %lt3A_462 : vector<16xi32>
          %add3A_464 = arith.constant 16 : i32
          %add3A_465 = vector.broadcast %add3A_464 : i32 to vector<16xi32>
          %add3A_466 = arith.addi %xor3A_460, %add3A_465 : vector<16xi32>
          %select_n3A_467 = arith.select %lt3A_463, %add3A_466, %xor3A_460 : vector<16xi1>, vector<16xi32>
          %broadcast_in_dim3A_468 = vector.shape_cast %select_n3A_467 : vector<16xi32> to vector<16x1xi32>
          %gather3A_469 = vector.shape_cast %broadcast_in_dim3A_468 : vector<16x1xi32> to vector<16xi32>
          %gather3A_470 = tpu.dynamic_gather %add3A_457[%gather3A_469] in [0] : vector<16xi32>, vector<16xi32> -> vector<16xi32>
          %add3A_471 = arith.addi %add3A_457, %gather3A_470 : vector<16xi32>
          %xor3A_472 = arith.constant 4 : i32
          %xor3A_473 = vector.broadcast %xor3A_472 : i32 to vector<16xi32>
          %xor3A_474 = arith.xori %iota3A, %xor3A_473 : vector<16xi32>
          %lt3A_475 = arith.constant 0 : i32
          %lt3A_476 = vector.broadcast %lt3A_475 : i32 to vector<16xi32>
          %lt3A_477 = arith.cmpi slt, %xor3A_474, %lt3A_476 : vector<16xi32>
          %add3A_478 = arith.constant 16 : i32
          %add3A_479 = vector.broadcast %add3A_478 : i32 to vector<16xi32>
          %add3A_480 = arith.addi %xor3A_474, %add3A_479 : vector<16xi32>
          %select_n3A_481 = arith.select %lt3A_477, %add3A_480, %xor3A_474 : vector<16xi1>, vector<16xi32>
          %broadcast_in_dim3A_482 = vector.shape_cast %select_n3A_481 : vector<16xi32> to vector<16x1xi32>
          %gather3A_483 = vector.shape_cast %broadcast_in_dim3A_482 : vector<16x1xi32> to vector<16xi32>
          %gather3A_484 = tpu.dynamic_gather %add3A_471[%gather3A_483] in [0] : vector<16xi32>, vector<16xi32> -> vector<16xi32>
          %add3A_485 = arith.addi %add3A_471, %gather3A_484 : vector<16xi32>
          %xor3A_486 = arith.constant 8 : i32
          %xor3A_487 = vector.broadcast %xor3A_486 : i32 to vector<16xi32>
          %xor3A_488 = arith.xori %iota3A, %xor3A_487 : vector<16xi32>
          %lt3A_489 = arith.constant 0 : i32
          %lt3A_490 = vector.broadcast %lt3A_489 : i32 to vector<16xi32>
          %lt3A_491 = arith.cmpi slt, %xor3A_488, %lt3A_490 : vector<16xi32>
          %add3A_492 = arith.constant 16 : i32
          %add3A_493 = vector.broadcast %add3A_492 : i32 to vector<16xi32>
          %add3A_494 = arith.addi %xor3A_488, %add3A_493 : vector<16xi32>
          %select_n3A_495 = arith.select %lt3A_491, %add3A_494, %xor3A_488 : vector<16xi1>, vector<16xi32>
          %broadcast_in_dim3A_496 = vector.shape_cast %select_n3A_495 : vector<16xi32> to vector<16x1xi32>
          %gather3A_497 = vector.shape_cast %broadcast_in_dim3A_496 : vector<16x1xi32> to vector<16xi32>
          %gather3A_498 = tpu.dynamic_gather %add3A_485[%gather3A_497] in [0] : vector<16xi32>, vector<16xi32> -> vector<16xi32>
          %add3A_499 = arith.addi %add3A_485, %gather3A_498 : vector<16xi32>
          %add3A_500 = arith.addi %scan3A_321, %add3A_499 : vector<16xi32>
          scf.yield %add3A_500 : vector<16xi32>
        }
        %scan3A_319 = arith.constant 2048 : i32
      }
      %slice3A_156 = vector.extract_strided_slice %add3A_143 {offsets = [0], sizes = [1], strides = [1]} : vector<16xi32> to vector<1xi32>
      %squeeze3A_157 = vector.extract %slice3A_156[0] : i32 from vector<1xi32>
      %gt3A = arith.constant 64 : i32
      %gt3A_158 = arith.cmpi sgt, %squeeze3A_157, %gt3A : i32
      %and3A = arith.andi %le3A_144, %gt3A_158 : i1
      %jit3A_159 = arith.constant 1 : i32
      %jit3A_160 = arith.constant 0 : i32
      %select_n3A_161 = arith.select %and3A, %jit3A_159, %jit3A_160 : i32
      %while3A_162 = arith.constant 0 : i32
      %while3A_163 = arith.constant 0 : i32
      %while3A_164 = arith.subi %select_n3A_161, %while3A_163 : i32
      %while3A_165 = arith.addi %while3A_163, %while3A_164 : i32
      %while3A_166 = arith.constant 1 : i32
      %while3A_167 = arith.divsi %while3A_164, %while3A_166 : i32
      %while3A_168 = arith.muli %while3A_167, %while3A_166 : i32
      %while3A_169 = arith.addi %while3A_163, %while3A_168 : i32
      %while3A_170 = arith.constant 1 : i32
      scf.for %while3A_172 = %while3A_163 to %while3A_169 step %while3A_170  : i32 {
        %sub3A = arith.constant 64 : i32
        %sub3A_173 = vector.broadcast %sub3A : i32 to vector<16xi32>
        %sub3A_174 = arith.subi %sub3A_173, %add3A_87 : vector<16xi32>
        %scan3A_175 = arith.constant 0 : i32
        %scan3A_176 = arith.constant 2048 : i32
        %scan3A_177 = arith.addi %scan3A_175, %scan3A_176 : i32
        %scan3A_178 = arith.constant 1 : i32
        %scan3A_179 = scf.for %scan3A_181 = %scan3A_175 to %scan3A_177 step %scan3A_178 iter_args(%scan3A_182 = %broadcast_in_dim3A_10) -> (vector<16xi32>)  : i32 {
          %mul3A_183 = arith.constant 16 : i32
          %mul3A_184 = arith.muli %scan3A_181, %mul3A_183 : i32
          %get3A = arith.index_cast %mul3A_184 : i32 to index
          %get3A_185 = tpu.vector_load %arg5[%get3A] {strides = array<i32>} : memref<32768xf32, #tpu.memory_space<vmem>>, vector<16xf32>,
          %get3A_186 = vector.shape_cast %get3A_185 : vector<16xf32> to vector<16xf32>
          %gt3A_187 = arith.cmpf ogt, %get3A_186, %scan3A_28#1 : vector<16xf32>
          %eq3A = arith.cmpf oeq, %get3A_186, %scan3A_28#1 : vector<16xf32>
          %jit3A_188 = arith.constant 1 : i32
          %jit3A_189 = arith.constant 0 : i32
          %broadcast_in_dim3A_190 = vector.broadcast %jit3A_188 : i32 to vector<16xi32>
          %broadcast_in_dim3A_191 = vector.broadcast %jit3A_189 : i32 to vector<16xi32>
          %select_n3A_192 = arith.select %eq3A, %broadcast_in_dim3A_190, %broadcast_in_dim3A_191 : vector<16xi1>, vector<16xi32>
          %sub3A_193 = arith.constant 1 : i32
          %sub3A_194 = vector.broadcast %sub3A_193 : i32 to vector<16xi32>
          %sub3A_195 = arith.subi %iota3A, %sub3A_194 : vector<16xi32>
          %max3A = arith.constant 0 : i32
          %max3A_196 = vector.broadcast %max3A : i32 to vector<16xi32>
          %max3A_197 = arith.maxsi %sub3A_195, %max3A_196 : vector<16xi32>
          %lt3A_198 = arith.constant 0 : i32
          %lt3A_199 = vector.broadcast %lt3A_198 : i32 to vector<16xi32>
          %lt3A_200 = arith.cmpi slt, %max3A_197, %lt3A_199 : vector<16xi32>
          %add3A_201 = arith.constant 16 : i32
          %add3A_202 = vector.broadcast %add3A_201 : i32 to vector<16xi32>
          %add3A_203 = arith.addi %max3A_197, %add3A_202 : vector<16xi32>
          %select_n3A_204 = arith.select %lt3A_200, %add3A_203, %max3A_197 : vector<16xi1>, vector<16xi32>
          %broadcast_in_dim3A_205 = vector.shape_cast %select_n3A_204 : vector<16xi32> to vector<16x1xi32>
          %gather3A_206 = vector.shape_cast %broadcast_in_dim3A_205 : vector<16x1xi32> to vector<16xi32>
          %gather3A_207 = tpu.dynamic_gather %select_n3A_192[%gather3A_206] in [0] : vector<16xi32>, vector<16xi32> -> vector<16xi32>
          %ge3A = arith.constant 1 : i32
          %ge3A_208 = vector.broadcast %ge3A : i32 to vector<16xi32>
          %ge3A_209 = arith.cmpi sge, %iota3A, %ge3A_208 : vector<16xi32>
          %jit3A_210 = arith.constant 0 : i32
          %broadcast_in_dim3A_211 = vector.broadcast %jit3A_210 : i32 to vector<16xi32>
          %select_n3A_212 = arith.select %ge3A_209, %gather3A_207, %broadcast_in_dim3A_211 : vector<16xi1>, vector<16xi32>
          %add3A_213 = arith.addi %select_n3A_192, %select_n3A_212 : vector<16xi32>
          %sub3A_214 = arith.constant 2 : i32
          %sub3A_215 = vector.broadcast %sub3A_214 : i32 to vector<16xi32>
          %sub3A_216 = arith.subi %iota3A, %sub3A_215 : vector<16xi32>
          %max3A_217 = arith.constant 0 : i32
          %max3A_218 = vector.broadcast %max3A_217 : i32 to vector<16xi32>
          %max3A_219 = arith.maxsi %sub3A_216, %max3A_218 : vector<16xi32>
          %lt3A_220 = arith.constant 0 : i32
          %lt3A_221 = vector.broadcast %lt3A_220 : i32 to vector<16xi32>
          %lt3A_222 = arith.cmpi slt, %max3A_219, %lt3A_221 : vector<16xi32>
          %add3A_223 = arith.constant 16 : i32
          %add3A_224 = vector.broadcast %add3A_223 : i32 to vector<16xi32>
          %add3A_225 = arith.addi %max3A_219, %add3A_224 : vector<16xi32>
          %select_n3A_226 = arith.select %lt3A_222, %add3A_225, %max3A_219 : vector<16xi1>, vector<16xi32>
          %broadcast_in_dim3A_227 = vector.shape_cast %select_n3A_226 : vector<16xi32> to vector<16x1xi32>
          %gather3A_228 = vector.shape_cast %broadcast_in_dim3A_227 : vector<16x1xi32> to vector<16xi32>
          %gather3A_229 = tpu.dynamic_gather %add3A_213[%gather3A_228] in [0] : vector<16xi32>, vector<16xi32> -> vector<16xi32>
          %ge3A_230 = arith.constant 2 : i32
          %ge3A_231 = vector.broadcast %ge3A_230 : i32 to vector<16xi32>
          %ge3A_232 = arith.cmpi sge, %iota3A, %ge3A_231 : vector<16xi32>
          %jit3A_233 = arith.constant 0 : i32
          %broadcast_in_dim3A_234 = vector.broadcast %jit3A_233 : i32 to vector<16xi32>
          %select_n3A_235 = arith.select %ge3A_232, %gather3A_229, %broadcast_in_dim3A_234 : vector<16xi1>, vector<16xi32>
          %add3A_236 = arith.addi %add3A_213, %select_n3A_235 : vector<16xi32>
          %sub3A_237 = arith.constant 4 : i32
          %sub3A_238 = vector.broadcast %sub3A_237 : i32 to vector<16xi32>
          %sub3A_239 = arith.subi %iota3A, %sub3A_238 : vector<16xi32>
          %max3A_240 = arith.constant 0 : i32
          %max3A_241 = vector.broadcast %max3A_240 : i32 to vector<16xi32>
          %max3A_242 = arith.maxsi %sub3A_239, %max3A_241 : vector<16xi32>
          %lt3A_243 = arith.constant 0 : i32
          %lt3A_244 = vector.broadcast %lt3A_243 : i32 to vector<16xi32>
          %lt3A_245 = arith.cmpi slt, %max3A_242, %lt3A_244 : vector<16xi32>
          %add3A_246 = arith.constant 16 : i32
          %add3A_247 = vector.broadcast %add3A_246 : i32 to vector<16xi32>
          %add3A_248 = arith.addi %max3A_242, %add3A_247 : vector<16xi32>
          %select_n3A_249 = arith.select %lt3A_245, %add3A_248, %max3A_242 : vector<16xi1>, vector<16xi32>
          %broadcast_in_dim3A_250 = vector.shape_cast %select_n3A_249 : vector<16xi32> to vector<16x1xi32>
          %gather3A_251 = vector.shape_cast %broadcast_in_dim3A_250 : vector<16x1xi32> to vector<16xi32>
          %gather3A_252 = tpu.dynamic_gather %add3A_236[%gather3A_251] in [0] : vector<16xi32>, vector<16xi32> -> vector<16xi32>
          %ge3A_253 = arith.constant 4 : i32
          %ge3A_254 = vector.broadcast %ge3A_253 : i32 to vector<16xi32>
          %ge3A_255 = arith.cmpi sge, %iota3A, %ge3A_254 : vector<16xi32>
          %jit3A_256 = arith.constant 0 : i32
          %broadcast_in_dim3A_257 = vector.broadcast %jit3A_256 : i32 to vector<16xi32>
          %select_n3A_258 = arith.select %ge3A_255, %gather3A_252, %broadcast_in_dim3A_257 : vector<16xi1>, vector<16xi32>
          %add3A_259 = arith.addi %add3A_236, %select_n3A_258 : vector<16xi32>
          %sub3A_260 = arith.constant 8 : i32
          %sub3A_261 = vector.broadcast %sub3A_260 : i32 to vector<16xi32>
          %sub3A_262 = arith.subi %iota3A, %sub3A_261 : vector<16xi32>
          %max3A_263 = arith.constant 0 : i32
          %max3A_264 = vector.broadcast %max3A_263 : i32 to vector<16xi32>
          %max3A_265 = arith.maxsi %sub3A_262, %max3A_264 : vector<16xi32>
          %lt3A_266 = arith.constant 0 : i32
          %lt3A_267 = vector.broadcast %lt3A_266 : i32 to vector<16xi32>
          %lt3A_268 = arith.cmpi slt, %max3A_265, %lt3A_267 : vector<16xi32>
          %add3A_269 = arith.constant 16 : i32
          %add3A_270 = vector.broadcast %add3A_269 : i32 to vector<16xi32>
          %add3A_271 = arith.addi %max3A_265, %add3A_270 : vector<16xi32>
          %select_n3A_272 = arith.select %lt3A_268, %add3A_271, %max3A_265 : vector<16xi1>, vector<16xi32>
          %broadcast_in_dim3A_273 = vector.shape_cast %select_n3A_272 : vector<16xi32> to vector<16x1xi32>
          %gather3A_274 = vector.shape_cast %broadcast_in_dim3A_273 : vector<16x1xi32> to vector<16xi32>
          %gather3A_275 = tpu.dynamic_gather %add3A_259[%gather3A_274] in [0] : vector<16xi32>, vector<16xi32> -> vector<16xi32>
          %ge3A_276 = arith.constant 8 : i32
          %ge3A_277 = vector.broadcast %ge3A_276 : i32 to vector<16xi32>
          %ge3A_278 = arith.cmpi sge, %iota3A, %ge3A_277 : vector<16xi32>
          %jit3A_279 = arith.constant 0 : i32
          %broadcast_in_dim3A_280 = vector.broadcast %jit3A_279 : i32 to vector<16xi32>
          %select_n3A_281 = arith.select %ge3A_278, %gather3A_275, %broadcast_in_dim3A_280 : vector<16xi1>, vector<16xi32>
          %add3A_282 = arith.addi %add3A_259, %select_n3A_281 : vector<16xi32>
          %add3A_283 = arith.addi %scan3A_182, %add3A_282 : vector<16xi32>
          %le3A_284 = arith.cmpi sle, %add3A_283, %sub3A_174 : vector<16xi32>
          %and3A_285 = arith.andi %eq3A, %le3A_284 : vector<16xi1>
          %or3A = arith.ori %gt3A_187, %and3A_285 : vector<16xi1>
          %jit3A_286 = arith.constant 0.000000e+00 : f32
          %broadcast_in_dim3A_287 = vector.broadcast %jit3A_286 : f32 to vector<16xf32>
          %select_n3A_288 = arith.select %or3A, %get3A_186, %broadcast_in_dim3A_287 : vector<16xi1>, vector<16xf32>
          %mul3A_289 = arith.constant 16 : i32
          %mul3A_290 = arith.muli %scan3A_181, %mul3A_289 : i32
          %swap3A = arith.index_cast %mul3A_290 : i32 to index
          %swap3A_291 = tpu.vector_load %arg6[%swap3A] {strides = array<i32>} : memref<32768xf32, #tpu.memory_space<vmem>>, vector<16xf32>,
          %swap3A_292 = vector.shape_cast %swap3A_291 : vector<16xf32> to vector<16xf32>
          %swap3A_293 = vector.shape_cast %select_n3A_288 : vector<16xf32> to vector<16xf32>
          tpu.vector_store %arg6[%swap3A], %swap3A_293 {strides = array<i32>} : memref<32768xf32, #tpu.memory_space<vmem>>, vector<16xf32>,
          %jit3A_294 = arith.constant 1.000000e+00 : f32
          %jit3A_295 = arith.constant 0.000000e+00 : f32
          %broadcast_in_dim3A_296 = vector.broadcast %jit3A_294 : f32 to vector<16xf32>
          %broadcast_in_dim3A_297 = vector.broadcast %jit3A_295 : f32 to vector<16xf32>
          %select_n3A_298 = arith.select %or3A, %broadcast_in_dim3A_296, %broadcast_in_dim3A_297 : vector<16xi1>, vector<16xf32>
          %mul3A_299 = arith.constant 16 : i32
          %mul3A_300 = arith.muli %scan3A_181, %mul3A_299 : i32
          %swap3A_301 = arith.index_cast %mul3A_300 : i32 to index
          %swap3A_302 = tpu.vector_load %arg7[%swap3A_301] {strides = array<i32>} : memref<32768xf32, #tpu.memory_space<vmem>>, vector<16xf32>,
          %swap3A_303 = vector.shape_cast %swap3A_302 : vector<16xf32> to vector<16xf32>
          %swap3A_304 = vector.shape_cast %select_n3A_298 : vector<16xf32> to vector<16xf32>
          tpu.vector_store %arg7[%swap3A_301], %swap3A_304 {strides = array<i32>} : memref<32768xf32, #tpu.memory_space<vmem>>, vector<16xf32>,
          %xor3A_305 = arith.constant 1 : i32
          %xor3A_306 = vector.broadcast %xor3A_305 : i32 to vector<16xi32>
          %xor3A_307 = arith.xori %iota3A, %xor3A_306 : vector<16xi32>
          %lt3A_308 = arith.constant 0 : i32
          %lt3A_309 = vector.broadcast %lt3A_308 : i32 to vector<16xi32>
          %lt3A_310 = arith.cmpi slt, %xor3A_307, %lt3A_309 : vector<16xi32>
          %add3A_311 = arith.constant 16 : i32
          %add3A_312 = vector.broadcast %add3A_311 : i32 to vector<16xi32>
          %add3A_313 = arith.addi %xor3A_307, %add3A_312 : vector<16xi32>
          %select_n3A_314 = arith.select %lt3A_310, %add3A_313, %xor3A_307 : vector<16xi1>, vector<16xi32>
          %broadcast_in_dim3A_315 = vector.shape_cast %select_n3A_314 : vector<16xi32> to vector<16x1xi32>
          %gather3A_316 = vector.shape_cast %broadcast_in_dim3A_315 : vector<16x1xi32> to vector<16xi32>
          %gather3A_317 = tpu.dynamic_gather %select_n3A_192[%gather3A_316] in [0] : vector<16xi32>, vector<16xi32> -> vector<16xi32>
          %add3A_318 = arith.addi %select_n3A_192, %gather3A_317 : vector<16xi32>
          %xor3A_319 = arith.constant 2 : i32
          %xor3A_320 = vector.broadcast %xor3A_319 : i32 to vector<16xi32>
          %xor3A_321 = arith.xori %iota3A, %xor3A_320 : vector<16xi32>
          %lt3A_322 = arith.constant 0 : i32
          %lt3A_323 = vector.broadcast %lt3A_322 : i32 to vector<16xi32>
          %lt3A_324 = arith.cmpi slt, %xor3A_321, %lt3A_323 : vector<16xi32>
          %add3A_325 = arith.constant 16 : i32
          %add3A_326 = vector.broadcast %add3A_325 : i32 to vector<16xi32>
          %add3A_327 = arith.addi %xor3A_321, %add3A_326 : vector<16xi32>
          %select_n3A_328 = arith.select %lt3A_324, %add3A_327, %xor3A_321 : vector<16xi1>, vector<16xi32>
          %broadcast_in_dim3A_329 = vector.shape_cast %select_n3A_328 : vector<16xi32> to vector<16x1xi32>
          %gather3A_330 = vector.shape_cast %broadcast_in_dim3A_329 : vector<16x1xi32> to vector<16xi32>
          %gather3A_331 = tpu.dynamic_gather %add3A_318[%gather3A_330] in [0] : vector<16xi32>, vector<16xi32> -> vector<16xi32>
          %add3A_332 = arith.addi %add3A_318, %gather3A_331 : vector<16xi32>
          %xor3A_333 = arith.constant 4 : i32
          %xor3A_334 = vector.broadcast %xor3A_333 : i32 to vector<16xi32>
          %xor3A_335 = arith.xori %iota3A, %xor3A_334 : vector<16xi32>
          %lt3A_336 = arith.constant 0 : i32
          %lt3A_337 = vector.broadcast %lt3A_336 : i32 to vector<16xi32>
          %lt3A_338 = arith.cmpi slt, %xor3A_335, %lt3A_337 : vector<16xi32>
          %add3A_339 = arith.constant 16 : i32
          %add3A_340 = vector.broadcast %add3A_339 : i32 to vector<16xi32>
          %add3A_341 = arith.addi %xor3A_335, %add3A_340 : vector<16xi32>
          %select_n3A_342 = arith.select %lt3A_338, %add3A_341, %xor3A_335 : vector<16xi1>, vector<16xi32>
          %broadcast_in_dim3A_343 = vector.shape_cast %select_n3A_342 : vector<16xi32> to vector<16x1xi32>
          %gather3A_344 = vector.shape_cast %broadcast_in_dim3A_343 : vector<16x1xi32> to vector<16xi32>
          %gather3A_345 = tpu.dynamic_gather %add3A_332[%gather3A_344] in [0] : vector<16xi32>, vector<16xi32> -> vector<16xi32>
          %add3A_346 = arith.addi %add3A_332, %gather3A_345 : vector<16xi32>
          %xor3A_347 = arith.constant 8 : i32
          %xor3A_348 = vector.broadcast %xor3A_347 : i32 to vector<16xi32>
          %xor3A_349 = arith.xori %iota3A, %xor3A_348 : vector<16xi32>
          %lt3A_350 = arith.constant 0 : i32
          %lt3A_351 = vector.broadcast %lt3A_350 : i32 to vector<16xi32>
          %lt3A_352 = arith.cmpi slt, %xor3A_349, %lt3A_351 : vector<16xi32>
          %add3A_353 = arith.constant 16 : i32
          %add3A_354 = vector.broadcast %add3A_353 : i32 to vector<16xi32>
          %add3A_355 = arith.addi %xor3A_349, %add3A_354 : vector<16xi32>
          %select_n3A_356 = arith.select %lt3A_352, %add3A_355, %xor3A_349 : vector<16xi1>, vector<16xi32>
          %broadcast_in_dim3A_357 = vector.shape_cast %select_n3A_356 : vector<16xi32> to vector<16x1xi32>
          %gather3A_358 = vector.shape_cast %broadcast_in_dim3A_357 : vector<16x1xi32> to vector<16xi32>
          %gather3A_359 = tpu.dynamic_gather %add3A_346[%gather3A_358] in [0] : vector<16xi32>, vector<16xi32> -> vector<16xi32>
          %add3A_360 = arith.addi %add3A_346, %gather3A_359 : vector<16xi32>
          %add3A_361 = arith.addi %scan3A_182, %add3A_360 : vector<16xi32>
          scf.yield %add3A_361 : vector<16xi32>
        }
        %scan3A_180 = arith.constant 2048 : i32
      }
      %while3A_171 = arith.constant 1 : i32
      scf.for %while3A_172 = %while3A_169 to %while3A_165 step %while3A_171  : i32 {
        %sub3A = arith.constant 64 : i32
        %sub3A_173 = vector.broadcast %sub3A : i32 to vector<16xi32>
        %sub3A_174 = arith.subi %sub3A_173, %add3A_87 : vector<16xi32>
        %scan3A_175 = arith.constant 0 : i32
        %scan3A_176 = arith.constant 2048 : i32
        %scan3A_177 = arith.addi %scan3A_175, %scan3A_176 : i32
        %scan3A_178 = arith.constant 1 : i32
        %scan3A_179 = scf.for %scan3A_181 = %scan3A_175 to %scan3A_177 step %scan3A_178 iter_args(%scan3A_182 = %broadcast_in_dim3A_10) -> (vector<16xi32>)  : i32 {
          %mul3A_183 = arith.constant 16 : i32
          %mul3A_184 = arith.muli %scan3A_181, %mul3A_183 : i32
          %get3A = arith.index_cast %mul3A_184 : i32 to index
          %get3A_185 = tpu.vector_load %arg5[%get3A] {strides = array<i32>} : memref<32768xf32, #tpu.memory_space<vmem>>, vector<16xf32>,
          %get3A_186 = vector.shape_cast %get3A_185 : vector<16xf32> to vector<16xf32>
          %gt3A_187 = arith.cmpf ogt, %get3A_186, %scan3A_28#1 : vector<16xf32>
          %eq3A = arith.cmpf oeq, %get3A_186, %scan3A_28#1 : vector<16xf32>
          %jit3A_188 = arith.constant 1 : i32
          %jit3A_189 = arith.constant 0 : i32
          %broadcast_in_dim3A_190 = vector.broadcast %jit3A_188 : i32 to vector<16xi32>
          %broadcast_in_dim3A_191 = vector.broadcast %jit3A_189 : i32 to vector<16xi32>
          %select_n3A_192 = arith.select %eq3A, %broadcast_in_dim3A_190, %broadcast_in_dim3A_191 : vector<16xi1>, vector<16xi32>
          %sub3A_193 = arith.constant 1 : i32
          %sub3A_194 = vector.broadcast %sub3A_193 : i32 to vector<16xi32>
          %sub3A_195 = arith.subi %iota3A, %sub3A_194 : vector<16xi32>
          %max3A = arith.constant 0 : i32
          %max3A_196 = vector.broadcast %max3A : i32 to vector<16xi32>
          %max3A_197 = arith.maxsi %sub3A_195, %max3A_196 : vector<16xi32>
          %lt3A_198 = arith.constant 0 : i32
          %lt3A_199 = vector.broadcast %lt3A_198 : i32 to vector<16xi32>
          %lt3A_200 = arith.cmpi slt, %max3A_197, %lt3A_199 : vector<16xi32>
          %add3A_201 = arith.constant 16 : i32
          %add3A_202 = vector.broadcast %add3A_201 : i32 to vector<16xi32>
          %add3A_203 = arith.addi %max3A_197, %add3A_202 : vector<16xi32>
          %select_n3A_204 = arith.select %lt3A_200, %add3A_203, %max3A_197 : vector<16xi1>, vector<16xi32>
          %broadcast_in_dim3A_205 = vector.shape_cast %select_n3A_204 : vector<16xi32> to vector<16x1xi32>
          %gather3A_206 = vector.shape_cast %broadcast_in_dim3A_205 : vector<16x1xi32> to vector<16xi32>
          %gather3A_207 = tpu.dynamic_gather %select_n3A_192[%gather3A_206] in [0] : vector<16xi32>, vector<16xi32> -> vector<16xi32>
          %ge3A = arith.constant 1 : i32
          %ge3A_208 = vector.broadcast %ge3A : i32 to vector<16xi32>
          %ge3A_209 = arith.cmpi sge, %iota3A, %ge3A_208 : vector<16xi32>
          %jit3A_210 = arith.constant 0 : i32
          %broadcast_in_dim3A_211 = vector.broadcast %jit3A_210 : i32 to vector<16xi32>
          %select_n3A_212 = arith.select %ge3A_209, %gather3A_207, %broadcast_in_dim3A_211 : vector<16xi1>, vector<16xi32>
          %add3A_213 = arith.addi %select_n3A_192, %select_n3A_212 : vector<16xi32>
          %sub3A_214 = arith.constant 2 : i32
          %sub3A_215 = vector.broadcast %sub3A_214 : i32 to vector<16xi32>
          %sub3A_216 = arith.subi %iota3A, %sub3A_215 : vector<16xi32>
          %max3A_217 = arith.constant 0 : i32
          %max3A_218 = vector.broadcast %max3A_217 : i32 to vector<16xi32>
          %max3A_219 = arith.maxsi %sub3A_216, %max3A_218 : vector<16xi32>
          %lt3A_220 = arith.constant 0 : i32
          %lt3A_221 = vector.broadcast %lt3A_220 : i32 to vector<16xi32>
          %lt3A_222 = arith.cmpi slt, %max3A_219, %lt3A_221 : vector<16xi32>
          %add3A_223 = arith.constant 16 : i32
          %add3A_224 = vector.broadcast %add3A_223 : i32 to vector<16xi32>
          %add3A_225 = arith.addi %max3A_219, %add3A_224 : vector<16xi32>
          %select_n3A_226 = arith.select %lt3A_222, %add3A_225, %max3A_219 : vector<16xi1>, vector<16xi32>
          %broadcast_in_dim3A_227 = vector.shape_cast %select_n3A_226 : vector<16xi32> to vector<16x1xi32>
          %gather3A_228 = vector.shape_cast %broadcast_in_dim3A_227 : vector<16x1xi32> to vector<16xi32>
          %gather3A_229 = tpu.dynamic_gather %add3A_213[%gather3A_228] in [0] : vector<16xi32>, vector<16xi32> -> vector<16xi32>
          %ge3A_230 = arith.constant 2 : i32
          %ge3A_231 = vector.broadcast %ge3A_230 : i32 to vector<16xi32>
          %ge3A_232 = arith.cmpi sge, %iota3A, %ge3A_231 : vector<16xi32>
          %jit3A_233 = arith.constant 0 : i32
          %broadcast_in_dim3A_234 = vector.broadcast %jit3A_233 : i32 to vector<16xi32>
          %select_n3A_235 = arith.select %ge3A_232, %gather3A_229, %broadcast_in_dim3A_234 : vector<16xi1>, vector<16xi32>
          %add3A_236 = arith.addi %add3A_213, %select_n3A_235 : vector<16xi32>
          %sub3A_237 = arith.constant 4 : i32
          %sub3A_238 = vector.broadcast %sub3A_237 : i32 to vector<16xi32>
          %sub3A_239 = arith.subi %iota3A, %sub3A_238 : vector<16xi32>
          %max3A_240 = arith.constant 0 : i32
          %max3A_241 = vector.broadcast %max3A_240 : i32 to vector<16xi32>
          %max3A_242 = arith.maxsi %sub3A_239, %max3A_241 : vector<16xi32>
          %lt3A_243 = arith.constant 0 : i32
          %lt3A_244 = vector.broadcast %lt3A_243 : i32 to vector<16xi32>
          %lt3A_245 = arith.cmpi slt, %max3A_242, %lt3A_244 : vector<16xi32>
          %add3A_246 = arith.constant 16 : i32
          %add3A_247 = vector.broadcast %add3A_246 : i32 to vector<16xi32>
          %add3A_248 = arith.addi %max3A_242, %add3A_247 : vector<16xi32>
          %select_n3A_249 = arith.select %lt3A_245, %add3A_248, %max3A_242 : vector<16xi1>, vector<16xi32>
          %broadcast_in_dim3A_250 = vector.shape_cast %select_n3A_249 : vector<16xi32> to vector<16x1xi32>
          %gather3A_251 = vector.shape_cast %broadcast_in_dim3A_250 : vector<16x1xi32> to vector<16xi32>
          %gather3A_252 = tpu.dynamic_gather %add3A_236[%gather3A_251] in [0] : vector<16xi32>, vector<16xi32> -> vector<16xi32>
          %ge3A_253 = arith.constant 4 : i32
          %ge3A_254 = vector.broadcast %ge3A_253 : i32 to vector<16xi32>
          %ge3A_255 = arith.cmpi sge, %iota3A, %ge3A_254 : vector<16xi32>
          %jit3A_256 = arith.constant 0 : i32
          %broadcast_in_dim3A_257 = vector.broadcast %jit3A_256 : i32 to vector<16xi32>
          %select_n3A_258 = arith.select %ge3A_255, %gather3A_252, %broadcast_in_dim3A_257 : vector<16xi1>, vector<16xi32>
          %add3A_259 = arith.addi %add3A_236, %select_n3A_258 : vector<16xi32>
          %sub3A_260 = arith.constant 8 : i32
          %sub3A_261 = vector.broadcast %sub3A_260 : i32 to vector<16xi32>
          %sub3A_262 = arith.subi %iota3A, %sub3A_261 : vector<16xi32>
          %max3A_263 = arith.constant 0 : i32
          %max3A_264 = vector.broadcast %max3A_263 : i32 to vector<16xi32>
          %max3A_265 = arith.maxsi %sub3A_262, %max3A_264 : vector<16xi32>
          %lt3A_266 = arith.constant 0 : i32
          %lt3A_267 = vector.broadcast %lt3A_266 : i32 to vector<16xi32>
          %lt3A_268 = arith.cmpi slt, %max3A_265, %lt3A_267 : vector<16xi32>
          %add3A_269 = arith.constant 16 : i32
          %add3A_270 = vector.broadcast %add3A_269 : i32 to vector<16xi32>
          %add3A_271 = arith.addi %max3A_265, %add3A_270 : vector<16xi32>
          %select_n3A_272 = arith.select %lt3A_268, %add3A_271, %max3A_265 : vector<16xi1>, vector<16xi32>
          %broadcast_in_dim3A_273 = vector.shape_cast %select_n3A_272 : vector<16xi32> to vector<16x1xi32>
          %gather3A_274 = vector.shape_cast %broadcast_in_dim3A_273 : vector<16x1xi32> to vector<16xi32>
          %gather3A_275 = tpu.dynamic_gather %add3A_259[%gather3A_274] in [0] : vector<16xi32>, vector<16xi32> -> vector<16xi32>
          %ge3A_276 = arith.constant 8 : i32
          %ge3A_277 = vector.broadcast %ge3A_276 : i32 to vector<16xi32>
          %ge3A_278 = arith.cmpi sge, %iota3A, %ge3A_277 : vector<16xi32>
          %jit3A_279 = arith.constant 0 : i32
          %broadcast_in_dim3A_280 = vector.broadcast %jit3A_279 : i32 to vector<16xi32>
          %select_n3A_281 = arith.select %ge3A_278, %gather3A_275, %broadcast_in_dim3A_280 : vector<16xi1>, vector<16xi32>
          %add3A_282 = arith.addi %add3A_259, %select_n3A_281 : vector<16xi32>
          %add3A_283 = arith.addi %scan3A_182, %add3A_282 : vector<16xi32>
          %le3A_284 = arith.cmpi sle, %add3A_283, %sub3A_174 : vector<16xi32>
          %and3A_285 = arith.andi %eq3A, %le3A_284 : vector<16xi1>
          %or3A = arith.ori %gt3A_187, %and3A_285 : vector<16xi1>
          %jit3A_286 = arith.constant 0.000000e+00 : f32
          %broadcast_in_dim3A_287 = vector.broadcast %jit3A_286 : f32 to vector<16xf32>
          %select_n3A_288 = arith.select %or3A, %get3A_186, %broadcast_in_dim3A_287 : vector<16xi1>, vector<16xf32>
          %mul3A_289 = arith.constant 16 : i32
          %mul3A_290 = arith.muli %scan3A_181, %mul3A_289 : i32
          %swap3A = arith.index_cast %mul3A_290 : i32 to index
          %swap3A_291 = tpu.vector_load %arg6[%swap3A] {strides = array<i32>} : memref<32768xf32, #tpu.memory_space<vmem>>, vector<16xf32>,
          %swap3A_292 = vector.shape_cast %swap3A_291 : vector<16xf32> to vector<16xf32>
          %swap3A_293 = vector.shape_cast %select_n3A_288 : vector<16xf32> to vector<16xf32>
          tpu.vector_store %arg6[%swap3A], %swap3A_293 {strides = array<i32>} : memref<32768xf32, #tpu.memory_space<vmem>>, vector<16xf32>,
          %jit3A_294 = arith.constant 1.000000e+00 : f32
          %jit3A_295 = arith.constant 0.000000e+00 : f32
          %broadcast_in_dim3A_296 = vector.broadcast %jit3A_294 : f32 to vector<16xf32>
          %broadcast_in_dim3A_297 = vector.broadcast %jit3A_295 : f32 to vector<16xf32>
          %select_n3A_298 = arith.select %or3A, %broadcast_in_dim3A_296, %broadcast_in_dim3A_297 : vector<16xi1>, vector<16xf32>
          %mul3A_299 = arith.constant 16 : i32
          %mul3A_300 = arith.muli %scan3A_181, %mul3A_299 : i32
          %swap3A_301 = arith.index_cast %mul3A_300 : i32 to index
          %swap3A_302 = tpu.vector_load %arg7[%swap3A_301] {strides = array<i32>} : memref<32768xf32, #tpu.memory_space<vmem>>, vector<16xf32>,
          %swap3A_303 = vector.shape_cast %swap3A_302 : vector<16xf32> to vector<16xf32>
          %swap3A_304 = vector.shape_cast %select_n3A_298 : vector<16xf32> to vector<16xf32>
          tpu.vector_store %arg7[%swap3A_301], %swap3A_304 {strides = array<i32>} : memref<32768xf32, #tpu.memory_space<vmem>>, vector<16xf32>,
          %xor3A_305 = arith.constant 1 : i32
          %xor3A_306 = vector.broadcast %xor3A_305 : i32 to vector<16xi32>
          %xor3A_307 = arith.xori %iota3A, %xor3A_306 : vector<16xi32>
          %lt3A_308 = arith.constant 0 : i32
          %lt3A_309 = vector.broadcast %lt3A_308 : i32 to vector<16xi32>
          %lt3A_310 = arith.cmpi slt, %xor3A_307, %lt3A_309 : vector<16xi32>
          %add3A_311 = arith.constant 16 : i32
          %add3A_312 = vector.broadcast %add3A_311 : i32 to vector<16xi32>
          %add3A_313 = arith.addi %xor3A_307, %add3A_312 : vector<16xi32>
          %select_n3A_314 = arith.select %lt3A_310, %add3A_313, %xor3A_307 : vector<16xi1>, vector<16xi32>
          %broadcast_in_dim3A_315 = vector.shape_cast %select_n3A_314 : vector<16xi32> to vector<16x1xi32>
          %gather3A_316 = vector.shape_cast %broadcast_in_dim3A_315 : vector<16x1xi32> to vector<16xi32>
          %gather3A_317 = tpu.dynamic_gather %select_n3A_192[%gather3A_316] in [0] : vector<16xi32>, vector<16xi32> -> vector<16xi32>
          %add3A_318 = arith.addi %select_n3A_192, %gather3A_317 : vector<16xi32>
          %xor3A_319 = arith.constant 2 : i32
          %xor3A_320 = vector.broadcast %xor3A_319 : i32 to vector<16xi32>
          %xor3A_321 = arith.xori %iota3A, %xor3A_320 : vector<16xi32>
          %lt3A_322 = arith.constant 0 : i32
          %lt3A_323 = vector.broadcast %lt3A_322 : i32 to vector<16xi32>
          %lt3A_324 = arith.cmpi slt, %xor3A_321, %lt3A_323 : vector<16xi32>
          %add3A_325 = arith.constant 16 : i32
          %add3A_326 = vector.broadcast %add3A_325 : i32 to vector<16xi32>
          %add3A_327 = arith.addi %xor3A_321, %add3A_326 : vector<16xi32>
          %select_n3A_328 = arith.select %lt3A_324, %add3A_327, %xor3A_321 : vector<16xi1>, vector<16xi32>
          %broadcast_in_dim3A_329 = vector.shape_cast %select_n3A_328 : vector<16xi32> to vector<16x1xi32>
          %gather3A_330 = vector.shape_cast %broadcast_in_dim3A_329 : vector<16x1xi32> to vector<16xi32>
          %gather3A_331 = tpu.dynamic_gather %add3A_318[%gather3A_330] in [0] : vector<16xi32>, vector<16xi32> -> vector<16xi32>
          %add3A_332 = arith.addi %add3A_318, %gather3A_331 : vector<16xi32>
          %xor3A_333 = arith.constant 4 : i32
          %xor3A_334 = vector.broadcast %xor3A_333 : i32 to vector<16xi32>
          %xor3A_335 = arith.xori %iota3A, %xor3A_334 : vector<16xi32>
          %lt3A_336 = arith.constant 0 : i32
          %lt3A_337 = vector.broadcast %lt3A_336 : i32 to vector<16xi32>
          %lt3A_338 = arith.cmpi slt, %xor3A_335, %lt3A_337 : vector<16xi32>
          %add3A_339 = arith.constant 16 : i32
          %add3A_340 = vector.broadcast %add3A_339 : i32 to vector<16xi32>
          %add3A_341 = arith.addi %xor3A_335, %add3A_340 : vector<16xi32>
          %select_n3A_342 = arith.select %lt3A_338, %add3A_341, %xor3A_335 : vector<16xi1>, vector<16xi32>
          %broadcast_in_dim3A_343 = vector.shape_cast %select_n3A_342 : vector<16xi32> to vector<16x1xi32>
          %gather3A_344 = vector.shape_cast %broadcast_in_dim3A_343 : vector<16x1xi32> to vector<16xi32>
          %gather3A_345 = tpu.dynamic_gather %add3A_332[%gather3A_344] in [0] : vector<16xi32>, vector<16xi32> -> vector<16xi32>
          %add3A_346 = arith.addi %add3A_332, %gather3A_345 : vector<16xi32>
          %xor3A_347 = arith.constant 8 : i32
          %xor3A_348 = vector.broadcast %xor3A_347 : i32 to vector<16xi32>
          %xor3A_349 = arith.xori %iota3A, %xor3A_348 : vector<16xi32>
          %lt3A_350 = arith.constant 0 : i32
          %lt3A_351 = vector.broadcast %lt3A_350 : i32 to vector<16xi32>
          %lt3A_352 = arith.cmpi slt, %xor3A_349, %lt3A_351 : vector<16xi32>
          %add3A_353 = arith.constant 16 : i32
          %add3A_354 = vector.broadcast %add3A_353 : i32 to vector<16xi32>
          %add3A_355 = arith.addi %xor3A_349, %add3A_354 : vector<16xi32>
          %select_n3A_356 = arith.select %lt3A_352, %add3A_355, %xor3A_349 : vector<16xi1>, vector<16xi32>
          %broadcast_in_dim3A_357 = vector.shape_cast %select_n3A_356 : vector<16xi32> to vector<16x1xi32>
          %gather3A_358 = vector.shape_cast %broadcast_in_dim3A_357 : vector<16x1xi32> to vector<16xi32>
          %gather3A_359 = tpu.dynamic_gather %add3A_346[%gather3A_358] in [0] : vector<16xi32>, vector<16xi32> -> vector<16xi32>
          %add3A_360 = arith.addi %add3A_346, %gather3A_359 : vector<16xi32>
          %add3A_361 = arith.addi %scan3A_182, %add3A_360 : vector<16xi32>
          scf.yield %add3A_361 : vector<16xi32>
        }
        %scan3A_180 = arith.constant 2048 : i32
      }
      "tpu.region"() ({
        %run_scoped3A = tpu.sem_alloc : memref<!tpu.dma_semaphore, #tpu.memory_space<semaphore_mem>>
        %dma_start3A = arith.constant 0 : i32
        %dma_start3A_172 = tpu.memref_slice %arg3[%add3A_9, %dma_start3A] : memref<128x32768xf32, #tpu.memory_space<hbm>> -> memref<1x32768xf32, #tpu.memory_space<hbm>>
        %dma_start3A_173 = tpu.memref_squeeze %dma_start3A_172 : memref<1x32768xf32, #tpu.memory_space<hbm>> -> memref<32768xf32, #tpu.memory_space<hbm>>
        %dma_start3A_174 = arith.constant 0 : i32
        %dma_start3A_175 = tpu.memref_slice %arg3[%add3A_9, %dma_start3A_174] : memref<128x32768xf32, #tpu.memory_space<hbm>> -> memref<1x32768xf32, #tpu.memory_space<hbm>>
        %dma_start3A_176 = tpu.memref_squeeze %dma_start3A_175 : memref<1x32768xf32, #tpu.memory_space<hbm>> -> memref<32768xf32, #tpu.memory_space<hbm>>
        tpu.enqueue_dma source(%arg6 : memref<32768xf32, #tpu.memory_space<vmem>>) target(%dma_start3A_176 : memref<32768xf32, #tpu.memory_space<hbm>>) target_semaphore(%run_scoped3A : memref<!tpu.dma_semaphore, #tpu.memory_space<semaphore_mem>>)
        %dma_wait3A = arith.constant 0 : i32
        %dma_wait3A_177 = tpu.memref_slice %arg3[%add3A_9, %dma_wait3A] : memref<128x32768xf32, #tpu.memory_space<hbm>> -> memref<1x32768xf32, #tpu.memory_space<hbm>>
        %dma_wait3A_178 = tpu.memref_squeeze %dma_wait3A_177 : memref<1x32768xf32, #tpu.memory_space<hbm>> -> memref<32768xf32, #tpu.memory_space<hbm>>
        %dma_wait3A_179 = arith.constant 0 : i32
        %dma_wait3A_180 = tpu.memref_slice %arg3[%add3A_9, %dma_wait3A_179] : memref<128x32768xf32, #tpu.memory_space<hbm>> -> memref<1x32768xf32, #tpu.memory_space<hbm>>
        %dma_wait3A_181 = tpu.memref_squeeze %dma_wait3A_180 : memref<1x32768xf32, #tpu.memory_space<hbm>> -> memref<32768xf32, #tpu.memory_space<hbm>>
        tpu.wait_dma2 semaphore(%run_scoped3A : memref<!tpu.dma_semaphore, #tpu.memory_space<semaphore_mem>>) src(%arg6 : memref<32768xf32, #tpu.memory_space<vmem>>) dst(%dma_wait3A_181 : memref<32768xf32, #tpu.memory_space<hbm>>)
        tpu.yield
      }) : () -> ()
      "tpu.region"() ({
        %run_scoped3A = tpu.sem_alloc : memref<!tpu.dma_semaphore, #tpu.memory_space<semaphore_mem>>
        %dma_start3A = arith.constant 0 : i32
        %dma_start3A_172 = tpu.memref_slice %arg4[%add3A_9, %dma_start3A] : memref<128x32768xf32, #tpu.memory_space<hbm>> -> memref<1x32768xf32, #tpu.memory_space<hbm>>
        %dma_start3A_173 = tpu.memref_squeeze %dma_start3A_172 : memref<1x32768xf32, #tpu.memory_space<hbm>> -> memref<32768xf32, #tpu.memory_space<hbm>>
        %dma_start3A_174 = arith.constant 0 : i32
        %dma_start3A_175 = tpu.memref_slice %arg4[%add3A_9, %dma_start3A_174] : memref<128x32768xf32, #tpu.memory_space<hbm>> -> memref<1x32768xf32, #tpu.memory_space<hbm>>
        %dma_start3A_176 = tpu.memref_squeeze %dma_start3A_175 : memref<1x32768xf32, #tpu.memory_space<hbm>> -> memref<32768xf32, #tpu.memory_space<hbm>>
        tpu.enqueue_dma source(%arg7 : memref<32768xf32, #tpu.memory_space<vmem>>) target(%dma_start3A_176 : memref<32768xf32, #tpu.memory_space<hbm>>) target_semaphore(%run_scoped3A : memref<!tpu.dma_semaphore, #tpu.memory_space<semaphore_mem>>)
        %dma_wait3A = arith.constant 0 : i32
        %dma_wait3A_177 = tpu.memref_slice %arg4[%add3A_9, %dma_wait3A] : memref<128x32768xf32, #tpu.memory_space<hbm>> -> memref<1x32768xf32, #tpu.memory_space<hbm>>
        %dma_wait3A_178 = tpu.memref_squeeze %dma_wait3A_177 : memref<1x32768xf32, #tpu.memory_space<hbm>> -> memref<32768xf32, #tpu.memory_space<hbm>>
        %dma_wait3A_179 = arith.constant 0 : i32
        %dma_wait3A_180 = tpu.memref_slice %arg4[%add3A_9, %dma_wait3A_179] : memref<128x32768xf32, #tpu.memory_space<hbm>> -> memref<1x32768xf32, #tpu.memory_space<hbm>>
        %dma_wait3A_181 = tpu.memref_squeeze %dma_wait3A_180 : memref<1x32768xf32, #tpu.memory_space<hbm>> -> memref<32768xf32, #tpu.memory_space<hbm>>
        tpu.wait_dma2 semaphore(%run_scoped3A : memref<!tpu.dma_semaphore, #tpu.memory_space<semaphore_mem>>) src(%arg7 : memref<32768xf32, #tpu.memory_space<vmem>>) dst(%dma_wait3A_181 : memref<32768xf32, #tpu.memory_space<hbm>>)
        tpu.yield
      }) : () -> ()
    }
    %scan3A_7 = arith.constant 4 : i32
    return
  }
}

</mosaic_0001>

<sc_bundles>
// kernel: kernel.3.cloned.1.call-start
scs
__scs_entry_jumppad:
0x0: {  	(pc) =	sbr.rel $0x88, $3  }
0x1: {  	(tag) =	ssettag $0x0;
	lr =	simm.s32 $0x1  }
0x2: {  	[smem:$0x3FA0] =	sst lr;
	_ =	strace $0xD0000000  }
0x3: {  	_ = 	snop  }
0x4: {  	_ = 	snop  }
0x5: {  	_ = 	snop  }
0x6: {  	_ = 	snop  }
0x7: {  	_ = 	snop  }
__scs_overlays_trampoline_lowered:
0x8: {  	[smem:$0x3FAF] =	sst s0  }
0x9: {  	[smem:$0x3FB0] =	sst s1  }
0xa: {  	[smem:$0x3FB1] =	sst s2  }
0xb: {  	[smem:$0x3FB2] =	sst s3  }
0xc: {  	[smem:$0x3FB3] =	sst s4  }
0xd: {  	[smem:$0x3FB4] =	sst s5  }
0xe: {  	[smem:$0x3FB5] =	sst s6  }
0xf: {  	[smem:$0x3FB6] =	sst s7  }
0x10: {  	[smem:$0x3FB7] =	sst s8  }
0x11: {  	[smem:$0x3FB8] =	sst s9;
	s0 =	simm.s32 @!p0 $0x0  }
0x12: {  	s1 =	sld [smem:$0x3F9E];
	s0 =	simm.s32 @p0 $0x1  }
0x13: {  	[smem:$0x3FB9] =	sst s0;
	s0 =	simm.s32 @!p1 $0x0  }
0x14: {  	s2 =	sld [smem:$0x3F9D];
	s0 =	simm.s32 @p1 $0x1  }
0x15: {  	[smem:$0x3FBA] =	sst s0;
	s0 =	simm.s32 @!p2 $0x0  }
0x16: {  	s3 =	sld [smem:$0x3FDB];
	s0 =	simm.s32 @p2 $0x1  }
0x17: {  	s4 =	simm.s32 $0x1BF5;
	[smem:$0x3FBC] =	sst s0  }
0x18: {  	s0 =	sld [smem:$0x3F9F];
	_ =	swait.ge [sflag:s4], $0x0  }
0x19: {  	s7 =	sld [smem:$0x3FA0]  }
0x1a: {  	s8 =	sadd.s32 $0xFFFFE003, lr  }
0x1b: {  	s9 =	sadd.s32 $0xFFFFFEF7, lr;
	s5 =	simm.s32 $0xFFFFFFFF;
	p2 =	slt.u32 s8, $0xFFFFF086  }
0x1c: {  	p1 =	slt.u32 s9, $0xF7A;
	s5 =	simm.s32 @!p2 $0x0  }
0x1d: {  	s5 =	simm.s32 @p1 $0x1;
	p0 =	seq.s32 s7, s2  }
0x1e: {  	s7 =	smul.u32 @!p0 $0xF7A, s2;
	p2 =	seq.s32 @!p0 s5, $0x0  }
0x1f: {  	s9 =	smul.u32 $0xF7A, s1;
	s8 =	simm.s32 @!p0 $0x1BF5;
	p2 =	por !p2, p0  }
0x20: {  	[sflag:s8] =	ssyncset.s32 @!p0 $0xFFFFF086;
	s6 =	sadd.s32 @!p0 s3, s7;
	s7 =	simm.s32 @!p0 $0x108  }
0x21: {  	s3 =	sadd.s32 s3, s9;
	s6 =	sadd.s32 @!p0 $0x88, s6;
	s7 =	simm.s32 @p2 $0x1082  }
0x22: {  	[simem:s7], [sflag:s8] =	dma.local @!p0 [hbm:s6], $0xF7A  }
0x23: {  	s9 =	sor.u32 $0xD0000000, s2;
	s6 =	simm.s32 $0x108;
	_ =	swait.ge @!p0 [sflag:s8], $0x0  }
0x24: {  	s3 =	sadd.s32 $0x88, s3;
	s6 =	simm.s32 @!p1 $0x1082;
	[sflag:s4] =	ssyncset.s32 $0xFFFFF086  }
0x25: {  	[simem:s6], [sflag:s4] =	dma.local [hbm:s3], $0xF7A  }
0x26: {  	[smem:$0x3FA0] =	sst s1;
	(tag) =	ssettag s2;
	_ =	strace s9  }
0x27: {  	s1 =	sld [smem:$0x3FB0]  }
0x28: {  	s2 =	sld [smem:$0x3FB1]  }
0x29: {  	s4 =	sld [smem:$0x3FB3]  }
0x2a: {  	p0 =	seq.s32 s5, $0x0;
	s5 =	sld [smem:$0x3FB4]  }
0x2b: {  	s6 =	sld [smem:$0x3FB5]  }
0x2c: {  	s7 =	sld [smem:$0x3FB6]  }
0x2d: {  	s3 =	simm.s32 $0x108;
	s8 =	sld [smem:$0x3FB7]  }
0x2e: {  	s3 =	simm.s32 @!p0 $0x1082;
	s9 =	sld [smem:$0x3FB8]  }
0x2f: {  	lr =	sadd.s32 s0, s3;
	s0 =	sld [smem:$0x3FAF]  }
0x30: {  	s3 =	sld [smem:$0x3FB2]  }
0x31: {  	[smem:$0x3FBB] =	sst s10  }
0x32: {  	s10 =	sld [smem:$0x3FB9];
	_ =	sdelay $0x3  }
0x33: {  	p0 =	seq.s32 s10, $0x1;
	s10 =	sld [smem:$0x3FBB];
	_ =	sdelay $0x3  }
0x34: {  	[smem:$0x3FBB] =	sst s10  }
0x35: {  	s10 =	sld [smem:$0x3FBA];
	_ =	sdelay $0x3  }
0x36: {  	p1 =	seq.s32 s10, $0x1;
	s10 =	sld [smem:$0x3FBB];
	_ =	sdelay $0x3  }
0x37: {  	[smem:$0x3FBB] =	sst s10  }
0x38: {  	s10 =	sld [smem:$0x3FBC]  }
0x39: {  	_ = 	snop;
	(pc) =	sbr.ind lr, $3  }
0x3a: {  	_ = 	snop  }
0x3b: {  	_ = 	snop  }
0x3c: {  	p2 =	seq.s32 s10, $0x1;
	s10 =	sld [smem:$0x3FBB]  }
0x3d: {  	_ =	shalt  }
0x3e: {  	_ =	shalt  }
0x3f: {  	_ =	shalt  }
0x40: {  	_ =	shalt  }
0x41: {  	_ =	shalt  }
0x42: {  	_ =	shalt  }
0x43: {  	_ =	shalt  }
0x44: {  	_ =	shalt  }
0x45: {  	_ =	shalt  }
0x46: {  	_ =	shalt  }
0x47: {  	_ =	shalt  }
0x48: {  	_ =	shalt  }
0x49: {  	_ =	shalt  }
0x4a: {  	_ =	shalt  }
0x4b: {  	_ =	shalt  }
0x4c: {  	_ =	shalt  }
0x4d: {  	_ =	shalt  }
0x4e: {  	_ =	shalt  }
0x4f: {  	_ =	shalt  }
0x50: {  	_ =	shalt  }
0x51: {  	_ =	shalt  }
0x52: {  	_ =	shalt  }
0x53: {  	_ =	shalt  }
0x54: {  	_ =	shalt  }
0x55: {  	_ =	shalt  }
0x56: {  	_ =	shalt  }
0x57: {  	_ =	shalt  }
0x58: {  	_ =	shalt  }
0x59: {  	_ =	shalt  }
0x5a: {  	_ =	shalt  }
0x5b: {  	_ =	shalt  }
0x5c: {  	_ =	shalt  }
0x5d: {  	_ =	shalt  }
0x5e: {  	_ =	shalt  }
0x5f: {  	_ =	shalt  }
0x60: {  	_ =	shalt  }
0x61: {  	_ =	shalt  }
0x62: {  	_ =	shalt  }
0x63: {  	_ =	shalt  }
0x64: {  	_ =	shalt  }
0x65: {  	_ =	shalt  }
0x66: {  	_ =	shalt  }
0x67: {  	_ =	shalt  }
0x68: {  	_ =	shalt  }
0x69: {  	_ =	shalt  }
0x6a: {  	_ =	shalt  }
0x6b: {  	_ =	shalt  }
0x6c: {  	_ =	shalt  }
0x6d: {  	_ =	shalt  }
0x6e: {  	_ =	shalt  }
0x6f: {  	_ =	shalt  }
0x70: {  	_ =	shalt  }
0x71: {  	_ =	shalt  }
0x72: {  	_ =	shalt  }
0x73: {  	_ =	shalt  }
0x74: {  	_ =	shalt  }
0x75: {  	_ =	shalt  }
0x76: {  	_ =	shalt  }
0x77: {  	_ =	shalt  }
0x78: {  	_ =	shalt  }
0x79: {  	_ =	shalt  }
0x7a: {  	_ =	shalt  }
0x7b: {  	_ =	shalt  }
0x7c: {  	_ =	shalt  }
0x7d: {  	_ =	shalt  }
0x7e: {  	_ =	shalt  }
0x7f: {  	_ =	shalt  }
0x80: {  	_ =	shalt  }
0x81: {  	_ =	shalt  }
0x82: {  	_ =	shalt  }
0x83: {  	_ =	shalt  }
0x84: {  	_ =	shalt  }
0x85: {  	_ =	shalt  }
0x86: {  	_ =	shalt  }
0x87: {  	_ =	shalt  }
.Lfunc_end0:
.L_simem_size_0:
called_computation_lowered:
.L_overlay_start_0:
0x88: {  	s2 =	sld [smem:$0x3FD9]  }
0x89: {  	s3 =	sld [smem:$0x3FFE];
	_ =	sdelay $0x1  }
0x8a: {  	s1 =	srdreg.scid  }
0x8b: {  	s0 =	sand.u32 $0x1, s1  }
0x8c: {  	s15 =	sshll.u32 s0, $0xA;
	s2 =	sadd.s32 s3, s2  }
0x8d: {  	s2 =	sadd.s32 s2, s15  }
0x8e: {  	[smem:$0x3FC7] =	sst s2  }
0x8f: {  	_ = 	snop  }
0x90: {  	s2 =	sld [smem:$0x3FD0];
	_ =	sdelay $0x2  }
0x91: {  	s4 =	simm.s32 $0xA;
	s5 =	simm.s32 $0x10;
	s16 =	sld [smem:$0x3FC9]  }
0x92: {  	[smem:s5], [sflag:s4] =	dma.local [hbm:s2], $0x1  }
0x93: {  	_ =	swait.eq [sflag:s4], $0x1  }
0x94: {  	[sflag:s4] =	ssyncset.done $0x0  }
0x95: {  	s17 =	sld [smem:$0x10];
	[sflag:s4] =	ssyncadd.s32 $0xFFFFFFFF  }
0x96: {  	s18 =	sld [smem:$0x11];
	(tm) =	ssettm $0x1  }
0x97: {  	s19 =	sld [smem:$0x3FFB];
	_ =	sdelay $0x3  }
0x98: {  	_ =	strace s19  }
0x99: {  	s5 =	sld [smem:$0x3FFC];
	_ =	sdelay $0x3  }
0x9a: {  	_ =	strace s5  }
0x9b: {  	s5 =	sld [smem:$0x3FFD];
	_ =	sdelay $0x3  }
0x9c: {  	_ =	strace s5  }
0x9d: {  	_ =	strace $0x8FFFFFFF  }
0x9e: {  	s20 =	sld [smem:$0x3FDB];
	_ =	sdelay $0x1  }
0x9f: {  	s6 =	simm.s32 $_scs_section_size  }
0xa0: {  	s7 =	simm.s32 $_size__tile_overlayer_lowered;
	s8 =	simm.s32 $_tile_overlayer_lowered  }
0xa1: {  	s23 =	simm.s32 $0x1BFF;
	s22 =	sshll.u32 s8, $0x1;
	s5 =	sadd.s32 s6, s20  }
0xa2: {  	s9 =	simm.s32 $0x0;
	s21 =	sshll.u32 s7, $0x1;
	s7 =	sadd.s32 s22, s5  }
0xa3: {  	[timem:s9], [sflag:s23] =	dma.local [hbm:s7], s21  }
0xa4: {  	_ =	swait.ge [sflag:s23], s21  }
0xa5: {  	s6 =	ssub.s32 $0x0, s21;
	[sflag:s23] =	ssyncset.done $0x0  }
0xa6: {  	[sflag:s23] =	ssyncadd.s32 s6;
	_ =	sdelay $0x1  }
0xa7: {  	s24 =	simm.s32 $0x1B8B  }
0xa8: {  	_ =	swait.ge [sflag:s24], $0x1  }
0xa9: {  	[sflag:s24] =	ssyncset.done $0x0  }
0xaa: {  	s25 =	simm.s32 $0x1B8E;
	[sflag:s24] =	ssyncadd.s32 $0xFFFFFFFF  }
0xab: {  	s26 =	simm.s32 $execute0_lowered;
	[smem:$0x3FD2] =	sst s25  }
0xac: {  	s6 =	sshll.u32 s26, $0x1;
	_ =	strace $0x80000046;
	[dreg:$0x1] =	wrdreg $0xFFFFFFFF  }
0xad: {  	s28 =	simm.s32 $_size_execute0_lowered;
	s5 =	sadd.s32 s5, s6;
	[dreg:$0x0] =	wrdreg $0x0  }
0xae: {  	s6 =	sshll.u32 s28, $0x1;
	[dreg:$0x2] =	wrdreg s5  }
0xaf: {  	[dreg:$0x3] =	wrdreg s6  }
0xb0: {  	[dreg:$0x4] =	wrdreg $0xC0  }
0xb1: {  	_ =	task [dreg:s9], $0x5FFFF  }
0xb2: {  	[dreg:$0x1] =	wrdreg $0xFFFFFFFF  }
0xb3: {  	[dreg:$0x0] =	wrdreg $0x60  }
0xb4: {  	[dreg:$0x2] =	wrdreg s16  }
0xb5: {  	[dreg:$0x3] =	wrdreg s17  }
0xb6: {  	[dreg:$0x4] =	wrdreg s18  }
0xb7: {  	[dreg:$0x5] =	wrdreg $0x9  }
0xb8: {  	_ =	task.clear_ibuf [dreg:s9], $0x6FFFF;
	_ =	strace $0x90000046  }
0xb9: {  	s29 =	simm.s32 $0x9;
	_ =	strace $0x80000048  }
0xba: {  	_ =	swait.ge [sflag:s29], $0x1  }
0xbb: {  	[sflag:s29] =	ssyncadd.s32 $0xFFFFFFFF  }
0xbc: {  	_ =	strace $0x90000048  }
0xbd: {  	_ =	sfence  }
0xbe: {  	s30 =	sld [smem:$0x0];
	_ =	sdelay $0x2  }
0xbf: {  	s31 =	sshll.u32 s1, $0xD;
	s1 =	sshrl.u32 s1, $0x2  }
0xc0: {  	s3 =	sand.u32 $0x4000, s31;
	s1 =	sadd.s32 s1, s30  }
0xc1: {  	s0 =	sor.u32 s3, s0;
	s1 =	sshll.u32 s1, $0x11  }
0xc2: {  	s0 =	sor.u32 s1, s0  }
0xc3: {  	s0 =	sadd.s32 $0x8F2B, s0  }
0xc4: {  	[sflag:s0] =	ssyncadd.remote.s32 $0x1  }
0xc5: {  	_ =	sfence.sel $0xFFFF  }
0xc6: {  	[dreg:$0x0] =	wrdreg $0xFFFFFFFF;
	(pc) =	sbr.abs _section_cstart, $3  }
0xc7: {  	[dreg:$0x1] =	wrdreg $0xFFFFFFFF  }
0xc8: {  	_ =	task.clear_ibuf [dreg:s9], $0x2FFFF;
	_ =	strace $0x9FFFFFFF  }
0xc9: {  	(tm) =	ssettm $0x7FFFFFFF  }
tec
execute0_lowered:
.L_overlay_start_1:
0x0: {  	(tag) =	ssettag $0x1  }
0x1: {  	v0 =	vimm.s32 $0xEFCDAB89;
	v1 =	vimm.s32 $0x67452301;
	v2 =	vimm.s32 $0xDCFE98BA  }
0x2: {  	v3 =	vimm.s32 $0x54761032;
	v4 =	vimm.s32 $0xBA98FEDC;
	v5 =	vimm.s32 $0x32107654  }
0x3: {  	v6 =	vimm.s32 $0xFEDCBA98;
	v7 =	vimm.s32 $0x76543210;
	v57 =	vimm.s32 $0xEDCBA987  }
0x4: {  	v59 =	vimm.s32 $0xDCBA9876;
	v60 =	vimm.s32 $0x65432100;
	v8 =	vimm.s32 $0xE40000  }
0x5: {  	v9 =	vimm.s32 $0xBA987654;
	v10 =	vimm.s32 $0x32100000;
	v63 =	vimm.s32 $0x7060504  }
0x6: {  	v0 =	vunpack.c.l.s4.s8 v0;
	v1 =	vunpack.c.l.s4.s8 v1;
	v2 =	vunpack.c.l.s4.s8 v2  }
0x7: {  	v3 =	vunpack.c.l.s4.s8 v3;
	v4 =	vunpack.c.l.s4.s8 v4;
	v5 =	vunpack.c.l.s4.s8 v5  }
0x8: {  	v6 =	vunpack.c.l.s4.s8 v6;
	v55 =	vunpack.c.l.s4.s8 v7;
	v58 =	vunpack.c.l.s4.s8 v57  }
0x9: {  	v7 =	vimm.s32 $0x54321000;
	v8 =	vunpack.c.l.s2.s4 v8;
	v9 =	vunpack.c.l.s4.s8 v9  }
0xa: {  	v61 =	vunpack.c.l.s4.s8 v10;
	v0 =	vunpack.c.0.s8.s32 v0;
	v1 =	vunpack.c.0.s8.s32 v1  }
0xb: {  	v2 =	vunpack.c.0.s8.s32 v2;
	v3 =	vunpack.c.0.s8.s32 v3;
	v56 =	vunpack.c.0.s8.s32 v6  }
0xc: {  	v7 =	vunpack.c.l.s4.s8 v7;
	v40 =	vcombine.low v1, v0;
	v0 =	vunpack.c.0.s8.s32 v55  }
0xd: {  	s0 =	rddreg [dreg:$0x0];
	v4 =	vunpack.c.0.s8.s32 v4;
	v41 =	vcombine.low v3, v2;
	v1 =	vand.u32 $0xF, v56  }
0xe: {  	s1 =	rddreg [dreg:$0x1];
	v2 =	vunpack.c.l.s4.s8 v60;
	v6 =	vcombine.low v1, v0;
	v1 =	vunpack.c.l.s4.s8 v59  }
0xf: {  	s3 =	rddreg [dreg:$0x2];
	s4 =	simm.s32 $0x0;
	v5 =	vunpack.c.0.s8.s32 v5;
	v8 =	vunpack.c.l.s4.s8 v8;
	v0 =	vunpack.c.0.s8.s32 v58  }
0x10: {  	s2 =	srdreg.scid;
	[smem:$0x7FF] =	sst s4;
	v62 =	vunpack.c.0.s8.s32 v9;
	v2 =	vunpack.c.0.s8.s32 v2;
	v1 =	vunpack.c.0.s8.s32 v1  }
0x11: {  	s6 =	sand.u32 $0x1, s2;
	s2 =	rddreg [dreg:$0x3];
	_ =	strace $0x80000047;
	v7 =	vunpack.c.0.s8.s32 v7;
	v42 =	vcombine.low v5, v4;
	[tilespmem:$0x1FF90] =	vst v40;
	v0 =	vand.u32 $0xF, v0  }
0x12: {  	[tilespmem:$0x1FFA0] =	vst v41;
	v43 =	vcombine.low v2, v0;
	v0 =	vunpack.c.0.s8.s32 v61;
	v1 =	vand.u32 $0xF, v1  }
.Ltmp0:
0x13: {  	s5 =	stileid.u32;
	s9 =	simm.s32 $0x400;
	[tilespmem:$0x1FFB0] =	vst v42;
	v44 =	vcombine.low v7, v1;
	v7 =	vunpack.c.0.s8.s32 v8;
	v1 =	vand.u32 $0xF, v62;
	(pc) =	sbr.rel .LBB2_1-.Ltmp0, $4  }
0x14: {  	s10 =	simm.s32 $0x1;
	s11 =	simm.s32 $0x8000;
	s7 =	ssub.s32 $0x2, s6;
	v2 =	vunpack.c.0.s8.s32 v63;
	[tilespmem:$0x1FFC0] =	vst v43;
	v45 =	vcombine.low v0, v1  }
0x15: {  	vm0 =	vcmask $0x3F30;
	s12 =	simm.s32 $0x10000;
	s13 =	simm.s32 $0x0;
	s8 =	sshrl.u32 s7, $0x1;
	v7 =	vand.u32 $0x3, v7;
	[tilespmem:$0x1FFD0] =	vst v44  }
0x16: {  	v12 =	vimm.f32 $0.0e+00;
	s31 =	sshll.u32 s5, $0xF;
	v10 =	vimm.s32 $0x0;
	s6 =	sshll.u32 s6, $0x6;
	s7 =	ssub.s32 s7, s8;
	v46 =	vsel vm0, v2, v7;
	[tilespmem:$0x1FFE0] =	vst v45  }
0x17: {  	s6 =	sor.u32 s31, s6;
	s8 =	simm.s32 $0x80;
	s7 =	smax.u32 s7, $0x1;
	v39 =	vand.u32 $0xF, v40;
	v4 =	vand.u32 $0xF, v41;
	v5 =	vand.u32 $0xF, v42;
	[tilespmem:$0x1FFF0] =	vst v46  }
.LBB2_23:
0x18: {  	s13 =	sadd.s32 $0x1, s13  }
0x19: {  	p0 =	sne.s32 s13, s7  }
.Ltmp1:
0x1a: {  	_ = 	snop;
	(pc) =	sbr.rel @!p0 .LBB2_24-.Ltmp1, $1  }
0x1b: {  	_ =	sdelay $0x3  }
.LBB2_1:
.Ltmp2:
0x1c: {  	(pc) =	sbr.rel .LBB2_2-.Ltmp2, $2  }
0x1d: {  	_ =	sdelay $0x2  }
0x1e: {  	s14 =	simm.s32 $0x0  }
.LBB2_22:
0x1f: {  	s16 =	sadd.s32 s1, s15  }
0x20: {  	[hbm4b:s16+s8] =	stream.strided.scatter [tilespmem:s11], [sflag:$0x1], $0x8000, s9, s8, $0x38;
	[tilespmem:$0x18000] =	vst v63  }
0x21: {  	s14 =	sadd.s32 $0x1, s14;
	_ =	swait.ge [sflag:s10], $0x8000  }
0x22: {  	p0 =	sne.s32 s14, $0x4;
	[sflag:s10] =	ssyncset.done $0x0  }
.Ltmp3:
0x23: {  	s31 =	sadd.s32 s3, s15;
	[sflag:s10] =	ssyncadd.s32 $0xFFFF8000;
	(pc) =	sbr.rel @!p0 .LBB2_23-.Ltmp3, $4  }
0x24: {  	[hbm4b:s31+s8] =	stream.strided.scatter [tilespmem:s12], [sflag:$0x1], $0x8000, s9, s8, $0x38;
	[tilespmem:$0x18000] =	vst v63  }
0x25: {  	_ =	swait.ge [sflag:s10], $0x8000  }
0x26: {  	[sflag:s10] =	ssyncset.done $0x0  }
0x27: {  	[sflag:s10] =	ssyncadd.s32 $0xFFFF8000  }
.LBB2_2:
0x28: {  	s15 =	sshll.u32 s14, $0x4  }
0x29: {  	s15 =	sadd.s32 s6, s15  }
0x2a: {  	s16 =	sadd.s32 s0, s15  }
0x2b: {  	[tilespmem:s4], [sflag:$0x1] =	stream.strided.gather [hbm4b:s16+s8], $0x8000, s9, s8, $0x38;
	[tilespmem:$0x18000] =	vst v63  }
0x2c: {  	_ =	swait.ge [sflag:s10], $0x8000  }
0x2d: {  	[sflag:s10] =	ssyncset.done $0x0  }
0x2e: {  	s31 =	simm.s32 $0x20;
	[sflag:s10] =	ssyncadd.s32 $0xFFFF8000  }
0x2f: {  	v0 =	vld [tilespmem:s31+$0xFFFFFFE0];
	_ =	sdelay $0x1  }
0x30: {  	v1 =	vld [tilespmem:s31+$0xFFFFFFF0];
	_ =	sdelay $0x1  }
0x31: {  	v11 =	vimm.f32 $-Inf;
	v2 =	vld [tilespmem:s31+$0x0]  }
0x32: {  	v7 =	vmin.f32 v11, v0  }
0x33: {  	v0 =	vmax.f32 v11, v0;
	v8 =	vmax.f32 v11, v7  }
0x34: {  	v14 =	vld [tilespmem:s31+$0x10];
	v7 =	vmin.f32 v11, v7;
	v9 =	vmax.f32 v0, v1;
	v0 =	vmin.f32 v0, v1  }
0x35: {  	v1 =	vmax.f32 v11, v7;
	v7 =	vmin.f32 v11, v7;
	v13 =	vmax.f32 v8, v0  }
0x36: {  	v0 =	vmin.f32 v8, v0;
	v8 =	vmax.f32 v9, v2;
	v2 =	vmin.f32 v9, v2  }
0x37: {  	v15 =	vmin.f32 v11, v7;
	v7 =	vmax.f32 v11, v7;
	v16 =	vmax.f32 v13, v2  }
0x38: {  	v2 =	vmin.f32 v13, v2;
	v17 =	vmax.f32 v1, v0;
	v0 =	vmin.f32 v1, v0  }
0x39: {  	v20 =	vmin.f32 v8, v14;
	v9 =	vmin.f32 v11, v15;
	v19 =	vmax.f32 v7, v0  }
0x3a: {  	v1 =	vmin.f32 v7, v0;
	v7 =	vmax.f32 v11, v15;
	v21 =	vmin.f32 v17, v2  }
0x3b: {  	v0 =	vmax.f32 v16, v20;
	v17 =	vmax.f32 v17, v2;
	v13 =	vmin.f32 v11, v9  }
0x3c: {  	v9 =	vmax.f32 v11, v9;
	v23 =	vmax.f32 v7, v1;
	v7 =	vmin.f32 v7, v1  }
0x3d: {  	v1 =	vmax.f32 v8, v14;
	v8 =	vmin.f32 v19, v21;
	v21 =	vmax.f32 v19, v21  }
0x3e: {  	v18 =	vmin.f32 v11, v13;
	v13 =	vmax.f32 v11, v13;
	v2 =	vmin.f32 v9, v7  }
0x3f: {  	v7 =	vmax.f32 v9, v7;
	v15 =	vmin.f32 v11, v18;
	v9 =	vmax.f32 v13, v2  }
0x40: {  	v24 =	vmin.f32 v13, v2;
	v13 =	vmin.f32 v16, v20;
	v16 =	vmax.f32 v11, v18  }
0x41: {  	v18 =	vmin.f32 v23, v8;
	v22 =	vmin.f32 v11, v15;
	v15 =	vmax.f32 v11, v15  }
0x42: {  	v20 =	vmin.f32 v16, v24;
	v2 =	vmax.f32 v17, v13;
	v25 =	vmin.f32 v17, v13  }
0x43: {  	v17 =	vmin.f32 v7, v18;
	v13 =	vmax.f32 v23, v8;
	v16 =	vmax.f32 v16, v24  }
0x44: {  	v18 =	vmax.f32 v7, v18;
	v26 =	vmax.f32 v15, v20;
	v14 =	vmax.f32 v9, v17  }
0x45: {  	v8 =	vmax.f32 v11, v22;
	v15 =	vmin.f32 v15, v20;
	v9 =	vmin.f32 v9, v17  }
0x46: {  	v20 =	vmax.f32 v8, v15;
	v15 =	vmin.f32 v8, v15;
	v17 =	vmax.f32 v16, v9  }
0x47: {  	v7 =	vmin.f32 v16, v9;
	v9 =	vmin.f32 v11, v22;
	v8 =	vmax.f32 v21, v25  }
0x48: {  	v22 =	vmin.f32 v21, v25;
	v16 =	vmin.f32 v11, v9;
	v19 =	vmax.f32 v26, v7  }
0x49: {  	v7 =	vmin.f32 v26, v7;
	v9 =	vmax.f32 v11, v9;
	v21 =	vmin.f32 v13, v22  }
0x4a: {  	v23 =	vmin.f32 v11, v16;
	v30 =	vmin.f32 v20, v7;
	v26 =	vmin.f32 v9, v15  }
0x4b: {  	v20 =	vmax.f32 v20, v7;
	v9 =	vmax.f32 v9, v15;
	v15 =	vmax.f32 v11, v16  }
0x4c: {  	v7 =	vmin.f32 v11, v23;
	v16 =	vmax.f32 v11, v23;
	v23 =	vmin.f32 v18, v21  }
0x4d: {  	v25 =	vmin.f32 v15, v26;
	v24 =	vmax.f32 v9, v30;
	v15 =	vmax.f32 v15, v26  }
0x4e: {  	v9 =	vmin.f32 v9, v30;
	v28 =	vmin.f32 v14, v23;
	v32 =	vmin.f32 v11, v7  }
0x4f: {  	v33 =	vmax.f32 v16, v25;
	v16 =	vmin.f32 v16, v25;
	v7 =	vmax.f32 v11, v7  }
0x50: {  	v31 =	vmax.f32 v15, v9;
	v29 =	vmin.f32 v17, v28;
	v27 =	vmin.f32 v11, v32  }
0x51: {  	v34 =	vmin.f32 v7, v16;
	v36 =	vmax.f32 v7, v16;
	v25 =	vmin.f32 v19, v29  }
0x52: {  	v7 =	vmin.f32 v15, v9;
	v32 =	vmax.f32 v11, v32;
	v26 =	vmin.f32 v20, v25  }
0x53: {  	v9 =	vmax.f32 v33, v7;
	v33 =	vmin.f32 v33, v7;
	v30 =	vmin.f32 v24, v26  }
0x54: {  	v35 =	vmax.f32 v36, v33;
	v36 =	vmin.f32 v36, v33;
	v15 =	vmin.f32 v31, v30  }
0x55: {  	v7 =	vmax.f32 v9, v15;
	v16 =	vmin.f32 v9, v15;
	v15 =	vmax.f32 v32, v34  }
0x56: {  	s17 =	simm.s32 $0x0;
	s18 =	simm.s32 $0x60;
	v34 =	vmin.f32 v32, v34;
	v32 =	vmax.f32 v15, v36;
	v33 =	vmin.f32 v35, v16  }
.LBB2_3:
0x57: {  	v9 =	vld [tilespmem:s18+$0xFFFFFFE0];
	s17 =	sadd.s32 $0x4, s17;
	v15 =	vmin.f32 v15, v36;
	v17 =	vmax.f32 v17, v28;
	v19 =	vmax.f32 v19, v29;
	s16 =	simm.s32 $0x40  }
0x58: {  	v18 =	vmax.f32 v18, v21;
	v14 =	vmax.f32 v14, v23;
	v16 =	vmax.f32 v35, v16;
	v28 =	vld [tilespmem:s18+$0xFFFFFFF0];
	p0 =	slt.u32 s17, $0x7FC  }
0x59: {  	v11 =	vmax.f32 v11, v27;
	v13 =	vmax.f32 v13, v22;
	v23 =	vmax.f32 v31, v30  }
0x5a: {  	v20 =	vmax.f32 v20, v25;
	v22 =	vmin.f32 v32, v33;
	v11 =	vmax.f32 v11, v34;
	v21 =	vld [tilespmem:s18+$0x0]  }
0x5b: {  	v24 =	vmax.f32 v24, v26;
	v11 =	vmax.f32 v11, v15;
	v15 =	vmax.f32 v32, v33  }
0x5c: {  	v11 =	vmax.f32 v11, v22;
	v25 =	vmax.f32 v1, v9;
	v1 =	vmin.f32 v1, v9  }
0x5d: {  	v9 =	vmax.f32 v0, v1;
	v0 =	vmin.f32 v0, v1;
	v1 =	vmax.f32 v25, v28;
	v22 =	vld [tilespmem:s18+$0x10]  }
0x5e: {  	v26 =	vmax.f32 v2, v0;
	v0 =	vmin.f32 v2, v0;
	v2 =	vmin.f32 v25, v28  }
0x5f: {  	v25 =	vmax.f32 v9, v2;
	v2 =	vmin.f32 v9, v2;
	v9 =	vmax.f32 v1, v21  }
0x60: {  	v27 =	vmax.f32 v8, v0;
	v0 =	vmin.f32 v8, v0;
	v1 =	vmin.f32 v1, v21  }
0x61: {  	v8 =	vmin.f32 v13, v0;
	v21 =	vmax.f32 v25, v1;
	v1 =	vmin.f32 v25, v1  }
0x62: {  	v28 =	vmax.f32 v26, v2;
	v2 =	vmin.f32 v26, v2;
	v25 =	vmin.f32 v18, v8  }
0x63: {  	v29 =	vmax.f32 v27, v2;
	v2 =	vmin.f32 v27, v2;
	v26 =	vmin.f32 v14, v25  }
0x64: {  	v13 =	vmax.f32 v13, v0;
	v30 =	vmin.f32 v9, v22;
	v27 =	vmin.f32 v17, v26  }
0x65: {  	v8 =	vmax.f32 v18, v8;
	v18 =	vmin.f32 v28, v1;
	v0 =	vmax.f32 v21, v30  }
0x66: {  	v32 =	vmax.f32 v13, v2;
	v2 =	vmin.f32 v13, v2;
	v31 =	vmin.f32 v19, v27  }
0x67: {  	v13 =	vmax.f32 v14, v25;
	v14 =	vmax.f32 v28, v1;
	v1 =	vmax.f32 v9, v22  }
0x68: {  	v9 =	vmax.f32 v8, v2;
	v2 =	vmin.f32 v8, v2;
	v8 =	vmin.f32 v29, v18  }
0x69: {  	v22 =	vmax.f32 v13, v2;
	v25 =	vmin.f32 v13, v2;
	v13 =	vmin.f32 v21, v30  }
0x6a: {  	v17 =	vmax.f32 v17, v26;
	v21 =	vmin.f32 v32, v8;
	v2 =	vmax.f32 v14, v13  }
0x6b: {  	v19 =	vmax.f32 v19, v27;
	v26 =	vmin.f32 v17, v25;
	v27 =	vmin.f32 v14, v13  }
0x6c: {  	v29 =	vmax.f32 v29, v18;
	v18 =	vmin.f32 v9, v21;
	v28 =	vmax.f32 v19, v26  }
0x6d: {  	v13 =	vmax.f32 v32, v8;
	v14 =	vmax.f32 v22, v18;
	v8 =	vmin.f32 v22, v18  }
0x6e: {  	v18 =	vmax.f32 v20, v31;
	v22 =	vmax.f32 v17, v25;
	v17 =	vmin.f32 v19, v26  }
0x6f: {  	v25 =	vmax.f32 v18, v17;
	v26 =	vmin.f32 v18, v17;
	v17 =	vmax.f32 v22, v8  }
0x70: {  	v18 =	vmax.f32 v9, v21;
	v21 =	vmin.f32 v22, v8  }
0x71: {  	v20 =	vmin.f32 v20, v31;
	v8 =	vmax.f32 v29, v27;
	v9 =	vimm.s32 $0x0  }
0x72: {  	v30 =	vmin.f32 v24, v20;
	v19 =	vmax.f32 v28, v21;
	v21 =	vmin.f32 v28, v21  }
0x73: {  	v24 =	vmax.f32 v24, v20;
	v28 =	vmin.f32 v23, v30;
	v31 =	vmin.f32 v25, v21  }
0x74: {  	v22 =	vmin.f32 v29, v27;
	v32 =	vmin.f32 v24, v26;
	v20 =	vmax.f32 v25, v21  }
0x75: {  	v34 =	vmax.f32 v24, v26;
	v33 =	vmin.f32 v7, v28;
	v21 =	vmin.f32 v13, v22  }
0x76: {  	v26 =	vmax.f32 v23, v30;
	v7 =	vmax.f32 v7, v28;
	v23 =	vmin.f32 v18, v21  }
0x77: {  	v25 =	vmin.f32 v26, v32;
	v24 =	vmax.f32 v34, v31;
	v28 =	vmin.f32 v14, v23  }
0x78: {  	v35 =	vmin.f32 v16, v33;
	v36 =	vmax.f32 v7, v25;
	v29 =	vmin.f32 v17, v28  }
0x79: {  	v7 =	vmin.f32 v7, v25;
	v27 =	vmin.f32 v15, v35;
	v25 =	vmin.f32 v19, v29  }
0x7a: {  	v32 =	vmax.f32 v26, v32;
	v16 =	vmax.f32 v16, v33;
	v26 =	vmin.f32 v20, v25  }
0x7b: {  	v34 =	vmin.f32 v34, v31;
	v33 =	vmin.f32 v16, v7;
	v30 =	vmin.f32 v24, v26  }
.Ltmp4:
0x7c: {  	v37 =	vmax.f32 v16, v7;
	v31 =	vmax.f32 v32, v34;
	v7 =	vmin.f32 v32, v34;
	(pc) =	sbr.rel @p0 .LBB2_3-.Ltmp4, $4  }
0x7d: {  	v16 =	vmax.f32 v36, v7;
	v32 =	vmin.f32 v36, v7;
	v34 =	vmin.f32 v31, v30  }
0x7e: {  	v38 =	vmax.f32 v15, v35;
	v7 =	vmax.f32 v16, v34;
	v16 =	vmin.f32 v16, v34  }
0x7f: {  	v15 =	vmax.f32 v38, v33;
	v35 =	vmax.f32 v37, v32;
	v36 =	vmin.f32 v37, v32  }
0x80: {  	s18 =	sadd.s32 $0x40, s18;
	v32 =	vmax.f32 v15, v36;
	v34 =	vmin.f32 v38, v33;
	v33 =	vmin.f32 v35, v16  }
0x81: {  	v36 =	vmin.f32 v15, v36  }
0x82: {  	v17 =	vmax.f32 v17, v28;
	v15 =	vmax.f32 v19, v29;
	v21 =	vmax.f32 v18, v21  }
0x83: {  	v19 =	vmax.f32 v14, v23;
	v14 =	vmax.f32 v35, v16;
	v11 =	vmax.f32 v11, v27  }
0x84: {  	v23 =	vmax.f32 v13, v22;
	v13 =	vmax.f32 v31, v30;
	v20 =	vmax.f32 v20, v25  }
0x85: {  	v18 =	vmin.f32 v32, v33;
	v22 =	vmax.f32 v24, v26;
	v11 =	vmax.f32 v11, v34  }
0x86: {  	v16 =	vmax.f32 v32, v33;
	vm0 =	veq.s32 v9, $0x0;
	v11 =	vmax.f32 v11, v36  }
0x87: {  	s17 =	simm.s32 $0x3F;
	v27 =	vlaneseq.u32;
	v11 =	vmax.f32 v11, v18;
	v18 =	vimm.s32 $0x0  }
.LBB2_5:
0x88: {  	p0 =	sne.s32 s17, $0x1;
	v24 =	vnsel vm0, $0xFF800000, v1;
	vm0 =	veq.s32 v18, $0x1  }
0x89: {  	v24 =	vsel vm0, v0, v24;
	vm0 =	veq.s32 v18, $0x2  }
0x8a: {  	v24 =	vsel vm0, v2, v24;
	vm0 =	veq.s32 v18, $0x3  }
0x8b: {  	v24 =	vsel vm0, v8, v24;
	vm0 =	veq.s32 v18, $0x4  }
0x8c: {  	v24 =	vsel vm0, v23, v24;
	vm0 =	veq.s32 v18, $0x5  }
0x8d: {  	v24 =	vsel vm0, v21, v24;
	vm0 =	veq.s32 v18, $0x6  }
0x8e: {  	v24 =	vsel vm0, v19, v24;
	vm0 =	veq.s32 v18, $0x7  }
0x8f: {  	v24 =	vsel vm0, v17, v24;
	vm0 =	veq.s32 v18, $0x8  }
0x90: {  	v24 =	vsel vm0, v15, v24;
	vm0 =	veq.s32 v18, $0x9  }
0x91: {  	v24 =	vsel vm0, v20, v24;
	vm0 =	veq.s32 v18, $0xA  }
0x92: {  	v24 =	vsel vm0, v22, v24;
	vm0 =	veq.s32 v18, $0xB  }
0x93: {  	v24 =	vsel vm0, v13, v24;
	vm0 =	veq.s32 v18, $0xC  }
0x94: {  	v24 =	vsel vm0, v7, v24;
	vm0 =	veq.s32 v18, $0xD  }
0x95: {  	v24 =	vsel vm0, v14, v24;
	vm0 =	veq.s32 v18, $0xE  }
0x96: {  	v24 =	vsel vm0, v16, v24;
	vm0 =	veq.s32 v18, $0xF  }
0x97: {  	v24 =	vsel vm0, v11, v24  }
0x98: {  	v25 =	vperm.xlane v24, v39;
	_ =	sdelay $0x1  }
0x99: {  	v25 =	vmax.f32 v24, v25  }
0x9a: {  	v26 =	vperm.xlane v25, v4;
	_ =	sdelay $0x1  }
0x9b: {  	v25 =	vmax.f32 v25, v26  }
0x9c: {  	v26 =	vperm.xlane v25, v5;
	_ =	sdelay $0x1  }
0x9d: {  	v25 =	vmax.f32 v25, v26  }
0x9e: {  	v26 =	vperm.xlane v25, v6;
	_ =	sdelay $0x1  }
0x9f: {  	v25 =	vmax.f32 v25, v26  }
0xa0: {  	vm0 =	veq.f32 v24, v25  }
0xa1: {  	v24 =	vnsel vm0, $0x10, v27  }
0xa2: {  	v25 =	vperm.xlane v24, v39;
	_ =	sdelay $0x1  }
0xa3: {  	vm0 =	vlt.s32 v24, v25  }
0xa4: {  	v24 =	vsel vm0, v24, v25  }
0xa5: {  	v25 =	vperm.xlane v24, v4;
	_ =	sdelay $0x1  }
0xa6: {  	vm0 =	vlt.s32 v24, v25  }
0xa7: {  	v24 =	vsel vm0, v24, v25  }
0xa8: {  	v25 =	vperm.xlane v24, v5;
	_ =	sdelay $0x1  }
0xa9: {  	vm0 =	vlt.s32 v24, v25  }
0xaa: {  	v24 =	vsel vm0, v24, v25  }
0xab: {  	v25 =	vperm.xlane v24, v6;
	_ =	sdelay $0x1  }
0xac: {  	vm0 =	vlt.s32 v24, v25  }
.Ltmp5:
0xad: {  	v24 =	vsel vm0, v24, v25;
	(pc) =	sbr.rel @p0 .LBB2_5-.Ltmp5, $4  }
0xae: {  	vm0 =	veq.s32 v24, v27  }
0xaf: {  	v24 =	vsel vm0, $0x1, v10  }
0xb0: {  	v18 =	vadd.s32 v24, v18  }
0xb1: {  	s17 =	sadd.s32 $0xFFFFFFFF, s17;
	vm0 =	veq.s32 v18, $0x0  }
0xb2: {  	v1 =	vnsel vm0, $0xFF800000, v1;
	vm12 =	veq.s32 v18, $0x1  }
0xb3: {  	vm13 =	veq.s32 v18, $0x2;
	v0 =	vsel vm12, v0, v1  }
0xb4: {  	vm14 =	veq.s32 v18, $0x3;
	v0 =	vsel vm13, v2, v0  }
0xb5: {  	vm15 =	veq.s32 v18, $0x4;
	v0 =	vsel vm14, v8, v0  }
0xb6: {  	vm4 =	veq.s32 v18, $0x5;
	v0 =	vsel vm15, v23, v0  }
0xb7: {  	vm5 =	veq.s32 v18, $0x6;
	v0 =	vsel vm4, v21, v0  }
0xb8: {  	vm6 =	veq.s32 v18, $0x7;
	v0 =	vsel vm5, v19, v0  }
0xb9: {  	vm7 =	veq.s32 v18, $0x8;
	v0 =	vsel vm6, v17, v0  }
0xba: {  	vm8 =	veq.s32 v18, $0x9;
	v0 =	vsel vm7, v15, v0  }
0xbb: {  	vm9 =	veq.s32 v18, $0xA;
	v0 =	vsel vm8, v20, v0  }
0xbc: {  	vm10 =	veq.s32 v18, $0xB;
	v0 =	vsel vm9, v22, v0  }
0xbd: {  	vm11 =	veq.s32 v18, $0xC;
	v0 =	vsel vm10, v13, v0  }
0xbe: {  	vm12 =	veq.s32 v18, $0xD;
	v0 =	vsel vm11, v7, v0  }
0xbf: {  	vm13 =	veq.s32 v18, $0xE;
	v0 =	vsel vm12, v14, v0  }
0xc0: {  	vm14 =	veq.s32 v18, $0xF;
	v0 =	vsel vm13, v16, v0  }
0xc1: {  	v0 =	vsel vm14, v11, v0  }
0xc2: {  	v1 =	vperm.xlane v0, v39;
	_ =	sdelay $0x1  }
0xc3: {  	v0 =	vmax.f32 v0, v1  }
0xc4: {  	v1 =	vperm.xlane v0, v4;
	_ =	sdelay $0x1  }
0xc5: {  	v0 =	vmax.f32 v0, v1  }
0xc6: {  	v1 =	vperm.xlane v0, v5  }
0xc7: {  	v2 =	vld [tilespmem:s16+$0xFFFFFFC0]  }
0xc8: {  	v0 =	vmax.f32 v0, v1  }
0xc9: {  	v1 =	vperm.xlane v0, v6;
	_ =	sdelay $0x1  }
0xca: {  	v14 =	vmax.f32 v0, v1  }
0xcb: {  	vm2 =	vge.f32 v2, v14  }
0xcc: {  	s18 =	simm.s32 $0x8040;
	v0 =	vnsel vm2, $0x0, v2  }
0xcd: {  	s17 =	simm.s32 $0x10040;
	[tilespmem:s18+$0xFFFFFFC0] =	vst v0;
	v0 =	vsel vm2, $0x3F800000, v12  }
0xce: {  	[tilespmem:s17+$0xFFFFFFC0] =	vst v0  }
0xcf: {  	v0 =	vld [tilespmem:s16+$0xFFFFFFD0];
	_ =	sdelay $0x4  }
0xd0: {  	vm3 =	vge.f32 v0, v14  }
0xd1: {  	v1 =	vnsel vm3, $0x0, v0  }
0xd2: {  	[tilespmem:s18+$0xFFFFFFD0] =	vst v1;
	v1 =	vsel vm3, $0x3F800000, v12  }
0xd3: {  	[tilespmem:s17+$0xFFFFFFD0] =	vst v1  }
0xd4: {  	v1 =	vld [tilespmem:s16+$0xFFFFFFE0];
	_ =	sdelay $0x4  }
0xd5: {  	vm15 =	vge.f32 v1, v14  }
0xd6: {  	v7 =	vnsel vm15, $0x0, v1  }
0xd7: {  	[tilespmem:s18+$0xFFFFFFE0] =	vst v7;
	v7 =	vsel vm15, $0x3F800000, v12  }
0xd8: {  	[tilespmem:s17+$0xFFFFFFE0] =	vst v7  }
0xd9: {  	v7 =	vld [tilespmem:s16+$0xFFFFFFF0];
	_ =	sdelay $0x4  }
0xda: {  	vm1 =	vge.f32 v7, v14  }
0xdb: {  	v8 =	vnsel vm1, $0x0, v7  }
0xdc: {  	[tilespmem:s18+$0xFFFFFFF0] =	vst v8;
	v8 =	vsel vm1, $0x3F800000, v12  }
0xdd: {  	[tilespmem:s17+$0xFFFFFFF0] =	vst v8  }
0xde: {  	v8 =	vld [tilespmem:s16+$0x0];
	_ =	sdelay $0x4  }
0xdf: {  	vm5 =	vge.f32 v8, v14  }
0xe0: {  	v11 =	vnsel vm5, $0x0, v8  }
0xe1: {  	[tilespmem:s18+$0x0] =	vst v11;
	v11 =	vsel vm5, $0x3F800000, v12  }
0xe2: {  	[tilespmem:s17+$0x0] =	vst v11  }
0xe3: {  	v11 =	vld [tilespmem:s16+$0x10];
	_ =	sdelay $0x4  }
0xe4: {  	vm4 =	vge.f32 v11, v14  }
0xe5: {  	v13 =	vnsel vm4, $0x0, v11  }
0xe6: {  	[tilespmem:s18+$0x10] =	vst v13;
	v13 =	vsel vm4, $0x3F800000, v12  }
0xe7: {  	[tilespmem:s17+$0x10] =	vst v13  }
0xe8: {  	v13 =	vld [tilespmem:s16+$0x20]  }
0xe9: {  	vm6 =	vgt.f32 v2, v14;
	v15 =	vsel vm2, $0x1, v10  }
0xea: {  	v2 =	vsel vm6, $0x1, v10;
	v15 =	vadd.s32 v15, v9  }
0xeb: {  	v2 =	vadd.s32 v2, v9;
	vm7 =	vgt.f32 v0, v14;
	v61 =	vsel vm3, $0x1, v10  }
0xec: {  	v0 =	vsel vm7, $0x1, v10;
	v9 =	vadd.s32 v61, v15;
	vm8 =	vgt.f32 v1, v14  }
0xed: {  	v0 =	vadd.s32 v0, v2;
	v1 =	vsel vm8, $0x1, v10;
	vm11 =	vge.f32 v13, v14  }
0xee: {  	v15 =	vsel vm15, $0x1, v10;
	vm12 =	vgt.f32 v11, v14;
	v11 =	vnsel vm11, $0x0, v13  }
0xef: {  	v2 =	vadd.s32 v15, v9;
	vm9 =	vgt.f32 v7, v14;
	[tilespmem:s18+$0x20] =	vst v11;
	v11 =	vsel vm11, $0x3F800000, v12  }
0xf0: {  	v0 =	vadd.s32 v1, v0;
	v7 =	vsel vm9, $0x1, v10;
	v9 =	vsel vm1, $0x1, v10;
	[tilespmem:s17+$0x20] =	vst v11  }
0xf1: {  	v1 =	vadd.s32 v9, v2;
	vm10 =	vgt.f32 v8, v14;
	v62 =	vsel vm5, $0x1, v10;
	v11 =	vld [tilespmem:s16+$0x30]  }
0xf2: {  	v0 =	vadd.s32 v7, v0;
	v8 =	vsel vm10, $0x1, v10;
	v1 =	vadd.s32 v62, v1  }
0xf3: {  	v0 =	vadd.s32 v8, v0;
	v63 =	vsel vm12, $0x1, v10;
	v15 =	vsel vm4, $0x1, v10  }
0xf4: {  	v1 =	vadd.s32 v15, v1;
	vm13 =	vgt.f32 v13, v14;
	v2 =	vsel vm11, $0x1, v10  }
0xf5: {  	v0 =	vadd.s32 v63, v0;
	v7 =	vsel vm13, $0x1, v10;
	v8 =	vadd.s32 v2, v1  }
0xf6: {  	v0 =	vadd.s32 v7, v0;
	vm14 =	vgt.f32 v11, v14;
	vm15 =	vge.f32 v11, v14  }
0xf7: {  	v1 =	vnsel vm15, $0x0, v11;
	v7 =	vsel vm14, $0x1, v10;
	v9 =	vsel vm15, $0x1, v10  }
0xf8: {  	s19 =	simm.s32 $0x0;
	s20 =	simm.s32 $0x100C0;
	v2 =	vsel vm15, $0x3F800000, v12;
	[tilespmem:s18+$0x30] =	vst v1;
	v1 =	vadd.s32 v7, v0;
	v0 =	vadd.s32 v9, v8  }
.LBB2_7:
0xf9: {  	s19 =	sadd.s32 $0x8, s19;
	[tilespmem:s17+$0x30] =	vst v2;
	s16 =	sadd.s32 $0x80, s16;
	s18 =	sadd.s32 $0x80, s18  }
0xfa: {  	s17 =	smov.u32 s20;
	v2 =	vld [tilespmem:s16+$0xFFFFFFC0];
	p0 =	slt.u32 s19, $0x7F8;
	_ =	sdelay $0x4  }
0xfb: {  	vm0 =	vgt.f32 v2, v14;
	vm1 =	vge.f32 v2, v14  }
0xfc: {  	v2 =	vnsel vm1, $0x0, v2;
	v7 =	vsel vm0, $0x1, v10;
	v8 =	vsel vm1, $0x1, v10  }
0xfd: {  	[tilespmem:s18+$0xFFFFFFC0] =	vst v2;
	v2 =	vsel vm1, $0x3F800000, v12  }
0xfe: {  	[tilespmem:s20+$0xFFFFFFC0] =	vst v2  }
0xff: {  	v2 =	vld [tilespmem:s16+$0xFFFFFFD0];
	_ =	sdelay $0x4  }
0x100: {  	vm0 =	vgt.f32 v2, v14;
	vm1 =	vge.f32 v2, v14  }
0x101: {  	v2 =	vnsel vm1, $0x0, v2;
	v9 =	vsel vm0, $0x1, v10;
	v11 =	vsel vm1, $0x1, v10  }
0x102: {  	[tilespmem:s18+$0xFFFFFFD0] =	vst v2;
	v2 =	vsel vm1, $0x3F800000, v12  }
0x103: {  	[tilespmem:s20+$0xFFFFFFD0] =	vst v2  }
0x104: {  	v2 =	vld [tilespmem:s16+$0xFFFFFFE0];
	_ =	sdelay $0x4  }
0x105: {  	vm1 =	vgt.f32 v2, v14;
	vm0 =	vge.f32 v2, v14  }
0x106: {  	v2 =	vnsel vm0, $0x0, v2;
	v13 =	vsel vm1, $0x1, v10  }
0x107: {  	[tilespmem:s18+$0xFFFFFFE0] =	vst v2;
	v2 =	vsel vm0, $0x3F800000, v12  }
0x108: {  	[tilespmem:s20+$0xFFFFFFE0] =	vst v2  }
0x109: {  	v2 =	vld [tilespmem:s16+$0xFFFFFFF0];
	_ =	sdelay $0x4  }
0x10a: {  	vm2 =	vgt.f32 v2, v14;
	vm1 =	vge.f32 v2, v14  }
0x10b: {  	v2 =	vnsel vm1, $0x0, v2;
	v15 =	vsel vm2, $0x1, v10  }
0x10c: {  	[tilespmem:s18+$0xFFFFFFF0] =	vst v2;
	v2 =	vsel vm1, $0x3F800000, v12  }
0x10d: {  	[tilespmem:s20+$0xFFFFFFF0] =	vst v2  }
0x10e: {  	v2 =	vld [tilespmem:s16+$0x0];
	_ =	sdelay $0x4  }
0x10f: {  	vm2 =	vgt.f32 v2, v14;
	vm3 =	vge.f32 v2, v14  }
0x110: {  	v2 =	vnsel vm3, $0x0, v2;
	v16 =	vsel vm2, $0x1, v10;
	v17 =	vsel vm3, $0x1, v10  }
0x111: {  	[tilespmem:s18+$0x0] =	vst v2;
	v2 =	vsel vm3, $0x3F800000, v12  }
0x112: {  	[tilespmem:s20+$0x0] =	vst v2  }
0x113: {  	v2 =	vld [tilespmem:s16+$0x10];
	_ =	sdelay $0x4  }
0x114: {  	vm2 =	vgt.f32 v2, v14;
	vm3 =	vge.f32 v2, v14  }
0x115: {  	v2 =	vnsel vm3, $0x0, v2;
	v18 =	vsel vm2, $0x1, v10;
	v19 =	vsel vm3, $0x1, v10  }
0x116: {  	[tilespmem:s18+$0x10] =	vst v2;
	v2 =	vsel vm3, $0x3F800000, v12  }
0x117: {  	[tilespmem:s20+$0x10] =	vst v2  }
0x118: {  	v2 =	vld [tilespmem:s16+$0x20];
	_ =	sdelay $0x4  }
0x119: {  	vm2 =	vgt.f32 v2, v14;
	vm3 =	vge.f32 v2, v14  }
0x11a: {  	v2 =	vnsel vm3, $0x0, v2;
	v20 =	vsel vm2, $0x1, v10;
	v21 =	vsel vm3, $0x1, v10  }
0x11b: {  	v0 =	vadd.s32 v8, v0;
	[tilespmem:s18+$0x20] =	vst v2;
	v2 =	vsel vm3, $0x3F800000, v12  }
0x11c: {  	v1 =	vadd.s32 v7, v1;
	v0 =	vadd.s32 v11, v0;
	v7 =	vsel vm0, $0x1, v10;
	[tilespmem:s20+$0x20] =	vst v2  }
0x11d: {  	v1 =	vadd.s32 v9, v1;
	v0 =	vadd.s32 v7, v0;
	v2 =	vsel vm1, $0x1, v10;
	v7 =	vld [tilespmem:s16+$0x30]  }
0x11e: {  	v1 =	vadd.s32 v13, v1;
	v0 =	vadd.s32 v2, v0  }
0x11f: {  	v1 =	vadd.s32 v15, v1;
	v0 =	vadd.s32 v17, v0  }
.Ltmp6:
0x120: {  	v1 =	vadd.s32 v16, v1;
	v0 =	vadd.s32 v19, v0;
	(pc) =	sbr.rel @p0 .LBB2_7-.Ltmp6, $4  }
0x121: {  	v1 =	vadd.s32 v18, v1;
	v0 =	vadd.s32 v21, v0  }
0x122: {  	v1 =	vadd.s32 v20, v1;
	vm0 =	vgt.f32 v7, v14;
	vm1 =	vge.f32 v7, v14  }
0x123: {  	v2 =	vnsel vm1, $0x0, v7;
	v7 =	vsel vm0, $0x1, v10;
	v8 =	vsel vm1, $0x1, v10  }
0x124: {  	s20 =	sadd.s32 $0x80, s20;
	[tilespmem:s18+$0x30] =	vst v2;
	v2 =	vsel vm1, $0x3F800000, v12;
	v1 =	vadd.s32 v7, v1;
	v0 =	vadd.s32 v8, v0  }
0x125: {  	v7 =	vperm.xlane v1, v39;
	_ =	sdelay $0x1  }
0x126: {  	v1 =	vadd.s32 v1, v7  }
0x127: {  	v7 =	vperm.xlane v1, v4;
	_ =	sdelay $0x1  }
0x128: {  	v1 =	vadd.s32 v7, v1  }
0x129: {  	v7 =	vperm.xlane v1, v5;
	_ =	sdelay $0x1  }
0x12a: {  	v1 =	vadd.s32 v7, v1  }
0x12b: {  	v7 =	vperm.xlane v1, v6;
	_ =	sdelay $0x1  }
0x12c: {  	v1 =	vadd.s32 v7, v1  }
0x12d: {  	(v2sf) =	vpush v1, $0x0;
	_ =	sdelay $0xe  }
0x12e: {  	s16 =	spop (v2sf)  }
0x12f: {  	p0 =	slt.s32 s16, $0x40  }
.Ltmp7:
0x130: {  	_ = 	snop;
	(pc) =	sbr.rel @p0 .LBB2_18-.Ltmp7, $2  }
0x131: {  	_ =	sdelay $0x2  }
0x132: {  	[tilespmem:s17+$0x30] =	vst v2  }
0x133: {  	v0 =	vimm.f32 $-Inf  }
0x134: {  	v22 =	vimm.f32 $-Inf;
	v27 =	vimm.f32 $-Inf;
	v25 =	vimm.f32 $-Inf  }
0x135: {  	v24 =	vimm.f32 $-Inf;
	v28 =	vimm.f32 $-Inf;
	v29 =	vimm.f32 $-Inf  }
0x136: {  	v30 =	vimm.f32 $-Inf;
	v31 =	vimm.f32 $-Inf;
	v32 =	vimm.f32 $-Inf  }
0x137: {  	v33 =	vimm.f32 $-Inf;
	v34 =	vimm.f32 $-Inf;
	v35 =	vimm.f32 $-Inf  }
0x138: {  	v36 =	vimm.f32 $-Inf;
	v37 =	vimm.f32 $-Inf;
	v38 =	vimm.f32 $-Inf  }
0x139: {  	v3 =	vimm.f32 $-Inf;
	v40 =	vimm.f32 $-Inf;
	v41 =	vimm.f32 $-Inf  }
0x13a: {  	v42 =	vimm.f32 $-Inf;
	v43 =	vimm.f32 $-Inf;
	v44 =	vimm.f32 $-Inf  }
0x13b: {  	v45 =	vimm.f32 $-Inf;
	v46 =	vimm.f32 $-Inf;
	v47 =	vimm.f32 $-Inf  }
0x13c: {  	v48 =	vimm.f32 $-Inf;
	v49 =	vimm.f32 $-Inf;
	v50 =	vimm.f32 $-Inf  }
0x13d: {  	v51 =	vimm.f32 $-Inf;
	v54 =	vimm.f32 $-Inf;
	[tilespmem:$0x1FED0] =	vst v0;
	v0 =	vimm.f32 $-Inf  }
0x13e: {  	v52 =	vimm.f32 $-Inf;
	v56 =	vimm.f32 $-Inf;
	[tilespmem:$0x1FEE0] =	vst v0;
	v0 =	vimm.f32 $-Inf  }
0x13f: {  	v57 =	vimm.f32 $-Inf;
	v58 =	vimm.f32 $-Inf;
	[tilespmem:$0x1FEF0] =	vst v0;
	v0 =	vimm.f32 $-Inf  }
0x140: {  	v59 =	vimm.f32 $-Inf;
	v60 =	vimm.f32 $-Inf;
	[tilespmem:$0x1FF00] =	vst v0;
	v0 =	vimm.f32 $-Inf  }
0x141: {  	v61 =	vimm.f32 $-Inf;
	v62 =	vimm.f32 $-Inf;
	[tilespmem:$0x1FF10] =	vst v0;
	v0 =	vimm.f32 $-Inf  }
0x142: {  	v63 =	vimm.f32 $-Inf;
	v1 =	vimm.f32 $-Inf;
	[tilespmem:$0x1FF20] =	vst v0;
	v0 =	vimm.f32 $-Inf  }
0x143: {  	v2 =	vimm.f32 $-Inf;
	v8 =	vimm.f32 $-Inf;
	[tilespmem:$0x1FF30] =	vst v0;
	v0 =	vimm.f32 $-Inf  }
0x144: {  	v9 =	vimm.f32 $-Inf;
	v11 =	vimm.f32 $-Inf;
	[tilespmem:$0x1FF40] =	vst v0;
	v0 =	vimm.f32 $-Inf  }
0x145: {  	v13 =	vimm.f32 $-Inf;
	v7 =	vimm.f32 $-Inf;
	[tilespmem:$0x1FF50] =	vst v0;
	v0 =	vimm.f32 $-Inf  }
0x146: {  	v14 =	vimm.f32 $-Inf;
	v15 =	vimm.f32 $-Inf;
	[tilespmem:$0x1FF60] =	vst v0;
	v0 =	vimm.f32 $-Inf  }
0x147: {  	v16 =	vimm.f32 $-Inf;
	v17 =	vimm.f32 $-Inf;
	[tilespmem:$0x1FF70] =	vst v0;
	v0 =	vimm.f32 $-Inf  }
0x148: {  	s16 =	simm.s32 $0xFFFFFFFC;
	s17 =	simm.s32 $0x20;
	v18 =	vimm.f32 $-Inf;
	v19 =	vimm.f32 $-Inf;
	[tilespmem:$0x1FF80] =	vst v0;
	v0 =	vimm.f32 $-Inf  }
.LBB2_10:
0x149: {  	v20 =	vld [tilespmem:s17+$0xFFFFFFE0];
	_ =	sdelay $0x4  }
0x14a: {  	v21 =	vmin.f32 v19, v20  }
0x14b: {  	[tilespmem:$0x1F6A0] =	vst v22;
	v22 =	vmin.f32 v18, v21  }
0x14c: {  	v23 =	vmin.f32 v17, v22  }
0x14d: {  	v26 =	vmin.f32 v16, v23  }
0x14e: {  	[tilespmem:$0x1F670] =	vst v25;
	v25 =	vmin.f32 v15, v26  }
0x14f: {  	v53 =	vmin.f32 v14, v25  }
0x150: {  	v14 =	vmax.f32 v14, v25;
	[tilespmem:$0x1F4B0] =	vst v53  }
0x151: {  	[tilespmem:$0x1F5B0] =	vst v14;
	v14 =	vld [tilespmem:$0x1F4B0];
	_ =	sdelay $0x3  }
0x152: {  	v53 =	vmin.f32 v7, v53  }
0x153: {  	[tilespmem:$0x1F4C0] =	vst v53;
	v7 =	vmax.f32 v7, v14  }
0x154: {  	[tilespmem:$0x1F5C0] =	vst v7;
	v7 =	vld [tilespmem:$0x1F4C0];
	_ =	sdelay $0x3  }
0x155: {  	v53 =	vmin.f32 v13, v53  }
0x156: {  	[tilespmem:$0x1F4E0] =	vst v53;
	v7 =	vmax.f32 v13, v7  }
0x157: {  	[tilespmem:$0x1F5D0] =	vst v7;
	v7 =	vld [tilespmem:$0x1F4E0];
	_ =	sdelay $0x3  }
0x158: {  	v53 =	vmin.f32 v11, v53  }
0x159: {  	[tilespmem:$0x1F4F0] =	vst v53;
	v7 =	vmax.f32 v11, v7  }
0x15a: {  	[tilespmem:$0x1F5E0] =	vst v7;
	v7 =	vld [tilespmem:$0x1F4F0];
	_ =	sdelay $0x2  }
0x15b: {  	v53 =	vmin.f32 v9, v53  }
0x15c: {  	[tilespmem:$0x1F500] =	vst v53  }
0x15d: {  	v7 =	vmax.f32 v9, v7;
	v9 =	vld [tilespmem:$0x1F500];
	_ =	sdelay $0x3  }
0x15e: {  	v53 =	vmin.f32 v8, v53  }
0x15f: {  	[tilespmem:$0x1F510] =	vst v53;
	v8 =	vmax.f32 v8, v9  }
0x160: {  	[tilespmem:$0x1F600] =	vst v8;
	v8 =	vld [tilespmem:$0x1F510];
	_ =	sdelay $0x3  }
0x161: {  	v53 =	vmin.f32 v2, v53  }
0x162: {  	[tilespmem:$0x1F520] =	vst v53;
	v2 =	vmax.f32 v2, v8  }
0x163: {  	[tilespmem:$0x1F610] =	vst v2;
	v2 =	vld [tilespmem:$0x1F520];
	_ =	sdelay $0x3  }
0x164: {  	v53 =	vmin.f32 v0, v53  }
0x165: {  	[tilespmem:$0x1F530] =	vst v53;
	v0 =	vmax.f32 v0, v2  }
0x166: {  	[tilespmem:$0x1F620] =	vst v0;
	v0 =	vld [tilespmem:$0x1F530]  }
0x167: {  	[tilespmem:$0x1F4D0] =	vst v54;
	v53 =	vmin.f32 v1, v53  }
0x168: {  	[tilespmem:$0x1F540] =	vst v53;
	v53 =	vmin.f32 v63, v53  }
0x169: {  	v16 =	vmax.f32 v16, v23;
	[tilespmem:$0x1F550] =	vst v53;
	v53 =	vmin.f32 v62, v53  }
0x16a: {  	[tilespmem:$0x1F5A0] =	vst v16;
	v55 =	vmin.f32 v61, v53  }
0x16b: {  	v16 =	vld [tilespmem:$0x1F4D0];
	[tilespmem:$0x1F560] =	vst v53;
	v53 =	vmin.f32 v60, v55;
	v0 =	vmax.f32 v1, v0  }
0x16c: {  	v54 =	vmin.f32 v59, v53;
	[tilespmem:$0x1F630] =	vst v0;
	v0 =	vld [tilespmem:$0x1F540]  }
0x16d: {  	[tilespmem:$0x1F570] =	vst v53;
	v53 =	vmin.f32 v58, v54  }
0x16e: {  	v19 =	vmax.f32 v19, v20;
	v20 =	vmin.f32 v57, v53  }
0x16f: {  	[tilespmem:$0x1F580] =	vst v19;
	v19 =	vmax.f32 v18, v21;
	v21 =	vmin.f32 v56, v20  }
0x170: {  	v17 =	vmax.f32 v17, v22;
	v22 =	vmin.f32 v52, v21  }
0x171: {  	v23 =	vmin.f32 v16, v22;
	v63 =	vmax.f32 v63, v0;
	v0 =	vld [tilespmem:$0x1F550]  }
0x172: {  	[tilespmem:$0x1F5F0] =	vst v7;
	v7 =	vmin.f32 v51, v23;
	v2 =	vld [tilespmem:$0x1F570]  }
0x173: {  	[tilespmem:$0x1F590] =	vst v17;
	v25 =	vmin.f32 v50, v7;
	v7 =	vmax.f32 v50, v7  }
0x174: {  	v18 =	vmov v53;
	[tilespmem:$0x1F6F0] =	vst v7;
	v9 =	vmax.f32 v51, v23  }
0x175: {  	[tilespmem:$0x1F6E0] =	vst v9;
	v8 =	vmax.f32 v57, v18;
	v1 =	vld [tilespmem:$0x1FF80]  }
0x176: {  	[tilespmem:$0x1F690] =	vst v8;
	v8 =	vmax.f32 v56, v20;
	v62 =	vmax.f32 v62, v0;
	v0 =	vld [tilespmem:$0x1F560]  }
0x177: {  	v53 =	vld [tilespmem:$0x1FF70];
	[tilespmem:$0x1F6B0] =	vst v8;
	v2 =	vmax.f32 v59, v2  }
0x178: {  	v14 =	vld [tilespmem:$0x1FF60];
	[tilespmem:$0x1F660] =	vst v2;
	v2 =	vmax.f32 v58, v54  }
0x179: {  	v8 =	vmax.f32 v52, v21;
	[tilespmem:$0x1F680] =	vst v2;
	v2 =	vld [tilespmem:$0x1FF50]  }
0x17a: {  	v11 =	vld [tilespmem:$0x1FF40];
	[tilespmem:$0x1F6C0] =	vst v8;
	v8 =	vmax.f32 v16, v22  }
0x17b: {  	v17 =	vmax.f32 v15, v26;
	[tilespmem:$0x1F6D0] =	vst v8;
	v8 =	vld [tilespmem:$0x1FF30];
	v15 =	vmin.f32 v1, v25;
	v0 =	vmax.f32 v61, v0  }
0x17c: {  	v13 =	vmin.f32 v53, v15;
	[tilespmem:$0x1F640] =	vst v0;
	v0 =	vmax.f32 v60, v55  }
0x17d: {  	v7 =	vmax.f32 v1, v25;
	[tilespmem:$0x1F650] =	vst v0;
	v0 =	vmin.f32 v14, v13  }
0x17e: {  	v9 =	vld [tilespmem:$0x1FF20];
	[tilespmem:$0x1F700] =	vst v7;
	v26 =	vmin.f32 v2, v0;
	v0 =	vmax.f32 v2, v0  }
0x17f: {  	v7 =	vld [tilespmem:$0x1FF10];
	v20 =	vmin.f32 v11, v26;
	[tilespmem:$0x1F730] =	vst v0;
	v0 =	vmax.f32 v11, v26  }
0x180: {  	v2 =	vld [tilespmem:$0x1FF00];
	[tilespmem:$0x1F740] =	vst v0;
	v0 =	vmax.f32 v8, v20  }
0x181: {  	[tilespmem:$0x1F750] =	vst v0;
	v0 =	vld [tilespmem:$0x1FEF0]  }
0x182: {  	v21 =	vmin.f32 v8, v20  }
0x183: {  	v1 =	vmax.f32 v53, v15;
	v22 =	vmin.f32 v9, v21  }
0x184: {  	[tilespmem:$0x1F710] =	vst v1;
	v13 =	vmax.f32 v14, v13;
	v1 =	vmin.f32 v7, v22  }
0x185: {  	[tilespmem:$0x1F720] =	vst v13;
	v13 =	vmin.f32 v2, v1;
	v1 =	vmax.f32 v2, v1  }
0x186: {  	[tilespmem:$0x1F780] =	vst v1;
	v20 =	vmin.f32 v0, v13;
	v0 =	vmax.f32 v0, v13  }
0x187: {  	v8 =	vmax.f32 v9, v21;
	v21 =	vmin.f32 v49, v20;
	[tilespmem:$0x1F790] =	vst v0;
	v0 =	vmax.f32 v49, v20  }
0x188: {  	v1 =	vmin.f32 v48, v21;
	[tilespmem:$0x1F7A0] =	vst v0;
	v0 =	vmax.f32 v48, v21  }
0x189: {  	[tilespmem:$0x1F7B0] =	vst v0;
	v13 =	vmin.f32 v47, v1;
	v0 =	vmax.f32 v47, v1  }
0x18a: {  	[tilespmem:$0x1F7C0] =	vst v0;
	v0 =	vmax.f32 v46, v13;
	v1 =	vmin.f32 v46, v13  }
0x18b: {  	[tilespmem:$0x1F7D0] =	vst v0;
	v0 =	vmax.f32 v45, v1;
	v1 =	vmin.f32 v45, v1  }
0x18c: {  	[tilespmem:$0x1F7E0] =	vst v0;
	v0 =	vmax.f32 v44, v1;
	v1 =	vmin.f32 v44, v1  }
0x18d: {  	[tilespmem:$0x1F7F0] =	vst v0;
	v0 =	vmax.f32 v43, v1;
	v1 =	vmin.f32 v43, v1  }
0x18e: {  	[tilespmem:$0x1F800] =	vst v0;
	v0 =	vmax.f32 v42, v1;
	v1 =	vmin.f32 v42, v1  }
0x18f: {  	[tilespmem:$0x1F810] =	vst v0;
	v0 =	vmax.f32 v41, v1;
	v1 =	vmin.f32 v41, v1  }
0x190: {  	v51 =	vld [tilespmem:$0x1F580];
	[tilespmem:$0x1F820] =	vst v0;
	v0 =	vmax.f32 v40, v1;
	v1 =	vmin.f32 v40, v1  }
0x191: {  	v57 =	vld [tilespmem:s17+$0xFFFFFFF0];
	[tilespmem:$0x1F830] =	vst v0;
	v0 =	vmax.f32 v3, v1;
	v1 =	vmin.f32 v3, v1  }
0x192: {  	[tilespmem:$0x1F840] =	vst v0;
	v0 =	vmax.f32 v38, v1;
	v1 =	vmin.f32 v38, v1  }
0x193: {  	[tilespmem:$0x1F850] =	vst v0;
	v0 =	vmax.f32 v37, v1;
	v1 =	vmin.f32 v37, v1  }
0x194: {  	[tilespmem:$0x1F860] =	vst v0;
	v0 =	vmax.f32 v36, v1;
	v1 =	vmin.f32 v36, v1  }
0x195: {  	v16 =	vmovc v33;
	v7 =	vmax.f32 v7, v22;
	v3 =	vmax.f32 v35, v1;
	v1 =	vmin.f32 v35, v1  }
0x196: {  	v56 =	vmin.f32 v51, v57;
	v59 =	vld [tilespmem:$0x1F5A0];
	[tilespmem:$0x1F770] =	vst v7;
	v7 =	vmax.f32 v34, v1;
	v1 =	vmin.f32 v34, v1  }
0x197: {  	v23 =	vld [tilespmem:$0x1F630];
	v15 =	vmov v32;
	[tilespmem:$0x1F890] =	vst v7;
	v7 =	vmax.f32 v16, v1;
	v1 =	vmin.f32 v16, v1  }
0x198: {  	v14 =	vmov v31;
	v44 =	vld [tilespmem:$0x1F590];
	[tilespmem:$0x1F870] =	vst v0;
	v54 =	vmax.f32 v15, v1;
	v1 =	vmin.f32 v15, v1  }
0x199: {  	v61 =	vld [tilespmem:$0x1F5F0];
	v13 =	vmov v30;
	[tilespmem:$0x1F8A0] =	vst v7;
	v7 =	vmax.f32 v14, v1;
	v1 =	vmin.f32 v14, v1  }
0x19a: {  	v11 =	vmov v29;
	v45 =	vld [tilespmem:$0x1F5C0];
	[tilespmem:$0x1F8B0] =	vst v7;
	v7 =	vmax.f32 v13, v1;
	v1 =	vmin.f32 v13, v1  }
0x19b: {  	v42 =	vld [tilespmem:$0x1F5B0];
	v0 =	vmov v28;
	[tilespmem:$0x1F8C0] =	vst v7;
	v7 =	vmax.f32 v11, v1;
	v1 =	vmin.f32 v11, v1  }
0x19c: {  	v50 =	vmin.f32 v19, v56;
	[tilespmem:$0x1F8D0] =	vst v7;
	v7 =	vmax.f32 v0, v1;
	v1 =	vmin.f32 v0, v1;
	v0 =	vld [tilespmem:$0x1F670]  }
0x19d: {  	v60 =	vld [tilespmem:$0x1F5D0];
	v49 =	vmin.f32 v44, v50  }
0x19e: {  	v2 =	vld [tilespmem:$0x1F5E0];
	v48 =	vmin.f32 v59, v49  }
0x19f: {  	v29 =	vld [tilespmem:$0x1F600];
	v47 =	vmin.f32 v17, v48  }
0x1a0: {  	v26 =	vld [tilespmem:$0x1F620];
	v46 =	vmin.f32 v42, v47;
	v53 =	vmax.f32 v24, v1;
	v1 =	vmin.f32 v24, v1  }
0x1a1: {  	v9 =	vmovc v27;
	v43 =	vmin.f32 v45, v46;
	v28 =	vld [tilespmem:$0x1F610];
	v55 =	vmax.f32 v0, v1;
	v1 =	vmin.f32 v0, v1  }
0x1a2: {  	v41 =	vmin.f32 v60, v43;
	v0 =	vmax.f32 v9, v1;
	v1 =	vmin.f32 v9, v1;
	v9 =	vld [tilespmem:$0x1F6A0]  }
0x1a3: {  	[tilespmem:$0x1F880] =	vst v3;
	v3 =	vld [tilespmem:$0x1FEE0];
	v33 =	vmin.f32 v2, v41  }
0x1a4: {  	v32 =	vmin.f32 v61, v33  }
0x1a5: {  	v20 =	vld [tilespmem:$0x1F650];
	v31 =	vmin.f32 v29, v32  }
0x1a6: {  	v13 =	vld [tilespmem:$0x1F640];
	v36 =	vmin.f32 v28, v31  }
0x1a7: {  	v11 =	vld [tilespmem:$0x1F660];
	v30 =	vmin.f32 v26, v36;
	[tilespmem:$0x1F8E0] =	vst v7;
	v7 =	vmax.f32 v9, v1;
	v1 =	vmin.f32 v9, v1  }
0x1a8: {  	v27 =	vmin.f32 v23, v30;
	[tilespmem:$0x1F910] =	vst v7;
	v7 =	vmax.f32 v3, v1;
	v1 =	vmin.f32 v3, v1;
	v3 =	vld [tilespmem:$0x1FED0]  }
0x1a9: {  	[tilespmem:$0x1F760] =	vst v8;
	v8 =	vld [tilespmem:$0x1F680];
	v25 =	vmin.f32 v63, v27  }
0x1aa: {  	v37 =	vmin.f32 v62, v25;
	[tilespmem:$0x1F8F0] =	vst v0;
	v0 =	vld [tilespmem:$0x1F690]  }
0x1ab: {  	v22 =	vmin.f32 v13, v37;
	v9 =	vld [tilespmem:$0x1F6B0]  }
0x1ac: {  	v38 =	vmin.f32 v20, v22;
	[tilespmem:$0x1F920] =	vst v7;
	v7 =	vld [tilespmem:$0x1F6C0]  }
0x1ad: {  	v21 =	vmin.f32 v11, v38;
	v1 =	vmax.f32 v3, v1;
	v3 =	vld [tilespmem:$0x1F6D0]  }
0x1ae: {  	v58 =	vmov v19;
	v24 =	vmax.f32 v44, v50;
	v50 =	vld [tilespmem:$0x1F6E0];
	v19 =	vmin.f32 v8, v21  }
0x1af: {  	v34 =	vmax.f32 v58, v56;
	v44 =	vld [tilespmem:$0x1F6F0];
	v18 =	vmin.f32 v0, v19  }
0x1b0: {  	v56 =	vmax.f32 v59, v49;
	v59 =	vmax.f32 v42, v47;
	v42 =	vld [tilespmem:$0x1F700];
	v40 =	vmin.f32 v9, v18  }
0x1b1: {  	v52 =	vmov v17;
	v46 =	vmax.f32 v45, v46;
	v45 =	vld [tilespmem:$0x1F710];
	v17 =	vmin.f32 v7, v40  }
0x1b2: {  	v35 =	vmax.f32 v51, v57;
	v51 =	vmax.f32 v52, v48;
	v52 =	vld [tilespmem:$0x1F720];
	v57 =	vmin.f32 v3, v17  }
0x1b3: {  	v47 =	vld [tilespmem:$0x1F730];
	v16 =	vmin.f32 v50, v57  }
0x1b4: {  	v36 =	vmax.f32 v26, v36;
	v26 =	vld [tilespmem:$0x1F740];
	v23 =	vmax.f32 v23, v30;
	v58 =	vmin.f32 v44, v16  }
0x1b5: {  	v48 =	vmax.f32 v2, v41;
	[tilespmem:$0x1F900] =	vst v23;
	v23 =	vmax.f32 v62, v25;
	v25 =	vld [tilespmem:$0x1F750];
	v15 =	vmin.f32 v42, v58  }
0x1b6: {  	v61 =	vmax.f32 v61, v33;
	v33 =	vmax.f32 v63, v27;
	v27 =	vld [tilespmem:$0x1F760];
	v2 =	vmin.f32 v45, v15  }
0x1b7: {  	v41 =	vmax.f32 v0, v19;
	v19 =	vld [tilespmem:$0x1F770];
	v14 =	vmin.f32 v52, v2  }
0x1b8: {  	v31 =	vmax.f32 v28, v31;
	v28 =	vld [tilespmem:$0x1F780];
	v20 =	vmax.f32 v20, v22;
	[tilespmem:$0x1F930] =	vst v1;
	v1 =	vmin.f32 v47, v14  }
0x1b9: {  	[tilespmem:$0x1F940] =	vst v20;
	v20 =	vmax.f32 v8, v21;
	v21 =	vld [tilespmem:$0x1F790];
	v49 =	vmin.f32 v26, v1  }
0x1ba: {  	v43 =	vmax.f32 v60, v43;
	v30 =	vld [tilespmem:$0x1F7A0];
	v37 =	vmax.f32 v13, v37;
	v13 =	vmin.f32 v25, v49  }
0x1bb: {  	v22 =	vld [tilespmem:$0x1F7B0];
	v38 =	vmax.f32 v11, v38;
	v17 =	vmax.f32 v3, v17;
	v11 =	vmin.f32 v27, v13  }
0x1bc: {  	v60 =	vmax.f32 v26, v1;
	v26 =	vld [tilespmem:$0x1F7C0];
	v3 =	vmax.f32 v25, v49;
	v0 =	vmin.f32 v19, v11  }
0x1bd: {  	v18 =	vmax.f32 v9, v18;
	[tilespmem:$0x1F960] =	vst v3;
	v3 =	vld [tilespmem:$0x1F7D0];
	v9 =	vmin.f32 v28, v0  }
0x1be: {  	v40 =	vmax.f32 v7, v40;
	v8 =	vmin.f32 v21, v9  }
0x1bf: {  	v2 =	vmax.f32 v52, v2;
	v11 =	vmax.f32 v19, v11;
	v19 =	vld [tilespmem:$0x1F7E0];
	v7 =	vmin.f32 v30, v8  }
0x1c0: {  	[tilespmem:$0x1F950] =	vst v2;
	v2 =	vmin.f32 v22, v7  }
0x1c1: {  	v9 =	vmax.f32 v21, v9;
	v21 =	vld [tilespmem:$0x1F7F0];
	v1 =	vmin.f32 v26, v2  }
0x1c2: {  	v7 =	vmax.f32 v22, v7;
	v22 =	vld [tilespmem:$0x1F800];
	v52 =	vmin.f32 v3, v1;
	v1 =	vmax.f32 v3, v1  }
0x1c3: {  	v0 =	vmax.f32 v28, v0;
	[tilespmem:$0x1F9B0] =	vst v1;
	v1 =	vld [tilespmem:$0x1F810]  }
0x1c4: {  	[tilespmem:$0x1F970] =	vst v0;
	v8 =	vmax.f32 v30, v8;
	v0 =	vmin.f32 v19, v52;
	v63 =	vmax.f32 v19, v52;
	v19 =	vld [tilespmem:$0x1F820]  }
0x1c5: {  	[tilespmem:$0x1F980] =	vst v8  }
0x1c6: {  	[tilespmem:$0x1F990] =	vst v7;
	v8 =	vmin.f32 v21, v0;
	v0 =	vmax.f32 v21, v0  }
0x1c7: {  	v7 =	vmin.f32 v22, v8;
	[tilespmem:$0x1F9C0] =	vst v0;
	v0 =	vmax.f32 v22, v8  }
0x1c8: {  	[tilespmem:$0x1F9D0] =	vst v0;
	v3 =	vmin.f32 v1, v7;
	v0 =	vmax.f32 v1, v7  }
0x1c9: {  	[tilespmem:$0x1F9E0] =	vst v0;
	v0 =	vmax.f32 v19, v3  }
0x1ca: {  	[tilespmem:$0x1F9F0] =	vst v0;
	v0 =	vld [tilespmem:$0x1F830]  }
0x1cb: {  	v1 =	vld [tilespmem:$0x1F840];
	_ =	sdelay $0x2  }
0x1cc: {  	v8 =	vmin.f32 v19, v3  }
0x1cd: {  	v3 =	vmin.f32 v0, v8;
	v0 =	vmax.f32 v0, v8  }
0x1ce: {  	[tilespmem:$0x1FA00] =	vst v0;
	v0 =	vmax.f32 v1, v3;
	v3 =	vmin.f32 v1, v3;
	v1 =	vld [tilespmem:$0x1F850];
	_ =	sdelay $0x4  }
0x1cf: {  	[tilespmem:$0x1FA10] =	vst v0;
	v0 =	vmax.f32 v1, v3;
	v3 =	vmin.f32 v1, v3;
	v1 =	vld [tilespmem:$0x1F860];
	_ =	sdelay $0x4  }
0x1d0: {  	[tilespmem:$0x1FA20] =	vst v0;
	v0 =	vmax.f32 v1, v3;
	v3 =	vmin.f32 v1, v3;
	v1 =	vld [tilespmem:$0x1F870];
	_ =	sdelay $0x4  }
0x1d1: {  	[tilespmem:$0x1FA30] =	vst v0;
	v0 =	vmax.f32 v1, v3;
	v3 =	vmin.f32 v1, v3;
	v1 =	vld [tilespmem:$0x1F880];
	_ =	sdelay $0x4  }
0x1d2: {  	[tilespmem:$0x1FA40] =	vst v0;
	v0 =	vmax.f32 v1, v3;
	v3 =	vmin.f32 v1, v3;
	v1 =	vld [tilespmem:$0x1F890];
	_ =	sdelay $0x4  }
0x1d3: {  	[tilespmem:$0x1FA50] =	vst v0;
	v0 =	vmax.f32 v1, v3;
	v3 =	vmin.f32 v1, v3;
	v1 =	vld [tilespmem:$0x1F8A0];
	_ =	sdelay $0x4  }
0x1d4: {  	[tilespmem:$0x1FA60] =	vst v0;
	v0 =	vmax.f32 v1, v3;
	v3 =	vmin.f32 v1, v3;
	v1 =	vld [tilespmem:$0x1F8B0];
	_ =	sdelay $0x3  }
0x1d5: {  	[tilespmem:$0x1FA70] =	vst v0;
	v0 =	vmax.f32 v54, v3;
	v3 =	vmin.f32 v54, v3  }
0x1d6: {  	[tilespmem:$0x1FA80] =	vst v0;
	v0 =	vmax.f32 v1, v3;
	v3 =	vmin.f32 v1, v3;
	v1 =	vld [tilespmem:$0x1F8C0];
	_ =	sdelay $0x4  }
0x1d7: {  	[tilespmem:$0x1FA90] =	vst v0;
	v0 =	vmax.f32 v1, v3;
	v3 =	vmin.f32 v1, v3;
	v1 =	vld [tilespmem:$0x1F8D0];
	_ =	sdelay $0x4  }
0x1d8: {  	[tilespmem:$0x1FAA0] =	vst v0;
	v0 =	vmax.f32 v1, v3;
	v3 =	vmin.f32 v1, v3;
	v1 =	vld [tilespmem:$0x1F8E0];
	_ =	sdelay $0x3  }
0x1d9: {  	v25 =	vld [tilespmem:s17+$0x0]  }
0x1da: {  	[tilespmem:$0x1FAB0] =	vst v0;
	v0 =	vmax.f32 v1, v3;
	v3 =	vmin.f32 v1, v3;
	v1 =	vld [tilespmem:$0x1F8F0];
	_ =	sdelay $0x2  }
0x1db: {  	[tilespmem:$0x1FAC0] =	vst v0;
	v0 =	vmax.f32 v53, v3;
	v3 =	vmin.f32 v53, v3  }
0x1dc: {  	[tilespmem:$0x1FAD0] =	vst v0;
	v0 =	vmax.f32 v55, v3;
	v3 =	vmin.f32 v55, v3  }
0x1dd: {  	v7 =	vmin.f32 v35, v25;
	[tilespmem:$0x1FAE0] =	vst v0;
	v0 =	vmax.f32 v1, v3;
	v3 =	vmin.f32 v1, v3;
	v1 =	vld [tilespmem:$0x1F910]  }
0x1de: {  	v8 =	vmin.f32 v34, v7  }
0x1df: {  	v14 =	vmax.f32 v47, v14;
	v47 =	vmin.f32 v24, v8  }
0x1e0: {  	v52 =	vmin.f32 v56, v47  }
0x1e1: {  	v16 =	vmax.f32 v44, v16;
	v44 =	vmin.f32 v51, v52  }
0x1e2: {  	v49 =	vmin.f32 v59, v44;
	[tilespmem:$0x1FB00] =	vst v0;
	v0 =	vmax.f32 v1, v3;
	v3 =	vmin.f32 v1, v3;
	v1 =	vld [tilespmem:$0x1F920]  }
0x1e3: {  	v54 =	vmin.f32 v46, v49  }
0x1e4: {  	v58 =	vmax.f32 v42, v58;
	v2 =	vmax.f32 v26, v2;
	v42 =	vmin.f32 v43, v54  }
0x1e5: {  	[tilespmem:$0x1F9A0] =	vst v2;
	v2 =	vld [tilespmem:$0x1F900];
	v19 =	vmov v46;
	v46 =	vmin.f32 v48, v42  }
0x1e6: {  	v29 =	vmax.f32 v29, v32;
	v22 =	vmov v48;
	v48 =	vmin.f32 v61, v46  }
0x1e7: {  	v57 =	vmax.f32 v50, v57;
	v50 =	vmin.f32 v29, v48;
	[tilespmem:$0x1FB10] =	vst v0;
	v0 =	vmax.f32 v1, v3  }
0x1e8: {  	v53 =	vmin.f32 v31, v50;
	[tilespmem:$0x1FB30] =	vst v0;
	v0 =	vld [tilespmem:$0x1F930]  }
0x1e9: {  	v30 =	vld [tilespmem:$0x1F940];
	v55 =	vmin.f32 v36, v53  }
0x1ea: {  	v62 =	vmin.f32 v2, v55  }
0x1eb: {  	v21 =	vmov v43;
	v43 =	vmin.f32 v33, v62  }
0x1ec: {  	v15 =	vmax.f32 v45, v15;
	v45 =	vmin.f32 v23, v43;
	v3 =	vmin.f32 v1, v3  }
0x1ed: {  	v1 =	vmax.f32 v35, v25;
	v35 =	vmin.f32 v37, v45;
	v0 =	vmax.f32 v0, v3  }
0x1ee: {  	v3 =	vmax.f32 v34, v7;
	v34 =	vmax.f32 v24, v8;
	v8 =	vmin.f32 v30, v35  }
0x1ef: {  	v24 =	vmin.f32 v38, v8  }
0x1f0: {  	v25 =	vmin.f32 v20, v24  }
0x1f1: {  	v13 =	vmax.f32 v27, v13;
	v26 =	vmin.f32 v41, v25  }
0x1f2: {  	v44 =	vmax.f32 v59, v44;
	v59 =	vmax.f32 v22, v42;
	v28 =	vmin.f32 v18, v26  }
0x1f3: {  	v42 =	vmax.f32 v31, v50;
	v31 =	vmax.f32 v36, v53;
	v27 =	vmin.f32 v40, v28  }
0x1f4: {  	v50 =	vmax.f32 v37, v45;
	v37 =	vmax.f32 v20, v24;
	v20 =	vld [tilespmem:$0x1F950];
	v22 =	vmin.f32 v17, v27  }
0x1f5: {  	v7 =	vmax.f32 v56, v47;
	v47 =	vmax.f32 v21, v54;
	v21 =	vmin.f32 v57, v22  }
0x1f6: {  	v36 =	vmax.f32 v2, v55;
	v2 =	vmax.f32 v38, v8;
	v8 =	vmin.f32 v16, v21  }
0x1f7: {  	v56 =	vmax.f32 v19, v49;
	v19 =	vmin.f32 v58, v8  }
0x1f8: {  	v25 =	vmax.f32 v41, v25;
	v41 =	vmax.f32 v18, v26;
	v18 =	vmin.f32 v15, v19  }
0x1f9: {  	v26 =	vmax.f32 v40, v28;
	v38 =	vmax.f32 v17, v27;
	v17 =	vmin.f32 v20, v18  }
0x1fa: {  	v28 =	vmax.f32 v58, v8;
	v8 =	vmin.f32 v14, v17;
	v14 =	vmax.f32 v14, v17  }
0x1fb: {  	[tilespmem:$0x1FB20] =	vst v14;
	v14 =	vld [tilespmem:$0x1F960];
	_ =	sdelay $0x1  }
0x1fc: {  	v53 =	vld [tilespmem:s17+$0x10]  }
0x1fd: {  	v15 =	vmax.f32 v15, v19  }
0x1fe: {  	[tilespmem:$0x1FAF0] =	vst v15;
	v15 =	vmin.f32 v60, v8;
	v8 =	vmax.f32 v60, v8  }
0x1ff: {  	v33 =	vmax.f32 v33, v62;
	v62 =	vmax.f32 v23, v43;
	[tilespmem:$0x1FB40] =	vst v8;
	v8 =	vmin.f32 v14, v15  }
0x200: {  	v43 =	vmax.f32 v30, v35;
	v30 =	vmax.f32 v14, v15;
	v14 =	vmin.f32 v13, v8  }
0x201: {  	v17 =	vmov v1;
	v15 =	vmin.f32 v1, v53;
	v1 =	vmax.f32 v11, v14  }
0x202: {  	[tilespmem:$0x1FD50] =	vst v1;
	v1 =	vld [tilespmem:$0x1F970];
	_ =	sdelay $0x3  }
0x203: {  	v45 =	vmax.f32 v13, v8;
	v8 =	vmin.f32 v11, v14  }
0x204: {  	v11 =	vmin.f32 v1, v8  }
0x205: {  	v29 =	vmax.f32 v29, v48;
	v48 =	vmax.f32 v1, v8;
	v1 =	vmax.f32 v9, v11  }
0x206: {  	[tilespmem:$0x1FBA0] =	vst v1;
	v1 =	vld [tilespmem:$0x1F980];
	_ =	sdelay $0x1  }
0x207: {  	v13 =	vmin.f32 v3, v15  }
0x208: {  	v14 =	vmin.f32 v34, v13  }
0x209: {  	[tilespmem:$0x1FB50] =	vst v0;
	v0 =	vmax.f32 v51, v52;
	v24 =	vmin.f32 v7, v14;
	v8 =	vmin.f32 v9, v11  }
0x20a: {  	[tilespmem:$0x1FB80] =	vst v0;
	v11 =	vmin.f32 v0, v24;
	v0 =	vmax.f32 v1, v8  }
0x20b: {  	[tilespmem:$0x1FBC0] =	vst v0;
	v0 =	vld [tilespmem:$0x1F990];
	_ =	sdelay $0x3  }
0x20c: {  	[tilespmem:$0x1FB90] =	vst v44;
	v9 =	vmin.f32 v1, v8  }
0x20d: {  	[tilespmem:$0x1FB70] =	vst v7;
	v7 =	vmin.f32 v44, v11;
	v8 =	vmin.f32 v0, v9;
	v44 =	vmax.f32 v0, v9;
	v0 =	vld [tilespmem:$0x1F9A0];
	_ =	sdelay $0x4  }
0x20e: {  	v9 =	vmin.f32 v0, v8;
	v0 =	vmax.f32 v0, v8  }
0x20f: {  	[tilespmem:$0x1FC00] =	vst v0;
	v0 =	vld [tilespmem:$0x1F9B0];
	_ =	sdelay $0x4  }
0x210: {  	v8 =	vmin.f32 v0, v9;
	v0 =	vmax.f32 v0, v9  }
0x211: {  	[tilespmem:$0x1FC20] =	vst v0;
	v0 =	vmax.f32 v63, v8  }
0x212: {  	[tilespmem:$0x1FC40] =	vst v0;
	v0 =	vld [tilespmem:$0x1F9C0]  }
0x213: {  	v51 =	vmax.f32 v16, v21;
	v16 =	vld [tilespmem:$0x1F9D0];
	_ =	sdelay $0x2  }
0x214: {  	v1 =	vmin.f32 v63, v8  }
0x215: {  	v19 =	vmax.f32 v20, v18;
	v8 =	vmin.f32 v0, v1;
	v0 =	vmax.f32 v0, v1  }
0x216: {  	v18 =	vmov v3;
	[tilespmem:$0x1FC60] =	vst v0;
	v0 =	vmin.f32 v16, v8;
	v3 =	vmax.f32 v16, v8;
	v16 =	vld [tilespmem:$0x1F9E0];
	_ =	sdelay $0x4  }
0x217: {  	v8 =	vmin.f32 v16, v0;
	v0 =	vmax.f32 v16, v0;
	v16 =	vld [tilespmem:$0x1F9F0];
	_ =	sdelay $0x3  }
0x218: {  	[tilespmem:$0x1FC70] =	vst v3  }
0x219: {  	[tilespmem:$0x1FC80] =	vst v0;
	v0 =	vmin.f32 v16, v8;
	v3 =	vmax.f32 v16, v8;
	v16 =	vld [tilespmem:$0x1FA00];
	_ =	sdelay $0x4  }
0x21a: {  	v8 =	vmin.f32 v16, v0;
	v0 =	vmax.f32 v16, v0;
	v16 =	vld [tilespmem:$0x1FA10];
	_ =	sdelay $0x4  }
0x21b: {  	[tilespmem:$0x1FCC0] =	vst v0;
	v0 =	vmin.f32 v16, v8;
	v8 =	vmax.f32 v16, v8;
	v16 =	vld [tilespmem:$0x1FA20];
	_ =	sdelay $0x4  }
0x21c: {  	[tilespmem:$0x1FD00] =	vst v8;
	v8 =	vmin.f32 v16, v0;
	v0 =	vmax.f32 v16, v0;
	v16 =	vld [tilespmem:$0x1FA30];
	_ =	sdelay $0x2  }
0x21d: {  	v21 =	vmin.f32 v56, v7  }
0x21e: {  	v46 =	vmax.f32 v61, v46;
	v20 =	vmin.f32 v47, v21  }
0x21f: {  	v9 =	vmin.f32 v59, v20;
	[tilespmem:$0x1FD30] =	vst v0;
	v0 =	vmin.f32 v16, v8;
	v8 =	vmax.f32 v16, v8;
	v16 =	vld [tilespmem:$0x1FA40]  }
0x220: {  	[tilespmem:$0x1FBB0] =	vst v59;
	v59 =	vmin.f32 v46, v9  }
0x221: {  	v1 =	vmin.f32 v29, v59  }
0x222: {  	v60 =	vmin.f32 v42, v1  }
0x223: {  	v61 =	vmin.f32 v31, v60  }
0x224: {  	v63 =	vmin.f32 v36, v61;
	[tilespmem:$0x1FD70] =	vst v8;
	v8 =	vmin.f32 v16, v0;
	v0 =	vmax.f32 v16, v0;
	v16 =	vld [tilespmem:$0x1FA50]  }
0x225: {  	[tilespmem:$0x1FCA0] =	vst v3;
	v3 =	vmin.f32 v33, v63  }
0x226: {  	v27 =	vmax.f32 v57, v22;
	v22 =	vmov v56;
	v56 =	vmin.f32 v62, v3  }
0x227: {  	[tilespmem:$0x1FC30] =	vst v50;
	v50 =	vmin.f32 v50, v56  }
0x228: {  	[tilespmem:$0x1FC50] =	vst v2;
	v23 =	vmin.f32 v43, v50  }
0x229: {  	v58 =	vmin.f32 v2, v23;
	[tilespmem:$0x1FDA0] =	vst v0;
	v0 =	vmin.f32 v16, v8;
	v2 =	vmax.f32 v16, v8;
	v16 =	vld [tilespmem:$0x1FA60];
	_ =	sdelay $0x4  }
0x22a: {  	v8 =	vmin.f32 v16, v0;
	v0 =	vmax.f32 v16, v0;
	v16 =	vld [tilespmem:$0x1FA70];
	_ =	sdelay $0x3  }
0x22b: {  	[tilespmem:$0x1FDC0] =	vst v2  }
0x22c: {  	[tilespmem:$0x1FDE0] =	vst v0;
	v0 =	vmin.f32 v16, v8;
	v2 =	vmax.f32 v16, v8;
	v16 =	vld [tilespmem:$0x1FA80];
	_ =	sdelay $0x4  }
0x22d: {  	v8 =	vmin.f32 v16, v0;
	v0 =	vmax.f32 v16, v0;
	v16 =	vld [tilespmem:$0x1FA90];
	_ =	sdelay $0x3  }
0x22e: {  	[tilespmem:$0x1FDF0] =	vst v2  }
0x22f: {  	[tilespmem:$0x1FE00] =	vst v0;
	v0 =	vmin.f32 v16, v8;
	v2 =	vmax.f32 v16, v8;
	v16 =	vld [tilespmem:$0x1FAA0];
	_ =	sdelay $0x4  }
0x230: {  	v8 =	vmin.f32 v16, v0;
	v0 =	vmax.f32 v16, v0;
	v16 =	vld [tilespmem:$0x1FAB0];
	_ =	sdelay $0x3  }
0x231: {  	[tilespmem:$0x1FE10] =	vst v2  }
0x232: {  	[tilespmem:$0x1FE20] =	vst v0;
	v0 =	vmin.f32 v16, v8;
	v2 =	vmax.f32 v16, v8;
	v16 =	vld [tilespmem:$0x1FAC0];
	_ =	sdelay $0x4  }
0x233: {  	v8 =	vmin.f32 v16, v0;
	v0 =	vmax.f32 v16, v0;
	v16 =	vld [tilespmem:$0x1FAD0];
	_ =	sdelay $0x3  }
0x234: {  	[tilespmem:$0x1FE30] =	vst v2  }
0x235: {  	v57 =	vmin.f32 v37, v58;
	[tilespmem:$0x1FE40] =	vst v0;
	v0 =	vmin.f32 v16, v8;
	v2 =	vmax.f32 v16, v8;
	v16 =	vld [tilespmem:$0x1FAE0]  }
0x236: {  	v52 =	vmin.f32 v25, v57  }
0x237: {  	[tilespmem:$0x1FBD0] =	vst v29;
	v54 =	vmin.f32 v41, v52  }
0x238: {  	[tilespmem:$0x1FBF0] =	vst v36;
	v29 =	vld [tilespmem:$0x1FAF0];
	v36 =	vmin.f32 v26, v54  }
0x239: {  	v40 =	vmin.f32 v38, v36  }
0x23a: {  	[tilespmem:$0x1FC10] =	vst v33;
	v33 =	vmin.f32 v27, v40;
	v8 =	vmin.f32 v16, v0;
	v0 =	vmax.f32 v16, v0;
	v16 =	vld [tilespmem:$0x1FB00]  }
0x23b: {  	v55 =	vmin.f32 v51, v33  }
0x23c: {  	[tilespmem:$0x1FCE0] =	vst v19;
	v35 =	vmin.f32 v28, v55  }
0x23d: {  	[tilespmem:$0x1FE50] =	vst v2;
	v2 =	vmin.f32 v29, v35  }
0x23e: {  	[tilespmem:$0x1FCD0] =	vst v2  }
0x23f: {  	v19 =	vmin.f32 v19, v2;
	[tilespmem:$0x1FE70] =	vst v0;
	v0 =	vmin.f32 v16, v8;
	v2 =	vmax.f32 v16, v8;
	v16 =	vld [tilespmem:$0x1FB10];
	_ =	sdelay $0x2  }
0x240: {  	[tilespmem:$0x1FC90] =	vst v27;
	v27 =	vld [tilespmem:$0x1FB40]  }
0x241: {  	[tilespmem:$0x1FCB0] =	vst v28;
	v28 =	vld [tilespmem:$0x1FB20]  }
0x242: {  	v8 =	vmin.f32 v16, v0;
	v0 =	vmax.f32 v16, v0;
	v16 =	vld [tilespmem:$0x1FB30];
	_ =	sdelay $0x2  }
0x243: {  	[tilespmem:$0x1FCF0] =	vst v19  }
0x244: {  	[tilespmem:$0x1FE90] =	vst v2;
	v2 =	vmin.f32 v28, v19  }
0x245: {  	[tilespmem:$0x1FD10] =	vst v2;
	v19 =	vmin.f32 v27, v2;
	v2 =	vmax.f32 v16, v8  }
0x246: {  	[tilespmem:$0x1FEB0] =	vst v2;
	v2 =	vld [tilespmem:$0x1FB50];
	_ =	sdelay $0x3  }
0x247: {  	[tilespmem:$0x1FEA0] =	vst v0;
	v0 =	vmin.f32 v16, v8  }
0x248: {  	[tilespmem:$0x1FB60] =	vst v34;
	v0 =	vmax.f32 v2, v0  }
0x249: {  	[tilespmem:$0x1FEC0] =	vst v0;
	v0 =	vmin.f32 v30, v19  }
0x24a: {  	[tilespmem:$0x1FD40] =	vst v0;
	v2 =	vmin.f32 v45, v0;
	v0 =	vld [tilespmem:$0x1FB60];
	_ =	sdelay $0x4  }
0x24b: {  	[tilespmem:$0x1FD20] =	vst v19;
	v19 =	vmax.f32 v17, v53;
	v17 =	vmax.f32 v0, v13;
	v0 =	vld [tilespmem:$0x1FB70];
	_ =	sdelay $0x4  }
0x24c: {  	v16 =	vmax.f32 v0, v14;
	v0 =	vld [tilespmem:$0x1FD50];
	_ =	sdelay $0x4  }
0x24d: {  	[tilespmem:$0x1FD60] =	vst v2;
	v2 =	vmin.f32 v0, v2;
	v0 =	vld [tilespmem:$0x1FB80];
	_ =	sdelay $0x4  }
0x24e: {  	v18 =	vmax.f32 v18, v15;
	v15 =	vmax.f32 v0, v24;
	v0 =	vld [tilespmem:$0x1FB90]  }
0x24f: {  	v32 =	vmov v41;
	v41 =	vmov v26;
	v26 =	vmov v30;
	v30 =	vld [tilespmem:$0x1FBA0];
	_ =	sdelay $0x2  }
0x250: {  	v62 =	vmax.f32 v62, v3;
	v3 =	vld [tilespmem:$0x1FC30]  }
0x251: {  	[tilespmem:$0x1FD80] =	vst v2;
	v14 =	vmax.f32 v0, v11;
	v0 =	vmin.f32 v48, v2;
	v2 =	vmax.f32 v42, v1;
	v1 =	vld [tilespmem:$0x1FBF0]  }
0x252: {  	[tilespmem:$0x1FD90] =	vst v0;
	v49 =	vmin.f32 v30, v0;
	v0 =	vld [tilespmem:$0x1FBB0];
	_ =	sdelay $0x3  }
0x253: {  	v1 =	vmax.f32 v1, v61;
	v61 =	vmax.f32 v3, v56;
	v3 =	vld [tilespmem:$0x1FC50]  }
0x254: {  	v11 =	vmax.f32 v0, v20;
	v0 =	vld [tilespmem:$0x1FBD0];
	_ =	sdelay $0x4  }
0x255: {  	v8 =	vmax.f32 v0, v59;
	v59 =	vmax.f32 v3, v23;
	v3 =	vld [tilespmem:$0x1FC90];
	_ =	sdelay $0x4  }
0x256: {  	[tilespmem:$0x1FBE0] =	vst v31;
	v31 =	vmov v51;
	v3 =	vmax.f32 v3, v40  }
0x257: {  	[tilespmem:$0x1FE80] =	vst v3;
	v3 =	vmax.f32 v31, v33  }
0x258: {  	[tilespmem:$0x1FE60] =	vst v3;
	v3 =	vld [tilespmem:$0x1FCB0];
	_ =	sdelay $0x4  }
0x259: {  	v3 =	vmax.f32 v3, v55  }
0x25a: {  	[tilespmem:$0x1FF80] =	vst v3;
	v3 =	vmax.f32 v29, v35;
	v29 =	vld [tilespmem:$0x1FCE0]  }
0x25b: {  	[tilespmem:$0x1FF70] =	vst v3;
	v3 =	vld [tilespmem:$0x1FCD0];
	_ =	sdelay $0x4  }
0x25c: {  	v29 =	vmax.f32 v29, v3;
	v3 =	vld [tilespmem:$0x1FCF0];
	_ =	sdelay $0x4  }
0x25d: {  	v28 =	vmax.f32 v28, v3  }
0x25e: {  	[tilespmem:$0x1FF50] =	vst v28;
	v28 =	vld [tilespmem:$0x1FD10];
	_ =	sdelay $0x4  }
0x25f: {  	v27 =	vmax.f32 v27, v28  }
0x260: {  	[tilespmem:$0x1FF40] =	vst v27;
	v27 =	vld [tilespmem:$0x1FD20];
	_ =	sdelay $0x4  }
0x261: {  	v26 =	vmax.f32 v26, v27  }
0x262: {  	[tilespmem:$0x1FF30] =	vst v26;
	v26 =	vld [tilespmem:$0x1FD40];
	_ =	sdelay $0x3  }
0x263: {  	v34 =	vmov v37;
	v37 =	vmov v25;
	v25 =	vmov v45  }
0x264: {  	v25 =	vmax.f32 v25, v26;
	v26 =	vld [tilespmem:$0x1FD60]  }
0x265: {  	[tilespmem:$0x1FF20] =	vst v25;
	v25 =	vld [tilespmem:$0x1FD50];
	_ =	sdelay $0x2  }
0x266: {  	v24 =	vmov v48;
	v48 =	vld [tilespmem:$0x1FBC0];
	_ =	sdelay $0x1  }
0x267: {  	v45 =	vld [tilespmem:$0x1FC00];
	v25 =	vmax.f32 v25, v26  }
0x268: {  	[tilespmem:$0x1FF10] =	vst v25;
	v25 =	vld [tilespmem:$0x1FD80];
	_ =	sdelay $0x1  }
0x269: {  	v20 =	vmin.f32 v48, v49  }
0x26a: {  	[tilespmem:$0x1FDB0] =	vst v20;
	v20 =	vmin.f32 v44, v20  }
0x26b: {  	v9 =	vmax.f32 v46, v9;
	[tilespmem:$0x1FDD0] =	vst v20;
	v46 =	vmin.f32 v45, v20;
	v20 =	vld [tilespmem:$0x1FC10]  }
0x26c: {  	v0 =	vld [tilespmem:$0x1FBE0];
	v24 =	vmax.f32 v24, v25  }
0x26d: {  	[tilespmem:$0x1FF00] =	vst v24;
	v24 =	vld [tilespmem:$0x1FD90]  }
0x26e: {  	v7 =	vmax.f32 v22, v7;
	v22 =	vld [tilespmem:$0x1FC20]  }
0x26f: {  	v57 =	vmax.f32 v37, v57;
	v37 =	vld [tilespmem:$0x1FCA0]  }
0x270: {  	v42 =	vld [tilespmem:$0x1FC60]  }
0x271: {  	v0 =	vmax.f32 v0, v60;
	v60 =	vmax.f32 v43, v50;
	v43 =	vld [tilespmem:$0x1FC40]  }
0x272: {  	v63 =	vmax.f32 v20, v63;
	v20 =	vld [tilespmem:$0x1FC70];
	v24 =	vmax.f32 v30, v24  }
0x273: {  	[tilespmem:$0x1FEF0] =	vst v24;
	v24 =	vld [tilespmem:$0x1FDB0]  }
0x274: {  	v23 =	vld [tilespmem:$0x1FC80]  }
0x275: {  	v13 =	vmax.f32 v47, v21;
	v21 =	vld [tilespmem:$0x1FCC0];
	v53 =	vmin.f32 v22, v46  }
0x276: {  	v47 =	vmov v44;
	v44 =	vmin.f32 v43, v53;
	v3 =	vld [tilespmem:$0x1FD00]  }
0x277: {  	v51 =	vmin.f32 v42, v44;
	v27 =	vld [tilespmem:$0x1FD30]  }
0x278: {  	v49 =	vmax.f32 v48, v49;
	v50 =	vmin.f32 v20, v51;
	v48 =	vmax.f32 v47, v24;
	v24 =	vld [tilespmem:$0x1FDD0]  }
0x279: {  	v56 =	vmax.f32 v32, v52;
	v52 =	vmax.f32 v41, v54;
	v32 =	vld [tilespmem:$0x1FD70];
	v41 =	vmin.f32 v23, v50  }
0x27a: {  	v40 =	vmin.f32 v37, v41;
	v25 =	vld [tilespmem:$0x1FDA0]  }
0x27b: {  	v54 =	vmax.f32 v38, v36;
	v38 =	vmin.f32 v21, v40;
	v30 =	vld [tilespmem:$0x1FDC0]  }
0x27c: {  	v46 =	vmax.f32 v22, v46;
	v22 =	vld [tilespmem:$0x1FDE0];
	v36 =	vmin.f32 v3, v38  }
0x27d: {  	v35 =	vmin.f32 v27, v36;
	v47 =	vmax.f32 v45, v24;
	v24 =	vld [tilespmem:$0x1FDF0]  }
0x27e: {  	v55 =	vmin.f32 v32, v35;
	v45 =	vmax.f32 v43, v53;
	v43 =	vmax.f32 v20, v51;
	v20 =	vld [tilespmem:$0x1FE00]  }
0x27f: {  	v44 =	vmax.f32 v42, v44;
	v40 =	vmax.f32 v21, v40;
	v21 =	vld [tilespmem:$0x1FE10];
	v33 =	vmin.f32 v25, v55  }
0x280: {  	v42 =	vmax.f32 v23, v50;
	v50 =	vld [tilespmem:$0x1FE20];
	v41 =	vmax.f32 v37, v41;
	v31 =	vmin.f32 v30, v33  }
0x281: {  	[tilespmem:$0x1FF60] =	vst v29;
	v3 =	vmax.f32 v3, v38;
	v38 =	vmax.f32 v27, v36;
	v29 =	vmin.f32 v22, v31;
	v53 =	vld [tilespmem:$0x1FE30]  }
0x282: {  	v37 =	vmax.f32 v32, v35;
	v36 =	vmax.f32 v25, v55;
	v55 =	vld [tilespmem:$0x1FE40];
	v28 =	vmin.f32 v24, v29  }
0x283: {  	v35 =	vmax.f32 v30, v33;
	v33 =	vmax.f32 v24, v29;
	v24 =	vld [tilespmem:$0x1FE50];
	v23 =	vmin.f32 v20, v28  }
0x284: {  	v26 =	vmin.f32 v21, v23  }
0x285: {  	v27 =	vmin.f32 v50, v26  }
0x286: {  	v58 =	vmax.f32 v34, v58;
	v30 =	vmax.f32 v50, v26;
	v26 =	vld [tilespmem:$0x1FE70];
	v25 =	vmin.f32 v53, v27  }
0x287: {  	v34 =	vmax.f32 v22, v31;
	v29 =	vmax.f32 v53, v27;
	v27 =	vld [tilespmem:$0x1FE90];
	v22 =	vmin.f32 v55, v25  }
0x288: {  	v32 =	vmax.f32 v20, v28;
	v20 =	vmin.f32 v24, v22;
	v24 =	vmax.f32 v24, v22;
	v22 =	vld [tilespmem:$0x1FEA0];
	_ =	sdelay $0x2  }
0x289: {  	v31 =	vmax.f32 v21, v23;
	v21 =	vmin.f32 v26, v20  }
0x28a: {  	v28 =	vmax.f32 v55, v25;
	v23 =	vmin.f32 v27, v21  }
0x28b: {  	v25 =	vmax.f32 v26, v20;
	v20 =	vmin.f32 v22, v23;
	v22 =	vmax.f32 v22, v23;
	v23 =	vld [tilespmem:$0x1FEB0];
	_ =	sdelay $0x4  }
0x28c: {  	v27 =	vmax.f32 v27, v21;
	v21 =	vmin.f32 v23, v20;
	v20 =	vmax.f32 v23, v20  }
0x28d: {  	s16 =	sadd.s32 $0x4, s16;
	[tilespmem:$0x1FEE0] =	vst v20;
	v20 =	vld [tilespmem:$0x1FEC0]  }
0x28e: {  	p0 =	slt.u32 s16, $0x7FC  }
.Ltmp8:
0x28f: {  	_ = 	snop;
	(pc) =	sbr.rel @p0 .LBB2_10-.Ltmp8, $3  }
0x290: {  	_ =	sdelay $0x1  }
0x291: {  	v51 =	vld [tilespmem:$0x1FE80];
	v20 =	vmax.f32 v20, v21  }
0x292: {  	s18 =	simm.s32 $0x40;
	s17 =	sadd.s32 $0x40, s17;
	v50 =	vld [tilespmem:$0x1FE60];
	[tilespmem:$0x1FED0] =	vst v20;
	v20 =	vimm.s32 $0x0  }
0x293: {  	vm0 =	veq.s32 v20, $0x0;
	s16 =	sadd.s32 $0xFFFFFFFF, s18;
	v20 =	vimm.s32 $0x0  }
.LBB2_12:
0x294: {  	v21 =	vnsel vm0, $0xFF800000, v19;
	vm0 =	veq.s32 v20, $0x1  }
0x295: {  	v21 =	vsel vm0, v18, v21;
	vm0 =	veq.s32 v20, $0x2  }
0x296: {  	v21 =	vsel vm0, v17, v21;
	vm0 =	veq.s32 v20, $0x3  }
0x297: {  	v21 =	vsel vm0, v16, v21;
	vm0 =	veq.s32 v20, $0x4  }
0x298: {  	v21 =	vsel vm0, v15, v21;
	vm0 =	veq.s32 v20, $0x5  }
0x299: {  	v21 =	vsel vm0, v14, v21;
	vm0 =	veq.s32 v20, $0x6  }
0x29a: {  	v21 =	vsel vm0, v7, v21;
	vm0 =	veq.s32 v20, $0x7  }
0x29b: {  	v21 =	vsel vm0, v13, v21;
	vm0 =	veq.s32 v20, $0x8  }
0x29c: {  	v21 =	vsel vm0, v11, v21;
	vm0 =	veq.s32 v20, $0x9  }
0x29d: {  	v21 =	vsel vm0, v9, v21;
	vm0 =	veq.s32 v20, $0xA  }
0x29e: {  	v21 =	vsel vm0, v8, v21;
	vm0 =	veq.s32 v20, $0xB  }
0x29f: {  	v21 =	vsel vm0, v2, v21;
	vm0 =	veq.s32 v20, $0xC  }
0x2a0: {  	v21 =	vsel vm0, v0, v21;
	vm0 =	veq.s32 v20, $0xD  }
0x2a1: {  	v21 =	vsel vm0, v1, v21;
	vm0 =	veq.s32 v20, $0xE  }
0x2a2: {  	v21 =	vsel vm0, v63, v21;
	vm0 =	veq.s32 v20, $0xF  }
0x2a3: {  	v21 =	vsel vm0, v62, v21;
	vm0 =	veq.s32 v20, $0x10  }
0x2a4: {  	v21 =	vsel vm0, v61, v21;
	vm0 =	veq.s32 v20, $0x11  }
0x2a5: {  	v21 =	vsel vm0, v60, v21;
	vm0 =	veq.s32 v20, $0x12  }
0x2a6: {  	v21 =	vsel vm0, v59, v21;
	vm0 =	veq.s32 v20, $0x13  }
0x2a7: {  	v21 =	vsel vm0, v58, v21;
	vm0 =	veq.s32 v20, $0x14  }
0x2a8: {  	v21 =	vsel vm0, v57, v21;
	vm0 =	veq.s32 v20, $0x15  }
0x2a9: {  	v23 =	vld [tilespmem:$0x1FF80];
	v21 =	vsel vm0, v56, v21;
	vm0 =	veq.s32 v20, $0x16  }
0x2aa: {  	v21 =	vsel vm0, v52, v21;
	vm0 =	veq.s32 v20, $0x17  }
0x2ab: {  	v21 =	vsel vm0, v54, v21;
	vm0 =	veq.s32 v20, $0x18  }
0x2ac: {  	v21 =	vsel vm0, v51, v21;
	vm0 =	veq.s32 v20, $0x19  }
0x2ad: {  	v21 =	vsel vm0, v50, v21;
	vm0 =	veq.s32 v20, $0x1A  }
0x2ae: {  	v21 =	vsel vm0, v23, v21;
	v23 =	vld [tilespmem:$0x1FF70];
	_ =	sdelay $0x3  }
0x2af: {  	vm0 =	veq.s32 v20, $0x1B  }
0x2b0: {  	v21 =	vsel vm0, v23, v21;
	v23 =	vld [tilespmem:$0x1FF60];
	_ =	sdelay $0x3  }
0x2b1: {  	vm0 =	veq.s32 v20, $0x1C  }
0x2b2: {  	v21 =	vsel vm0, v23, v21;
	v23 =	vld [tilespmem:$0x1FF50];
	_ =	sdelay $0x3  }
0x2b3: {  	vm0 =	veq.s32 v20, $0x1D  }
0x2b4: {  	v21 =	vsel vm0, v23, v21;
	v23 =	vld [tilespmem:$0x1FF40];
	_ =	sdelay $0x3  }
0x2b5: {  	vm0 =	veq.s32 v20, $0x1E  }
0x2b6: {  	v21 =	vsel vm0, v23, v21;
	v23 =	vld [tilespmem:$0x1FF30];
	_ =	sdelay $0x3  }
0x2b7: {  	vm0 =	veq.s32 v20, $0x1F  }
0x2b8: {  	v21 =	vsel vm0, v23, v21;
	v23 =	vld [tilespmem:$0x1FF20];
	_ =	sdelay $0x3  }
0x2b9: {  	vm0 =	veq.s32 v20, $0x20  }
0x2ba: {  	v21 =	vsel vm0, v23, v21;
	v23 =	vld [tilespmem:$0x1FF10];
	_ =	sdelay $0x3  }
0x2bb: {  	vm0 =	veq.s32 v20, $0x21  }
0x2bc: {  	v21 =	vsel vm0, v23, v21;
	v23 =	vld [tilespmem:$0x1FF00];
	_ =	sdelay $0x3  }
0x2bd: {  	vm0 =	veq.s32 v20, $0x22  }
0x2be: {  	v21 =	vsel vm0, v23, v21;
	v23 =	vld [tilespmem:$0x1FEF0];
	_ =	sdelay $0x3  }
0x2bf: {  	vm0 =	veq.s32 v20, $0x23  }
0x2c0: {  	v21 =	vsel vm0, v23, v21;
	vm0 =	veq.s32 v20, $0x24  }
0x2c1: {  	v21 =	vsel vm0, v49, v21;
	vm0 =	veq.s32 v20, $0x25  }
0x2c2: {  	v21 =	vsel vm0, v48, v21;
	vm0 =	veq.s32 v20, $0x26  }
0x2c3: {  	v21 =	vsel vm0, v47, v21;
	vm0 =	veq.s32 v20, $0x27  }
0x2c4: {  	v21 =	vsel vm0, v46, v21;
	vm0 =	veq.s32 v20, $0x28  }
0x2c5: {  	v21 =	vsel vm0, v45, v21;
	vm0 =	veq.s32 v20, $0x29  }
0x2c6: {  	v21 =	vsel vm0, v44, v21;
	vm0 =	veq.s32 v20, $0x2A  }
0x2c7: {  	v21 =	vsel vm0, v43, v21;
	vm0 =	veq.s32 v20, $0x2B  }
0x2c8: {  	v21 =	vsel vm0, v42, v21;
	vm0 =	veq.s32 v20, $0x2C  }
0x2c9: {  	v21 =	vsel vm0, v41, v21;
	vm0 =	veq.s32 v20, $0x2D  }
0x2ca: {  	v21 =	vsel vm0, v40, v21;
	vm0 =	veq.s32 v20, $0x2E  }
0x2cb: {  	v21 =	vsel vm0, v3, v21;
	vm0 =	veq.s32 v20, $0x2F  }
0x2cc: {  	v21 =	vsel vm0, v38, v21;
	vm0 =	veq.s32 v20, $0x30  }
0x2cd: {  	v21 =	vsel vm0, v37, v21;
	vm0 =	veq.s32 v20, $0x31  }
0x2ce: {  	v21 =	vsel vm0, v36, v21;
	vm0 =	veq.s32 v20, $0x32  }
0x2cf: {  	v21 =	vsel vm0, v35, v21;
	vm0 =	veq.s32 v20, $0x33  }
0x2d0: {  	v21 =	vsel vm0, v34, v21;
	vm0 =	veq.s32 v20, $0x34  }
0x2d1: {  	v21 =	vsel vm0, v33, v21;
	vm0 =	veq.s32 v20, $0x35  }
0x2d2: {  	v21 =	vsel vm0, v32, v21;
	vm0 =	veq.s32 v20, $0x36  }
0x2d3: {  	v21 =	vsel vm0, v31, v21;
	vm0 =	veq.s32 v20, $0x37  }
0x2d4: {  	v21 =	vsel vm0, v30, v21;
	vm0 =	veq.s32 v20, $0x38  }
0x2d5: {  	v21 =	vsel vm0, v29, v21;
	vm0 =	veq.s32 v20, $0x39  }
0x2d6: {  	v23 =	vld [tilespmem:$0x1FEE0];
	v21 =	vsel vm0, v28, v21;
	vm0 =	veq.s32 v20, $0x3A  }
0x2d7: {  	v21 =	vsel vm0, v24, v21;
	vm0 =	veq.s32 v20, $0x3B  }
0x2d8: {  	v21 =	vsel vm0, v25, v21;
	vm0 =	veq.s32 v20, $0x3C  }
0x2d9: {  	v21 =	vsel vm0, v27, v21;
	vm0 =	veq.s32 v20, $0x3D  }
0x2da: {  	v21 =	vsel vm0, v22, v21;
	vm0 =	veq.s32 v20, $0x3E  }
0x2db: {  	v21 =	vsel vm0, v23, v21;
	v23 =	vld [tilespmem:$0x1FED0]  }
0x2dc: {  	v26 =	vmovc v49;
	v49 =	vmov v48;
	v48 =	vmov v47;
	v47 =	vmov v46  }
0x2dd: {  	v46 =	vmovc v45;
	v45 =	vmovc v44;
	v44 =	vmov v43;
	v43 =	vmov v42;
	v42 =	vmov v41  }
0x2de: {  	v41 =	vmovc v40;
	v40 =	vmovc v3;
	v3 =	vmov v38;
	v38 =	vmov v37;
	v37 =	vmov v36  }
0x2df: {  	v36 =	vmovc v35;
	v35 =	vmovc v34;
	v34 =	vmov v33;
	v33 =	vmov v32;
	vm0 =	veq.s32 v20, $0x3F  }
0x2e0: {  	v32 =	vmovc v31;
	v31 =	vmovc v30;
	v30 =	vmov v29;
	v29 =	vmov v28;
	v21 =	vsel vm0, v23, v21  }
0x2e1: {  	v28 =	vmovc v24;
	v24 =	vmovc v25;
	v25 =	vmov v27;
	v27 =	vmov v22;
	v22 =	vperm.xlane v21, v39;
	_ =	sdelay $0x1  }
0x2e2: {  	v22 =	vmax.f32 v21, v22  }
0x2e3: {  	v23 =	vperm.xlane v22, v4;
	_ =	sdelay $0x1  }
0x2e4: {  	v22 =	vmax.f32 v22, v23  }
0x2e5: {  	v23 =	vperm.xlane v22, v5;
	_ =	sdelay $0x1  }
0x2e6: {  	v22 =	vmax.f32 v22, v23  }
0x2e7: {  	v23 =	vperm.xlane v22, v6;
	_ =	sdelay $0x1  }
0x2e8: {  	v22 =	vmax.f32 v22, v23  }
0x2e9: {  	v23 =	vlaneseq.u32;
	vm0 =	veq.f32 v21, v22  }
0x2ea: {  	v21 =	vnsel vm0, $0x10, v23  }
0x2eb: {  	v22 =	vperm.xlane v21, v39;
	_ =	sdelay $0x1  }
0x2ec: {  	vm0 =	vlt.s32 v21, v22  }
0x2ed: {  	v21 =	vsel vm0, v21, v22  }
0x2ee: {  	v22 =	vperm.xlane v21, v4;
	_ =	sdelay $0x1  }
0x2ef: {  	vm0 =	vlt.s32 v21, v22  }
0x2f0: {  	v21 =	vsel vm0, v21, v22  }
0x2f1: {  	v22 =	vperm.xlane v21, v5;
	_ =	sdelay $0x1  }
0x2f2: {  	vm0 =	vlt.s32 v21, v22  }
0x2f3: {  	v21 =	vsel vm0, v21, v22  }
0x2f4: {  	v53 =	vperm.xlane v21, v6  }
0x2f5: {  	v22 =	vmov v27;
	v27 =	vmov v25  }
0x2f6: {  	p0 =	sne.s32 s16, $0x1;
	v25 =	vmovc v24;
	v24 =	vmovc v28;
	v28 =	vmov v29;
	v29 =	vmov v30;
	vm0 =	vlt.s32 v21, v53  }
.Ltmp9:
0x2f7: {  	v30 =	vmovc v31;
	v31 =	vmovc v32;
	v32 =	vmov v33;
	v33 =	vmov v34;
	v21 =	vsel vm0, v21, v53;
	(pc) =	sbr.rel @p0 .LBB2_12-.Ltmp9, $4  }
0x2f8: {  	v34 =	vmovc v35;
	v35 =	vmovc v36;
	v36 =	vmov v37;
	v37 =	vmov v38;
	vm0 =	veq.s32 v21, v23  }
0x2f9: {  	v38 =	vmovc v3;
	v3 =	vmovc v40;
	v40 =	vmov v41;
	v41 =	vmov v42;
	v21 =	vsel vm0, $0x1, v10  }
0x2fa: {  	v42 =	vmovc v43;
	v43 =	vmovc v44;
	v44 =	vmov v45;
	v45 =	vmov v46;
	v20 =	vadd.s32 v21, v20  }
0x2fb: {  	s16 =	sadd.s32 $0xFFFFFFFF, s16;
	v46 =	vmovc v47;
	v47 =	vmovc v48;
	v48 =	vmov v49;
	v49 =	vmov v26;
	vm0 =	veq.s32 v20, $0x0  }
0x2fc: {  	v19 =	vnsel vm0, $0xFF800000, v19;
	vm0 =	veq.s32 v20, $0x1  }
0x2fd: {  	v18 =	vsel vm0, v18, v19;
	vm0 =	veq.s32 v20, $0x2  }
0x2fe: {  	v17 =	vsel vm0, v17, v18;
	vm0 =	veq.s32 v20, $0x3  }
0x2ff: {  	v16 =	vsel vm0, v16, v17;
	vm0 =	veq.s32 v20, $0x4  }
0x300: {  	v15 =	vsel vm0, v15, v16;
	vm0 =	veq.s32 v20, $0x5  }
0x301: {  	v14 =	vsel vm0, v14, v15;
	vm0 =	veq.s32 v20, $0x6  }
0x302: {  	v7 =	vsel vm0, v7, v14;
	vm0 =	veq.s32 v20, $0x7  }
0x303: {  	v7 =	vsel vm0, v13, v7;
	vm0 =	veq.s32 v20, $0x8  }
0x304: {  	v7 =	vsel vm0, v11, v7;
	vm0 =	veq.s32 v20, $0x9  }
0x305: {  	v7 =	vsel vm0, v9, v7;
	vm0 =	veq.s32 v20, $0xA  }
0x306: {  	v7 =	vsel vm0, v8, v7;
	vm0 =	veq.s32 v20, $0xB  }
0x307: {  	v2 =	vsel vm0, v2, v7;
	vm0 =	veq.s32 v20, $0xC  }
0x308: {  	v0 =	vsel vm0, v0, v2;
	vm0 =	veq.s32 v20, $0xD  }
0x309: {  	v0 =	vsel vm0, v1, v0;
	vm0 =	veq.s32 v20, $0xE  }
0x30a: {  	v0 =	vsel vm0, v63, v0;
	vm0 =	veq.s32 v20, $0xF  }
0x30b: {  	v0 =	vsel vm0, v62, v0;
	vm0 =	veq.s32 v20, $0x10  }
0x30c: {  	v0 =	vsel vm0, v61, v0;
	vm0 =	veq.s32 v20, $0x11  }
0x30d: {  	v0 =	vsel vm0, v60, v0;
	vm0 =	veq.s32 v20, $0x12  }
0x30e: {  	v0 =	vsel vm0, v59, v0;
	vm0 =	veq.s32 v20, $0x13  }
0x30f: {  	v0 =	vsel vm0, v58, v0;
	vm0 =	veq.s32 v20, $0x14  }
0x310: {  	v0 =	vsel vm0, v57, v0;
	vm0 =	veq.s32 v20, $0x15  }
0x311: {  	v1 =	vld [tilespmem:$0x1FF80];
	v0 =	vsel vm0, v56, v0;
	vm0 =	veq.s32 v20, $0x16  }
0x312: {  	v0 =	vsel vm0, v52, v0;
	vm0 =	veq.s32 v20, $0x17  }
0x313: {  	v0 =	vsel vm0, v54, v0;
	vm0 =	veq.s32 v20, $0x18  }
0x314: {  	v0 =	vsel vm0, v51, v0;
	vm0 =	veq.s32 v20, $0x19  }
0x315: {  	v0 =	vsel vm0, v50, v0;
	vm0 =	veq.s32 v20, $0x1A  }
0x316: {  	v0 =	vsel vm0, v1, v0;
	v1 =	vld [tilespmem:$0x1FF70];
	_ =	sdelay $0x3  }
0x317: {  	vm0 =	veq.s32 v20, $0x1B  }
0x318: {  	v0 =	vsel vm0, v1, v0;
	v1 =	vld [tilespmem:$0x1FF60];
	_ =	sdelay $0x3  }
0x319: {  	vm0 =	veq.s32 v20, $0x1C  }
0x31a: {  	v0 =	vsel vm0, v1, v0;
	v1 =	vld [tilespmem:$0x1FF50];
	_ =	sdelay $0x3  }
0x31b: {  	vm0 =	veq.s32 v20, $0x1D  }
0x31c: {  	v0 =	vsel vm0, v1, v0;
	v1 =	vld [tilespmem:$0x1FF40];
	_ =	sdelay $0x3  }
0x31d: {  	vm0 =	veq.s32 v20, $0x1E  }
0x31e: {  	v0 =	vsel vm0, v1, v0;
	v1 =	vld [tilespmem:$0x1FF30];
	_ =	sdelay $0x3  }
0x31f: {  	vm0 =	veq.s32 v20, $0x1F  }
0x320: {  	v0 =	vsel vm0, v1, v0;
	v1 =	vld [tilespmem:$0x1FF20];
	_ =	sdelay $0x3  }
0x321: {  	vm0 =	veq.s32 v20, $0x20  }
0x322: {  	v0 =	vsel vm0, v1, v0;
	v1 =	vld [tilespmem:$0x1FF10];
	_ =	sdelay $0x3  }
0x323: {  	vm0 =	veq.s32 v20, $0x21  }
0x324: {  	v0 =	vsel vm0, v1, v0;
	v1 =	vld [tilespmem:$0x1FF00];
	_ =	sdelay $0x3  }
0x325: {  	vm0 =	veq.s32 v20, $0x22  }
0x326: {  	v0 =	vsel vm0, v1, v0;
	v1 =	vld [tilespmem:$0x1FEF0];
	_ =	sdelay $0x3  }
0x327: {  	vm0 =	veq.s32 v20, $0x23  }
0x328: {  	v0 =	vsel vm0, v1, v0;
	vm0 =	veq.s32 v20, $0x24  }
0x329: {  	v0 =	vsel vm0, v49, v0;
	vm0 =	veq.s32 v20, $0x25  }
0x32a: {  	v0 =	vsel vm0, v48, v0;
	vm0 =	veq.s32 v20, $0x26  }
0x32b: {  	v0 =	vsel vm0, v47, v0;
	vm0 =	veq.s32 v20, $0x27  }
0x32c: {  	v0 =	vsel vm0, v46, v0;
	vm0 =	veq.s32 v20, $0x28  }
0x32d: {  	v0 =	vsel vm0, v45, v0;
	vm0 =	veq.s32 v20, $0x29  }
0x32e: {  	v0 =	vsel vm0, v44, v0;
	vm0 =	veq.s32 v20, $0x2A  }
0x32f: {  	v0 =	vsel vm0, v43, v0;
	vm0 =	veq.s32 v20, $0x2B  }
0x330: {  	v0 =	vsel vm0, v42, v0;
	vm0 =	veq.s32 v20, $0x2C  }
0x331: {  	v0 =	vsel vm0, v41, v0;
	vm0 =	veq.s32 v20, $0x2D  }
0x332: {  	v0 =	vsel vm0, v40, v0;
	vm0 =	veq.s32 v20, $0x2E  }
0x333: {  	v0 =	vsel vm0, v3, v0;
	vm0 =	veq.s32 v20, $0x2F  }
0x334: {  	v0 =	vsel vm0, v38, v0;
	vm0 =	veq.s32 v20, $0x30  }
0x335: {  	v0 =	vsel vm0, v37, v0;
	vm0 =	veq.s32 v20, $0x31  }
0x336: {  	v0 =	vsel vm0, v36, v0;
	vm0 =	veq.s32 v20, $0x32  }
0x337: {  	v0 =	vsel vm0, v35, v0;
	vm0 =	veq.s32 v20, $0x33  }
0x338: {  	v0 =	vsel vm0, v34, v0;
	vm0 =	veq.s32 v20, $0x34  }
0x339: {  	v0 =	vsel vm0, v33, v0;
	vm0 =	veq.s32 v20, $0x35  }
0x33a: {  	v0 =	vsel vm0, v32, v0;
	vm0 =	veq.s32 v20, $0x36  }
0x33b: {  	v0 =	vsel vm0, v31, v0;
	vm0 =	veq.s32 v20, $0x37  }
0x33c: {  	v0 =	vsel vm0, v30, v0;
	vm0 =	veq.s32 v20, $0x38  }
0x33d: {  	v0 =	vsel vm0, v29, v0;
	vm0 =	veq.s32 v20, $0x39  }
0x33e: {  	v1 =	vld [tilespmem:$0x1FEE0];
	v0 =	vsel vm0, v28, v0;
	vm0 =	veq.s32 v20, $0x3A  }
0x33f: {  	v0 =	vsel vm0, v24, v0;
	vm0 =	veq.s32 v20, $0x3B  }
0x340: {  	v0 =	vsel vm0, v25, v0;
	vm0 =	veq.s32 v20, $0x3C  }
0x341: {  	v0 =	vsel vm0, v27, v0;
	vm0 =	veq.s32 v20, $0x3D  }
0x342: {  	v0 =	vsel vm0, v22, v0;
	vm0 =	veq.s32 v20, $0x3E  }
0x343: {  	v0 =	vsel vm0, v1, v0;
	v1 =	vld [tilespmem:$0x1FED0];
	_ =	sdelay $0x3  }
0x344: {  	vm0 =	veq.s32 v20, $0x3F  }
0x345: {  	v0 =	vsel vm0, v1, v0  }
0x346: {  	v1 =	vperm.xlane v0, v39;
	_ =	sdelay $0x1  }
0x347: {  	v0 =	vmax.f32 v0, v1  }
0x348: {  	v1 =	vperm.xlane v0, v4;
	_ =	sdelay $0x1  }
0x349: {  	v0 =	vmax.f32 v0, v1  }
0x34a: {  	v1 =	vperm.xlane v0, v5  }
0x34b: {  	v2 =	vld [tilespmem:s18+$0xFFFFFFC0]  }
0x34c: {  	v3 =	vld [tilespmem:s18+$0xFFFFFFD0];
	v0 =	vmax.f32 v0, v1  }
0x34d: {  	v9 =	vld [tilespmem:s18+$0xFFFFFFE0];
	v1 =	vperm.xlane v0, v6  }
0x34e: {  	v8 =	vld [tilespmem:s18+$0xFFFFFFF0]  }
0x34f: {  	v0 =	vmax.f32 v0, v1;
	v1 =	vld [tilespmem:s18+$0x0]  }
0x350: {  	vm0 =	vgt.f32 v2, v0;
	v2 =	vld [tilespmem:s18+$0x10]  }
0x351: {  	v7 =	vld [tilespmem:s18+$0x20];
	v11 =	vsel vm0, $0x1, v10;
	vm0 =	vgt.f32 v3, v0;
	v3 =	vimm.s32 $0x0  }
0x352: {  	s16 =	simm.s32 $0x0;
	s17 =	simm.s32 $0xC0;
	v11 =	vadd.s32 v11, v3;
	v13 =	vsel vm0, $0x1, v10;
	vm0 =	vgt.f32 v9, v0;
	v9 =	vld [tilespmem:s18+$0x30]  }
.LBB2_14:
0x353: {  	v3 =	vld [tilespmem:s17+$0xFFFFFFC0];
	s16 =	sadd.s32 $0x8, s16;
	v11 =	vadd.s32 v13, v11;
	v13 =	vsel vm0, $0x1, v10;
	vm0 =	vgt.f32 v8, v0  }
0x354: {  	v14 =	vld [tilespmem:s17+$0xFFFFFFD0];
	p0 =	slt.u32 s16, $0x7F8;
	v8 =	vadd.s32 v13, v11;
	v11 =	vsel vm0, $0x1, v10;
	vm0 =	vgt.f32 v1, v0  }
0x355: {  	v15 =	vld [tilespmem:s17+$0xFFFFFFE0];
	v1 =	vadd.s32 v11, v8;
	v11 =	vsel vm0, $0x1, v10;
	vm0 =	vgt.f32 v2, v0  }
.Ltmp10:
0x356: {  	v8 =	vld [tilespmem:s17+$0xFFFFFFF0];
	v2 =	vadd.s32 v11, v1;
	v11 =	vsel vm0, $0x1, v10;
	vm0 =	vgt.f32 v7, v0;
	(pc) =	sbr.rel @p0 .LBB2_14-.Ltmp10, $4  }
0x357: {  	v1 =	vld [tilespmem:s17+$0x0];
	v7 =	vadd.s32 v11, v2;
	v11 =	vsel vm0, $0x1, v10;
	vm0 =	vgt.f32 v9, v0  }
0x358: {  	vm1 =	vgt.f32 v3, v0;
	v2 =	vld [tilespmem:s17+$0x10];
	v3 =	vadd.s32 v11, v7;
	v9 =	vsel vm0, $0x1, v10  }
0x359: {  	v11 =	vsel vm1, $0x1, v10;
	vm0 =	vgt.f32 v14, v0;
	v7 =	vld [tilespmem:s17+$0x20];
	v3 =	vadd.s32 v9, v3  }
0x35a: {  	v11 =	vadd.s32 v11, v3;
	v13 =	vsel vm0, $0x1, v10;
	vm0 =	vgt.f32 v15, v0;
	v9 =	vld [tilespmem:s17+$0x30];
	s17 =	sadd.s32 $0x80, s17  }
0x35b: {  	v3 =	vadd.s32 v13, v11;
	v11 =	vsel vm0, $0x1, v10;
	vm0 =	vgt.f32 v8, v0  }
0x35c: {  	v3 =	vadd.s32 v11, v3;
	v8 =	vsel vm0, $0x1, v10;
	vm0 =	vgt.f32 v1, v0  }
0x35d: {  	v40 =	vld [tilespmem:$0x1FF90];
	v1 =	vadd.s32 v8, v3;
	v3 =	vsel vm0, $0x1, v10;
	vm0 =	vgt.f32 v2, v0  }
0x35e: {  	s16 =	simm.s32 $0x0;
	v1 =	vadd.s32 v3, v1;
	v2 =	vsel vm0, $0x1, v10;
	vm0 =	vgt.f32 v7, v0  }
0x35f: {  	v3 =	vld [tilespmem:s16+$0x0];
	v1 =	vadd.s32 v2, v1;
	v2 =	vsel vm0, $0x1, v10;
	vm0 =	vgt.f32 v9, v0  }
0x360: {  	v41 =	vld [tilespmem:$0x1FFA0];
	v1 =	vadd.s32 v2, v1;
	v2 =	vsel vm0, $0x1, v10  }
0x361: {  	v43 =	vld [tilespmem:$0x1FFC0];
	v1 =	vadd.s32 v2, v1  }
0x362: {  	v2 =	vperm.xlane v1, v40  }
0x363: {  	v42 =	vld [tilespmem:$0x1FFB0]  }
0x364: {  	vm2 =	veq.f32 v3, v0;
	v1 =	vadd.s32 v1, v2  }
0x365: {  	v44 =	vld [tilespmem:$0x1FFD0];
	v13 =	vsel vm2, $0x1, v10;
	v2 =	vperm.xlane v1, v41  }
0x366: {  	v7 =	vperm.xlane v13, v43  }
0x367: {  	vm0 =	veq.s32 v23, $0x0;
	v2 =	vadd.s32 v2, v1  }
0x368: {  	v7 =	vsel vm0, $0x0, v7;
	v8 =	vperm.xlane v2, v42  }
0x369: {  	s17 =	simm.s32 $0x10;
	v45 =	vld [tilespmem:$0x1FFE0];
	v7 =	vadd.s32 v13, v7  }
0x36a: {  	v1 =	vld [tilespmem:s17+$0x0];
	v2 =	vadd.s32 v8, v2;
	v8 =	vperm.xlane v7, v44  }
0x36b: {  	vm1 =	vmmov $0x3  }
0x36c: {  	vm4 =	vmmov $0xf;
	v8 =	vsel vm1, $0x0, v8  }
0x36d: {  	v46 =	vld [tilespmem:$0x1FFF0];
	vm7 =	vgt.f32 v3, v0;
	v16 =	vperm.xlane v13, v40;
	v14 =	vadd.s32 v8, v7  }
0x36e: {  	vm2 =	vmmov vm2;
	v9 =	vperm.xlane v2, v6;
	v7 =	vperm.xlane v14, v45  }
0x36f: {  	vm6 =	vmmov vm2;
	vm2 =	vmmov $0xff;
	vm3 =	veq.f32 v1, v0  }
0x370: {  	s18 =	simm.s32 $0x20;
	v2 =	vadd.s32 v2, v9;
	v9 =	vsel vm3, $0x1, v10;
	v17 =	vsel vm4, $0x0, v7  }
0x371: {  	v13 =	vadd.s32 v13, v16;
	v15 =	vperm.xlane v9, v43;
	v7 =	vld [tilespmem:s18+$0x0];
	v14 =	vadd.s32 v17, v14  }
0x372: {  	v8 =	vimm.s32 $0x0;
	vm3 =	vmmov vm3;
	v16 =	vperm.xlane v14, v46  }
0x373: {  	v2 =	vsub.s32 $0x40, v2;
	v15 =	vsel vm0, $0x0, v15;
	v17 =	vperm.xlane v13, v41  }
0x374: {  	v11 =	vperm.xlane v9, v40;
	v15 =	vadd.s32 v9, v15;
	v16 =	vsel vm2, $0x0, v16  }
0x375: {  	v20 =	vadd.s32 v17, v13;
	v13 =	vperm.xlane v15, v44;
	v16 =	vadd.s32 v8, v16  }
0x376: {  	v21 =	vperm.xlane v20, v42;
	vm5 =	veq.f32 v7, v0;
	v16 =	vadd.s32 v14, v16  }
0x377: {  	v13 =	vsel vm1, $0x0, v13;
	v14 =	vsel vm5, $0x1, v10;
	vm8 =	vle.s32 v16, v2  }
0x378: {  	v18 =	vperm.xlane v14, v43;
	v16 =	vadd.s32 v13, v15;
	vm6 =	vmand vm6, vm8  }
0x379: {  	v17 =	vperm.xlane v14, v40;
	v19 =	vperm.xlane v16, v45;
	vm6 =	vmor vm7, vm6  }
0x37a: {  	s19 =	simm.s32 $0xC0;
	v15 =	vadd.s32 v21, v20;
	v18 =	vsel vm0, $0x0, v18;
	v13 =	vnsel vm6, $0x0, v3  }
.LBB2_16:
0x37b: {  	v3 =	vsel vm4, $0x0, v19;
	v19 =	vsel vm6, $0x3F800000, v12  }
0x37c: {  	s20 =	sshra.s32 s19, $0x2;
	p0 =	seq.s32 s19, $0x1FFC0;
	s19 =	sadd.s32 $0x40, s19;
	v20 =	vperm.xlane v15, v6;
	vm6 =	vmmov vm3;
	vm3 =	vmmov vm5  }
0x37d: {  	vm7 =	vgt.f32 v1, v0;
	v21 =	vld [tilespmem:s20+$0x0];
	v3 =	vadd.s32 v3, v16;
	v16 =	vadd.s32 v9, v11;
	[tilespmem:s16+$0x8000] =	vst v13  }
0x37e: {  	v13 =	vperm.xlane v3, v46;
	v22 =	vperm.xlane v16, v41;
	[tilespmem:s16+$0x10000] =	vst v19;
	v8 =	vadd.s32 v8, v20;
	s16 =	smov.u32 s17;
	s17 =	smov.u32 s18;
	s18 =	smov.u32 s20  }
0x37f: {  	v9 =	vmov v14;
	v11 =	vmov v17;
	v8 =	vadd.s32 v15, v8  }
0x380: {  	v15 =	vadd.s32 v9, v18;
	v13 =	vsel vm2, $0x0, v13;
	v20 =	vadd.s32 v22, v16  }
0x381: {  	v16 =	vperm.xlane v15, v44;
	v13 =	vadd.s32 v8, v13;
	v22 =	vperm.xlane v20, v42  }
.Ltmp11:
0x382: {  	vm5 =	veq.f32 v21, v0;
	v3 =	vadd.s32 v3, v13;
	(pc) =	sbr.rel @!p0 .LBB2_16-.Ltmp11, $4  }
0x383: {  	v13 =	vsel vm1, $0x0, v16;
	v14 =	vsel vm5, $0x1, v10;
	vm8 =	vle.s32 v3, v2  }
0x384: {  	v16 =	vadd.s32 v13, v15;
	v3 =	vperm.xlane v14, v43;
	vm6 =	vmand vm6, vm8  }
0x385: {  	v17 =	vperm.xlane v14, v40;
	v19 =	vperm.xlane v16, v45;
	vm6 =	vmor vm7, vm6  }
0x386: {  	v15 =	vadd.s32 v22, v20;
	v18 =	vsel vm0, $0x0, v3;
	v13 =	vnsel vm6, $0x0, v1;
	v1 =	vmovc v7;
	v7 =	vmovc v21  }
0x387: {  	v3 =	vadd.s32 v14, v18  }
0x388: {  	v9 =	vadd.s32 v9, v11;
	v11 =	vperm.xlane v3, v44  }
0x389: {  	v14 =	vperm.xlane v9, v41  }
0x38a: {  	v11 =	vsel vm1, $0x0, v11  }
0x38b: {  	v58 =	vperm.xlane v15, v6;
	v9 =	vadd.s32 v14, v9;
	v3 =	vadd.s32 v11, v3  }
0x38c: {  	v17 =	vsel vm4, $0x0, v19;
	v14 =	vperm.xlane v9, v42;
	v57 =	vperm.xlane v3, v45  }
0x38d: {  	vm0 =	vmmov $0xf;
	vm9 =	vmmov vm3;
	v16 =	vadd.s32 v17, v16  }
0x38e: {  	v17 =	vperm.xlane v16, v46;
	v9 =	vadd.s32 v14, v9;
	v14 =	vsel vm0, $0x0, v57  }
0x38f: {  	v8 =	vadd.s32 v8, v58;
	v59 =	vperm.xlane v9, v6;
	v3 =	vadd.s32 v14, v3  }
0x390: {  	v8 =	vadd.s32 v15, v8;
	v14 =	vsel vm2, $0x0, v17;
	v15 =	vperm.xlane v3, v46  }
0x391: {  	vm10 =	vmmov vm5;
	v14 =	vadd.s32 v8, v14;
	v8 =	vadd.s32 v8, v59  }
0x392: {  	v14 =	vadd.s32 v16, v14;
	v8 =	vadd.s32 v9, v8;
	v9 =	vsel vm2, $0x0, v15  }
0x393: {  	vm12 =	vgt.f32 v1, v0;
	vm11 =	vle.s32 v14, v2;
	v8 =	vadd.s32 v8, v9  }
0x394: {  	vm1 =	vmmov vm10;
	vm0 =	vmand vm9, vm11;
	v3 =	vadd.s32 v3, v8  }
0x395: {  	[tilespmem:s16+$0x8000] =	vst v13;
	v11 =	vsel vm6, $0x3F800000, v12;
	vm0 =	vmor vm12, vm0;
	vm13 =	vle.s32 v3, v2  }
.Ltmp12:
0x396: {  	vm14 =	vgt.f32 v7, v0;
	[tilespmem:s16+$0x10000] =	vst v11;
	v60 =	vnsel vm0, $0x0, v1;
	vm1 =	vmand vm1, vm13;
	(pc) =	sbr.rel .LBB2_22-.Ltmp12, $4  }
0x397: {  	v61 =	vsel vm0, $0x3F800000, v12;
	[tilespmem:s17+$0x8000] =	vst v60;
	vm15 =	vmor vm14, vm1  }
0x398: {  	[tilespmem:s17+$0x10000] =	vst v61;
	v62 =	vnsel vm15, $0x0, v7  }
0x399: {  	v63 =	vsel vm15, $0x3F800000, v12;
	[tilespmem:s18+$0x8000] =	vst v62  }
0x39a: {  	[tilespmem:s18+$0x10000] =	vst v63  }
.LBB2_18:
0x39b: {  	v2 =	vperm.xlane v0, v39;
	_ =	sdelay $0x1  }
0x39c: {  	v0 =	vadd.s32 v0, v2  }
0x39d: {  	v2 =	vperm.xlane v0, v4;
	_ =	sdelay $0x1  }
0x39e: {  	v0 =	vadd.s32 v2, v0  }
0x39f: {  	v2 =	vperm.xlane v0, v5;
	_ =	sdelay $0x1  }
0x3a0: {  	v0 =	vadd.s32 v2, v0  }
0x3a1: {  	v2 =	vperm.xlane v0, v6;
	_ =	sdelay $0x1  }
0x3a2: {  	v0 =	vadd.s32 v2, v0  }
0x3a3: {  	(v2sf) =	vpush v0, $0x0;
	_ =	sdelay $0xe  }
0x3a4: {  	s16 =	spop (v2sf)  }
0x3a5: {  	p0 =	slt.s32 s16, $0x41  }
.Ltmp13:
0x3a6: {  	_ = 	snop;
	(pc) =	sbr.rel @p0 .LBB2_22-.Ltmp13, $1  }
0x3a7: {  	_ =	sdelay $0x3  }
0x3a8: {  	s17 =	simm.s32 $0x0  }
0x3a9: {  	v3 =	vld [tilespmem:s17+$0x0];
	_ =	sdelay $0x4  }
0x3aa: {  	vm0 =	veq.f32 v3, v14  }
0x3ab: {  	v11 =	vsel vm0, $0x1, v10  }
0x3ac: {  	v0 =	vperm.xlane v11, v43  }
0x3ad: {  	vm1 =	veq.s32 v27, $0x0  }
0x3ae: {  	v2 =	vsel vm1, $0x0, v0  }
0x3af: {  	s16 =	simm.s32 $0x10;
	v2 =	vadd.s32 v11, v2  }
0x3b0: {  	v0 =	vld [tilespmem:s16+$0x0];
	v7 =	vperm.xlane v2, v44  }
0x3b1: {  	vm2 =	vmmov $0x3  }
0x3b2: {  	v7 =	vsel vm2, $0x0, v7  }
0x3b3: {  	v1 =	vsub.s32 $0x40, v1;
	v13 =	vadd.s32 v7, v2  }
0x3b4: {  	vm4 =	vmmov $0xf;
	vm7 =	vgt.f32 v3, v14;
	v2 =	vperm.xlane v13, v45  }
0x3b5: {  	vm0 =	vmmov vm0;
	v16 =	vperm.xlane v11, v40;
	vm3 =	veq.f32 v0, v14  }
0x3b6: {  	s18 =	simm.s32 $0x20;
	vm6 =	vmmov vm0;
	v8 =	vsel vm3, $0x1, v10;
	v17 =	vsel vm4, $0x0, v2  }
0x3b7: {  	vm0 =	vmmov $0xff;
	v15 =	vperm.xlane v8, v43;
	v2 =	vld [tilespmem:s18+$0x0];
	v13 =	vadd.s32 v17, v13  }
0x3b8: {  	v11 =	vadd.s32 v11, v16;
	v7 =	vimm.s32 $0x0;
	v16 =	vperm.xlane v13, v46  }
0x3b9: {  	vm3 =	vmmov vm3;
	v15 =	vsel vm1, $0x0, v15;
	v17 =	vperm.xlane v11, v41  }
0x3ba: {  	v9 =	vperm.xlane v8, v40;
	v15 =	vadd.s32 v8, v15;
	v16 =	vsel vm0, $0x0, v16  }
0x3bb: {  	v20 =	vadd.s32 v17, v11;
	v11 =	vperm.xlane v15, v44;
	v16 =	vadd.s32 v7, v16  }
0x3bc: {  	v21 =	vperm.xlane v20, v42;
	vm5 =	veq.f32 v2, v14;
	v16 =	vadd.s32 v13, v16  }
0x3bd: {  	v11 =	vsel vm2, $0x0, v11;
	v13 =	vsel vm5, $0x1, v10;
	vm8 =	vle.s32 v16, v1  }
0x3be: {  	v18 =	vperm.xlane v13, v43;
	v16 =	vadd.s32 v11, v15;
	vm6 =	vmand vm6, vm8  }
0x3bf: {  	v17 =	vperm.xlane v13, v40;
	v19 =	vperm.xlane v16, v45;
	vm6 =	vmor vm7, vm6  }
0x3c0: {  	s19 =	simm.s32 $0xC0;
	v15 =	vadd.s32 v21, v20;
	v18 =	vsel vm1, $0x0, v18;
	v11 =	vnsel vm6, $0x0, v3  }
.LBB2_20:
0x3c1: {  	v3 =	vsel vm4, $0x0, v19;
	v19 =	vsel vm6, $0x3F800000, v12  }
0x3c2: {  	s20 =	sshra.s32 s19, $0x2;
	p0 =	sne.s32 s19, $0x1FFC0;
	s19 =	sadd.s32 $0x40, s19;
	v20 =	vperm.xlane v15, v6;
	vm6 =	vmmov vm3;
	vm3 =	vmmov vm5  }
0x3c3: {  	vm7 =	vgt.f32 v0, v14;
	v21 =	vld [tilespmem:s20+$0x0];
	v3 =	vadd.s32 v3, v16;
	v16 =	vadd.s32 v8, v9;
	[tilespmem:s17+$0x8000] =	vst v11  }
0x3c4: {  	v11 =	vperm.xlane v3, v46;
	v22 =	vperm.xlane v16, v41;
	[tilespmem:s17+$0x10000] =	vst v19;
	v7 =	vadd.s32 v7, v20;
	s17 =	smov.u32 s16;
	s16 =	smov.u32 s18;
	s18 =	smov.u32 s20  }
0x3c5: {  	v8 =	vmov v13;
	v9 =	vmov v17;
	v7 =	vadd.s32 v15, v7  }
0x3c6: {  	v15 =	vadd.s32 v8, v18;
	v11 =	vsel vm0, $0x0, v11;
	v20 =	vadd.s32 v22, v16  }
0x3c7: {  	v16 =	vperm.xlane v15, v44;
	v11 =	vadd.s32 v7, v11;
	v22 =	vperm.xlane v20, v42  }
.Ltmp14:
0x3c8: {  	vm5 =	veq.f32 v21, v14;
	v3 =	vadd.s32 v3, v11;
	(pc) =	sbr.rel @p0 .LBB2_20-.Ltmp14, $4  }
0x3c9: {  	v11 =	vsel vm2, $0x0, v16;
	v13 =	vsel vm5, $0x1, v10;
	vm8 =	vle.s32 v3, v1  }
0x3ca: {  	v16 =	vadd.s32 v11, v15;
	v3 =	vperm.xlane v13, v43;
	vm6 =	vmand vm6, vm8  }
0x3cb: {  	v17 =	vperm.xlane v13, v40;
	v19 =	vperm.xlane v16, v45;
	vm6 =	vmor vm7, vm6  }
0x3cc: {  	v15 =	vadd.s32 v22, v20;
	v18 =	vsel vm1, $0x0, v3;
	v11 =	vnsel vm6, $0x0, v0;
	v0 =	vmovc v2;
	v2 =	vmovc v21  }
0x3cd: {  	v3 =	vadd.s32 v13, v18  }
0x3ce: {  	v8 =	vadd.s32 v8, v9;
	v9 =	vperm.xlane v3, v44  }
0x3cf: {  	v13 =	vperm.xlane v8, v41  }
0x3d0: {  	v9 =	vsel vm2, $0x0, v9  }
0x3d1: {  	v58 =	vperm.xlane v15, v6;
	v8 =	vadd.s32 v13, v8;
	v3 =	vadd.s32 v9, v3  }
0x3d2: {  	v17 =	vsel vm4, $0x0, v19;
	v13 =	vperm.xlane v8, v42;
	v57 =	vperm.xlane v3, v45  }
0x3d3: {  	vm1 =	vmmov $0xf;
	vm10 =	vmmov vm3;
	v16 =	vadd.s32 v17, v16  }
0x3d4: {  	v17 =	vperm.xlane v16, v46;
	v8 =	vadd.s32 v13, v8;
	v13 =	vsel vm1, $0x0, v57  }
0x3d5: {  	v7 =	vadd.s32 v7, v58;
	v59 =	vperm.xlane v8, v6;
	v3 =	vadd.s32 v13, v3  }
0x3d6: {  	v7 =	vadd.s32 v15, v7;
	v13 =	vsel vm0, $0x0, v17;
	v15 =	vperm.xlane v3, v46  }
0x3d7: {  	vm11 =	vmmov vm5;
	v13 =	vadd.s32 v7, v13;
	v7 =	vadd.s32 v7, v59  }
0x3d8: {  	v13 =	vadd.s32 v16, v13;
	v7 =	vadd.s32 v8, v7;
	v8 =	vsel vm0, $0x0, v15  }
0x3d9: {  	vm13 =	vgt.f32 v0, v14;
	vm12 =	vle.s32 v13, v1;
	v7 =	vadd.s32 v7, v8  }
0x3da: {  	v9 =	vsel vm6, $0x3F800000, v12;
	vm1 =	vmand vm10, vm12;
	v3 =	vadd.s32 v3, v7  }
0x3db: {  	[tilespmem:s17+$0x8000] =	vst v11;
	vm0 =	vmmov vm11;
	vm1 =	vmor vm13, vm1;
	vm14 =	vle.s32 v3, v1  }
.Ltmp15:
0x3dc: {  	vm15 =	vgt.f32 v2, v14;
	[tilespmem:s17+$0x10000] =	vst v9;
	v60 =	vnsel vm1, $0x0, v0;
	vm0 =	vmand vm0, vm14;
	(pc) =	sbr.rel .LBB2_22-.Ltmp15, $4  }
0x3dd: {  	v61 =	vsel vm1, $0x3F800000, v12;
	[tilespmem:s16+$0x8000] =	vst v60;
	vm0 =	vmor vm15, vm0  }
0x3de: {  	[tilespmem:s16+$0x10000] =	vst v61;
	v62 =	vnsel vm0, $0x0, v2  }
0x3df: {  	v63 =	vsel vm0, $0x3F800000, v12;
	[tilespmem:s18+$0x8000] =	vst v62  }
0x3e0: {  	[tilespmem:s18+$0x10000] =	vst v63  }
.LBB2_24:
0x3e1: {  	_ =	sfence.sel $0x180000  }
0x3e2: {  	[bflag:$0x0] =	sbarrier.arrive $0xFFFF  }
0x3e3: {  	p0 =	sne.s32 s5, $0x0;
	_ =	strace $0x90000047  }
0x3e4: {  	s0 =	sadd.s32 @!p0 $0x100000, s2;
	[bflag:$0x2] =	sbarrier.arrive $0xFFFF  }
0x3e5: {  	[sflag:s0] =	ssyncadd.tile.s32 @!p0 $0x1;
	_ =	shalt  }
.Lfunc_end2:
_tile_overlayer_lowered:
.L_overlay_start_2:
0x3e6: {  	(tag) =	ssettag $0x2  }
0x3e7: {  	s0 =	rddreg [dreg:$0x0];
	s2 =	stileid.u32  }
0x3e8: {  	s1 =	rddreg [dreg:$0x1];
	p0 =	sne.s32 s2, $0x0  }
0x3e9: {  	s3 =	rddreg [dreg:$0x2];
	[bflag:$0x3] =	sbarrier.arrive $0xFFFF;
	s2 =	simm.s32 @!p0 $0x1C01  }
0x3ea: {  	[timem:s3], [sflag:s2] =	dma.local @!p0 [hbm:s0], s1  }
0x3eb: {  	s0 =	simm.s32 @!p0 $0x1  }
0x3ec: {  	_ =	swait.ge @!p0 [sflag:s0], s1  }
0x3ed: {  	s1 =	ssub.s32 @!p0 $0x0, s1;
	[sflag:s0] =	ssyncset.done @!p0 $0x0  }
0x3ee: {  	[sflag:s0] =	ssyncadd.s32 @!p0 s1  }
0x3ef: {  	[bflag:$0x3] =	sbarrier.arrive $0xFFFF  }
0x3f0: {  	_ =	shalt  }

</sc_bundles>
